<compile_context>
chip_gen: v7x
topology: tpu7x:2x2x1
jax: 0.10.2.dev20260603
libtpu: 0.0.44.dev20260713+nightly
codegen_flags: <defaults>
</compile_context>

<pallas_src>
import jax
import jax.numpy as jnp
from jax import lax
from jax.experimental import pallas as pl
from jax.experimental.pallas import tpu as pltpu
from jax.experimental.pallas import tpu_sc as plsc

B = 16384
U = 100000
D = 64
DV, DA, DT = 512, 128, 768

NC, NS = 2, 16
NW = NC * NS
H = B // 2
BPW = H // NW
MCHUNK = 32
NCH = BPW // MCHUNK
UCHUNK = 128

_sc_mesh = plsc.VectorSubcoreMesh(core_axis_name="c", subcore_axis_name="s")
_sc_params = pltpu.CompilerParams(use_tc_tiling_on_sc=True)


def _make_mgather(off):
    def body(mid_hbm, vf_hbm, af_hbm, tf_hbm,
             vout, aout, tout,
             midx, vb0, ab0, tb0, vb1, ab1, tb1, gs0, gs1, ss0, ss1):
        wid = lax.axis_index("s") * NC + lax.axis_index("c")
        base = wid * BPW
        pltpu.sync_copy(mid_hbm.at[pl.ds(off + base, BPW)], midx)
        bufs = ((vb0, ab0, tb0, gs0, ss0), (vb1, ab1, tb1, gs1, ss1))

        def fire_gather(k, c):
            vb, ab, tb, gs, _ = bufs[k]
            o = c * MCHUNK
            idx = midx.at[pl.ds(o, MCHUNK)]
            return [pltpu.async_copy(vf_hbm.at[idx], vb, gs),
                    pltpu.async_copy(af_hbm.at[idx], ab, gs),
                    pltpu.async_copy(tf_hbm.at[idx], tb, gs)]

        def fire_scatter(k, c):
            vb, ab, tb, _, ss = bufs[k]
            o = base + c * MCHUNK
            return [pltpu.async_copy(vb, vout.at[pl.ds(o, MCHUNK)], ss),
                    pltpu.async_copy(ab, aout.at[pl.ds(o, MCHUNK)], ss),
                    pltpu.async_copy(tb, tout.at[pl.ds(o, MCHUNK)], ss)]

        gh = [None, None]
        sh = [None, None]
        gh[0] = fire_gather(0, 0)
        for c in range(NCH):
            k = c & 1
            for h in gh[k]:
                h.wait()
            if c + 1 < NCH:
                nk = (c + 1) & 1
                if sh[nk] is not None:
                    for h in sh[nk]:
                        h.wait()
                gh[nk] = fire_gather(nk, c + 1)
            sh[k] = fire_scatter(k, c)
        for h in sh[0]:
            h.wait()
        for h in sh[1]:
            h.wait()

    return pl.kernel(
        body,
        out_type=[
            jax.ShapeDtypeStruct((H, DV), jnp.float32),
            jax.ShapeDtypeStruct((H, DA), jnp.float32),
            jax.ShapeDtypeStruct((H, DT), jnp.float32),
        ],
        mesh=_sc_mesh,
        compiler_params=_sc_params,
        scratch_types=[
            pltpu.VMEM((BPW,), jnp.int32),
            pltpu.VMEM((MCHUNK, DV), jnp.float32),
            pltpu.VMEM((MCHUNK, DA), jnp.float32),
            pltpu.VMEM((MCHUNK, DT), jnp.float32),
            pltpu.VMEM((MCHUNK, DV), jnp.float32),
            pltpu.VMEM((MCHUNK, DA), jnp.float32),
            pltpu.VMEM((MCHUNK, DT), jnp.float32),
            pltpu.SemaphoreType.DMA,
            pltpu.SemaphoreType.DMA,
            pltpu.SemaphoreType.DMA,
            pltpu.SemaphoreType.DMA,
        ],
    )


def _make_ugather(off):
    def body(uid_hbm, ut_hbm, uout, uidx, ub0, ub1, s0, s1):
        wid = lax.axis_index("s") * NC + lax.axis_index("c")
        base = wid * BPW
        pltpu.sync_copy(uid_hbm.at[pl.ds(off + base, BPW)], uidx)
        g0 = pltpu.async_copy(ut_hbm.at[uidx.at[pl.ds(0, UCHUNK)]], ub0, s0)
        g1 = pltpu.async_copy(ut_hbm.at[uidx.at[pl.ds(UCHUNK, UCHUNK)]], ub1, s1)
        g0.wait()
        w0 = pltpu.async_copy(ub0, uout.at[pl.ds(base, UCHUNK)], s0)
        g1.wait()
        w1 = pltpu.async_copy(ub1, uout.at[pl.ds(base + UCHUNK, UCHUNK)], s1)
        w0.wait()
        w1.wait()

    return pl.kernel(
        body,
        out_type=jax.ShapeDtypeStruct((H, 2 * D), jnp.float32),
        mesh=_sc_mesh,
        compiler_params=_sc_params,
        scratch_types=[
            pltpu.VMEM((BPW,), jnp.int32),
            pltpu.VMEM((UCHUNK, 2 * D), jnp.float32),
            pltpu.VMEM((UCHUNK, 2 * D), jnp.float32),
            pltpu.SemaphoreType.DMA,
            pltpu.SemaphoreType.DMA,
        ],
    )


_mg0 = _make_mgather(0)
_mg1 = _make_mgather(H)
_ug0 = _make_ugather(0)
_ug1 = _make_ugather(H)


BT = 1024


def _fuse_body(u_ref, v_ref, a_ref, t_ref, wv_ref, wa_ref, wt_ref,
               bmm_ref, wout_ref, bout_ref, o_ref):
    memb = jnp.dot(v_ref[...], wv_ref[...], preferred_element_type=jnp.float32)
    memb += jnp.dot(a_ref[...], wa_ref[...], preferred_element_type=jnp.float32)
    memb += jnp.dot(t_ref[...], wt_ref[...], preferred_element_type=jnp.float32)
    memb += bmm_ref[...]
    mu = jnp.sum(memb * u_ref[:, :D], axis=1)
    o_ref[...] = jax.nn.sigmoid(mu * wout_ref[0, 0] + bout_ref[0, 0])


def _fuse(uemb, mv, ma, mt, Wv, Wa, Wt, bmm, wout, bout):
    return pl.pallas_call(
        _fuse_body,
        grid=(H // BT,),
        in_specs=[
            pl.BlockSpec((BT, 2 * D), lambda i: (i, 0)),
            pl.BlockSpec((BT, DV), lambda i: (i, 0)),
            pl.BlockSpec((BT, DA), lambda i: (i, 0)),
            pl.BlockSpec((BT, DT), lambda i: (i, 0)),
            pl.BlockSpec((DV, D), lambda i: (0, 0)),
            pl.BlockSpec((DA, D), lambda i: (0, 0)),
            pl.BlockSpec((DT, D), lambda i: (0, 0)),
            pl.BlockSpec((1, D), lambda i: (0, 0)),
            pl.BlockSpec((1, 1), lambda i: (0, 0)),
            pl.BlockSpec((1, 1), lambda i: (0, 0)),
        ],
        out_specs=pl.BlockSpec((BT,), lambda i: (i,)),
        out_shape=jax.ShapeDtypeStruct((H,), jnp.float32),
    )(uemb, mv, ma, mt, Wv, Wa, Wt, bmm, wout, bout)


def kernel(x, user_table, video_feat, audio_feat, text_feat, W_mm, b_mm, W_out, b_out):
    x = x.astype(jnp.int32)
    uid, mid = jax.lax.optimization_barrier((x[0], x[1]))
    ut_pad = jnp.pad(user_table, ((0, 0), (0, D)))
    Wv = W_mm[:DV]
    Wa = W_mm[DV:DV + DA]
    Wt = W_mm[DV + DA:]
    bmm = b_mm.reshape(1, D)
    bout = b_out.reshape(1, 1)

    mv0, ma0, mt0 = _mg0(mid, video_feat, audio_feat, text_feat)
    ue0 = _ug0(uid, ut_pad)
    mv1, ma1, mt1 = _mg1(mid, video_feat, audio_feat, text_feat)
    ue1 = _ug1(uid, ut_pad)

    o0 = _fuse(ue0, mv0, ma0, mt0, Wv, Wa, Wt, bmm, W_out, bout)
    o1 = _fuse(ue1, mv1, ma1, mt1, Wv, Wa, Wt, bmm, W_out, bout)
    return jnp.concatenate([o0, o1]).reshape(B, 1)

# --- scband reference (transcript-rebuilt; emitter-appended) ---
"""Pipeline reference for scband-user-movie-multi-modal-embedding-20701742367013 (READ-ONLY COPY).

The authoritative reference and input builder live on the scoring server;
editing this copy changes nothing except your own understanding.
"""

import jax, jax.numpy as jnp
import numpy as np

B = 16384
U = 100000
M = 100000
D = 64
DV, DA, DT = 512, 128, 768


def setup_inputs(seed: int = 0) -> dict:
    key = jax.random.key(seed)
    ks = jax.random.split(key, 10)
    x = jax.random.randint(ks[0], (2, B), 0, 100000)
    user_table = jax.random.normal(ks[1], (U, D), dtype=jnp.float32) * 0.05
    video_feat = jax.random.normal(ks[2], (M, DV), dtype=jnp.float32) * 0.05
    audio_feat = jax.random.normal(ks[3], (M, DA), dtype=jnp.float32) * 0.05
    text_feat = jax.random.normal(ks[4], (M, DT), dtype=jnp.float32) * 0.05
    W_mm = jax.random.normal(ks[5], (DV + DA + DT, D), dtype=jnp.float32) * (1.0 / np.sqrt(DV + DA + DT))
    b_mm = jnp.zeros((D,), dtype=jnp.float32)
    W_out = jax.random.normal(ks[6], (1, 1), dtype=jnp.float32)
    b_out = jnp.zeros((1,), dtype=jnp.float32)
    return {
        'x': x,
        'user_table': user_table,
        'video_feat': video_feat,
        'audio_feat': audio_feat,
        'text_feat': text_feat,
        'W_mm': W_mm,
        'b_mm': b_mm,
        'W_out': W_out,
        'b_out': b_out,
    }


def reference(x, user_table, video_feat, audio_feat, text_feat, W_mm, b_mm, W_out, b_out):
    user_ids = x[0]
    movie_ids = x[1]
    uemb = jnp.take(user_table, user_ids, axis=0)  # [B, D]
    mv = jnp.take(video_feat, movie_ids, axis=0)   # [B, DV]
    ma = jnp.take(audio_feat, movie_ids, axis=0)   # [B, DA]
    mt = jnp.take(text_feat, movie_ids, axis=0)    # [B, DT]
    feats = jnp.concatenate([mv, ma, mt], axis=1)  # early fusion, concat aggregation
    memb = feats @ W_mm + b_mm                     # mm_fc -> [B, D]
    m_u = jnp.sum(memb * uemb, axis=1, keepdims=True)  # Dot(axes=1) -> [B, 1]
    out = jax.nn.sigmoid(m_u @ W_out + b_out)      # m_u_fc Dense(1, sigmoid)
    return out

if __name__ == "__main__":
    import jax
    _d = setup_inputs()
    print(jax.jit(kernel)(*tuple(_d.values())))

</pallas_src>

<mosaic_0001>
#map = affine_map<(d0, d1) -> (0)>
#map1 = affine_map<(d0, d1) -> (0, 0)>
module attributes {stable_mosaic.version = 14 : i64} {
  func.func @body(%arg0: i32, %arg1: i32, %arg2: memref<16384xi32, #tpu.memory_space<hbm>>, %arg3: memref<100000x128xf32, #tpu.memory_space<hbm>>, %arg4: memref<8192x128xf32, #tpu.memory_space<hbm>>, %arg5: memref<256xi32, #tpu.memory_space<vmem>>, %arg6: memref<128x128xf32, #tpu.memory_space<vmem>>, %arg7: memref<128x128xf32, #tpu.memory_space<vmem>>, %arg8: memref<!tpu.dma_semaphore, #tpu.memory_space<semaphore_mem>>, %arg9: memref<!tpu.dma_semaphore, #tpu.memory_space<semaphore_mem>>) attributes {dimension_semantics = [#tpu.dimension_semantics<core_parallel>, #tpu.dimension_semantics<subcore_parallel>], iteration_bounds = array<i64: 2, 16>, scalar_prefetch = 0 : i64, scratch_operands = 5 : i64, tpu.core_type = #tpu.core_type<sc_vector_subcore>, window_params = [{transform_indices = #map}, {transform_indices = #map1}, {transform_indices = #map1}]} {
    %mul3A = arith.constant 2 : i32
    %mul3A_0 = arith.muli %arg1, %mul3A : i32
    %add3A = arith.addi %mul3A_0, %arg0 : i32
    %mul3A_1 = arith.constant 256 : i32
    %mul3A_2 = arith.muli %add3A, %mul3A_1 : i32
    %add3A_3 = arith.constant 0 : i32
    %add3A_4 = arith.addi %add3A_3, %mul3A_2 : i32
    "tpu.region"() ({
      %run_scoped3A = tpu.sem_alloc : memref<!tpu.dma_semaphore, #tpu.memory_space<semaphore_mem>>
      %dma_start3A_41 = tpu.memref_slice %arg2[%add3A_4] : memref<16384xi32, #tpu.memory_space<hbm>> -> memref<256xi32, #tpu.memory_space<hbm>>
      %dma_start3A_42 = tpu.memref_slice %arg2[%add3A_4] : memref<16384xi32, #tpu.memory_space<hbm>> -> memref<256xi32, #tpu.memory_space<hbm>>
      tpu.enqueue_dma source(%dma_start3A_42 : memref<256xi32, #tpu.memory_space<hbm>>) target(%arg5 : memref<256xi32, #tpu.memory_space<vmem>>) target_semaphore(%run_scoped3A : memref<!tpu.dma_semaphore, #tpu.memory_space<semaphore_mem>>)
      %dma_wait3A_43 = tpu.memref_slice %arg2[%add3A_4] : memref<16384xi32, #tpu.memory_space<hbm>> -> memref<256xi32, #tpu.memory_space<hbm>>
      %dma_wait3A_44 = tpu.memref_slice %arg2[%add3A_4] : memref<16384xi32, #tpu.memory_space<hbm>> -> memref<256xi32, #tpu.memory_space<hbm>>
      tpu.wait_dma2 semaphore(%run_scoped3A : memref<!tpu.dma_semaphore, #tpu.memory_space<semaphore_mem>>) src(%dma_wait3A_44 : memref<256xi32, #tpu.memory_space<hbm>>) dst(%arg5 : memref<256xi32, #tpu.memory_space<vmem>>)
      tpu.yield
    }) : () -> ()
    %dma_start3A = arith.constant 0 : i32
    %dma_start3A_5 = tpu.memref_slice %arg5[%dma_start3A] : memref<256xi32, #tpu.memory_space<vmem>> -> memref<128xi32, #tpu.memory_space<vmem>>
    %dma_start3A_6 = arith.constant 0 : i32
    %dma_start3A_7 = arith.constant 0 : i32
    %dma_start3A_8 = tpu.memref_slice %arg3[%dma_start3A_6, %dma_start3A_7] : memref<100000x128xf32, #tpu.memory_space<hbm>> -> memref<100000x128xf32, #tpu.memory_space<hbm>>
    tpu.enqueue_indirect_dma source(%dma_start3A_8 : memref<100000x128xf32, #tpu.memory_space<hbm>>) target(%arg6 : memref<128x128xf32, #tpu.memory_space<vmem>>) offsets(%dma_start3A_5 : memref<128xi32, #tpu.memory_space<vmem>>) semaphore(%arg8 : memref<!tpu.dma_semaphore, #tpu.memory_space<semaphore_mem>>)
    %dma_start3A_9 = arith.constant 128 : i32
    %dma_start3A_10 = tpu.memref_slice %arg5[%dma_start3A_9] : memref<256xi32, #tpu.memory_space<vmem>> -> memref<128xi32, #tpu.memory_space<vmem>>
    %dma_start3A_11 = arith.constant 0 : i32
    %dma_start3A_12 = arith.constant 0 : i32
    %dma_start3A_13 = tpu.memref_slice %arg3[%dma_start3A_11, %dma_start3A_12] : memref<100000x128xf32, #tpu.memory_space<hbm>> -> memref<100000x128xf32, #tpu.memory_space<hbm>>
    tpu.enqueue_indirect_dma source(%dma_start3A_13 : memref<100000x128xf32, #tpu.memory_space<hbm>>) target(%arg7 : memref<128x128xf32, #tpu.memory_space<vmem>>) offsets(%dma_start3A_10 : memref<128xi32, #tpu.memory_space<vmem>>) semaphore(%arg9 : memref<!tpu.dma_semaphore, #tpu.memory_space<semaphore_mem>>)
    %dma_wait3A = arith.constant 0 : i32
    %dma_wait3A_14 = tpu.memref_slice %arg5[%dma_wait3A] : memref<256xi32, #tpu.memory_space<vmem>> -> memref<128xi32, #tpu.memory_space<vmem>>
    %dma_wait3A_15 = arith.constant 0 : i32
    %dma_wait3A_16 = arith.constant 0 : i32
    %dma_wait3A_17 = tpu.memref_slice %arg3[%dma_wait3A_15, %dma_wait3A_16] : memref<100000x128xf32, #tpu.memory_space<hbm>> -> memref<100000x128xf32, #tpu.memory_space<hbm>>
    tpu.wait_indirect_dma semaphore(%arg8 : memref<!tpu.dma_semaphore, #tpu.memory_space<semaphore_mem>>) src(%dma_wait3A_17 : memref<100000x128xf32, #tpu.memory_space<hbm>>) dst(%arg6 : memref<128x128xf32, #tpu.memory_space<vmem>>)
    %dma_start3A_18 = arith.constant 0 : i32
    %dma_start3A_19 = tpu.memref_slice %arg4[%mul3A_2, %dma_start3A_18] : memref<8192x128xf32, #tpu.memory_space<hbm>> -> memref<128x128xf32, #tpu.memory_space<hbm>>
    %dma_start3A_20 = arith.constant 0 : i32
    %dma_start3A_21 = tpu.memref_slice %arg4[%mul3A_2, %dma_start3A_20] : memref<8192x128xf32, #tpu.memory_space<hbm>> -> memref<128x128xf32, #tpu.memory_space<hbm>>
    tpu.enqueue_dma source(%arg6 : memref<128x128xf32, #tpu.memory_space<vmem>>) target(%dma_start3A_21 : memref<128x128xf32, #tpu.memory_space<hbm>>) target_semaphore(%arg8 : memref<!tpu.dma_semaphore, #tpu.memory_space<semaphore_mem>>)
    %dma_wait3A_22 = arith.constant 128 : i32
    %dma_wait3A_23 = tpu.memref_slice %arg5[%dma_wait3A_22] : memref<256xi32, #tpu.memory_space<vmem>> -> memref<128xi32, #tpu.memory_space<vmem>>
    %dma_wait3A_24 = arith.constant 0 : i32
    %dma_wait3A_25 = arith.constant 0 : i32
    %dma_wait3A_26 = tpu.memref_slice %arg3[%dma_wait3A_24, %dma_wait3A_25] : memref<100000x128xf32, #tpu.memory_space<hbm>> -> memref<100000x128xf32, #tpu.memory_space<hbm>>
    tpu.wait_indirect_dma semaphore(%arg9 : memref<!tpu.dma_semaphore, #tpu.memory_space<semaphore_mem>>) src(%dma_wait3A_26 : memref<100000x128xf32, #tpu.memory_space<hbm>>) dst(%arg7 : memref<128x128xf32, #tpu.memory_space<vmem>>)
    %add3A_27 = arith.constant 128 : i32
    %add3A_28 = arith.addi %mul3A_2, %add3A_27 : i32
    %dma_start3A_29 = arith.constant 0 : i32
    %dma_start3A_30 = tpu.memref_slice %arg4[%add3A_28, %dma_start3A_29] : memref<8192x128xf32, #tpu.memory_space<hbm>> -> memref<128x128xf32, #tpu.memory_space<hbm>>
    %dma_start3A_31 = arith.constant 0 : i32
    %dma_start3A_32 = tpu.memref_slice %arg4[%add3A_28, %dma_start3A_31] : memref<8192x128xf32, #tpu.memory_space<hbm>> -> memref<128x128xf32, #tpu.memory_space<hbm>>
    tpu.enqueue_dma source(%arg7 : memref<128x128xf32, #tpu.memory_space<vmem>>) target(%dma_start3A_32 : memref<128x128xf32, #tpu.memory_space<hbm>>) target_semaphore(%arg9 : memref<!tpu.dma_semaphore, #tpu.memory_space<semaphore_mem>>)
    %dma_wait3A_33 = arith.constant 0 : i32
    %dma_wait3A_34 = tpu.memref_slice %arg4[%mul3A_2, %dma_wait3A_33] : memref<8192x128xf32, #tpu.memory_space<hbm>> -> memref<128x128xf32, #tpu.memory_space<hbm>>
    %dma_wait3A_35 = arith.constant 0 : i32
    %dma_wait3A_36 = tpu.memref_slice %arg4[%mul3A_2, %dma_wait3A_35] : memref<8192x128xf32, #tpu.memory_space<hbm>> -> memref<128x128xf32, #tpu.memory_space<hbm>>
    tpu.wait_dma2 semaphore(%arg8 : memref<!tpu.dma_semaphore, #tpu.memory_space<semaphore_mem>>) src(%arg6 : memref<128x128xf32, #tpu.memory_space<vmem>>) dst(%dma_wait3A_36 : memref<128x128xf32, #tpu.memory_space<hbm>>)
    %dma_wait3A_37 = arith.constant 0 : i32
    %dma_wait3A_38 = tpu.memref_slice %arg4[%add3A_28, %dma_wait3A_37] : memref<8192x128xf32, #tpu.memory_space<hbm>> -> memref<128x128xf32, #tpu.memory_space<hbm>>
    %dma_wait3A_39 = arith.constant 0 : i32
    %dma_wait3A_40 = tpu.memref_slice %arg4[%add3A_28, %dma_wait3A_39] : memref<8192x128xf32, #tpu.memory_space<hbm>> -> memref<128x128xf32, #tpu.memory_space<hbm>>
    tpu.wait_dma2 semaphore(%arg9 : memref<!tpu.dma_semaphore, #tpu.memory_space<semaphore_mem>>) src(%arg7 : memref<128x128xf32, #tpu.memory_space<vmem>>) dst(%dma_wait3A_40 : memref<128x128xf32, #tpu.memory_space<hbm>>)
    return
  }
}

#map = affine_map<(d0, d1) -> (0)>
#map1 = affine_map<(d0, d1) -> (0, 0)>
module attributes {stable_mosaic.version = 14 : i64} {
  func.func @body(%arg0: i32, %arg1: i32, %arg2: memref<16384xi32, #tpu.memory_space<hbm>>, %arg3: memref<100000x128xf32, #tpu.memory_space<hbm>>, %arg4: memref<8192x128xf32, #tpu.memory_space<hbm>>, %arg5: memref<256xi32, #tpu.memory_space<vmem>>, %arg6: memref<128x128xf32, #tpu.memory_space<vmem>>, %arg7: memref<128x128xf32, #tpu.memory_space<vmem>>, %arg8: memref<!tpu.dma_semaphore, #tpu.memory_space<semaphore_mem>>, %arg9: memref<!tpu.dma_semaphore, #tpu.memory_space<semaphore_mem>>) attributes {dimension_semantics = [#tpu.dimension_semantics<core_parallel>, #tpu.dimension_semantics<subcore_parallel>], iteration_bounds = array<i64: 2, 16>, scalar_prefetch = 0 : i64, scratch_operands = 5 : i64, tpu.core_type = #tpu.core_type<sc_vector_subcore>, window_params = [{transform_indices = #map}, {transform_indices = #map1}, {transform_indices = #map1}]} {
    %mul3A = arith.constant 2 : i32
    %mul3A_0 = arith.muli %arg1, %mul3A : i32
    %add3A = arith.addi %mul3A_0, %arg0 : i32
    %mul3A_1 = arith.constant 256 : i32
    %mul3A_2 = arith.muli %add3A, %mul3A_1 : i32
    %add3A_3 = arith.constant 8192 : i32
    %add3A_4 = arith.addi %add3A_3, %mul3A_2 : i32
    "tpu.region"() ({
      %run_scoped3A = tpu.sem_alloc : memref<!tpu.dma_semaphore, #tpu.memory_space<semaphore_mem>>
      %dma_start3A_41 = tpu.memref_slice %arg2[%add3A_4] : memref<16384xi32, #tpu.memory_space<hbm>> -> memref<256xi32, #tpu.memory_space<hbm>>
      %dma_start3A_42 = tpu.memref_slice %arg2[%add3A_4] : memref<16384xi32, #tpu.memory_space<hbm>> -> memref<256xi32, #tpu.memory_space<hbm>>
      tpu.enqueue_dma source(%dma_start3A_42 : memref<256xi32, #tpu.memory_space<hbm>>) target(%arg5 : memref<256xi32, #tpu.memory_space<vmem>>) target_semaphore(%run_scoped3A : memref<!tpu.dma_semaphore, #tpu.memory_space<semaphore_mem>>)
      %dma_wait3A_43 = tpu.memref_slice %arg2[%add3A_4] : memref<16384xi32, #tpu.memory_space<hbm>> -> memref<256xi32, #tpu.memory_space<hbm>>
      %dma_wait3A_44 = tpu.memref_slice %arg2[%add3A_4] : memref<16384xi32, #tpu.memory_space<hbm>> -> memref<256xi32, #tpu.memory_space<hbm>>
      tpu.wait_dma2 semaphore(%run_scoped3A : memref<!tpu.dma_semaphore, #tpu.memory_space<semaphore_mem>>) src(%dma_wait3A_44 : memref<256xi32, #tpu.memory_space<hbm>>) dst(%arg5 : memref<256xi32, #tpu.memory_space<vmem>>)
      tpu.yield
    }) : () -> ()
    %dma_start3A = arith.constant 0 : i32
    %dma_start3A_5 = tpu.memref_slice %arg5[%dma_start3A] : memref<256xi32, #tpu.memory_space<vmem>> -> memref<128xi32, #tpu.memory_space<vmem>>
    %dma_start3A_6 = arith.constant 0 : i32
    %dma_start3A_7 = arith.constant 0 : i32
    %dma_start3A_8 = tpu.memref_slice %arg3[%dma_start3A_6, %dma_start3A_7] : memref<100000x128xf32, #tpu.memory_space<hbm>> -> memref<100000x128xf32, #tpu.memory_space<hbm>>
    tpu.enqueue_indirect_dma source(%dma_start3A_8 : memref<100000x128xf32, #tpu.memory_space<hbm>>) target(%arg6 : memref<128x128xf32, #tpu.memory_space<vmem>>) offsets(%dma_start3A_5 : memref<128xi32, #tpu.memory_space<vmem>>) semaphore(%arg8 : memref<!tpu.dma_semaphore, #tpu.memory_space<semaphore_mem>>)
    %dma_start3A_9 = arith.constant 128 : i32
    %dma_start3A_10 = tpu.memref_slice %arg5[%dma_start3A_9] : memref<256xi32, #tpu.memory_space<vmem>> -> memref<128xi32, #tpu.memory_space<vmem>>
    %dma_start3A_11 = arith.constant 0 : i32
    %dma_start3A_12 = arith.constant 0 : i32
    %dma_start3A_13 = tpu.memref_slice %arg3[%dma_start3A_11, %dma_start3A_12] : memref<100000x128xf32, #tpu.memory_space<hbm>> -> memref<100000x128xf32, #tpu.memory_space<hbm>>
    tpu.enqueue_indirect_dma source(%dma_start3A_13 : memref<100000x128xf32, #tpu.memory_space<hbm>>) target(%arg7 : memref<128x128xf32, #tpu.memory_space<vmem>>) offsets(%dma_start3A_10 : memref<128xi32, #tpu.memory_space<vmem>>) semaphore(%arg9 : memref<!tpu.dma_semaphore, #tpu.memory_space<semaphore_mem>>)
    %dma_wait3A = arith.constant 0 : i32
    %dma_wait3A_14 = tpu.memref_slice %arg5[%dma_wait3A] : memref<256xi32, #tpu.memory_space<vmem>> -> memref<128xi32, #tpu.memory_space<vmem>>
    %dma_wait3A_15 = arith.constant 0 : i32
    %dma_wait3A_16 = arith.constant 0 : i32
    %dma_wait3A_17 = tpu.memref_slice %arg3[%dma_wait3A_15, %dma_wait3A_16] : memref<100000x128xf32, #tpu.memory_space<hbm>> -> memref<100000x128xf32, #tpu.memory_space<hbm>>
    tpu.wait_indirect_dma semaphore(%arg8 : memref<!tpu.dma_semaphore, #tpu.memory_space<semaphore_mem>>) src(%dma_wait3A_17 : memref<100000x128xf32, #tpu.memory_space<hbm>>) dst(%arg6 : memref<128x128xf32, #tpu.memory_space<vmem>>)
    %dma_start3A_18 = arith.constant 0 : i32
    %dma_start3A_19 = tpu.memref_slice %arg4[%mul3A_2, %dma_start3A_18] : memref<8192x128xf32, #tpu.memory_space<hbm>> -> memref<128x128xf32, #tpu.memory_space<hbm>>
    %dma_start3A_20 = arith.constant 0 : i32
    %dma_start3A_21 = tpu.memref_slice %arg4[%mul3A_2, %dma_start3A_20] : memref<8192x128xf32, #tpu.memory_space<hbm>> -> memref<128x128xf32, #tpu.memory_space<hbm>>
    tpu.enqueue_dma source(%arg6 : memref<128x128xf32, #tpu.memory_space<vmem>>) target(%dma_start3A_21 : memref<128x128xf32, #tpu.memory_space<hbm>>) target_semaphore(%arg8 : memref<!tpu.dma_semaphore, #tpu.memory_space<semaphore_mem>>)
    %dma_wait3A_22 = arith.constant 128 : i32
    %dma_wait3A_23 = tpu.memref_slice %arg5[%dma_wait3A_22] : memref<256xi32, #tpu.memory_space<vmem>> -> memref<128xi32, #tpu.memory_space<vmem>>
    %dma_wait3A_24 = arith.constant 0 : i32
    %dma_wait3A_25 = arith.constant 0 : i32
    %dma_wait3A_26 = tpu.memref_slice %arg3[%dma_wait3A_24, %dma_wait3A_25] : memref<100000x128xf32, #tpu.memory_space<hbm>> -> memref<100000x128xf32, #tpu.memory_space<hbm>>
    tpu.wait_indirect_dma semaphore(%arg9 : memref<!tpu.dma_semaphore, #tpu.memory_space<semaphore_mem>>) src(%dma_wait3A_26 : memref<100000x128xf32, #tpu.memory_space<hbm>>) dst(%arg7 : memref<128x128xf32, #tpu.memory_space<vmem>>)
    %add3A_27 = arith.constant 128 : i32
    %add3A_28 = arith.addi %mul3A_2, %add3A_27 : i32
    %dma_start3A_29 = arith.constant 0 : i32
    %dma_start3A_30 = tpu.memref_slice %arg4[%add3A_28, %dma_start3A_29] : memref<8192x128xf32, #tpu.memory_space<hbm>> -> memref<128x128xf32, #tpu.memory_space<hbm>>
    %dma_start3A_31 = arith.constant 0 : i32
    %dma_start3A_32 = tpu.memref_slice %arg4[%add3A_28, %dma_start3A_31] : memref<8192x128xf32, #tpu.memory_space<hbm>> -> memref<128x128xf32, #tpu.memory_space<hbm>>
    tpu.enqueue_dma source(%arg7 : memref<128x128xf32, #tpu.memory_space<vmem>>) target(%dma_start3A_32 : memref<128x128xf32, #tpu.memory_space<hbm>>) target_semaphore(%arg9 : memref<!tpu.dma_semaphore, #tpu.memory_space<semaphore_mem>>)
    %dma_wait3A_33 = arith.constant 0 : i32
    %dma_wait3A_34 = tpu.memref_slice %arg4[%mul3A_2, %dma_wait3A_33] : memref<8192x128xf32, #tpu.memory_space<hbm>> -> memref<128x128xf32, #tpu.memory_space<hbm>>
    %dma_wait3A_35 = arith.constant 0 : i32
    %dma_wait3A_36 = tpu.memref_slice %arg4[%mul3A_2, %dma_wait3A_35] : memref<8192x128xf32, #tpu.memory_space<hbm>> -> memref<128x128xf32, #tpu.memory_space<hbm>>
    tpu.wait_dma2 semaphore(%arg8 : memref<!tpu.dma_semaphore, #tpu.memory_space<semaphore_mem>>) src(%arg6 : memref<128x128xf32, #tpu.memory_space<vmem>>) dst(%dma_wait3A_36 : memref<128x128xf32, #tpu.memory_space<hbm>>)
    %dma_wait3A_37 = arith.constant 0 : i32
    %dma_wait3A_38 = tpu.memref_slice %arg4[%add3A_28, %dma_wait3A_37] : memref<8192x128xf32, #tpu.memory_space<hbm>> -> memref<128x128xf32, #tpu.memory_space<hbm>>
    %dma_wait3A_39 = arith.constant 0 : i32
    %dma_wait3A_40 = tpu.memref_slice %arg4[%add3A_28, %dma_wait3A_39] : memref<8192x128xf32, #tpu.memory_space<hbm>> -> memref<128x128xf32, #tpu.memory_space<hbm>>
    tpu.wait_dma2 semaphore(%arg9 : memref<!tpu.dma_semaphore, #tpu.memory_space<semaphore_mem>>) src(%arg7 : memref<128x128xf32, #tpu.memory_space<vmem>>) dst(%dma_wait3A_40 : memref<128x128xf32, #tpu.memory_space<hbm>>)
    return
  }
}

#map = affine_map<(d0, d1) -> (0)>
#map1 = affine_map<(d0, d1) -> (0, 0)>
module attributes {stable_mosaic.version = 14 : i64} {
  func.func @body(%arg0: i32, %arg1: i32, %arg2: memref<16384xi32, #tpu.memory_space<hbm>>, %arg3: memref<100000x512xf32, #tpu.memory_space<hbm>>, %arg4: memref<100000x128xf32, #tpu.memory_space<hbm>>, %arg5: memref<100000x768xf32, #tpu.memory_space<hbm>>, %arg6: memref<8192x512xf32, #tpu.memory_space<hbm>>, %arg7: memref<8192x128xf32, #tpu.memory_space<hbm>>, %arg8: memref<8192x768xf32, #tpu.memory_space<hbm>>, %arg9: memref<256xi32, #tpu.memory_space<vmem>>, %arg10: memref<32x512xf32, #tpu.memory_space<vmem>>, %arg11: memref<32x128xf32, #tpu.memory_space<vmem>>, %arg12: memref<32x768xf32, #tpu.memory_space<vmem>>, %arg13: memref<32x512xf32, #tpu.memory_space<vmem>>, %arg14: memref<32x128xf32, #tpu.memory_space<vmem>>, %arg15: memref<32x768xf32, #tpu.memory_space<vmem>>, %arg16: memref<!tpu.dma_semaphore, #tpu.memory_space<semaphore_mem>>, %arg17: memref<!tpu.dma_semaphore, #tpu.memory_space<semaphore_mem>>, %arg18: memref<!tpu.dma_semaphore, #tpu.memory_space<semaphore_mem>>, %arg19: memref<!tpu.dma_semaphore, #tpu.memory_space<semaphore_mem>>) attributes {dimension_semantics = [#tpu.dimension_semantics<core_parallel>, #tpu.dimension_semantics<subcore_parallel>], iteration_bounds = array<i64: 2, 16>, scalar_prefetch = 0 : i64, scratch_operands = 11 : i64, tpu.core_type = #tpu.core_type<sc_vector_subcore>, window_params = [{transform_indices = #map}, {transform_indices = #map1}, {transform_indices = #map1}, {transform_indices = #map1}, {transform_indices = #map1}, {transform_indices = #map1}, {transform_indices = #map1}]} {
    %mul3A = arith.constant 2 : i32
    %mul3A_0 = arith.muli %arg1, %mul3A : i32
    %add3A = arith.addi %mul3A_0, %arg0 : i32
    %mul3A_1 = arith.constant 256 : i32
    %mul3A_2 = arith.muli %add3A, %mul3A_1 : i32
    %add3A_3 = arith.constant 8192 : i32
    %add3A_4 = arith.addi %add3A_3, %mul3A_2 : i32
    "tpu.region"() ({
      %run_scoped3A = tpu.sem_alloc : memref<!tpu.dma_semaphore, #tpu.memory_space<semaphore_mem>>
      %dma_start3A_451 = tpu.memref_slice %arg2[%add3A_4] : memref<16384xi32, #tpu.memory_space<hbm>> -> memref<256xi32, #tpu.memory_space<hbm>>
      %dma_start3A_452 = tpu.memref_slice %arg2[%add3A_4] : memref<16384xi32, #tpu.memory_space<hbm>> -> memref<256xi32, #tpu.memory_space<hbm>>
      tpu.enqueue_dma source(%dma_start3A_452 : memref<256xi32, #tpu.memory_space<hbm>>) target(%arg9 : memref<256xi32, #tpu.memory_space<vmem>>) target_semaphore(%run_scoped3A : memref<!tpu.dma_semaphore, #tpu.memory_space<semaphore_mem>>)
      %dma_wait3A_453 = tpu.memref_slice %arg2[%add3A_4] : memref<16384xi32, #tpu.memory_space<hbm>> -> memref<256xi32, #tpu.memory_space<hbm>>
      %dma_wait3A_454 = tpu.memref_slice %arg2[%add3A_4] : memref<16384xi32, #tpu.memory_space<hbm>> -> memref<256xi32, #tpu.memory_space<hbm>>
      tpu.wait_dma2 semaphore(%run_scoped3A : memref<!tpu.dma_semaphore, #tpu.memory_space<semaphore_mem>>) src(%dma_wait3A_454 : memref<256xi32, #tpu.memory_space<hbm>>) dst(%arg9 : memref<256xi32, #tpu.memory_space<vmem>>)
      tpu.yield
    }) : () -> ()
    %dma_start3A = arith.constant 0 : i32
    %dma_start3A_5 = tpu.memref_slice %arg9[%dma_start3A] : memref<256xi32, #tpu.memory_space<vmem>> -> memref<32xi32, #tpu.memory_space<vmem>>
    %dma_start3A_6 = arith.constant 0 : i32
    %dma_start3A_7 = arith.constant 0 : i32
    %dma_start3A_8 = tpu.memref_slice %arg3[%dma_start3A_6, %dma_start3A_7] : memref<100000x512xf32, #tpu.memory_space<hbm>> -> memref<100000x512xf32, #tpu.memory_space<hbm>>
    tpu.enqueue_indirect_dma source(%dma_start3A_8 : memref<100000x512xf32, #tpu.memory_space<hbm>>) target(%arg10 : memref<32x512xf32, #tpu.memory_space<vmem>>) offsets(%dma_start3A_5 : memref<32xi32, #tpu.memory_space<vmem>>) semaphore(%arg16 : memref<!tpu.dma_semaphore, #tpu.memory_space<semaphore_mem>>)
    %dma_start3A_9 = arith.constant 0 : i32
    %dma_start3A_10 = tpu.memref_slice %arg9[%dma_start3A_9] : memref<256xi32, #tpu.memory_space<vmem>> -> memref<32xi32, #tpu.memory_space<vmem>>
    %dma_start3A_11 = arith.constant 0 : i32
    %dma_start3A_12 = arith.constant 0 : i32
    %dma_start3A_13 = tpu.memref_slice %arg4[%dma_start3A_11, %dma_start3A_12] : memref<100000x128xf32, #tpu.memory_space<hbm>> -> memref<100000x128xf32, #tpu.memory_space<hbm>>
    tpu.enqueue_indirect_dma source(%dma_start3A_13 : memref<100000x128xf32, #tpu.memory_space<hbm>>) target(%arg11 : memref<32x128xf32, #tpu.memory_space<vmem>>) offsets(%dma_start3A_10 : memref<32xi32, #tpu.memory_space<vmem>>) semaphore(%arg16 : memref<!tpu.dma_semaphore, #tpu.memory_space<semaphore_mem>>)
    %dma_start3A_14 = arith.constant 0 : i32
    %dma_start3A_15 = tpu.memref_slice %arg9[%dma_start3A_14] : memref<256xi32, #tpu.memory_space<vmem>> -> memref<32xi32, #tpu.memory_space<vmem>>
    %dma_start3A_16 = arith.constant 0 : i32
    %dma_start3A_17 = arith.constant 0 : i32
    %dma_start3A_18 = tpu.memref_slice %arg5[%dma_start3A_16, %dma_start3A_17] : memref<100000x768xf32, #tpu.memory_space<hbm>> -> memref<100000x768xf32, #tpu.memory_space<hbm>>
    tpu.enqueue_indirect_dma source(%dma_start3A_18 : memref<100000x768xf32, #tpu.memory_space<hbm>>) target(%arg12 : memref<32x768xf32, #tpu.memory_space<vmem>>) offsets(%dma_start3A_15 : memref<32xi32, #tpu.memory_space<vmem>>) semaphore(%arg16 : memref<!tpu.dma_semaphore, #tpu.memory_space<semaphore_mem>>)
    %dma_wait3A = arith.constant 0 : i32
    %dma_wait3A_19 = tpu.memref_slice %arg9[%dma_wait3A] : memref<256xi32, #tpu.memory_space<vmem>> -> memref<32xi32, #tpu.memory_space<vmem>>
    %dma_wait3A_20 = arith.constant 0 : i32
    %dma_wait3A_21 = arith.constant 0 : i32
    %dma_wait3A_22 = tpu.memref_slice %arg3[%dma_wait3A_20, %dma_wait3A_21] : memref<100000x512xf32, #tpu.memory_space<hbm>> -> memref<100000x512xf32, #tpu.memory_space<hbm>>
    tpu.wait_indirect_dma semaphore(%arg16 : memref<!tpu.dma_semaphore, #tpu.memory_space<semaphore_mem>>) src(%dma_wait3A_22 : memref<100000x512xf32, #tpu.memory_space<hbm>>) dst(%arg10 : memref<32x512xf32, #tpu.memory_space<vmem>>)
    %dma_wait3A_23 = arith.constant 0 : i32
    %dma_wait3A_24 = tpu.memref_slice %arg9[%dma_wait3A_23] : memref<256xi32, #tpu.memory_space<vmem>> -> memref<32xi32, #tpu.memory_space<vmem>>
    %dma_wait3A_25 = arith.constant 0 : i32
    %dma_wait3A_26 = arith.constant 0 : i32
    %dma_wait3A_27 = tpu.memref_slice %arg4[%dma_wait3A_25, %dma_wait3A_26] : memref<100000x128xf32, #tpu.memory_space<hbm>> -> memref<100000x128xf32, #tpu.memory_space<hbm>>
    tpu.wait_indirect_dma semaphore(%arg16 : memref<!tpu.dma_semaphore, #tpu.memory_space<semaphore_mem>>) src(%dma_wait3A_27 : memref<100000x128xf32, #tpu.memory_space<hbm>>) dst(%arg11 : memref<32x128xf32, #tpu.memory_space<vmem>>)
    %dma_wait3A_28 = arith.constant 0 : i32
    %dma_wait3A_29 = tpu.memref_slice %arg9[%dma_wait3A_28] : memref<256xi32, #tpu.memory_space<vmem>> -> memref<32xi32, #tpu.memory_space<vmem>>
    %dma_wait3A_30 = arith.constant 0 : i32
    %dma_wait3A_31 = arith.constant 0 : i32
    %dma_wait3A_32 = tpu.memref_slice %arg5[%dma_wait3A_30, %dma_wait3A_31] : memref<100000x768xf32, #tpu.memory_space<hbm>> -> memref<100000x768xf32, #tpu.memory_space<hbm>>
    tpu.wait_indirect_dma semaphore(%arg16 : memref<!tpu.dma_semaphore, #tpu.memory_space<semaphore_mem>>) src(%dma_wait3A_32 : memref<100000x768xf32, #tpu.memory_space<hbm>>) dst(%arg12 : memref<32x768xf32, #tpu.memory_space<vmem>>)
    %dma_start3A_33 = arith.constant 32 : i32
    %dma_start3A_34 = tpu.memref_slice %arg9[%dma_start3A_33] : memref<256xi32, #tpu.memory_space<vmem>> -> memref<32xi32, #tpu.memory_space<vmem>>
    %dma_start3A_35 = arith.constant 0 : i32
    %dma_start3A_36 = arith.constant 0 : i32
    %dma_start3A_37 = tpu.memref_slice %arg3[%dma_start3A_35, %dma_start3A_36] : memref<100000x512xf32, #tpu.memory_space<hbm>> -> memref<100000x512xf32, #tpu.memory_space<hbm>>
    tpu.enqueue_indirect_dma source(%dma_start3A_37 : memref<100000x512xf32, #tpu.memory_space<hbm>>) target(%arg13 : memref<32x512xf32, #tpu.memory_space<vmem>>) offsets(%dma_start3A_34 : memref<32xi32, #tpu.memory_space<vmem>>) semaphore(%arg17 : memref<!tpu.dma_semaphore, #tpu.memory_space<semaphore_mem>>)
    %dma_start3A_38 = arith.constant 32 : i32
    %dma_start3A_39 = tpu.memref_slice %arg9[%dma_start3A_38] : memref<256xi32, #tpu.memory_space<vmem>> -> memref<32xi32, #tpu.memory_space<vmem>>
    %dma_start3A_40 = arith.constant 0 : i32
    %dma_start3A_41 = arith.constant 0 : i32
    %dma_start3A_42 = tpu.memref_slice %arg4[%dma_start3A_40, %dma_start3A_41] : memref<100000x128xf32, #tpu.memory_space<hbm>> -> memref<100000x128xf32, #tpu.memory_space<hbm>>
    tpu.enqueue_indirect_dma source(%dma_start3A_42 : memref<100000x128xf32, #tpu.memory_space<hbm>>) target(%arg14 : memref<32x128xf32, #tpu.memory_space<vmem>>) offsets(%dma_start3A_39 : memref<32xi32, #tpu.memory_space<vmem>>) semaphore(%arg17 : memref<!tpu.dma_semaphore, #tpu.memory_space<semaphore_mem>>)
    %dma_start3A_43 = arith.constant 32 : i32
    %dma_start3A_44 = tpu.memref_slice %arg9[%dma_start3A_43] : memref<256xi32, #tpu.memory_space<vmem>> -> memref<32xi32, #tpu.memory_space<vmem>>
    %dma_start3A_45 = arith.constant 0 : i32
    %dma_start3A_46 = arith.constant 0 : i32
    %dma_start3A_47 = tpu.memref_slice %arg5[%dma_start3A_45, %dma_start3A_46] : memref<100000x768xf32, #tpu.memory_space<hbm>> -> memref<100000x768xf32, #tpu.memory_space<hbm>>
    tpu.enqueue_indirect_dma source(%dma_start3A_47 : memref<100000x768xf32, #tpu.memory_space<hbm>>) target(%arg15 : memref<32x768xf32, #tpu.memory_space<vmem>>) offsets(%dma_start3A_44 : memref<32xi32, #tpu.memory_space<vmem>>) semaphore(%arg17 : memref<!tpu.dma_semaphore, #tpu.memory_space<semaphore_mem>>)
    %add3A_48 = arith.constant 0 : i32
    %add3A_49 = arith.addi %mul3A_2, %add3A_48 : i32
    %dma_start3A_50 = arith.constant 0 : i32
    %dma_start3A_51 = tpu.memref_slice %arg6[%add3A_49, %dma_start3A_50] : memref<8192x512xf32, #tpu.memory_space<hbm>> -> memref<32x512xf32, #tpu.memory_space<hbm>>
    %dma_start3A_52 = arith.constant 0 : i32
    %dma_start3A_53 = tpu.memref_slice %arg6[%add3A_49, %dma_start3A_52] : memref<8192x512xf32, #tpu.memory_space<hbm>> -> memref<32x512xf32, #tpu.memory_space<hbm>>
    tpu.enqueue_dma source(%arg10 : memref<32x512xf32, #tpu.memory_space<vmem>>) target(%dma_start3A_53 : memref<32x512xf32, #tpu.memory_space<hbm>>) target_semaphore(%arg18 : memref<!tpu.dma_semaphore, #tpu.memory_space<semaphore_mem>>)
    %dma_start3A_54 = arith.constant 0 : i32
    %dma_start3A_55 = tpu.memref_slice %arg7[%add3A_49, %dma_start3A_54] : memref<8192x128xf32, #tpu.memory_space<hbm>> -> memref<32x128xf32, #tpu.memory_space<hbm>>
    %dma_start3A_56 = arith.constant 0 : i32
    %dma_start3A_57 = tpu.memref_slice %arg7[%add3A_49, %dma_start3A_56] : memref<8192x128xf32, #tpu.memory_space<hbm>> -> memref<32x128xf32, #tpu.memory_space<hbm>>
    tpu.enqueue_dma source(%arg11 : memref<32x128xf32, #tpu.memory_space<vmem>>) target(%dma_start3A_57 : memref<32x128xf32, #tpu.memory_space<hbm>>) target_semaphore(%arg18 : memref<!tpu.dma_semaphore, #tpu.memory_space<semaphore_mem>>)
    %dma_start3A_58 = arith.constant 0 : i32
    %dma_start3A_59 = tpu.memref_slice %arg8[%add3A_49, %dma_start3A_58] : memref<8192x768xf32, #tpu.memory_space<hbm>> -> memref<32x768xf32, #tpu.memory_space<hbm>>
    %dma_start3A_60 = arith.constant 0 : i32
    %dma_start3A_61 = tpu.memref_slice %arg8[%add3A_49, %dma_start3A_60] : memref<8192x768xf32, #tpu.memory_space<hbm>> -> memref<32x768xf32, #tpu.memory_space<hbm>>
    tpu.enqueue_dma source(%arg12 : memref<32x768xf32, #tpu.memory_space<vmem>>) target(%dma_start3A_61 : memref<32x768xf32, #tpu.memory_space<hbm>>) target_semaphore(%arg18 : memref<!tpu.dma_semaphore, #tpu.memory_space<semaphore_mem>>)
    %dma_wait3A_62 = arith.constant 32 : i32
    %dma_wait3A_63 = tpu.memref_slice %arg9[%dma_wait3A_62] : memref<256xi32, #tpu.memory_space<vmem>> -> memref<32xi32, #tpu.memory_space<vmem>>
    %dma_wait3A_64 = arith.constant 0 : i32
    %dma_wait3A_65 = arith.constant 0 : i32
    %dma_wait3A_66 = tpu.memref_slice %arg3[%dma_wait3A_64, %dma_wait3A_65] : memref<100000x512xf32, #tpu.memory_space<hbm>> -> memref<100000x512xf32, #tpu.memory_space<hbm>>
    tpu.wait_indirect_dma semaphore(%arg17 : memref<!tpu.dma_semaphore, #tpu.memory_space<semaphore_mem>>) src(%dma_wait3A_66 : memref<100000x512xf32, #tpu.memory_space<hbm>>) dst(%arg13 : memref<32x512xf32, #tpu.memory_space<vmem>>)
    %dma_wait3A_67 = arith.constant 32 : i32
    %dma_wait3A_68 = tpu.memref_slice %arg9[%dma_wait3A_67] : memref<256xi32, #tpu.memory_space<vmem>> -> memref<32xi32, #tpu.memory_space<vmem>>
    %dma_wait3A_69 = arith.constant 0 : i32
    %dma_wait3A_70 = arith.constant 0 : i32
    %dma_wait3A_71 = tpu.memref_slice %arg4[%dma_wait3A_69, %dma_wait3A_70] : memref<100000x128xf32, #tpu.memory_space<hbm>> -> memref<100000x128xf32, #tpu.memory_space<hbm>>
    tpu.wait_indirect_dma semaphore(%arg17 : memref<!tpu.dma_semaphore, #tpu.memory_space<semaphore_mem>>) src(%dma_wait3A_71 : memref<100000x128xf32, #tpu.memory_space<hbm>>) dst(%arg14 : memref<32x128xf32, #tpu.memory_space<vmem>>)
    %dma_wait3A_72 = arith.constant 32 : i32
    %dma_wait3A_73 = tpu.memref_slice %arg9[%dma_wait3A_72] : memref<256xi32, #tpu.memory_space<vmem>> -> memref<32xi32, #tpu.memory_space<vmem>>
    %dma_wait3A_74 = arith.constant 0 : i32
    %dma_wait3A_75 = arith.constant 0 : i32
    %dma_wait3A_76 = tpu.memref_slice %arg5[%dma_wait3A_74, %dma_wait3A_75] : memref<100000x768xf32, #tpu.memory_space<hbm>> -> memref<100000x768xf32, #tpu.memory_space<hbm>>
    tpu.wait_indirect_dma semaphore(%arg17 : memref<!tpu.dma_semaphore, #tpu.memory_space<semaphore_mem>>) src(%dma_wait3A_76 : memref<100000x768xf32, #tpu.memory_space<hbm>>) dst(%arg15 : memref<32x768xf32, #tpu.memory_space<vmem>>)
    %dma_wait3A_77 = arith.constant 0 : i32
    %dma_wait3A_78 = tpu.memref_slice %arg6[%add3A_49, %dma_wait3A_77] : memref<8192x512xf32, #tpu.memory_space<hbm>> -> memref<32x512xf32, #tpu.memory_space<hbm>>
    %dma_wait3A_79 = arith.constant 0 : i32
    %dma_wait3A_80 = tpu.memref_slice %arg6[%add3A_49, %dma_wait3A_79] : memref<8192x512xf32, #tpu.memory_space<hbm>> -> memref<32x512xf32, #tpu.memory_space<hbm>>
    tpu.wait_dma2 semaphore(%arg18 : memref<!tpu.dma_semaphore, #tpu.memory_space<semaphore_mem>>) src(%arg10 : memref<32x512xf32, #tpu.memory_space<vmem>>) dst(%dma_wait3A_80 : memref<32x512xf32, #tpu.memory_space<hbm>>)
    %dma_wait3A_81 = arith.constant 0 : i32
    %dma_wait3A_82 = tpu.memref_slice %arg7[%add3A_49, %dma_wait3A_81] : memref<8192x128xf32, #tpu.memory_space<hbm>> -> memref<32x128xf32, #tpu.memory_space<hbm>>
    %dma_wait3A_83 = arith.constant 0 : i32
    %dma_wait3A_84 = tpu.memref_slice %arg7[%add3A_49, %dma_wait3A_83] : memref<8192x128xf32, #tpu.memory_space<hbm>> -> memref<32x128xf32, #tpu.memory_space<hbm>>
    tpu.wait_dma2 semaphore(%arg18 : memref<!tpu.dma_semaphore, #tpu.memory_space<semaphore_mem>>) src(%arg11 : memref<32x128xf32, #tpu.memory_space<vmem>>) dst(%dma_wait3A_84 : memref<32x128xf32, #tpu.memory_space<hbm>>)
    %dma_wait3A_85 = arith.constant 0 : i32
    %dma_wait3A_86 = tpu.memref_slice %arg8[%add3A_49, %dma_wait3A_85] : memref<8192x768xf32, #tpu.memory_space<hbm>> -> memref<32x768xf32, #tpu.memory_space<hbm>>
    %dma_wait3A_87 = arith.constant 0 : i32
    %dma_wait3A_88 = tpu.memref_slice %arg8[%add3A_49, %dma_wait3A_87] : memref<8192x768xf32, #tpu.memory_space<hbm>> -> memref<32x768xf32, #tpu.memory_space<hbm>>
    tpu.wait_dma2 semaphore(%arg18 : memref<!tpu.dma_semaphore, #tpu.memory_space<semaphore_mem>>) src(%arg12 : memref<32x768xf32, #tpu.memory_space<vmem>>) dst(%dma_wait3A_88 : memref<32x768xf32, #tpu.memory_space<hbm>>)
    %dma_start3A_89 = arith.constant 64 : i32
    %dma_start3A_90 = tpu.memref_slice %arg9[%dma_start3A_89] : memref<256xi32, #tpu.memory_space<vmem>> -> memref<32xi32, #tpu.memory_space<vmem>>
    %dma_start3A_91 = arith.constant 0 : i32
    %dma_start3A_92 = arith.constant 0 : i32
    %dma_start3A_93 = tpu.memref_slice %arg3[%dma_start3A_91, %dma_start3A_92] : memref<100000x512xf32, #tpu.memory_space<hbm>> -> memref<100000x512xf32, #tpu.memory_space<hbm>>
    tpu.enqueue_indirect_dma source(%dma_start3A_93 : memref<100000x512xf32, #tpu.memory_space<hbm>>) target(%arg10 : memref<32x512xf32, #tpu.memory_space<vmem>>) offsets(%dma_start3A_90 : memref<32xi32, #tpu.memory_space<vmem>>) semaphore(%arg16 : memref<!tpu.dma_semaphore, #tpu.memory_space<semaphore_mem>>)
    %dma_start3A_94 = arith.constant 64 : i32
    %dma_start3A_95 = tpu.memref_slice %arg9[%dma_start3A_94] : memref<256xi32, #tpu.memory_space<vmem>> -> memref<32xi32, #tpu.memory_space<vmem>>
    %dma_start3A_96 = arith.constant 0 : i32
    %dma_start3A_97 = arith.constant 0 : i32
    %dma_start3A_98 = tpu.memref_slice %arg4[%dma_start3A_96, %dma_start3A_97] : memref<100000x128xf32, #tpu.memory_space<hbm>> -> memref<100000x128xf32, #tpu.memory_space<hbm>>
    tpu.enqueue_indirect_dma source(%dma_start3A_98 : memref<100000x128xf32, #tpu.memory_space<hbm>>) target(%arg11 : memref<32x128xf32, #tpu.memory_space<vmem>>) offsets(%dma_start3A_95 : memref<32xi32, #tpu.memory_space<vmem>>) semaphore(%arg16 : memref<!tpu.dma_semaphore, #tpu.memory_space<semaphore_mem>>)
    %dma_start3A_99 = arith.constant 64 : i32
    %dma_start3A_100 = tpu.memref_slice %arg9[%dma_start3A_99] : memref<256xi32, #tpu.memory_space<vmem>> -> memref<32xi32, #tpu.memory_space<vmem>>
    %dma_start3A_101 = arith.constant 0 : i32
    %dma_start3A_102 = arith.constant 0 : i32
    %dma_start3A_103 = tpu.memref_slice %arg5[%dma_start3A_101, %dma_start3A_102] : memref<100000x768xf32, #tpu.memory_space<hbm>> -> memref<100000x768xf32, #tpu.memory_space<hbm>>
    tpu.enqueue_indirect_dma source(%dma_start3A_103 : memref<100000x768xf32, #tpu.memory_space<hbm>>) target(%arg12 : memref<32x768xf32, #tpu.memory_space<vmem>>) offsets(%dma_start3A_100 : memref<32xi32, #tpu.memory_space<vmem>>) semaphore(%arg16 : memref<!tpu.dma_semaphore, #tpu.memory_space<semaphore_mem>>)
    %add3A_104 = arith.constant 32 : i32
    %add3A_105 = arith.addi %mul3A_2, %add3A_104 : i32
    %dma_start3A_106 = arith.constant 0 : i32
    %dma_start3A_107 = tpu.memref_slice %arg6[%add3A_105, %dma_start3A_106] : memref<8192x512xf32, #tpu.memory_space<hbm>> -> memref<32x512xf32, #tpu.memory_space<hbm>>
    %dma_start3A_108 = arith.constant 0 : i32
    %dma_start3A_109 = tpu.memref_slice %arg6[%add3A_105, %dma_start3A_108] : memref<8192x512xf32, #tpu.memory_space<hbm>> -> memref<32x512xf32, #tpu.memory_space<hbm>>
    tpu.enqueue_dma source(%arg13 : memref<32x512xf32, #tpu.memory_space<vmem>>) target(%dma_start3A_109 : memref<32x512xf32, #tpu.memory_space<hbm>>) target_semaphore(%arg19 : memref<!tpu.dma_semaphore, #tpu.memory_space<semaphore_mem>>)
    %dma_start3A_110 = arith.constant 0 : i32
    %dma_start3A_111 = tpu.memref_slice %arg7[%add3A_105, %dma_start3A_110] : memref<8192x128xf32, #tpu.memory_space<hbm>> -> memref<32x128xf32, #tpu.memory_space<hbm>>
    %dma_start3A_112 = arith.constant 0 : i32
    %dma_start3A_113 = tpu.memref_slice %arg7[%add3A_105, %dma_start3A_112] : memref<8192x128xf32, #tpu.memory_space<hbm>> -> memref<32x128xf32, #tpu.memory_space<hbm>>
    tpu.enqueue_dma source(%arg14 : memref<32x128xf32, #tpu.memory_space<vmem>>) target(%dma_start3A_113 : memref<32x128xf32, #tpu.memory_space<hbm>>) target_semaphore(%arg19 : memref<!tpu.dma_semaphore, #tpu.memory_space<semaphore_mem>>)
    %dma_start3A_114 = arith.constant 0 : i32
    %dma_start3A_115 = tpu.memref_slice %arg8[%add3A_105, %dma_start3A_114] : memref<8192x768xf32, #tpu.memory_space<hbm>> -> memref<32x768xf32, #tpu.memory_space<hbm>>
    %dma_start3A_116 = arith.constant 0 : i32
    %dma_start3A_117 = tpu.memref_slice %arg8[%add3A_105, %dma_start3A_116] : memref<8192x768xf32, #tpu.memory_space<hbm>> -> memref<32x768xf32, #tpu.memory_space<hbm>>
    tpu.enqueue_dma source(%arg15 : memref<32x768xf32, #tpu.memory_space<vmem>>) target(%dma_start3A_117 : memref<32x768xf32, #tpu.memory_space<hbm>>) target_semaphore(%arg19 : memref<!tpu.dma_semaphore, #tpu.memory_space<semaphore_mem>>)
    %dma_wait3A_118 = arith.constant 64 : i32
    %dma_wait3A_119 = tpu.memref_slice %arg9[%dma_wait3A_118] : memref<256xi32, #tpu.memory_space<vmem>> -> memref<32xi32, #tpu.memory_space<vmem>>
    %dma_wait3A_120 = arith.constant 0 : i32
    %dma_wait3A_121 = arith.constant 0 : i32
    %dma_wait3A_122 = tpu.memref_slice %arg3[%dma_wait3A_120, %dma_wait3A_121] : memref<100000x512xf32, #tpu.memory_space<hbm>> -> memref<100000x512xf32, #tpu.memory_space<hbm>>
    tpu.wait_indirect_dma semaphore(%arg16 : memref<!tpu.dma_semaphore, #tpu.memory_space<semaphore_mem>>) src(%dma_wait3A_122 : memref<100000x512xf32, #tpu.memory_space<hbm>>) dst(%arg10 : memref<32x512xf32, #tpu.memory_space<vmem>>)
    %dma_wait3A_123 = arith.constant 64 : i32
    %dma_wait3A_124 = tpu.memref_slice %arg9[%dma_wait3A_123] : memref<256xi32, #tpu.memory_space<vmem>> -> memref<32xi32, #tpu.memory_space<vmem>>
    %dma_wait3A_125 = arith.constant 0 : i32
    %dma_wait3A_126 = arith.constant 0 : i32
    %dma_wait3A_127 = tpu.memref_slice %arg4[%dma_wait3A_125, %dma_wait3A_126] : memref<100000x128xf32, #tpu.memory_space<hbm>> -> memref<100000x128xf32, #tpu.memory_space<hbm>>
    tpu.wait_indirect_dma semaphore(%arg16 : memref<!tpu.dma_semaphore, #tpu.memory_space<semaphore_mem>>) src(%dma_wait3A_127 : memref<100000x128xf32, #tpu.memory_space<hbm>>) dst(%arg11 : memref<32x128xf32, #tpu.memory_space<vmem>>)
    %dma_wait3A_128 = arith.constant 64 : i32
    %dma_wait3A_129 = tpu.memref_slice %arg9[%dma_wait3A_128] : memref<256xi32, #tpu.memory_space<vmem>> -> memref<32xi32, #tpu.memory_space<vmem>>
    %dma_wait3A_130 = arith.constant 0 : i32
    %dma_wait3A_131 = arith.constant 0 : i32
    %dma_wait3A_132 = tpu.memref_slice %arg5[%dma_wait3A_130, %dma_wait3A_131] : memref<100000x768xf32, #tpu.memory_space<hbm>> -> memref<100000x768xf32, #tpu.memory_space<hbm>>
    tpu.wait_indirect_dma semaphore(%arg16 : memref<!tpu.dma_semaphore, #tpu.memory_space<semaphore_mem>>) src(%dma_wait3A_132 : memref<100000x768xf32, #tpu.memory_space<hbm>>) dst(%arg12 : memref<32x768xf32, #tpu.memory_space<vmem>>)
    %dma_wait3A_133 = arith.constant 0 : i32
    %dma_wait3A_134 = tpu.memref_slice %arg6[%add3A_105, %dma_wait3A_133] : memref<8192x512xf32, #tpu.memory_space<hbm>> -> memref<32x512xf32, #tpu.memory_space<hbm>>
    %dma_wait3A_135 = arith.constant 0 : i32
    %dma_wait3A_136 = tpu.memref_slice %arg6[%add3A_105, %dma_wait3A_135] : memref<8192x512xf32, #tpu.memory_space<hbm>> -> memref<32x512xf32, #tpu.memory_space<hbm>>
    tpu.wait_dma2 semaphore(%arg19 : memref<!tpu.dma_semaphore, #tpu.memory_space<semaphore_mem>>) src(%arg13 : memref<32x512xf32, #tpu.memory_space<vmem>>) dst(%dma_wait3A_136 : memref<32x512xf32, #tpu.memory_space<hbm>>)
    %dma_wait3A_137 = arith.constant 0 : i32
    %dma_wait3A_138 = tpu.memref_slice %arg7[%add3A_105, %dma_wait3A_137] : memref<8192x128xf32, #tpu.memory_space<hbm>> -> memref<32x128xf32, #tpu.memory_space<hbm>>
    %dma_wait3A_139 = arith.constant 0 : i32
    %dma_wait3A_140 = tpu.memref_slice %arg7[%add3A_105, %dma_wait3A_139] : memref<8192x128xf32, #tpu.memory_space<hbm>> -> memref<32x128xf32, #tpu.memory_space<hbm>>
    tpu.wait_dma2 semaphore(%arg19 : memref<!tpu.dma_semaphore, #tpu.memory_space<semaphore_mem>>) src(%arg14 : memref<32x128xf32, #tpu.memory_space<vmem>>) dst(%dma_wait3A_140 : memref<32x128xf32, #tpu.memory_space<hbm>>)
    %dma_wait3A_141 = arith.constant 0 : i32
    %dma_wait3A_142 = tpu.memref_slice %arg8[%add3A_105, %dma_wait3A_141] : memref<8192x768xf32, #tpu.memory_space<hbm>> -> memref<32x768xf32, #tpu.memory_space<hbm>>
    %dma_wait3A_143 = arith.constant 0 : i32
    %dma_wait3A_144 = tpu.memref_slice %arg8[%add3A_105, %dma_wait3A_143] : memref<8192x768xf32, #tpu.memory_space<hbm>> -> memref<32x768xf32, #tpu.memory_space<hbm>>
    tpu.wait_dma2 semaphore(%arg19 : memref<!tpu.dma_semaphore, #tpu.memory_space<semaphore_mem>>) src(%arg15 : memref<32x768xf32, #tpu.memory_space<vmem>>) dst(%dma_wait3A_144 : memref<32x768xf32, #tpu.memory_space<hbm>>)
    %dma_start3A_145 = arith.constant 96 : i32
    %dma_start3A_146 = tpu.memref_slice %arg9[%dma_start3A_145] : memref<256xi32, #tpu.memory_space<vmem>> -> memref<32xi32, #tpu.memory_space<vmem>>
    %dma_start3A_147 = arith.constant 0 : i32
    %dma_start3A_148 = arith.constant 0 : i32
    %dma_start3A_149 = tpu.memref_slice %arg3[%dma_start3A_147, %dma_start3A_148] : memref<100000x512xf32, #tpu.memory_space<hbm>> -> memref<100000x512xf32, #tpu.memory_space<hbm>>
    tpu.enqueue_indirect_dma source(%dma_start3A_149 : memref<100000x512xf32, #tpu.memory_space<hbm>>) target(%arg13 : memref<32x512xf32, #tpu.memory_space<vmem>>) offsets(%dma_start3A_146 : memref<32xi32, #tpu.memory_space<vmem>>) semaphore(%arg17 : memref<!tpu.dma_semaphore, #tpu.memory_space<semaphore_mem>>)
    %dma_start3A_150 = arith.constant 96 : i32
    %dma_start3A_151 = tpu.memref_slice %arg9[%dma_start3A_150] : memref<256xi32, #tpu.memory_space<vmem>> -> memref<32xi32, #tpu.memory_space<vmem>>
    %dma_start3A_152 = arith.constant 0 : i32
    %dma_start3A_153 = arith.constant 0 : i32
    %dma_start3A_154 = tpu.memref_slice %arg4[%dma_start3A_152, %dma_start3A_153] : memref<100000x128xf32, #tpu.memory_space<hbm>> -> memref<100000x128xf32, #tpu.memory_space<hbm>>
    tpu.enqueue_indirect_dma source(%dma_start3A_154 : memref<100000x128xf32, #tpu.memory_space<hbm>>) target(%arg14 : memref<32x128xf32, #tpu.memory_space<vmem>>) offsets(%dma_start3A_151 : memref<32xi32, #tpu.memory_space<vmem>>) semaphore(%arg17 : memref<!tpu.dma_semaphore, #tpu.memory_space<semaphore_mem>>)
    %dma_start3A_155 = arith.constant 96 : i32
    %dma_start3A_156 = tpu.memref_slice %arg9[%dma_start3A_155] : memref<256xi32, #tpu.memory_space<vmem>> -> memref<32xi32, #tpu.memory_space<vmem>>
    %dma_start3A_157 = arith.constant 0 : i32
    %dma_start3A_158 = arith.constant 0 : i32
    %dma_start3A_159 = tpu.memref_slice %arg5[%dma_start3A_157, %dma_start3A_158] : memref<100000x768xf32, #tpu.memory_space<hbm>> -> memref<100000x768xf32, #tpu.memory_space<hbm>>
    tpu.enqueue_indirect_dma source(%dma_start3A_159 : memref<100000x768xf32, #tpu.memory_space<hbm>>) target(%arg15 : memref<32x768xf32, #tpu.memory_space<vmem>>) offsets(%dma_start3A_156 : memref<32xi32, #tpu.memory_space<vmem>>) semaphore(%arg17 : memref<!tpu.dma_semaphore, #tpu.memory_space<semaphore_mem>>)
    %add3A_160 = arith.constant 64 : i32
    %add3A_161 = arith.addi %mul3A_2, %add3A_160 : i32
    %dma_start3A_162 = arith.constant 0 : i32
    %dma_start3A_163 = tpu.memref_slice %arg6[%add3A_161, %dma_start3A_162] : memref<8192x512xf32, #tpu.memory_space<hbm>> -> memref<32x512xf32, #tpu.memory_space<hbm>>
    %dma_start3A_164 = arith.constant 0 : i32
    %dma_start3A_165 = tpu.memref_slice %arg6[%add3A_161, %dma_start3A_164] : memref<8192x512xf32, #tpu.memory_space<hbm>> -> memref<32x512xf32, #tpu.memory_space<hbm>>
    tpu.enqueue_dma source(%arg10 : memref<32x512xf32, #tpu.memory_space<vmem>>) target(%dma_start3A_165 : memref<32x512xf32, #tpu.memory_space<hbm>>) target_semaphore(%arg18 : memref<!tpu.dma_semaphore, #tpu.memory_space<semaphore_mem>>)
    %dma_start3A_166 = arith.constant 0 : i32
    %dma_start3A_167 = tpu.memref_slice %arg7[%add3A_161, %dma_start3A_166] : memref<8192x128xf32, #tpu.memory_space<hbm>> -> memref<32x128xf32, #tpu.memory_space<hbm>>
    %dma_start3A_168 = arith.constant 0 : i32
    %dma_start3A_169 = tpu.memref_slice %arg7[%add3A_161, %dma_start3A_168] : memref<8192x128xf32, #tpu.memory_space<hbm>> -> memref<32x128xf32, #tpu.memory_space<hbm>>
    tpu.enqueue_dma source(%arg11 : memref<32x128xf32, #tpu.memory_space<vmem>>) target(%dma_start3A_169 : memref<32x128xf32, #tpu.memory_space<hbm>>) target_semaphore(%arg18 : memref<!tpu.dma_semaphore, #tpu.memory_space<semaphore_mem>>)
    %dma_start3A_170 = arith.constant 0 : i32
    %dma_start3A_171 = tpu.memref_slice %arg8[%add3A_161, %dma_start3A_170] : memref<8192x768xf32, #tpu.memory_space<hbm>> -> memref<32x768xf32, #tpu.memory_space<hbm>>
    %dma_start3A_172 = arith.constant 0 : i32
    %dma_start3A_173 = tpu.memref_slice %arg8[%add3A_161, %dma_start3A_172] : memref<8192x768xf32, #tpu.memory_space<hbm>> -> memref<32x768xf32, #tpu.memory_space<hbm>>
    tpu.enqueue_dma source(%arg12 : memref<32x768xf32, #tpu.memory_space<vmem>>) target(%dma_start3A_173 : memref<32x768xf32, #tpu.memory_space<hbm>>) target_semaphore(%arg18 : memref<!tpu.dma_semaphore, #tpu.memory_space<semaphore_mem>>)
    %dma_wait3A_174 = arith.constant 96 : i32
    %dma_wait3A_175 = tpu.memref_slice %arg9[%dma_wait3A_174] : memref<256xi32, #tpu.memory_space<vmem>> -> memref<32xi32, #tpu.memory_space<vmem>>
    %dma_wait3A_176 = arith.constant 0 : i32
    %dma_wait3A_177 = arith.constant 0 : i32
    %dma_wait3A_178 = tpu.memref_slice %arg3[%dma_wait3A_176, %dma_wait3A_177] : memref<100000x512xf32, #tpu.memory_space<hbm>> -> memref<100000x512xf32, #tpu.memory_space<hbm>>
    tpu.wait_indirect_dma semaphore(%arg17 : memref<!tpu.dma_semaphore, #tpu.memory_space<semaphore_mem>>) src(%dma_wait3A_178 : memref<100000x512xf32, #tpu.memory_space<hbm>>) dst(%arg13 : memref<32x512xf32, #tpu.memory_space<vmem>>)
    %dma_wait3A_179 = arith.constant 96 : i32
    %dma_wait3A_180 = tpu.memref_slice %arg9[%dma_wait3A_179] : memref<256xi32, #tpu.memory_space<vmem>> -> memref<32xi32, #tpu.memory_space<vmem>>
    %dma_wait3A_181 = arith.constant 0 : i32
    %dma_wait3A_182 = arith.constant 0 : i32
    %dma_wait3A_183 = tpu.memref_slice %arg4[%dma_wait3A_181, %dma_wait3A_182] : memref<100000x128xf32, #tpu.memory_space<hbm>> -> memref<100000x128xf32, #tpu.memory_space<hbm>>
    tpu.wait_indirect_dma semaphore(%arg17 : memref<!tpu.dma_semaphore, #tpu.memory_space<semaphore_mem>>) src(%dma_wait3A_183 : memref<100000x128xf32, #tpu.memory_space<hbm>>) dst(%arg14 : memref<32x128xf32, #tpu.memory_space<vmem>>)
    %dma_wait3A_184 = arith.constant 96 : i32
    %dma_wait3A_185 = tpu.memref_slice %arg9[%dma_wait3A_184] : memref<256xi32, #tpu.memory_space<vmem>> -> memref<32xi32, #tpu.memory_space<vmem>>
    %dma_wait3A_186 = arith.constant 0 : i32
    %dma_wait3A_187 = arith.constant 0 : i32
    %dma_wait3A_188 = tpu.memref_slice %arg5[%dma_wait3A_186, %dma_wait3A_187] : memref<100000x768xf32, #tpu.memory_space<hbm>> -> memref<100000x768xf32, #tpu.memory_space<hbm>>
    tpu.wait_indirect_dma semaphore(%arg17 : memref<!tpu.dma_semaphore, #tpu.memory_space<semaphore_mem>>) src(%dma_wait3A_188 : memref<100000x768xf32, #tpu.memory_space<hbm>>) dst(%arg15 : memref<32x768xf32, #tpu.memory_space<vmem>>)
    %dma_wait3A_189 = arith.constant 0 : i32
    %dma_wait3A_190 = tpu.memref_slice %arg6[%add3A_161, %dma_wait3A_189] : memref<8192x512xf32, #tpu.memory_space<hbm>> -> memref<32x512xf32, #tpu.memory_space<hbm>>
    %dma_wait3A_191 = arith.constant 0 : i32
    %dma_wait3A_192 = tpu.memref_slice %arg6[%add3A_161, %dma_wait3A_191] : memref<8192x512xf32, #tpu.memory_space<hbm>> -> memref<32x512xf32, #tpu.memory_space<hbm>>
    tpu.wait_dma2 semaphore(%arg18 : memref<!tpu.dma_semaphore, #tpu.memory_space<semaphore_mem>>) src(%arg10 : memref<32x512xf32, #tpu.memory_space<vmem>>) dst(%dma_wait3A_192 : memref<32x512xf32, #tpu.memory_space<hbm>>)
    %dma_wait3A_193 = arith.constant 0 : i32
    %dma_wait3A_194 = tpu.memref_slice %arg7[%add3A_161, %dma_wait3A_193] : memref<8192x128xf32, #tpu.memory_space<hbm>> -> memref<32x128xf32, #tpu.memory_space<hbm>>
    %dma_wait3A_195 = arith.constant 0 : i32
    %dma_wait3A_196 = tpu.memref_slice %arg7[%add3A_161, %dma_wait3A_195] : memref<8192x128xf32, #tpu.memory_space<hbm>> -> memref<32x128xf32, #tpu.memory_space<hbm>>
    tpu.wait_dma2 semaphore(%arg18 : memref<!tpu.dma_semaphore, #tpu.memory_space<semaphore_mem>>) src(%arg11 : memref<32x128xf32, #tpu.memory_space<vmem>>) dst(%dma_wait3A_196 : memref<32x128xf32, #tpu.memory_space<hbm>>)
    %dma_wait3A_197 = arith.constant 0 : i32
    %dma_wait3A_198 = tpu.memref_slice %arg8[%add3A_161, %dma_wait3A_197] : memref<8192x768xf32, #tpu.memory_space<hbm>> -> memref<32x768xf32, #tpu.memory_space<hbm>>
    %dma_wait3A_199 = arith.constant 0 : i32
    %dma_wait3A_200 = tpu.memref_slice %arg8[%add3A_161, %dma_wait3A_199] : memref<8192x768xf32, #tpu.memory_space<hbm>> -> memref<32x768xf32, #tpu.memory_space<hbm>>
    tpu.wait_dma2 semaphore(%arg18 : memref<!tpu.dma_semaphore, #tpu.memory_space<semaphore_mem>>) src(%arg12 : memref<32x768xf32, #tpu.memory_space<vmem>>) dst(%dma_wait3A_200 : memref<32x768xf32, #tpu.memory_space<hbm>>)
    %dma_start3A_201 = arith.constant 128 : i32
    %dma_start3A_202 = tpu.memref_slice %arg9[%dma_start3A_201] : memref<256xi32, #tpu.memory_space<vmem>> -> memref<32xi32, #tpu.memory_space<vmem>>
    %dma_start3A_203 = arith.constant 0 : i32
    %dma_start3A_204 = arith.constant 0 : i32
    %dma_start3A_205 = tpu.memref_slice %arg3[%dma_start3A_203, %dma_start3A_204] : memref<100000x512xf32, #tpu.memory_space<hbm>> -> memref<100000x512xf32, #tpu.memory_space<hbm>>
    tpu.enqueue_indirect_dma source(%dma_start3A_205 : memref<100000x512xf32, #tpu.memory_space<hbm>>) target(%arg10 : memref<32x512xf32, #tpu.memory_space<vmem>>) offsets(%dma_start3A_202 : memref<32xi32, #tpu.memory_space<vmem>>) semaphore(%arg16 : memref<!tpu.dma_semaphore, #tpu.memory_space<semaphore_mem>>)
    %dma_start3A_206 = arith.constant 128 : i32
    %dma_start3A_207 = tpu.memref_slice %arg9[%dma_start3A_206] : memref<256xi32, #tpu.memory_space<vmem>> -> memref<32xi32, #tpu.memory_space<vmem>>
    %dma_start3A_208 = arith.constant 0 : i32
    %dma_start3A_209 = arith.constant 0 : i32
    %dma_start3A_210 = tpu.memref_slice %arg4[%dma_start3A_208, %dma_start3A_209] : memref<100000x128xf32, #tpu.memory_space<hbm>> -> memref<100000x128xf32, #tpu.memory_space<hbm>>
    tpu.enqueue_indirect_dma source(%dma_start3A_210 : memref<100000x128xf32, #tpu.memory_space<hbm>>) target(%arg11 : memref<32x128xf32, #tpu.memory_space<vmem>>) offsets(%dma_start3A_207 : memref<32xi32, #tpu.memory_space<vmem>>) semaphore(%arg16 : memref<!tpu.dma_semaphore, #tpu.memory_space<semaphore_mem>>)
    %dma_start3A_211 = arith.constant 128 : i32
    %dma_start3A_212 = tpu.memref_slice %arg9[%dma_start3A_211] : memref<256xi32, #tpu.memory_space<vmem>> -> memref<32xi32, #tpu.memory_space<vmem>>
    %dma_start3A_213 = arith.constant 0 : i32
    %dma_start3A_214 = arith.constant 0 : i32
    %dma_start3A_215 = tpu.memref_slice %arg5[%dma_start3A_213, %dma_start3A_214] : memref<100000x768xf32, #tpu.memory_space<hbm>> -> memref<100000x768xf32, #tpu.memory_space<hbm>>
    tpu.enqueue_indirect_dma source(%dma_start3A_215 : memref<100000x768xf32, #tpu.memory_space<hbm>>) target(%arg12 : memref<32x768xf32, #tpu.memory_space<vmem>>) offsets(%dma_start3A_212 : memref<32xi32, #tpu.memory_space<vmem>>) semaphore(%arg16 : memref<!tpu.dma_semaphore, #tpu.memory_space<semaphore_mem>>)
    %add3A_216 = arith.constant 96 : i32
    %add3A_217 = arith.addi %mul3A_2, %add3A_216 : i32
    %dma_start3A_218 = arith.constant 0 : i32
    %dma_start3A_219 = tpu.memref_slice %arg6[%add3A_217, %dma_start3A_218] : memref<8192x512xf32, #tpu.memory_space<hbm>> -> memref<32x512xf32, #tpu.memory_space<hbm>>
    %dma_start3A_220 = arith.constant 0 : i32
    %dma_start3A_221 = tpu.memref_slice %arg6[%add3A_217, %dma_start3A_220] : memref<8192x512xf32, #tpu.memory_space<hbm>> -> memref<32x512xf32, #tpu.memory_space<hbm>>
    tpu.enqueue_dma source(%arg13 : memref<32x512xf32, #tpu.memory_space<vmem>>) target(%dma_start3A_221 : memref<32x512xf32, #tpu.memory_space<hbm>>) target_semaphore(%arg19 : memref<!tpu.dma_semaphore, #tpu.memory_space<semaphore_mem>>)
    %dma_start3A_222 = arith.constant 0 : i32
    %dma_start3A_223 = tpu.memref_slice %arg7[%add3A_217, %dma_start3A_222] : memref<8192x128xf32, #tpu.memory_space<hbm>> -> memref<32x128xf32, #tpu.memory_space<hbm>>
    %dma_start3A_224 = arith.constant 0 : i32
    %dma_start3A_225 = tpu.memref_slice %arg7[%add3A_217, %dma_start3A_224] : memref<8192x128xf32, #tpu.memory_space<hbm>> -> memref<32x128xf32, #tpu.memory_space<hbm>>
    tpu.enqueue_dma source(%arg14 : memref<32x128xf32, #tpu.memory_space<vmem>>) target(%dma_start3A_225 : memref<32x128xf32, #tpu.memory_space<hbm>>) target_semaphore(%arg19 : memref<!tpu.dma_semaphore, #tpu.memory_space<semaphore_mem>>)
    %dma_start3A_226 = arith.constant 0 : i32
    %dma_start3A_227 = tpu.memref_slice %arg8[%add3A_217, %dma_start3A_226] : memref<8192x768xf32, #tpu.memory_space<hbm>> -> memref<32x768xf32, #tpu.memory_space<hbm>>
    %dma_start3A_228 = arith.constant 0 : i32
    %dma_start3A_229 = tpu.memref_slice %arg8[%add3A_217, %dma_start3A_228] : memref<8192x768xf32, #tpu.memory_space<hbm>> -> memref<32x768xf32, #tpu.memory_space<hbm>>
    tpu.enqueue_dma source(%arg15 : memref<32x768xf32, #tpu.memory_space<vmem>>) target(%dma_start3A_229 : memref<32x768xf32, #tpu.memory_space<hbm>>) target_semaphore(%arg19 : memref<!tpu.dma_semaphore, #tpu.memory_space<semaphore_mem>>)
    %dma_wait3A_230 = arith.constant 128 : i32
    %dma_wait3A_231 = tpu.memref_slice %arg9[%dma_wait3A_230] : memref<256xi32, #tpu.memory_space<vmem>> -> memref<32xi32, #tpu.memory_space<vmem>>
    %dma_wait3A_232 = arith.constant 0 : i32
    %dma_wait3A_233 = arith.constant 0 : i32
    %dma_wait3A_234 = tpu.memref_slice %arg3[%dma_wait3A_232, %dma_wait3A_233] : memref<100000x512xf32, #tpu.memory_space<hbm>> -> memref<100000x512xf32, #tpu.memory_space<hbm>>
    tpu.wait_indirect_dma semaphore(%arg16 : memref<!tpu.dma_semaphore, #tpu.memory_space<semaphore_mem>>) src(%dma_wait3A_234 : memref<100000x512xf32, #tpu.memory_space<hbm>>) dst(%arg10 : memref<32x512xf32, #tpu.memory_space<vmem>>)
    %dma_wait3A_235 = arith.constant 128 : i32
    %dma_wait3A_236 = tpu.memref_slice %arg9[%dma_wait3A_235] : memref<256xi32, #tpu.memory_space<vmem>> -> memref<32xi32, #tpu.memory_space<vmem>>
    %dma_wait3A_237 = arith.constant 0 : i32
    %dma_wait3A_238 = arith.constant 0 : i32
    %dma_wait3A_239 = tpu.memref_slice %arg4[%dma_wait3A_237, %dma_wait3A_238] : memref<100000x128xf32, #tpu.memory_space<hbm>> -> memref<100000x128xf32, #tpu.memory_space<hbm>>
    tpu.wait_indirect_dma semaphore(%arg16 : memref<!tpu.dma_semaphore, #tpu.memory_space<semaphore_mem>>) src(%dma_wait3A_239 : memref<100000x128xf32, #tpu.memory_space<hbm>>) dst(%arg11 : memref<32x128xf32, #tpu.memory_space<vmem>>)
    %dma_wait3A_240 = arith.constant 128 : i32
    %dma_wait3A_241 = tpu.memref_slice %arg9[%dma_wait3A_240] : memref<256xi32, #tpu.memory_space<vmem>> -> memref<32xi32, #tpu.memory_space<vmem>>
    %dma_wait3A_242 = arith.constant 0 : i32
    %dma_wait3A_243 = arith.constant 0 : i32
    %dma_wait3A_244 = tpu.memref_slice %arg5[%dma_wait3A_242, %dma_wait3A_243] : memref<100000x768xf32, #tpu.memory_space<hbm>> -> memref<100000x768xf32, #tpu.memory_space<hbm>>
    tpu.wait_indirect_dma semaphore(%arg16 : memref<!tpu.dma_semaphore, #tpu.memory_space<semaphore_mem>>) src(%dma_wait3A_244 : memref<100000x768xf32, #tpu.memory_space<hbm>>) dst(%arg12 : memref<32x768xf32, #tpu.memory_space<vmem>>)
    %dma_wait3A_245 = arith.constant 0 : i32
    %dma_wait3A_246 = tpu.memref_slice %arg6[%add3A_217, %dma_wait3A_245] : memref<8192x512xf32, #tpu.memory_space<hbm>> -> memref<32x512xf32, #tpu.memory_space<hbm>>
    %dma_wait3A_247 = arith.constant 0 : i32
    %dma_wait3A_248 = tpu.memref_slice %arg6[%add3A_217, %dma_wait3A_247] : memref<8192x512xf32, #tpu.memory_space<hbm>> -> memref<32x512xf32, #tpu.memory_space<hbm>>
    tpu.wait_dma2 semaphore(%arg19 : memref<!tpu.dma_semaphore, #tpu.memory_space<semaphore_mem>>) src(%arg13 : memref<32x512xf32, #tpu.memory_space<vmem>>) dst(%dma_wait3A_248 : memref<32x512xf32, #tpu.memory_space<hbm>>)
    %dma_wait3A_249 = arith.constant 0 : i32
    %dma_wait3A_250 = tpu.memref_slice %arg7[%add3A_217, %dma_wait3A_249] : memref<8192x128xf32, #tpu.memory_space<hbm>> -> memref<32x128xf32, #tpu.memory_space<hbm>>
    %dma_wait3A_251 = arith.constant 0 : i32
    %dma_wait3A_252 = tpu.memref_slice %arg7[%add3A_217, %dma_wait3A_251] : memref<8192x128xf32, #tpu.memory_space<hbm>> -> memref<32x128xf32, #tpu.memory_space<hbm>>
    tpu.wait_dma2 semaphore(%arg19 : memref<!tpu.dma_semaphore, #tpu.memory_space<semaphore_mem>>) src(%arg14 : memref<32x128xf32, #tpu.memory_space<vmem>>) dst(%dma_wait3A_252 : memref<32x128xf32, #tpu.memory_space<hbm>>)
    %dma_wait3A_253 = arith.constant 0 : i32
    %dma_wait3A_254 = tpu.memref_slice %arg8[%add3A_217, %dma_wait3A_253] : memref<8192x768xf32, #tpu.memory_space<hbm>> -> memref<32x768xf32, #tpu.memory_space<hbm>>
    %dma_wait3A_255 = arith.constant 0 : i32
    %dma_wait3A_256 = tpu.memref_slice %arg8[%add3A_217, %dma_wait3A_255] : memref<8192x768xf32, #tpu.memory_space<hbm>> -> memref<32x768xf32, #tpu.memory_space<hbm>>
    tpu.wait_dma2 semaphore(%arg19 : memref<!tpu.dma_semaphore, #tpu.memory_space<semaphore_mem>>) src(%arg15 : memref<32x768xf32, #tpu.memory_space<vmem>>) dst(%dma_wait3A_256 : memref<32x768xf32, #tpu.memory_space<hbm>>)
    %dma_start3A_257 = arith.constant 160 : i32
    %dma_start3A_258 = tpu.memref_slice %arg9[%dma_start3A_257] : memref<256xi32, #tpu.memory_space<vmem>> -> memref<32xi32, #tpu.memory_space<vmem>>
    %dma_start3A_259 = arith.constant 0 : i32
    %dma_start3A_260 = arith.constant 0 : i32
    %dma_start3A_261 = tpu.memref_slice %arg3[%dma_start3A_259, %dma_start3A_260] : memref<100000x512xf32, #tpu.memory_space<hbm>> -> memref<100000x512xf32, #tpu.memory_space<hbm>>
    tpu.enqueue_indirect_dma source(%dma_start3A_261 : memref<100000x512xf32, #tpu.memory_space<hbm>>) target(%arg13 : memref<32x512xf32, #tpu.memory_space<vmem>>) offsets(%dma_start3A_258 : memref<32xi32, #tpu.memory_space<vmem>>) semaphore(%arg17 : memref<!tpu.dma_semaphore, #tpu.memory_space<semaphore_mem>>)
    %dma_start3A_262 = arith.constant 160 : i32
    %dma_start3A_263 = tpu.memref_slice %arg9[%dma_start3A_262] : memref<256xi32, #tpu.memory_space<vmem>> -> memref<32xi32, #tpu.memory_space<vmem>>
    %dma_start3A_264 = arith.constant 0 : i32
    %dma_start3A_265 = arith.constant 0 : i32
    %dma_start3A_266 = tpu.memref_slice %arg4[%dma_start3A_264, %dma_start3A_265] : memref<100000x128xf32, #tpu.memory_space<hbm>> -> memref<100000x128xf32, #tpu.memory_space<hbm>>
    tpu.enqueue_indirect_dma source(%dma_start3A_266 : memref<100000x128xf32, #tpu.memory_space<hbm>>) target(%arg14 : memref<32x128xf32, #tpu.memory_space<vmem>>) offsets(%dma_start3A_263 : memref<32xi32, #tpu.memory_space<vmem>>) semaphore(%arg17 : memref<!tpu.dma_semaphore, #tpu.memory_space<semaphore_mem>>)
    %dma_start3A_267 = arith.constant 160 : i32
    %dma_start3A_268 = tpu.memref_slice %arg9[%dma_start3A_267] : memref<256xi32, #tpu.memory_space<vmem>> -> memref<32xi32, #tpu.memory_space<vmem>>
    %dma_start3A_269 = arith.constant 0 : i32
    %dma_start3A_270 = arith.constant 0 : i32
    %dma_start3A_271 = tpu.memref_slice %arg5[%dma_start3A_269, %dma_start3A_270] : memref<100000x768xf32, #tpu.memory_space<hbm>> -> memref<100000x768xf32, #tpu.memory_space<hbm>>
    tpu.enqueue_indirect_dma source(%dma_start3A_271 : memref<100000x768xf32, #tpu.memory_space<hbm>>) target(%arg15 : memref<32x768xf32, #tpu.memory_space<vmem>>) offsets(%dma_start3A_268 : memref<32xi32, #tpu.memory_space<vmem>>) semaphore(%arg17 : memref<!tpu.dma_semaphore, #tpu.memory_space<semaphore_mem>>)
    %add3A_272 = arith.constant 128 : i32
    %add3A_273 = arith.addi %mul3A_2, %add3A_272 : i32
    %dma_start3A_274 = arith.constant 0 : i32
    %dma_start3A_275 = tpu.memref_slice %arg6[%add3A_273, %dma_start3A_274] : memref<8192x512xf32, #tpu.memory_space<hbm>> -> memref<32x512xf32, #tpu.memory_space<hbm>>
    %dma_start3A_276 = arith.constant 0 : i32
    %dma_start3A_277 = tpu.memref_slice %arg6[%add3A_273, %dma_start3A_276] : memref<8192x512xf32, #tpu.memory_space<hbm>> -> memref<32x512xf32, #tpu.memory_space<hbm>>
    tpu.enqueue_dma source(%arg10 : memref<32x512xf32, #tpu.memory_space<vmem>>) target(%dma_start3A_277 : memref<32x512xf32, #tpu.memory_space<hbm>>) target_semaphore(%arg18 : memref<!tpu.dma_semaphore, #tpu.memory_space<semaphore_mem>>)
    %dma_start3A_278 = arith.constant 0 : i32
    %dma_start3A_279 = tpu.memref_slice %arg7[%add3A_273, %dma_start3A_278] : memref<8192x128xf32, #tpu.memory_space<hbm>> -> memref<32x128xf32, #tpu.memory_space<hbm>>
    %dma_start3A_280 = arith.constant 0 : i32
    %dma_start3A_281 = tpu.memref_slice %arg7[%add3A_273, %dma_start3A_280] : memref<8192x128xf32, #tpu.memory_space<hbm>> -> memref<32x128xf32, #tpu.memory_space<hbm>>
    tpu.enqueue_dma source(%arg11 : memref<32x128xf32, #tpu.memory_space<vmem>>) target(%dma_start3A_281 : memref<32x128xf32, #tpu.memory_space<hbm>>) target_semaphore(%arg18 : memref<!tpu.dma_semaphore, #tpu.memory_space<semaphore_mem>>)
    %dma_start3A_282 = arith.constant 0 : i32
    %dma_start3A_283 = tpu.memref_slice %arg8[%add3A_273, %dma_start3A_282] : memref<8192x768xf32, #tpu.memory_space<hbm>> -> memref<32x768xf32, #tpu.memory_space<hbm>>
    %dma_start3A_284 = arith.constant 0 : i32
    %dma_start3A_285 = tpu.memref_slice %arg8[%add3A_273, %dma_start3A_284] : memref<8192x768xf32, #tpu.memory_space<hbm>> -> memref<32x768xf32, #tpu.memory_space<hbm>>
    tpu.enqueue_dma source(%arg12 : memref<32x768xf32, #tpu.memory_space<vmem>>) target(%dma_start3A_285 : memref<32x768xf32, #tpu.memory_space<hbm>>) target_semaphore(%arg18 : memref<!tpu.dma_semaphore, #tpu.memory_space<semaphore_mem>>)
    %dma_wait3A_286 = arith.constant 160 : i32
    %dma_wait3A_287 = tpu.memref_slice %arg9[%dma_wait3A_286] : memref<256xi32, #tpu.memory_space<vmem>> -> memref<32xi32, #tpu.memory_space<vmem>>
    %dma_wait3A_288 = arith.constant 0 : i32
    %dma_wait3A_289 = arith.constant 0 : i32
    %dma_wait3A_290 = tpu.memref_slice %arg3[%dma_wait3A_288, %dma_wait3A_289] : memref<100000x512xf32, #tpu.memory_space<hbm>> -> memref<100000x512xf32, #tpu.memory_space<hbm>>
    tpu.wait_indirect_dma semaphore(%arg17 : memref<!tpu.dma_semaphore, #tpu.memory_space<semaphore_mem>>) src(%dma_wait3A_290 : memref<100000x512xf32, #tpu.memory_space<hbm>>) dst(%arg13 : memref<32x512xf32, #tpu.memory_space<vmem>>)
    %dma_wait3A_291 = arith.constant 160 : i32
    %dma_wait3A_292 = tpu.memref_slice %arg9[%dma_wait3A_291] : memref<256xi32, #tpu.memory_space<vmem>> -> memref<32xi32, #tpu.memory_space<vmem>>
    %dma_wait3A_293 = arith.constant 0 : i32
    %dma_wait3A_294 = arith.constant 0 : i32
    %dma_wait3A_295 = tpu.memref_slice %arg4[%dma_wait3A_293, %dma_wait3A_294] : memref<100000x128xf32, #tpu.memory_space<hbm>> -> memref<100000x128xf32, #tpu.memory_space<hbm>>
    tpu.wait_indirect_dma semaphore(%arg17 : memref<!tpu.dma_semaphore, #tpu.memory_space<semaphore_mem>>) src(%dma_wait3A_295 : memref<100000x128xf32, #tpu.memory_space<hbm>>) dst(%arg14 : memref<32x128xf32, #tpu.memory_space<vmem>>)
    %dma_wait3A_296 = arith.constant 160 : i32
    %dma_wait3A_297 = tpu.memref_slice %arg9[%dma_wait3A_296] : memref<256xi32, #tpu.memory_space<vmem>> -> memref<32xi32, #tpu.memory_space<vmem>>
    %dma_wait3A_298 = arith.constant 0 : i32
    %dma_wait3A_299 = arith.constant 0 : i32
    %dma_wait3A_300 = tpu.memref_slice %arg5[%dma_wait3A_298, %dma_wait3A_299] : memref<100000x768xf32, #tpu.memory_space<hbm>> -> memref<100000x768xf32, #tpu.memory_space<hbm>>
    tpu.wait_indirect_dma semaphore(%arg17 : memref<!tpu.dma_semaphore, #tpu.memory_space<semaphore_mem>>) src(%dma_wait3A_300 : memref<100000x768xf32, #tpu.memory_space<hbm>>) dst(%arg15 : memref<32x768xf32, #tpu.memory_space<vmem>>)
    %dma_wait3A_301 = arith.constant 0 : i32
    %dma_wait3A_302 = tpu.memref_slice %arg6[%add3A_273, %dma_wait3A_301] : memref<8192x512xf32, #tpu.memory_space<hbm>> -> memref<32x512xf32, #tpu.memory_space<hbm>>
    %dma_wait3A_303 = arith.constant 0 : i32
    %dma_wait3A_304 = tpu.memref_slice %arg6[%add3A_273, %dma_wait3A_303] : memref<8192x512xf32, #tpu.memory_space<hbm>> -> memref<32x512xf32, #tpu.memory_space<hbm>>
    tpu.wait_dma2 semaphore(%arg18 : memref<!tpu.dma_semaphore, #tpu.memory_space<semaphore_mem>>) src(%arg10 : memref<32x512xf32, #tpu.memory_space<vmem>>) dst(%dma_wait3A_304 : memref<32x512xf32, #tpu.memory_space<hbm>>)
    %dma_wait3A_305 = arith.constant 0 : i32
    %dma_wait3A_306 = tpu.memref_slice %arg7[%add3A_273, %dma_wait3A_305] : memref<8192x128xf32, #tpu.memory_space<hbm>> -> memref<32x128xf32, #tpu.memory_space<hbm>>
    %dma_wait3A_307 = arith.constant 0 : i32
    %dma_wait3A_308 = tpu.memref_slice %arg7[%add3A_273, %dma_wait3A_307] : memref<8192x128xf32, #tpu.memory_space<hbm>> -> memref<32x128xf32, #tpu.memory_space<hbm>>
    tpu.wait_dma2 semaphore(%arg18 : memref<!tpu.dma_semaphore, #tpu.memory_space<semaphore_mem>>) src(%arg11 : memref<32x128xf32, #tpu.memory_space<vmem>>) dst(%dma_wait3A_308 : memref<32x128xf32, #tpu.memory_space<hbm>>)
    %dma_wait3A_309 = arith.constant 0 : i32
    %dma_wait3A_310 = tpu.memref_slice %arg8[%add3A_273, %dma_wait3A_309] : memref<8192x768xf32, #tpu.memory_space<hbm>> -> memref<32x768xf32, #tpu.memory_space<hbm>>
    %dma_wait3A_311 = arith.constant 0 : i32
    %dma_wait3A_312 = tpu.memref_slice %arg8[%add3A_273, %dma_wait3A_311] : memref<8192x768xf32, #tpu.memory_space<hbm>> -> memref<32x768xf32, #tpu.memory_space<hbm>>
    tpu.wait_dma2 semaphore(%arg18 : memref<!tpu.dma_semaphore, #tpu.memory_space<semaphore_mem>>) src(%arg12 : memref<32x768xf32, #tpu.memory_space<vmem>>) dst(%dma_wait3A_312 : memref<32x768xf32, #tpu.memory_space<hbm>>)
    %dma_start3A_313 = arith.constant 192 : i32
    %dma_start3A_314 = tpu.memref_slice %arg9[%dma_start3A_313] : memref<256xi32, #tpu.memory_space<vmem>> -> memref<32xi32, #tpu.memory_space<vmem>>
    %dma_start3A_315 = arith.constant 0 : i32
    %dma_start3A_316 = arith.constant 0 : i32
    %dma_start3A_317 = tpu.memref_slice %arg3[%dma_start3A_315, %dma_start3A_316] : memref<100000x512xf32, #tpu.memory_space<hbm>> -> memref<100000x512xf32, #tpu.memory_space<hbm>>
    tpu.enqueue_indirect_dma source(%dma_start3A_317 : memref<100000x512xf32, #tpu.memory_space<hbm>>) target(%arg10 : memref<32x512xf32, #tpu.memory_space<vmem>>) offsets(%dma_start3A_314 : memref<32xi32, #tpu.memory_space<vmem>>) semaphore(%arg16 : memref<!tpu.dma_semaphore, #tpu.memory_space<semaphore_mem>>)
    %dma_start3A_318 = arith.constant 192 : i32
    %dma_start3A_319 = tpu.memref_slice %arg9[%dma_start3A_318] : memref<256xi32, #tpu.memory_space<vmem>> -> memref<32xi32, #tpu.memory_space<vmem>>
    %dma_start3A_320 = arith.constant 0 : i32
    %dma_start3A_321 = arith.constant 0 : i32
    %dma_start3A_322 = tpu.memref_slice %arg4[%dma_start3A_320, %dma_start3A_321] : memref<100000x128xf32, #tpu.memory_space<hbm>> -> memref<100000x128xf32, #tpu.memory_space<hbm>>
    tpu.enqueue_indirect_dma source(%dma_start3A_322 : memref<100000x128xf32, #tpu.memory_space<hbm>>) target(%arg11 : memref<32x128xf32, #tpu.memory_space<vmem>>) offsets(%dma_start3A_319 : memref<32xi32, #tpu.memory_space<vmem>>) semaphore(%arg16 : memref<!tpu.dma_semaphore, #tpu.memory_space<semaphore_mem>>)
    %dma_start3A_323 = arith.constant 192 : i32
    %dma_start3A_324 = tpu.memref_slice %arg9[%dma_start3A_323] : memref<256xi32, #tpu.memory_space<vmem>> -> memref<32xi32, #tpu.memory_space<vmem>>
    %dma_start3A_325 = arith.constant 0 : i32
    %dma_start3A_326 = arith.constant 0 : i32
    %dma_start3A_327 = tpu.memref_slice %arg5[%dma_start3A_325, %dma_start3A_326] : memref<100000x768xf32, #tpu.memory_space<hbm>> -> memref<100000x768xf32, #tpu.memory_space<hbm>>
    tpu.enqueue_indirect_dma source(%dma_start3A_327 : memref<100000x768xf32, #tpu.memory_space<hbm>>) target(%arg12 : memref<32x768xf32, #tpu.memory_space<vmem>>) offsets(%dma_start3A_324 : memref<32xi32, #tpu.memory_space<vmem>>) semaphore(%arg16 : memref<!tpu.dma_semaphore, #tpu.memory_space<semaphore_mem>>)
    %add3A_328 = arith.constant 160 : i32
    %add3A_329 = arith.addi %mul3A_2, %add3A_328 : i32
    %dma_start3A_330 = arith.constant 0 : i32
    %dma_start3A_331 = tpu.memref_slice %arg6[%add3A_329, %dma_start3A_330] : memref<8192x512xf32, #tpu.memory_space<hbm>> -> memref<32x512xf32, #tpu.memory_space<hbm>>
    %dma_start3A_332 = arith.constant 0 : i32
    %dma_start3A_333 = tpu.memref_slice %arg6[%add3A_329, %dma_start3A_332] : memref<8192x512xf32, #tpu.memory_space<hbm>> -> memref<32x512xf32, #tpu.memory_space<hbm>>
    tpu.enqueue_dma source(%arg13 : memref<32x512xf32, #tpu.memory_space<vmem>>) target(%dma_start3A_333 : memref<32x512xf32, #tpu.memory_space<hbm>>) target_semaphore(%arg19 : memref<!tpu.dma_semaphore, #tpu.memory_space<semaphore_mem>>)
    %dma_start3A_334 = arith.constant 0 : i32
    %dma_start3A_335 = tpu.memref_slice %arg7[%add3A_329, %dma_start3A_334] : memref<8192x128xf32, #tpu.memory_space<hbm>> -> memref<32x128xf32, #tpu.memory_space<hbm>>
    %dma_start3A_336 = arith.constant 0 : i32
    %dma_start3A_337 = tpu.memref_slice %arg7[%add3A_329, %dma_start3A_336] : memref<8192x128xf32, #tpu.memory_space<hbm>> -> memref<32x128xf32, #tpu.memory_space<hbm>>
    tpu.enqueue_dma source(%arg14 : memref<32x128xf32, #tpu.memory_space<vmem>>) target(%dma_start3A_337 : memref<32x128xf32, #tpu.memory_space<hbm>>) target_semaphore(%arg19 : memref<!tpu.dma_semaphore, #tpu.memory_space<semaphore_mem>>)
    %dma_start3A_338 = arith.constant 0 : i32
    %dma_start3A_339 = tpu.memref_slice %arg8[%add3A_329, %dma_start3A_338] : memref<8192x768xf32, #tpu.memory_space<hbm>> -> memref<32x768xf32, #tpu.memory_space<hbm>>
    %dma_start3A_340 = arith.constant 0 : i32
    %dma_start3A_341 = tpu.memref_slice %arg8[%add3A_329, %dma_start3A_340] : memref<8192x768xf32, #tpu.memory_space<hbm>> -> memref<32x768xf32, #tpu.memory_space<hbm>>
    tpu.enqueue_dma source(%arg15 : memref<32x768xf32, #tpu.memory_space<vmem>>) target(%dma_start3A_341 : memref<32x768xf32, #tpu.memory_space<hbm>>) target_semaphore(%arg19 : memref<!tpu.dma_semaphore, #tpu.memory_space<semaphore_mem>>)
    %dma_wait3A_342 = arith.constant 192 : i32
    %dma_wait3A_343 = tpu.memref_slice %arg9[%dma_wait3A_342] : memref<256xi32, #tpu.memory_space<vmem>> -> memref<32xi32, #tpu.memory_space<vmem>>
    %dma_wait3A_344 = arith.constant 0 : i32
    %dma_wait3A_345 = arith.constant 0 : i32
    %dma_wait3A_346 = tpu.memref_slice %arg3[%dma_wait3A_344, %dma_wait3A_345] : memref<100000x512xf32, #tpu.memory_space<hbm>> -> memref<100000x512xf32, #tpu.memory_space<hbm>>
    tpu.wait_indirect_dma semaphore(%arg16 : memref<!tpu.dma_semaphore, #tpu.memory_space<semaphore_mem>>) src(%dma_wait3A_346 : memref<100000x512xf32, #tpu.memory_space<hbm>>) dst(%arg10 : memref<32x512xf32, #tpu.memory_space<vmem>>)
    %dma_wait3A_347 = arith.constant 192 : i32
    %dma_wait3A_348 = tpu.memref_slice %arg9[%dma_wait3A_347] : memref<256xi32, #tpu.memory_space<vmem>> -> memref<32xi32, #tpu.memory_space<vmem>>
    %dma_wait3A_349 = arith.constant 0 : i32
    %dma_wait3A_350 = arith.constant 0 : i32
    %dma_wait3A_351 = tpu.memref_slice %arg4[%dma_wait3A_349, %dma_wait3A_350] : memref<100000x128xf32, #tpu.memory_space<hbm>> -> memref<100000x128xf32, #tpu.memory_space<hbm>>
    tpu.wait_indirect_dma semaphore(%arg16 : memref<!tpu.dma_semaphore, #tpu.memory_space<semaphore_mem>>) src(%dma_wait3A_351 : memref<100000x128xf32, #tpu.memory_space<hbm>>) dst(%arg11 : memref<32x128xf32, #tpu.memory_space<vmem>>)
    %dma_wait3A_352 = arith.constant 192 : i32
    %dma_wait3A_353 = tpu.memref_slice %arg9[%dma_wait3A_352] : memref<256xi32, #tpu.memory_space<vmem>> -> memref<32xi32, #tpu.memory_space<vmem>>
    %dma_wait3A_354 = arith.constant 0 : i32
    %dma_wait3A_355 = arith.constant 0 : i32
    %dma_wait3A_356 = tpu.memref_slice %arg5[%dma_wait3A_354, %dma_wait3A_355] : memref<100000x768xf32, #tpu.memory_space<hbm>> -> memref<100000x768xf32, #tpu.memory_space<hbm>>
    tpu.wait_indirect_dma semaphore(%arg16 : memref<!tpu.dma_semaphore, #tpu.memory_space<semaphore_mem>>) src(%dma_wait3A_356 : memref<100000x768xf32, #tpu.memory_space<hbm>>) dst(%arg12 : memref<32x768xf32, #tpu.memory_space<vmem>>)
    %dma_wait3A_357 = arith.constant 0 : i32
    %dma_wait3A_358 = tpu.memref_slice %arg6[%add3A_329, %dma_wait3A_357] : memref<8192x512xf32, #tpu.memory_space<hbm>> -> memref<32x512xf32, #tpu.memory_space<hbm>>
    %dma_wait3A_359 = arith.constant 0 : i32
    %dma_wait3A_360 = tpu.memref_slice %arg6[%add3A_329, %dma_wait3A_359] : memref<8192x512xf32, #tpu.memory_space<hbm>> -> memref<32x512xf32, #tpu.memory_space<hbm>>
    tpu.wait_dma2 semaphore(%arg19 : memref<!tpu.dma_semaphore, #tpu.memory_space<semaphore_mem>>) src(%arg13 : memref<32x512xf32, #tpu.memory_space<vmem>>) dst(%dma_wait3A_360 : memref<32x512xf32, #tpu.memory_space<hbm>>)
    %dma_wait3A_361 = arith.constant 0 : i32
    %dma_wait3A_362 = tpu.memref_slice %arg7[%add3A_329, %dma_wait3A_361] : memref<8192x128xf32, #tpu.memory_space<hbm>> -> memref<32x128xf32, #tpu.memory_space<hbm>>
    %dma_wait3A_363 = arith.constant 0 : i32
    %dma_wait3A_364 = tpu.memref_slice %arg7[%add3A_329, %dma_wait3A_363] : memref<8192x128xf32, #tpu.memory_space<hbm>> -> memref<32x128xf32, #tpu.memory_space<hbm>>
    tpu.wait_dma2 semaphore(%arg19 : memref<!tpu.dma_semaphore, #tpu.memory_space<semaphore_mem>>) src(%arg14 : memref<32x128xf32, #tpu.memory_space<vmem>>) dst(%dma_wait3A_364 : memref<32x128xf32, #tpu.memory_space<hbm>>)
    %dma_wait3A_365 = arith.constant 0 : i32
    %dma_wait3A_366 = tpu.memref_slice %arg8[%add3A_329, %dma_wait3A_365] : memref<8192x768xf32, #tpu.memory_space<hbm>> -> memref<32x768xf32, #tpu.memory_space<hbm>>
    %dma_wait3A_367 = arith.constant 0 : i32
    %dma_wait3A_368 = tpu.memref_slice %arg8[%add3A_329, %dma_wait3A_367] : memref<8192x768xf32, #tpu.memory_space<hbm>> -> memref<32x768xf32, #tpu.memory_space<hbm>>
    tpu.wait_dma2 semaphore(%arg19 : memref<!tpu.dma_semaphore, #tpu.memory_space<semaphore_mem>>) src(%arg15 : memref<32x768xf32, #tpu.memory_space<vmem>>) dst(%dma_wait3A_368 : memref<32x768xf32, #tpu.memory_space<hbm>>)
    %dma_start3A_369 = arith.constant 224 : i32
    %dma_start3A_370 = tpu.memref_slice %arg9[%dma_start3A_369] : memref<256xi32, #tpu.memory_space<vmem>> -> memref<32xi32, #tpu.memory_space<vmem>>
    %dma_start3A_371 = arith.constant 0 : i32
    %dma_start3A_372 = arith.constant 0 : i32
    %dma_start3A_373 = tpu.memref_slice %arg3[%dma_start3A_371, %dma_start3A_372] : memref<100000x512xf32, #tpu.memory_space<hbm>> -> memref<100000x512xf32, #tpu.memory_space<hbm>>
    tpu.enqueue_indirect_dma source(%dma_start3A_373 : memref<100000x512xf32, #tpu.memory_space<hbm>>) target(%arg13 : memref<32x512xf32, #tpu.memory_space<vmem>>) offsets(%dma_start3A_370 : memref<32xi32, #tpu.memory_space<vmem>>) semaphore(%arg17 : memref<!tpu.dma_semaphore, #tpu.memory_space<semaphore_mem>>)
    %dma_start3A_374 = arith.constant 224 : i32
    %dma_start3A_375 = tpu.memref_slice %arg9[%dma_start3A_374] : memref<256xi32, #tpu.memory_space<vmem>> -> memref<32xi32, #tpu.memory_space<vmem>>
    %dma_start3A_376 = arith.constant 0 : i32
    %dma_start3A_377 = arith.constant 0 : i32
    %dma_start3A_378 = tpu.memref_slice %arg4[%dma_start3A_376, %dma_start3A_377] : memref<100000x128xf32, #tpu.memory_space<hbm>> -> memref<100000x128xf32, #tpu.memory_space<hbm>>
    tpu.enqueue_indirect_dma source(%dma_start3A_378 : memref<100000x128xf32, #tpu.memory_space<hbm>>) target(%arg14 : memref<32x128xf32, #tpu.memory_space<vmem>>) offsets(%dma_start3A_375 : memref<32xi32, #tpu.memory_space<vmem>>) semaphore(%arg17 : memref<!tpu.dma_semaphore, #tpu.memory_space<semaphore_mem>>)
    %dma_start3A_379 = arith.constant 224 : i32
    %dma_start3A_380 = tpu.memref_slice %arg9[%dma_start3A_379] : memref<256xi32, #tpu.memory_space<vmem>> -> memref<32xi32, #tpu.memory_space<vmem>>
    %dma_start3A_381 = arith.constant 0 : i32
    %dma_start3A_382 = arith.constant 0 : i32
    %dma_start3A_383 = tpu.memref_slice %arg5[%dma_start3A_381, %dma_start3A_382] : memref<100000x768xf32, #tpu.memory_space<hbm>> -> memref<100000x768xf32, #tpu.memory_space<hbm>>
    tpu.enqueue_indirect_dma source(%dma_start3A_383 : memref<100000x768xf32, #tpu.memory_space<hbm>>) target(%arg15 : memref<32x768xf32, #tpu.memory_space<vmem>>) offsets(%dma_start3A_380 : memref<32xi32, #tpu.memory_space<vmem>>) semaphore(%arg17 : memref<!tpu.dma_semaphore, #tpu.memory_space<semaphore_mem>>)
    %add3A_384 = arith.constant 192 : i32
    %add3A_385 = arith.addi %mul3A_2, %add3A_384 : i32
    %dma_start3A_386 = arith.constant 0 : i32
    %dma_start3A_387 = tpu.memref_slice %arg6[%add3A_385, %dma_start3A_386] : memref<8192x512xf32, #tpu.memory_space<hbm>> -> memref<32x512xf32, #tpu.memory_space<hbm>>
    %dma_start3A_388 = arith.constant 0 : i32
    %dma_start3A_389 = tpu.memref_slice %arg6[%add3A_385, %dma_start3A_388] : memref<8192x512xf32, #tpu.memory_space<hbm>> -> memref<32x512xf32, #tpu.memory_space<hbm>>
    tpu.enqueue_dma source(%arg10 : memref<32x512xf32, #tpu.memory_space<vmem>>) target(%dma_start3A_389 : memref<32x512xf32, #tpu.memory_space<hbm>>) target_semaphore(%arg18 : memref<!tpu.dma_semaphore, #tpu.memory_space<semaphore_mem>>)
    %dma_start3A_390 = arith.constant 0 : i32
    %dma_start3A_391 = tpu.memref_slice %arg7[%add3A_385, %dma_start3A_390] : memref<8192x128xf32, #tpu.memory_space<hbm>> -> memref<32x128xf32, #tpu.memory_space<hbm>>
    %dma_start3A_392 = arith.constant 0 : i32
    %dma_start3A_393 = tpu.memref_slice %arg7[%add3A_385, %dma_start3A_392] : memref<8192x128xf32, #tpu.memory_space<hbm>> -> memref<32x128xf32, #tpu.memory_space<hbm>>
    tpu.enqueue_dma source(%arg11 : memref<32x128xf32, #tpu.memory_space<vmem>>) target(%dma_start3A_393 : memref<32x128xf32, #tpu.memory_space<hbm>>) target_semaphore(%arg18 : memref<!tpu.dma_semaphore, #tpu.memory_space<semaphore_mem>>)
    %dma_start3A_394 = arith.constant 0 : i32
    %dma_start3A_395 = tpu.memref_slice %arg8[%add3A_385, %dma_start3A_394] : memref<8192x768xf32, #tpu.memory_space<hbm>> -> memref<32x768xf32, #tpu.memory_space<hbm>>
    %dma_start3A_396 = arith.constant 0 : i32
    %dma_start3A_397 = tpu.memref_slice %arg8[%add3A_385, %dma_start3A_396] : memref<8192x768xf32, #tpu.memory_space<hbm>> -> memref<32x768xf32, #tpu.memory_space<hbm>>
    tpu.enqueue_dma source(%arg12 : memref<32x768xf32, #tpu.memory_space<vmem>>) target(%dma_start3A_397 : memref<32x768xf32, #tpu.memory_space<hbm>>) target_semaphore(%arg18 : memref<!tpu.dma_semaphore, #tpu.memory_space<semaphore_mem>>)
    %dma_wait3A_398 = arith.constant 224 : i32
    %dma_wait3A_399 = tpu.memref_slice %arg9[%dma_wait3A_398] : memref<256xi32, #tpu.memory_space<vmem>> -> memref<32xi32, #tpu.memory_space<vmem>>
    %dma_wait3A_400 = arith.constant 0 : i32
    %dma_wait3A_401 = arith.constant 0 : i32
    %dma_wait3A_402 = tpu.memref_slice %arg3[%dma_wait3A_400, %dma_wait3A_401] : memref<100000x512xf32, #tpu.memory_space<hbm>> -> memref<100000x512xf32, #tpu.memory_space<hbm>>
    tpu.wait_indirect_dma semaphore(%arg17 : memref<!tpu.dma_semaphore, #tpu.memory_space<semaphore_mem>>) src(%dma_wait3A_402 : memref<100000x512xf32, #tpu.memory_space<hbm>>) dst(%arg13 : memref<32x512xf32, #tpu.memory_space<vmem>>)
    %dma_wait3A_403 = arith.constant 224 : i32
    %dma_wait3A_404 = tpu.memref_slice %arg9[%dma_wait3A_403] : memref<256xi32, #tpu.memory_space<vmem>> -> memref<32xi32, #tpu.memory_space<vmem>>
    %dma_wait3A_405 = arith.constant 0 : i32
    %dma_wait3A_406 = arith.constant 0 : i32
    %dma_wait3A_407 = tpu.memref_slice %arg4[%dma_wait3A_405, %dma_wait3A_406] : memref<100000x128xf32, #tpu.memory_space<hbm>> -> memref<100000x128xf32, #tpu.memory_space<hbm>>
    tpu.wait_indirect_dma semaphore(%arg17 : memref<!tpu.dma_semaphore, #tpu.memory_space<semaphore_mem>>) src(%dma_wait3A_407 : memref<100000x128xf32, #tpu.memory_space<hbm>>) dst(%arg14 : memref<32x128xf32, #tpu.memory_space<vmem>>)
    %dma_wait3A_408 = arith.constant 224 : i32
    %dma_wait3A_409 = tpu.memref_slice %arg9[%dma_wait3A_408] : memref<256xi32, #tpu.memory_space<vmem>> -> memref<32xi32, #tpu.memory_space<vmem>>
    %dma_wait3A_410 = arith.constant 0 : i32
    %dma_wait3A_411 = arith.constant 0 : i32
    %dma_wait3A_412 = tpu.memref_slice %arg5[%dma_wait3A_410, %dma_wait3A_411] : memref<100000x768xf32, #tpu.memory_space<hbm>> -> memref<100000x768xf32, #tpu.memory_space<hbm>>
    tpu.wait_indirect_dma semaphore(%arg17 : memref<!tpu.dma_semaphore, #tpu.memory_space<semaphore_mem>>) src(%dma_wait3A_412 : memref<100000x768xf32, #tpu.memory_space<hbm>>) dst(%arg15 : memref<32x768xf32, #tpu.memory_space<vmem>>)
    %add3A_413 = arith.constant 224 : i32
    %add3A_414 = arith.addi %mul3A_2, %add3A_413 : i32
    %dma_start3A_415 = arith.constant 0 : i32
    %dma_start3A_416 = tpu.memref_slice %arg6[%add3A_414, %dma_start3A_415] : memref<8192x512xf32, #tpu.memory_space<hbm>> -> memref<32x512xf32, #tpu.memory_space<hbm>>
    %dma_start3A_417 = arith.constant 0 : i32
    %dma_start3A_418 = tpu.memref_slice %arg6[%add3A_414, %dma_start3A_417] : memref<8192x512xf32, #tpu.memory_space<hbm>> -> memref<32x512xf32, #tpu.memory_space<hbm>>
    tpu.enqueue_dma source(%arg13 : memref<32x512xf32, #tpu.memory_space<vmem>>) target(%dma_start3A_418 : memref<32x512xf32, #tpu.memory_space<hbm>>) target_semaphore(%arg19 : memref<!tpu.dma_semaphore, #tpu.memory_space<semaphore_mem>>)
    %dma_start3A_419 = arith.constant 0 : i32
    %dma_start3A_420 = tpu.memref_slice %arg7[%add3A_414, %dma_start3A_419] : memref<8192x128xf32, #tpu.memory_space<hbm>> -> memref<32x128xf32, #tpu.memory_space<hbm>>
    %dma_start3A_421 = arith.constant 0 : i32
    %dma_start3A_422 = tpu.memref_slice %arg7[%add3A_414, %dma_start3A_421] : memref<8192x128xf32, #tpu.memory_space<hbm>> -> memref<32x128xf32, #tpu.memory_space<hbm>>
    tpu.enqueue_dma source(%arg14 : memref<32x128xf32, #tpu.memory_space<vmem>>) target(%dma_start3A_422 : memref<32x128xf32, #tpu.memory_space<hbm>>) target_semaphore(%arg19 : memref<!tpu.dma_semaphore, #tpu.memory_space<semaphore_mem>>)
    %dma_start3A_423 = arith.constant 0 : i32
    %dma_start3A_424 = tpu.memref_slice %arg8[%add3A_414, %dma_start3A_423] : memref<8192x768xf32, #tpu.memory_space<hbm>> -> memref<32x768xf32, #tpu.memory_space<hbm>>
    %dma_start3A_425 = arith.constant 0 : i32
    %dma_start3A_426 = tpu.memref_slice %arg8[%add3A_414, %dma_start3A_425] : memref<8192x768xf32, #tpu.memory_space<hbm>> -> memref<32x768xf32, #tpu.memory_space<hbm>>
    tpu.enqueue_dma source(%arg15 : memref<32x768xf32, #tpu.memory_space<vmem>>) target(%dma_start3A_426 : memref<32x768xf32, #tpu.memory_space<hbm>>) target_semaphore(%arg19 : memref<!tpu.dma_semaphore, #tpu.memory_space<semaphore_mem>>)
    %dma_wait3A_427 = arith.constant 0 : i32
    %dma_wait3A_428 = tpu.memref_slice %arg6[%add3A_385, %dma_wait3A_427] : memref<8192x512xf32, #tpu.memory_space<hbm>> -> memref<32x512xf32, #tpu.memory_space<hbm>>
    %dma_wait3A_429 = arith.constant 0 : i32
    %dma_wait3A_430 = tpu.memref_slice %arg6[%add3A_385, %dma_wait3A_429] : memref<8192x512xf32, #tpu.memory_space<hbm>> -> memref<32x512xf32, #tpu.memory_space<hbm>>
    tpu.wait_dma2 semaphore(%arg18 : memref<!tpu.dma_semaphore, #tpu.memory_space<semaphore_mem>>) src(%arg10 : memref<32x512xf32, #tpu.memory_space<vmem>>) dst(%dma_wait3A_430 : memref<32x512xf32, #tpu.memory_space<hbm>>)
    %dma_wait3A_431 = arith.constant 0 : i32
    %dma_wait3A_432 = tpu.memref_slice %arg7[%add3A_385, %dma_wait3A_431] : memref<8192x128xf32, #tpu.memory_space<hbm>> -> memref<32x128xf32, #tpu.memory_space<hbm>>
    %dma_wait3A_433 = arith.constant 0 : i32
    %dma_wait3A_434 = tpu.memref_slice %arg7[%add3A_385, %dma_wait3A_433] : memref<8192x128xf32, #tpu.memory_space<hbm>> -> memref<32x128xf32, #tpu.memory_space<hbm>>
    tpu.wait_dma2 semaphore(%arg18 : memref<!tpu.dma_semaphore, #tpu.memory_space<semaphore_mem>>) src(%arg11 : memref<32x128xf32, #tpu.memory_space<vmem>>) dst(%dma_wait3A_434 : memref<32x128xf32, #tpu.memory_space<hbm>>)
    %dma_wait3A_435 = arith.constant 0 : i32
    %dma_wait3A_436 = tpu.memref_slice %arg8[%add3A_385, %dma_wait3A_435] : memref<8192x768xf32, #tpu.memory_space<hbm>> -> memref<32x768xf32, #tpu.memory_space<hbm>>
    %dma_wait3A_437 = arith.constant 0 : i32
    %dma_wait3A_438 = tpu.memref_slice %arg8[%add3A_385, %dma_wait3A_437] : memref<8192x768xf32, #tpu.memory_space<hbm>> -> memref<32x768xf32, #tpu.memory_space<hbm>>
    tpu.wait_dma2 semaphore(%arg18 : memref<!tpu.dma_semaphore, #tpu.memory_space<semaphore_mem>>) src(%arg12 : memref<32x768xf32, #tpu.memory_space<vmem>>) dst(%dma_wait3A_438 : memref<32x768xf32, #tpu.memory_space<hbm>>)
    %dma_wait3A_439 = arith.constant 0 : i32
    %dma_wait3A_440 = tpu.memref_slice %arg6[%add3A_414, %dma_wait3A_439] : memref<8192x512xf32, #tpu.memory_space<hbm>> -> memref<32x512xf32, #tpu.memory_space<hbm>>
    %dma_wait3A_441 = arith.constant 0 : i32
    %dma_wait3A_442 = tpu.memref_slice %arg6[%add3A_414, %dma_wait3A_441] : memref<8192x512xf32, #tpu.memory_space<hbm>> -> memref<32x512xf32, #tpu.memory_space<hbm>>
    tpu.wait_dma2 semaphore(%arg19 : memref<!tpu.dma_semaphore, #tpu.memory_space<semaphore_mem>>) src(%arg13 : memref<32x512xf32, #tpu.memory_space<vmem>>) dst(%dma_wait3A_442 : memref<32x512xf32, #tpu.memory_space<hbm>>)
    %dma_wait3A_443 = arith.constant 0 : i32
    %dma_wait3A_444 = tpu.memref_slice %arg7[%add3A_414, %dma_wait3A_443] : memref<8192x128xf32, #tpu.memory_space<hbm>> -> memref<32x128xf32, #tpu.memory_space<hbm>>
    %dma_wait3A_445 = arith.constant 0 : i32
    %dma_wait3A_446 = tpu.memref_slice %arg7[%add3A_414, %dma_wait3A_445] : memref<8192x128xf32, #tpu.memory_space<hbm>> -> memref<32x128xf32, #tpu.memory_space<hbm>>
    tpu.wait_dma2 semaphore(%arg19 : memref<!tpu.dma_semaphore, #tpu.memory_space<semaphore_mem>>) src(%arg14 : memref<32x128xf32, #tpu.memory_space<vmem>>) dst(%dma_wait3A_446 : memref<32x128xf32, #tpu.memory_space<hbm>>)
    %dma_wait3A_447 = arith.constant 0 : i32
    %dma_wait3A_448 = tpu.memref_slice %arg8[%add3A_414, %dma_wait3A_447] : memref<8192x768xf32, #tpu.memory_space<hbm>> -> memref<32x768xf32, #tpu.memory_space<hbm>>
    %dma_wait3A_449 = arith.constant 0 : i32
    %dma_wait3A_450 = tpu.memref_slice %arg8[%add3A_414, %dma_wait3A_449] : memref<8192x768xf32, #tpu.memory_space<hbm>> -> memref<32x768xf32, #tpu.memory_space<hbm>>
    tpu.wait_dma2 semaphore(%arg19 : memref<!tpu.dma_semaphore, #tpu.memory_space<semaphore_mem>>) src(%arg15 : memref<32x768xf32, #tpu.memory_space<vmem>>) dst(%dma_wait3A_450 : memref<32x768xf32, #tpu.memory_space<hbm>>)
    return
  }
}

#map = affine_map<(d0, d1) -> (0)>
#map1 = affine_map<(d0, d1) -> (0, 0)>
module attributes {stable_mosaic.version = 14 : i64} {
  func.func @body(%arg0: i32, %arg1: i32, %arg2: memref<16384xi32, #tpu.memory_space<hbm>>, %arg3: memref<100000x512xf32, #tpu.memory_space<hbm>>, %arg4: memref<100000x128xf32, #tpu.memory_space<hbm>>, %arg5: memref<100000x768xf32, #tpu.memory_space<hbm>>, %arg6: memref<8192x512xf32, #tpu.memory_space<hbm>>, %arg7: memref<8192x128xf32, #tpu.memory_space<hbm>>, %arg8: memref<8192x768xf32, #tpu.memory_space<hbm>>, %arg9: memref<256xi32, #tpu.memory_space<vmem>>, %arg10: memref<32x512xf32, #tpu.memory_space<vmem>>, %arg11: memref<32x128xf32, #tpu.memory_space<vmem>>, %arg12: memref<32x768xf32, #tpu.memory_space<vmem>>, %arg13: memref<32x512xf32, #tpu.memory_space<vmem>>, %arg14: memref<32x128xf32, #tpu.memory_space<vmem>>, %arg15: memref<32x768xf32, #tpu.memory_space<vmem>>, %arg16: memref<!tpu.dma_semaphore, #tpu.memory_space<semaphore_mem>>, %arg17: memref<!tpu.dma_semaphore, #tpu.memory_space<semaphore_mem>>, %arg18: memref<!tpu.dma_semaphore, #tpu.memory_space<semaphore_mem>>, %arg19: memref<!tpu.dma_semaphore, #tpu.memory_space<semaphore_mem>>) attributes {dimension_semantics = [#tpu.dimension_semantics<core_parallel>, #tpu.dimension_semantics<subcore_parallel>], iteration_bounds = array<i64: 2, 16>, scalar_prefetch = 0 : i64, scratch_operands = 11 : i64, tpu.core_type = #tpu.core_type<sc_vector_subcore>, window_params = [{transform_indices = #map}, {transform_indices = #map1}, {transform_indices = #map1}, {transform_indices = #map1}, {transform_indices = #map1}, {transform_indices = #map1}, {transform_indices = #map1}]} {
    %mul3A = arith.constant 2 : i32
    %mul3A_0 = arith.muli %arg1, %mul3A : i32
    %add3A = arith.addi %mul3A_0, %arg0 : i32
    %mul3A_1 = arith.constant 256 : i32
    %mul3A_2 = arith.muli %add3A, %mul3A_1 : i32
    %add3A_3 = arith.constant 0 : i32
    %add3A_4 = arith.addi %add3A_3, %mul3A_2 : i32
    "tpu.region"() ({
      %run_scoped3A = tpu.sem_alloc : memref<!tpu.dma_semaphore, #tpu.memory_space<semaphore_mem>>
      %dma_start3A_451 = tpu.memref_slice %arg2[%add3A_4] : memref<16384xi32, #tpu.memory_space<hbm>> -> memref<256xi32, #tpu.memory_space<hbm>>
      %dma_start3A_452 = tpu.memref_slice %arg2[%add3A_4] : memref<16384xi32, #tpu.memory_space<hbm>> -> memref<256xi32, #tpu.memory_space<hbm>>
      tpu.enqueue_dma source(%dma_start3A_452 : memref<256xi32, #tpu.memory_space<hbm>>) target(%arg9 : memref<256xi32, #tpu.memory_space<vmem>>) target_semaphore(%run_scoped3A : memref<!tpu.dma_semaphore, #tpu.memory_space<semaphore_mem>>)
      %dma_wait3A_453 = tpu.memref_slice %arg2[%add3A_4] : memref<16384xi32, #tpu.memory_space<hbm>> -> memref<256xi32, #tpu.memory_space<hbm>>
      %dma_wait3A_454 = tpu.memref_slice %arg2[%add3A_4] : memref<16384xi32, #tpu.memory_space<hbm>> -> memref<256xi32, #tpu.memory_space<hbm>>
      tpu.wait_dma2 semaphore(%run_scoped3A : memref<!tpu.dma_semaphore, #tpu.memory_space<semaphore_mem>>) src(%dma_wait3A_454 : memref<256xi32, #tpu.memory_space<hbm>>) dst(%arg9 : memref<256xi32, #tpu.memory_space<vmem>>)
      tpu.yield
    }) : () -> ()
    %dma_start3A = arith.constant 0 : i32
    %dma_start3A_5 = tpu.memref_slice %arg9[%dma_start3A] : memref<256xi32, #tpu.memory_space<vmem>> -> memref<32xi32, #tpu.memory_space<vmem>>
    %dma_start3A_6 = arith.constant 0 : i32
    %dma_start3A_7 = arith.constant 0 : i32
    %dma_start3A_8 = tpu.memref_slice %arg3[%dma_start3A_6, %dma_start3A_7] : memref<100000x512xf32, #tpu.memory_space<hbm>> -> memref<100000x512xf32, #tpu.memory_space<hbm>>
    tpu.enqueue_indirect_dma source(%dma_start3A_8 : memref<100000x512xf32, #tpu.memory_space<hbm>>) target(%arg10 : memref<32x512xf32, #tpu.memory_space<vmem>>) offsets(%dma_start3A_5 : memref<32xi32, #tpu.memory_space<vmem>>) semaphore(%arg16 : memref<!tpu.dma_semaphore, #tpu.memory_space<semaphore_mem>>)
    %dma_start3A_9 = arith.constant 0 : i32
    %dma_start3A_10 = tpu.memref_slice %arg9[%dma_start3A_9] : memref<256xi32, #tpu.memory_space<vmem>> -> memref<32xi32, #tpu.memory_space<vmem>>
    %dma_start3A_11 = arith.constant 0 : i32
    %dma_start3A_12 = arith.constant 0 : i32
    %dma_start3A_13 = tpu.memref_slice %arg4[%dma_start3A_11, %dma_start3A_12] : memref<100000x128xf32, #tpu.memory_space<hbm>> -> memref<100000x128xf32, #tpu.memory_space<hbm>>
    tpu.enqueue_indirect_dma source(%dma_start3A_13 : memref<100000x128xf32, #tpu.memory_space<hbm>>) target(%arg11 : memref<32x128xf32, #tpu.memory_space<vmem>>) offsets(%dma_start3A_10 : memref<32xi32, #tpu.memory_space<vmem>>) semaphore(%arg16 : memref<!tpu.dma_semaphore, #tpu.memory_space<semaphore_mem>>)
    %dma_start3A_14 = arith.constant 0 : i32
    %dma_start3A_15 = tpu.memref_slice %arg9[%dma_start3A_14] : memref<256xi32, #tpu.memory_space<vmem>> -> memref<32xi32, #tpu.memory_space<vmem>>
    %dma_start3A_16 = arith.constant 0 : i32
    %dma_start3A_17 = arith.constant 0 : i32
    %dma_start3A_18 = tpu.memref_slice %arg5[%dma_start3A_16, %dma_start3A_17] : memref<100000x768xf32, #tpu.memory_space<hbm>> -> memref<100000x768xf32, #tpu.memory_space<hbm>>
    tpu.enqueue_indirect_dma source(%dma_start3A_18 : memref<100000x768xf32, #tpu.memory_space<hbm>>) target(%arg12 : memref<32x768xf32, #tpu.memory_space<vmem>>) offsets(%dma_start3A_15 : memref<32xi32, #tpu.memory_space<vmem>>) semaphore(%arg16 : memref<!tpu.dma_semaphore, #tpu.memory_space<semaphore_mem>>)
    %dma_wait3A = arith.constant 0 : i32
    %dma_wait3A_19 = tpu.memref_slice %arg9[%dma_wait3A] : memref<256xi32, #tpu.memory_space<vmem>> -> memref<32xi32, #tpu.memory_space<vmem>>
    %dma_wait3A_20 = arith.constant 0 : i32
    %dma_wait3A_21 = arith.constant 0 : i32
    %dma_wait3A_22 = tpu.memref_slice %arg3[%dma_wait3A_20, %dma_wait3A_21] : memref<100000x512xf32, #tpu.memory_space<hbm>> -> memref<100000x512xf32, #tpu.memory_space<hbm>>
    tpu.wait_indirect_dma semaphore(%arg16 : memref<!tpu.dma_semaphore, #tpu.memory_space<semaphore_mem>>) src(%dma_wait3A_22 : memref<100000x512xf32, #tpu.memory_space<hbm>>) dst(%arg10 : memref<32x512xf32, #tpu.memory_space<vmem>>)
    %dma_wait3A_23 = arith.constant 0 : i32
    %dma_wait3A_24 = tpu.memref_slice %arg9[%dma_wait3A_23] : memref<256xi32, #tpu.memory_space<vmem>> -> memref<32xi32, #tpu.memory_space<vmem>>
    %dma_wait3A_25 = arith.constant 0 : i32
    %dma_wait3A_26 = arith.constant 0 : i32
    %dma_wait3A_27 = tpu.memref_slice %arg4[%dma_wait3A_25, %dma_wait3A_26] : memref<100000x128xf32, #tpu.memory_space<hbm>> -> memref<100000x128xf32, #tpu.memory_space<hbm>>
    tpu.wait_indirect_dma semaphore(%arg16 : memref<!tpu.dma_semaphore, #tpu.memory_space<semaphore_mem>>) src(%dma_wait3A_27 : memref<100000x128xf32, #tpu.memory_space<hbm>>) dst(%arg11 : memref<32x128xf32, #tpu.memory_space<vmem>>)
    %dma_wait3A_28 = arith.constant 0 : i32
    %dma_wait3A_29 = tpu.memref_slice %arg9[%dma_wait3A_28] : memref<256xi32, #tpu.memory_space<vmem>> -> memref<32xi32, #tpu.memory_space<vmem>>
    %dma_wait3A_30 = arith.constant 0 : i32
    %dma_wait3A_31 = arith.constant 0 : i32
    %dma_wait3A_32 = tpu.memref_slice %arg5[%dma_wait3A_30, %dma_wait3A_31] : memref<100000x768xf32, #tpu.memory_space<hbm>> -> memref<100000x768xf32, #tpu.memory_space<hbm>>
    tpu.wait_indirect_dma semaphore(%arg16 : memref<!tpu.dma_semaphore, #tpu.memory_space<semaphore_mem>>) src(%dma_wait3A_32 : memref<100000x768xf32, #tpu.memory_space<hbm>>) dst(%arg12 : memref<32x768xf32, #tpu.memory_space<vmem>>)
    %dma_start3A_33 = arith.constant 32 : i32
    %dma_start3A_34 = tpu.memref_slice %arg9[%dma_start3A_33] : memref<256xi32, #tpu.memory_space<vmem>> -> memref<32xi32, #tpu.memory_space<vmem>>
    %dma_start3A_35 = arith.constant 0 : i32
    %dma_start3A_36 = arith.constant 0 : i32
    %dma_start3A_37 = tpu.memref_slice %arg3[%dma_start3A_35, %dma_start3A_36] : memref<100000x512xf32, #tpu.memory_space<hbm>> -> memref<100000x512xf32, #tpu.memory_space<hbm>>
    tpu.enqueue_indirect_dma source(%dma_start3A_37 : memref<100000x512xf32, #tpu.memory_space<hbm>>) target(%arg13 : memref<32x512xf32, #tpu.memory_space<vmem>>) offsets(%dma_start3A_34 : memref<32xi32, #tpu.memory_space<vmem>>) semaphore(%arg17 : memref<!tpu.dma_semaphore, #tpu.memory_space<semaphore_mem>>)
    %dma_start3A_38 = arith.constant 32 : i32
    %dma_start3A_39 = tpu.memref_slice %arg9[%dma_start3A_38] : memref<256xi32, #tpu.memory_space<vmem>> -> memref<32xi32, #tpu.memory_space<vmem>>
    %dma_start3A_40 = arith.constant 0 : i32
    %dma_start3A_41 = arith.constant 0 : i32
    %dma_start3A_42 = tpu.memref_slice %arg4[%dma_start3A_40, %dma_start3A_41] : memref<100000x128xf32, #tpu.memory_space<hbm>> -> memref<100000x128xf32, #tpu.memory_space<hbm>>
    tpu.enqueue_indirect_dma source(%dma_start3A_42 : memref<100000x128xf32, #tpu.memory_space<hbm>>) target(%arg14 : memref<32x128xf32, #tpu.memory_space<vmem>>) offsets(%dma_start3A_39 : memref<32xi32, #tpu.memory_space<vmem>>) semaphore(%arg17 : memref<!tpu.dma_semaphore, #tpu.memory_space<semaphore_mem>>)
    %dma_start3A_43 = arith.constant 32 : i32
    %dma_start3A_44 = tpu.memref_slice %arg9[%dma_start3A_43] : memref<256xi32, #tpu.memory_space<vmem>> -> memref<32xi32, #tpu.memory_space<vmem>>
    %dma_start3A_45 = arith.constant 0 : i32
    %dma_start3A_46 = arith.constant 0 : i32
    %dma_start3A_47 = tpu.memref_slice %arg5[%dma_start3A_45, %dma_start3A_46] : memref<100000x768xf32, #tpu.memory_space<hbm>> -> memref<100000x768xf32, #tpu.memory_space<hbm>>
    tpu.enqueue_indirect_dma source(%dma_start3A_47 : memref<100000x768xf32, #tpu.memory_space<hbm>>) target(%arg15 : memref<32x768xf32, #tpu.memory_space<vmem>>) offsets(%dma_start3A_44 : memref<32xi32, #tpu.memory_space<vmem>>) semaphore(%arg17 : memref<!tpu.dma_semaphore, #tpu.memory_space<semaphore_mem>>)
    %add3A_48 = arith.constant 0 : i32
    %add3A_49 = arith.addi %mul3A_2, %add3A_48 : i32
    %dma_start3A_50 = arith.constant 0 : i32
    %dma_start3A_51 = tpu.memref_slice %arg6[%add3A_49, %dma_start3A_50] : memref<8192x512xf32, #tpu.memory_space<hbm>> -> memref<32x512xf32, #tpu.memory_space<hbm>>
    %dma_start3A_52 = arith.constant 0 : i32
    %dma_start3A_53 = tpu.memref_slice %arg6[%add3A_49, %dma_start3A_52] : memref<8192x512xf32, #tpu.memory_space<hbm>> -> memref<32x512xf32, #tpu.memory_space<hbm>>
    tpu.enqueue_dma source(%arg10 : memref<32x512xf32, #tpu.memory_space<vmem>>) target(%dma_start3A_53 : memref<32x512xf32, #tpu.memory_space<hbm>>) target_semaphore(%arg18 : memref<!tpu.dma_semaphore, #tpu.memory_space<semaphore_mem>>)
    %dma_start3A_54 = arith.constant 0 : i32
    %dma_start3A_55 = tpu.memref_slice %arg7[%add3A_49, %dma_start3A_54] : memref<8192x128xf32, #tpu.memory_space<hbm>> -> memref<32x128xf32, #tpu.memory_space<hbm>>
    %dma_start3A_56 = arith.constant 0 : i32
    %dma_start3A_57 = tpu.memref_slice %arg7[%add3A_49, %dma_start3A_56] : memref<8192x128xf32, #tpu.memory_space<hbm>> -> memref<32x128xf32, #tpu.memory_space<hbm>>
    tpu.enqueue_dma source(%arg11 : memref<32x128xf32, #tpu.memory_space<vmem>>) target(%dma_start3A_57 : memref<32x128xf32, #tpu.memory_space<hbm>>) target_semaphore(%arg18 : memref<!tpu.dma_semaphore, #tpu.memory_space<semaphore_mem>>)
    %dma_start3A_58 = arith.constant 0 : i32
    %dma_start3A_59 = tpu.memref_slice %arg8[%add3A_49, %dma_start3A_58] : memref<8192x768xf32, #tpu.memory_space<hbm>> -> memref<32x768xf32, #tpu.memory_space<hbm>>
    %dma_start3A_60 = arith.constant 0 : i32
    %dma_start3A_61 = tpu.memref_slice %arg8[%add3A_49, %dma_start3A_60] : memref<8192x768xf32, #tpu.memory_space<hbm>> -> memref<32x768xf32, #tpu.memory_space<hbm>>
    tpu.enqueue_dma source(%arg12 : memref<32x768xf32, #tpu.memory_space<vmem>>) target(%dma_start3A_61 : memref<32x768xf32, #tpu.memory_space<hbm>>) target_semaphore(%arg18 : memref<!tpu.dma_semaphore, #tpu.memory_space<semaphore_mem>>)
    %dma_wait3A_62 = arith.constant 32 : i32
    %dma_wait3A_63 = tpu.memref_slice %arg9[%dma_wait3A_62] : memref<256xi32, #tpu.memory_space<vmem>> -> memref<32xi32, #tpu.memory_space<vmem>>
    %dma_wait3A_64 = arith.constant 0 : i32
    %dma_wait3A_65 = arith.constant 0 : i32
    %dma_wait3A_66 = tpu.memref_slice %arg3[%dma_wait3A_64, %dma_wait3A_65] : memref<100000x512xf32, #tpu.memory_space<hbm>> -> memref<100000x512xf32, #tpu.memory_space<hbm>>
    tpu.wait_indirect_dma semaphore(%arg17 : memref<!tpu.dma_semaphore, #tpu.memory_space<semaphore_mem>>) src(%dma_wait3A_66 : memref<100000x512xf32, #tpu.memory_space<hbm>>) dst(%arg13 : memref<32x512xf32, #tpu.memory_space<vmem>>)
    %dma_wait3A_67 = arith.constant 32 : i32
    %dma_wait3A_68 = tpu.memref_slice %arg9[%dma_wait3A_67] : memref<256xi32, #tpu.memory_space<vmem>> -> memref<32xi32, #tpu.memory_space<vmem>>
    %dma_wait3A_69 = arith.constant 0 : i32
    %dma_wait3A_70 = arith.constant 0 : i32
    %dma_wait3A_71 = tpu.memref_slice %arg4[%dma_wait3A_69, %dma_wait3A_70] : memref<100000x128xf32, #tpu.memory_space<hbm>> -> memref<100000x128xf32, #tpu.memory_space<hbm>>
    tpu.wait_indirect_dma semaphore(%arg17 : memref<!tpu.dma_semaphore, #tpu.memory_space<semaphore_mem>>) src(%dma_wait3A_71 : memref<100000x128xf32, #tpu.memory_space<hbm>>) dst(%arg14 : memref<32x128xf32, #tpu.memory_space<vmem>>)
    %dma_wait3A_72 = arith.constant 32 : i32
    %dma_wait3A_73 = tpu.memref_slice %arg9[%dma_wait3A_72] : memref<256xi32, #tpu.memory_space<vmem>> -> memref<32xi32, #tpu.memory_space<vmem>>
    %dma_wait3A_74 = arith.constant 0 : i32
    %dma_wait3A_75 = arith.constant 0 : i32
    %dma_wait3A_76 = tpu.memref_slice %arg5[%dma_wait3A_74, %dma_wait3A_75] : memref<100000x768xf32, #tpu.memory_space<hbm>> -> memref<100000x768xf32, #tpu.memory_space<hbm>>
    tpu.wait_indirect_dma semaphore(%arg17 : memref<!tpu.dma_semaphore, #tpu.memory_space<semaphore_mem>>) src(%dma_wait3A_76 : memref<100000x768xf32, #tpu.memory_space<hbm>>) dst(%arg15 : memref<32x768xf32, #tpu.memory_space<vmem>>)
    %dma_wait3A_77 = arith.constant 0 : i32
    %dma_wait3A_78 = tpu.memref_slice %arg6[%add3A_49, %dma_wait3A_77] : memref<8192x512xf32, #tpu.memory_space<hbm>> -> memref<32x512xf32, #tpu.memory_space<hbm>>
    %dma_wait3A_79 = arith.constant 0 : i32
    %dma_wait3A_80 = tpu.memref_slice %arg6[%add3A_49, %dma_wait3A_79] : memref<8192x512xf32, #tpu.memory_space<hbm>> -> memref<32x512xf32, #tpu.memory_space<hbm>>
    tpu.wait_dma2 semaphore(%arg18 : memref<!tpu.dma_semaphore, #tpu.memory_space<semaphore_mem>>) src(%arg10 : memref<32x512xf32, #tpu.memory_space<vmem>>) dst(%dma_wait3A_80 : memref<32x512xf32, #tpu.memory_space<hbm>>)
    %dma_wait3A_81 = arith.constant 0 : i32
    %dma_wait3A_82 = tpu.memref_slice %arg7[%add3A_49, %dma_wait3A_81] : memref<8192x128xf32, #tpu.memory_space<hbm>> -> memref<32x128xf32, #tpu.memory_space<hbm>>
    %dma_wait3A_83 = arith.constant 0 : i32
    %dma_wait3A_84 = tpu.memref_slice %arg7[%add3A_49, %dma_wait3A_83] : memref<8192x128xf32, #tpu.memory_space<hbm>> -> memref<32x128xf32, #tpu.memory_space<hbm>>
    tpu.wait_dma2 semaphore(%arg18 : memref<!tpu.dma_semaphore, #tpu.memory_space<semaphore_mem>>) src(%arg11 : memref<32x128xf32, #tpu.memory_space<vmem>>) dst(%dma_wait3A_84 : memref<32x128xf32, #tpu.memory_space<hbm>>)
    %dma_wait3A_85 = arith.constant 0 : i32
    %dma_wait3A_86 = tpu.memref_slice %arg8[%add3A_49, %dma_wait3A_85] : memref<8192x768xf32, #tpu.memory_space<hbm>> -> memref<32x768xf32, #tpu.memory_space<hbm>>
    %dma_wait3A_87 = arith.constant 0 : i32
    %dma_wait3A_88 = tpu.memref_slice %arg8[%add3A_49, %dma_wait3A_87] : memref<8192x768xf32, #tpu.memory_space<hbm>> -> memref<32x768xf32, #tpu.memory_space<hbm>>
    tpu.wait_dma2 semaphore(%arg18 : memref<!tpu.dma_semaphore, #tpu.memory_space<semaphore_mem>>) src(%arg12 : memref<32x768xf32, #tpu.memory_space<vmem>>) dst(%dma_wait3A_88 : memref<32x768xf32, #tpu.memory_space<hbm>>)
    %dma_start3A_89 = arith.constant 64 : i32
    %dma_start3A_90 = tpu.memref_slice %arg9[%dma_start3A_89] : memref<256xi32, #tpu.memory_space<vmem>> -> memref<32xi32, #tpu.memory_space<vmem>>
    %dma_start3A_91 = arith.constant 0 : i32
    %dma_start3A_92 = arith.constant 0 : i32
    %dma_start3A_93 = tpu.memref_slice %arg3[%dma_start3A_91, %dma_start3A_92] : memref<100000x512xf32, #tpu.memory_space<hbm>> -> memref<100000x512xf32, #tpu.memory_space<hbm>>
    tpu.enqueue_indirect_dma source(%dma_start3A_93 : memref<100000x512xf32, #tpu.memory_space<hbm>>) target(%arg10 : memref<32x512xf32, #tpu.memory_space<vmem>>) offsets(%dma_start3A_90 : memref<32xi32, #tpu.memory_space<vmem>>) semaphore(%arg16 : memref<!tpu.dma_semaphore, #tpu.memory_space<semaphore_mem>>)
    %dma_start3A_94 = arith.constant 64 : i32
    %dma_start3A_95 = tpu.memref_slice %arg9[%dma_start3A_94] : memref<256xi32, #tpu.memory_space<vmem>> -> memref<32xi32, #tpu.memory_space<vmem>>
    %dma_start3A_96 = arith.constant 0 : i32
    %dma_start3A_97 = arith.constant 0 : i32
    %dma_start3A_98 = tpu.memref_slice %arg4[%dma_start3A_96, %dma_start3A_97] : memref<100000x128xf32, #tpu.memory_space<hbm>> -> memref<100000x128xf32, #tpu.memory_space<hbm>>
    tpu.enqueue_indirect_dma source(%dma_start3A_98 : memref<100000x128xf32, #tpu.memory_space<hbm>>) target(%arg11 : memref<32x128xf32, #tpu.memory_space<vmem>>) offsets(%dma_start3A_95 : memref<32xi32, #tpu.memory_space<vmem>>) semaphore(%arg16 : memref<!tpu.dma_semaphore, #tpu.memory_space<semaphore_mem>>)
    %dma_start3A_99 = arith.constant 64 : i32
    %dma_start3A_100 = tpu.memref_slice %arg9[%dma_start3A_99] : memref<256xi32, #tpu.memory_space<vmem>> -> memref<32xi32, #tpu.memory_space<vmem>>
    %dma_start3A_101 = arith.constant 0 : i32
    %dma_start3A_102 = arith.constant 0 : i32
    %dma_start3A_103 = tpu.memref_slice %arg5[%dma_start3A_101, %dma_start3A_102] : memref<100000x768xf32, #tpu.memory_space<hbm>> -> memref<100000x768xf32, #tpu.memory_space<hbm>>
    tpu.enqueue_indirect_dma source(%dma_start3A_103 : memref<100000x768xf32, #tpu.memory_space<hbm>>) target(%arg12 : memref<32x768xf32, #tpu.memory_space<vmem>>) offsets(%dma_start3A_100 : memref<32xi32, #tpu.memory_space<vmem>>) semaphore(%arg16 : memref<!tpu.dma_semaphore, #tpu.memory_space<semaphore_mem>>)
    %add3A_104 = arith.constant 32 : i32
    %add3A_105 = arith.addi %mul3A_2, %add3A_104 : i32
    %dma_start3A_106 = arith.constant 0 : i32
    %dma_start3A_107 = tpu.memref_slice %arg6[%add3A_105, %dma_start3A_106] : memref<8192x512xf32, #tpu.memory_space<hbm>> -> memref<32x512xf32, #tpu.memory_space<hbm>>
    %dma_start3A_108 = arith.constant 0 : i32
    %dma_start3A_109 = tpu.memref_slice %arg6[%add3A_105, %dma_start3A_108] : memref<8192x512xf32, #tpu.memory_space<hbm>> -> memref<32x512xf32, #tpu.memory_space<hbm>>
    tpu.enqueue_dma source(%arg13 : memref<32x512xf32, #tpu.memory_space<vmem>>) target(%dma_start3A_109 : memref<32x512xf32, #tpu.memory_space<hbm>>) target_semaphore(%arg19 : memref<!tpu.dma_semaphore, #tpu.memory_space<semaphore_mem>>)
    %dma_start3A_110 = arith.constant 0 : i32
    %dma_start3A_111 = tpu.memref_slice %arg7[%add3A_105, %dma_start3A_110] : memref<8192x128xf32, #tpu.memory_space<hbm>> -> memref<32x128xf32, #tpu.memory_space<hbm>>
    %dma_start3A_112 = arith.constant 0 : i32
    %dma_start3A_113 = tpu.memref_slice %arg7[%add3A_105, %dma_start3A_112] : memref<8192x128xf32, #tpu.memory_space<hbm>> -> memref<32x128xf32, #tpu.memory_space<hbm>>
    tpu.enqueue_dma source(%arg14 : memref<32x128xf32, #tpu.memory_space<vmem>>) target(%dma_start3A_113 : memref<32x128xf32, #tpu.memory_space<hbm>>) target_semaphore(%arg19 : memref<!tpu.dma_semaphore, #tpu.memory_space<semaphore_mem>>)
    %dma_start3A_114 = arith.constant 0 : i32
    %dma_start3A_115 = tpu.memref_slice %arg8[%add3A_105, %dma_start3A_114] : memref<8192x768xf32, #tpu.memory_space<hbm>> -> memref<32x768xf32, #tpu.memory_space<hbm>>
    %dma_start3A_116 = arith.constant 0 : i32
    %dma_start3A_117 = tpu.memref_slice %arg8[%add3A_105, %dma_start3A_116] : memref<8192x768xf32, #tpu.memory_space<hbm>> -> memref<32x768xf32, #tpu.memory_space<hbm>>
    tpu.enqueue_dma source(%arg15 : memref<32x768xf32, #tpu.memory_space<vmem>>) target(%dma_start3A_117 : memref<32x768xf32, #tpu.memory_space<hbm>>) target_semaphore(%arg19 : memref<!tpu.dma_semaphore, #tpu.memory_space<semaphore_mem>>)
    %dma_wait3A_118 = arith.constant 64 : i32
    %dma_wait3A_119 = tpu.memref_slice %arg9[%dma_wait3A_118] : memref<256xi32, #tpu.memory_space<vmem>> -> memref<32xi32, #tpu.memory_space<vmem>>
    %dma_wait3A_120 = arith.constant 0 : i32
    %dma_wait3A_121 = arith.constant 0 : i32
    %dma_wait3A_122 = tpu.memref_slice %arg3[%dma_wait3A_120, %dma_wait3A_121] : memref<100000x512xf32, #tpu.memory_space<hbm>> -> memref<100000x512xf32, #tpu.memory_space<hbm>>
    tpu.wait_indirect_dma semaphore(%arg16 : memref<!tpu.dma_semaphore, #tpu.memory_space<semaphore_mem>>) src(%dma_wait3A_122 : memref<100000x512xf32, #tpu.memory_space<hbm>>) dst(%arg10 : memref<32x512xf32, #tpu.memory_space<vmem>>)
    %dma_wait3A_123 = arith.constant 64 : i32
    %dma_wait3A_124 = tpu.memref_slice %arg9[%dma_wait3A_123] : memref<256xi32, #tpu.memory_space<vmem>> -> memref<32xi32, #tpu.memory_space<vmem>>
    %dma_wait3A_125 = arith.constant 0 : i32
    %dma_wait3A_126 = arith.constant 0 : i32
    %dma_wait3A_127 = tpu.memref_slice %arg4[%dma_wait3A_125, %dma_wait3A_126] : memref<100000x128xf32, #tpu.memory_space<hbm>> -> memref<100000x128xf32, #tpu.memory_space<hbm>>
    tpu.wait_indirect_dma semaphore(%arg16 : memref<!tpu.dma_semaphore, #tpu.memory_space<semaphore_mem>>) src(%dma_wait3A_127 : memref<100000x128xf32, #tpu.memory_space<hbm>>) dst(%arg11 : memref<32x128xf32, #tpu.memory_space<vmem>>)
    %dma_wait3A_128 = arith.constant 64 : i32
    %dma_wait3A_129 = tpu.memref_slice %arg9[%dma_wait3A_128] : memref<256xi32, #tpu.memory_space<vmem>> -> memref<32xi32, #tpu.memory_space<vmem>>
    %dma_wait3A_130 = arith.constant 0 : i32
    %dma_wait3A_131 = arith.constant 0 : i32
    %dma_wait3A_132 = tpu.memref_slice %arg5[%dma_wait3A_130, %dma_wait3A_131] : memref<100000x768xf32, #tpu.memory_space<hbm>> -> memref<100000x768xf32, #tpu.memory_space<hbm>>
    tpu.wait_indirect_dma semaphore(%arg16 : memref<!tpu.dma_semaphore, #tpu.memory_space<semaphore_mem>>) src(%dma_wait3A_132 : memref<100000x768xf32, #tpu.memory_space<hbm>>) dst(%arg12 : memref<32x768xf32, #tpu.memory_space<vmem>>)
    %dma_wait3A_133 = arith.constant 0 : i32
    %dma_wait3A_134 = tpu.memref_slice %arg6[%add3A_105, %dma_wait3A_133] : memref<8192x512xf32, #tpu.memory_space<hbm>> -> memref<32x512xf32, #tpu.memory_space<hbm>>
    %dma_wait3A_135 = arith.constant 0 : i32
    %dma_wait3A_136 = tpu.memref_slice %arg6[%add3A_105, %dma_wait3A_135] : memref<8192x512xf32, #tpu.memory_space<hbm>> -> memref<32x512xf32, #tpu.memory_space<hbm>>
    tpu.wait_dma2 semaphore(%arg19 : memref<!tpu.dma_semaphore, #tpu.memory_space<semaphore_mem>>) src(%arg13 : memref<32x512xf32, #tpu.memory_space<vmem>>) dst(%dma_wait3A_136 : memref<32x512xf32, #tpu.memory_space<hbm>>)
    %dma_wait3A_137 = arith.constant 0 : i32
    %dma_wait3A_138 = tpu.memref_slice %arg7[%add3A_105, %dma_wait3A_137] : memref<8192x128xf32, #tpu.memory_space<hbm>> -> memref<32x128xf32, #tpu.memory_space<hbm>>
    %dma_wait3A_139 = arith.constant 0 : i32
    %dma_wait3A_140 = tpu.memref_slice %arg7[%add3A_105, %dma_wait3A_139] : memref<8192x128xf32, #tpu.memory_space<hbm>> -> memref<32x128xf32, #tpu.memory_space<hbm>>
    tpu.wait_dma2 semaphore(%arg19 : memref<!tpu.dma_semaphore, #tpu.memory_space<semaphore_mem>>) src(%arg14 : memref<32x128xf32, #tpu.memory_space<vmem>>) dst(%dma_wait3A_140 : memref<32x128xf32, #tpu.memory_space<hbm>>)
    %dma_wait3A_141 = arith.constant 0 : i32
    %dma_wait3A_142 = tpu.memref_slice %arg8[%add3A_105, %dma_wait3A_141] : memref<8192x768xf32, #tpu.memory_space<hbm>> -> memref<32x768xf32, #tpu.memory_space<hbm>>
    %dma_wait3A_143 = arith.constant 0 : i32
    %dma_wait3A_144 = tpu.memref_slice %arg8[%add3A_105, %dma_wait3A_143] : memref<8192x768xf32, #tpu.memory_space<hbm>> -> memref<32x768xf32, #tpu.memory_space<hbm>>
    tpu.wait_dma2 semaphore(%arg19 : memref<!tpu.dma_semaphore, #tpu.memory_space<semaphore_mem>>) src(%arg15 : memref<32x768xf32, #tpu.memory_space<vmem>>) dst(%dma_wait3A_144 : memref<32x768xf32, #tpu.memory_space<hbm>>)
    %dma_start3A_145 = arith.constant 96 : i32
    %dma_start3A_146 = tpu.memref_slice %arg9[%dma_start3A_145] : memref<256xi32, #tpu.memory_space<vmem>> -> memref<32xi32, #tpu.memory_space<vmem>>
    %dma_start3A_147 = arith.constant 0 : i32
    %dma_start3A_148 = arith.constant 0 : i32
    %dma_start3A_149 = tpu.memref_slice %arg3[%dma_start3A_147, %dma_start3A_148] : memref<100000x512xf32, #tpu.memory_space<hbm>> -> memref<100000x512xf32, #tpu.memory_space<hbm>>
    tpu.enqueue_indirect_dma source(%dma_start3A_149 : memref<100000x512xf32, #tpu.memory_space<hbm>>) target(%arg13 : memref<32x512xf32, #tpu.memory_space<vmem>>) offsets(%dma_start3A_146 : memref<32xi32, #tpu.memory_space<vmem>>) semaphore(%arg17 : memref<!tpu.dma_semaphore, #tpu.memory_space<semaphore_mem>>)
    %dma_start3A_150 = arith.constant 96 : i32
    %dma_start3A_151 = tpu.memref_slice %arg9[%dma_start3A_150] : memref<256xi32, #tpu.memory_space<vmem>> -> memref<32xi32, #tpu.memory_space<vmem>>
    %dma_start3A_152 = arith.constant 0 : i32
    %dma_start3A_153 = arith.constant 0 : i32
    %dma_start3A_154 = tpu.memref_slice %arg4[%dma_start3A_152, %dma_start3A_153] : memref<100000x128xf32, #tpu.memory_space<hbm>> -> memref<100000x128xf32, #tpu.memory_space<hbm>>
    tpu.enqueue_indirect_dma source(%dma_start3A_154 : memref<100000x128xf32, #tpu.memory_space<hbm>>) target(%arg14 : memref<32x128xf32, #tpu.memory_space<vmem>>) offsets(%dma_start3A_151 : memref<32xi32, #tpu.memory_space<vmem>>) semaphore(%arg17 : memref<!tpu.dma_semaphore, #tpu.memory_space<semaphore_mem>>)
    %dma_start3A_155 = arith.constant 96 : i32
    %dma_start3A_156 = tpu.memref_slice %arg9[%dma_start3A_155] : memref<256xi32, #tpu.memory_space<vmem>> -> memref<32xi32, #tpu.memory_space<vmem>>
    %dma_start3A_157 = arith.constant 0 : i32
    %dma_start3A_158 = arith.constant 0 : i32
    %dma_start3A_159 = tpu.memref_slice %arg5[%dma_start3A_157, %dma_start3A_158] : memref<100000x768xf32, #tpu.memory_space<hbm>> -> memref<100000x768xf32, #tpu.memory_space<hbm>>
    tpu.enqueue_indirect_dma source(%dma_start3A_159 : memref<100000x768xf32, #tpu.memory_space<hbm>>) target(%arg15 : memref<32x768xf32, #tpu.memory_space<vmem>>) offsets(%dma_start3A_156 : memref<32xi32, #tpu.memory_space<vmem>>) semaphore(%arg17 : memref<!tpu.dma_semaphore, #tpu.memory_space<semaphore_mem>>)
    %add3A_160 = arith.constant 64 : i32
    %add3A_161 = arith.addi %mul3A_2, %add3A_160 : i32
    %dma_start3A_162 = arith.constant 0 : i32
    %dma_start3A_163 = tpu.memref_slice %arg6[%add3A_161, %dma_start3A_162] : memref<8192x512xf32, #tpu.memory_space<hbm>> -> memref<32x512xf32, #tpu.memory_space<hbm>>
    %dma_start3A_164 = arith.constant 0 : i32
    %dma_start3A_165 = tpu.memref_slice %arg6[%add3A_161, %dma_start3A_164] : memref<8192x512xf32, #tpu.memory_space<hbm>> -> memref<32x512xf32, #tpu.memory_space<hbm>>
    tpu.enqueue_dma source(%arg10 : memref<32x512xf32, #tpu.memory_space<vmem>>) target(%dma_start3A_165 : memref<32x512xf32, #tpu.memory_space<hbm>>) target_semaphore(%arg18 : memref<!tpu.dma_semaphore, #tpu.memory_space<semaphore_mem>>)
    %dma_start3A_166 = arith.constant 0 : i32
    %dma_start3A_167 = tpu.memref_slice %arg7[%add3A_161, %dma_start3A_166] : memref<8192x128xf32, #tpu.memory_space<hbm>> -> memref<32x128xf32, #tpu.memory_space<hbm>>
    %dma_start3A_168 = arith.constant 0 : i32
    %dma_start3A_169 = tpu.memref_slice %arg7[%add3A_161, %dma_start3A_168] : memref<8192x128xf32, #tpu.memory_space<hbm>> -> memref<32x128xf32, #tpu.memory_space<hbm>>
    tpu.enqueue_dma source(%arg11 : memref<32x128xf32, #tpu.memory_space<vmem>>) target(%dma_start3A_169 : memref<32x128xf32, #tpu.memory_space<hbm>>) target_semaphore(%arg18 : memref<!tpu.dma_semaphore, #tpu.memory_space<semaphore_mem>>)
    %dma_start3A_170 = arith.constant 0 : i32
    %dma_start3A_171 = tpu.memref_slice %arg8[%add3A_161, %dma_start3A_170] : memref<8192x768xf32, #tpu.memory_space<hbm>> -> memref<32x768xf32, #tpu.memory_space<hbm>>
    %dma_start3A_172 = arith.constant 0 : i32
    %dma_start3A_173 = tpu.memref_slice %arg8[%add3A_161, %dma_start3A_172] : memref<8192x768xf32, #tpu.memory_space<hbm>> -> memref<32x768xf32, #tpu.memory_space<hbm>>
    tpu.enqueue_dma source(%arg12 : memref<32x768xf32, #tpu.memory_space<vmem>>) target(%dma_start3A_173 : memref<32x768xf32, #tpu.memory_space<hbm>>) target_semaphore(%arg18 : memref<!tpu.dma_semaphore, #tpu.memory_space<semaphore_mem>>)
    %dma_wait3A_174 = arith.constant 96 : i32
    %dma_wait3A_175 = tpu.memref_slice %arg9[%dma_wait3A_174] : memref<256xi32, #tpu.memory_space<vmem>> -> memref<32xi32, #tpu.memory_space<vmem>>
    %dma_wait3A_176 = arith.constant 0 : i32
    %dma_wait3A_177 = arith.constant 0 : i32
    %dma_wait3A_178 = tpu.memref_slice %arg3[%dma_wait3A_176, %dma_wait3A_177] : memref<100000x512xf32, #tpu.memory_space<hbm>> -> memref<100000x512xf32, #tpu.memory_space<hbm>>
    tpu.wait_indirect_dma semaphore(%arg17 : memref<!tpu.dma_semaphore, #tpu.memory_space<semaphore_mem>>) src(%dma_wait3A_178 : memref<100000x512xf32, #tpu.memory_space<hbm>>) dst(%arg13 : memref<32x512xf32, #tpu.memory_space<vmem>>)
    %dma_wait3A_179 = arith.constant 96 : i32
    %dma_wait3A_180 = tpu.memref_slice %arg9[%dma_wait3A_179] : memref<256xi32, #tpu.memory_space<vmem>> -> memref<32xi32, #tpu.memory_space<vmem>>
    %dma_wait3A_181 = arith.constant 0 : i32
    %dma_wait3A_182 = arith.constant 0 : i32
    %dma_wait3A_183 = tpu.memref_slice %arg4[%dma_wait3A_181, %dma_wait3A_182] : memref<100000x128xf32, #tpu.memory_space<hbm>> -> memref<100000x128xf32, #tpu.memory_space<hbm>>
    tpu.wait_indirect_dma semaphore(%arg17 : memref<!tpu.dma_semaphore, #tpu.memory_space<semaphore_mem>>) src(%dma_wait3A_183 : memref<100000x128xf32, #tpu.memory_space<hbm>>) dst(%arg14 : memref<32x128xf32, #tpu.memory_space<vmem>>)
    %dma_wait3A_184 = arith.constant 96 : i32
    %dma_wait3A_185 = tpu.memref_slice %arg9[%dma_wait3A_184] : memref<256xi32, #tpu.memory_space<vmem>> -> memref<32xi32, #tpu.memory_space<vmem>>
    %dma_wait3A_186 = arith.constant 0 : i32
    %dma_wait3A_187 = arith.constant 0 : i32
    %dma_wait3A_188 = tpu.memref_slice %arg5[%dma_wait3A_186, %dma_wait3A_187] : memref<100000x768xf32, #tpu.memory_space<hbm>> -> memref<100000x768xf32, #tpu.memory_space<hbm>>
    tpu.wait_indirect_dma semaphore(%arg17 : memref<!tpu.dma_semaphore, #tpu.memory_space<semaphore_mem>>) src(%dma_wait3A_188 : memref<100000x768xf32, #tpu.memory_space<hbm>>) dst(%arg15 : memref<32x768xf32, #tpu.memory_space<vmem>>)
    %dma_wait3A_189 = arith.constant 0 : i32
    %dma_wait3A_190 = tpu.memref_slice %arg6[%add3A_161, %dma_wait3A_189] : memref<8192x512xf32, #tpu.memory_space<hbm>> -> memref<32x512xf32, #tpu.memory_space<hbm>>
    %dma_wait3A_191 = arith.constant 0 : i32
    %dma_wait3A_192 = tpu.memref_slice %arg6[%add3A_161, %dma_wait3A_191] : memref<8192x512xf32, #tpu.memory_space<hbm>> -> memref<32x512xf32, #tpu.memory_space<hbm>>
    tpu.wait_dma2 semaphore(%arg18 : memref<!tpu.dma_semaphore, #tpu.memory_space<semaphore_mem>>) src(%arg10 : memref<32x512xf32, #tpu.memory_space<vmem>>) dst(%dma_wait3A_192 : memref<32x512xf32, #tpu.memory_space<hbm>>)
    %dma_wait3A_193 = arith.constant 0 : i32
    %dma_wait3A_194 = tpu.memref_slice %arg7[%add3A_161, %dma_wait3A_193] : memref<8192x128xf32, #tpu.memory_space<hbm>> -> memref<32x128xf32, #tpu.memory_space<hbm>>
    %dma_wait3A_195 = arith.constant 0 : i32
    %dma_wait3A_196 = tpu.memref_slice %arg7[%add3A_161, %dma_wait3A_195] : memref<8192x128xf32, #tpu.memory_space<hbm>> -> memref<32x128xf32, #tpu.memory_space<hbm>>
    tpu.wait_dma2 semaphore(%arg18 : memref<!tpu.dma_semaphore, #tpu.memory_space<semaphore_mem>>) src(%arg11 : memref<32x128xf32, #tpu.memory_space<vmem>>) dst(%dma_wait3A_196 : memref<32x128xf32, #tpu.memory_space<hbm>>)
    %dma_wait3A_197 = arith.constant 0 : i32
    %dma_wait3A_198 = tpu.memref_slice %arg8[%add3A_161, %dma_wait3A_197] : memref<8192x768xf32, #tpu.memory_space<hbm>> -> memref<32x768xf32, #tpu.memory_space<hbm>>
    %dma_wait3A_199 = arith.constant 0 : i32
    %dma_wait3A_200 = tpu.memref_slice %arg8[%add3A_161, %dma_wait3A_199] : memref<8192x768xf32, #tpu.memory_space<hbm>> -> memref<32x768xf32, #tpu.memory_space<hbm>>
    tpu.wait_dma2 semaphore(%arg18 : memref<!tpu.dma_semaphore, #tpu.memory_space<semaphore_mem>>) src(%arg12 : memref<32x768xf32, #tpu.memory_space<vmem>>) dst(%dma_wait3A_200 : memref<32x768xf32, #tpu.memory_space<hbm>>)
    %dma_start3A_201 = arith.constant 128 : i32
    %dma_start3A_202 = tpu.memref_slice %arg9[%dma_start3A_201] : memref<256xi32, #tpu.memory_space<vmem>> -> memref<32xi32, #tpu.memory_space<vmem>>
    %dma_start3A_203 = arith.constant 0 : i32
    %dma_start3A_204 = arith.constant 0 : i32
    %dma_start3A_205 = tpu.memref_slice %arg3[%dma_start3A_203, %dma_start3A_204] : memref<100000x512xf32, #tpu.memory_space<hbm>> -> memref<100000x512xf32, #tpu.memory_space<hbm>>
    tpu.enqueue_indirect_dma source(%dma_start3A_205 : memref<100000x512xf32, #tpu.memory_space<hbm>>) target(%arg10 : memref<32x512xf32, #tpu.memory_space<vmem>>) offsets(%dma_start3A_202 : memref<32xi32, #tpu.memory_space<vmem>>) semaphore(%arg16 : memref<!tpu.dma_semaphore, #tpu.memory_space<semaphore_mem>>)
    %dma_start3A_206 = arith.constant 128 : i32
    %dma_start3A_207 = tpu.memref_slice %arg9[%dma_start3A_206] : memref<256xi32, #tpu.memory_space<vmem>> -> memref<32xi32, #tpu.memory_space<vmem>>
    %dma_start3A_208 = arith.constant 0 : i32
    %dma_start3A_209 = arith.constant 0 : i32
    %dma_start3A_210 = tpu.memref_slice %arg4[%dma_start3A_208, %dma_start3A_209] : memref<100000x128xf32, #tpu.memory_space<hbm>> -> memref<100000x128xf32, #tpu.memory_space<hbm>>
    tpu.enqueue_indirect_dma source(%dma_start3A_210 : memref<100000x128xf32, #tpu.memory_space<hbm>>) target(%arg11 : memref<32x128xf32, #tpu.memory_space<vmem>>) offsets(%dma_start3A_207 : memref<32xi32, #tpu.memory_space<vmem>>) semaphore(%arg16 : memref<!tpu.dma_semaphore, #tpu.memory_space<semaphore_mem>>)
    %dma_start3A_211 = arith.constant 128 : i32
    %dma_start3A_212 = tpu.memref_slice %arg9[%dma_start3A_211] : memref<256xi32, #tpu.memory_space<vmem>> -> memref<32xi32, #tpu.memory_space<vmem>>
    %dma_start3A_213 = arith.constant 0 : i32
    %dma_start3A_214 = arith.constant 0 : i32
    %dma_start3A_215 = tpu.memref_slice %arg5[%dma_start3A_213, %dma_start3A_214] : memref<100000x768xf32, #tpu.memory_space<hbm>> -> memref<100000x768xf32, #tpu.memory_space<hbm>>
    tpu.enqueue_indirect_dma source(%dma_start3A_215 : memref<100000x768xf32, #tpu.memory_space<hbm>>) target(%arg12 : memref<32x768xf32, #tpu.memory_space<vmem>>) offsets(%dma_start3A_212 : memref<32xi32, #tpu.memory_space<vmem>>) semaphore(%arg16 : memref<!tpu.dma_semaphore, #tpu.memory_space<semaphore_mem>>)
    %add3A_216 = arith.constant 96 : i32
    %add3A_217 = arith.addi %mul3A_2, %add3A_216 : i32
    %dma_start3A_218 = arith.constant 0 : i32
    %dma_start3A_219 = tpu.memref_slice %arg6[%add3A_217, %dma_start3A_218] : memref<8192x512xf32, #tpu.memory_space<hbm>> -> memref<32x512xf32, #tpu.memory_space<hbm>>
    %dma_start3A_220 = arith.constant 0 : i32
    %dma_start3A_221 = tpu.memref_slice %arg6[%add3A_217, %dma_start3A_220] : memref<8192x512xf32, #tpu.memory_space<hbm>> -> memref<32x512xf32, #tpu.memory_space<hbm>>
    tpu.enqueue_dma source(%arg13 : memref<32x512xf32, #tpu.memory_space<vmem>>) target(%dma_start3A_221 : memref<32x512xf32, #tpu.memory_space<hbm>>) target_semaphore(%arg19 : memref<!tpu.dma_semaphore, #tpu.memory_space<semaphore_mem>>)
    %dma_start3A_222 = arith.constant 0 : i32
    %dma_start3A_223 = tpu.memref_slice %arg7[%add3A_217, %dma_start3A_222] : memref<8192x128xf32, #tpu.memory_space<hbm>> -> memref<32x128xf32, #tpu.memory_space<hbm>>
    %dma_start3A_224 = arith.constant 0 : i32
    %dma_start3A_225 = tpu.memref_slice %arg7[%add3A_217, %dma_start3A_224] : memref<8192x128xf32, #tpu.memory_space<hbm>> -> memref<32x128xf32, #tpu.memory_space<hbm>>
    tpu.enqueue_dma source(%arg14 : memref<32x128xf32, #tpu.memory_space<vmem>>) target(%dma_start3A_225 : memref<32x128xf32, #tpu.memory_space<hbm>>) target_semaphore(%arg19 : memref<!tpu.dma_semaphore, #tpu.memory_space<semaphore_mem>>)
    %dma_start3A_226 = arith.constant 0 : i32
    %dma_start3A_227 = tpu.memref_slice %arg8[%add3A_217, %dma_start3A_226] : memref<8192x768xf32, #tpu.memory_space<hbm>> -> memref<32x768xf32, #tpu.memory_space<hbm>>
    %dma_start3A_228 = arith.constant 0 : i32
    %dma_start3A_229 = tpu.memref_slice %arg8[%add3A_217, %dma_start3A_228] : memref<8192x768xf32, #tpu.memory_space<hbm>> -> memref<32x768xf32, #tpu.memory_space<hbm>>
    tpu.enqueue_dma source(%arg15 : memref<32x768xf32, #tpu.memory_space<vmem>>) target(%dma_start3A_229 : memref<32x768xf32, #tpu.memory_space<hbm>>) target_semaphore(%arg19 : memref<!tpu.dma_semaphore, #tpu.memory_space<semaphore_mem>>)
    %dma_wait3A_230 = arith.constant 128 : i32
    %dma_wait3A_231 = tpu.memref_slice %arg9[%dma_wait3A_230] : memref<256xi32, #tpu.memory_space<vmem>> -> memref<32xi32, #tpu.memory_space<vmem>>
    %dma_wait3A_232 = arith.constant 0 : i32
    %dma_wait3A_233 = arith.constant 0 : i32
    %dma_wait3A_234 = tpu.memref_slice %arg3[%dma_wait3A_232, %dma_wait3A_233] : memref<100000x512xf32, #tpu.memory_space<hbm>> -> memref<100000x512xf32, #tpu.memory_space<hbm>>
    tpu.wait_indirect_dma semaphore(%arg16 : memref<!tpu.dma_semaphore, #tpu.memory_space<semaphore_mem>>) src(%dma_wait3A_234 : memref<100000x512xf32, #tpu.memory_space<hbm>>) dst(%arg10 : memref<32x512xf32, #tpu.memory_space<vmem>>)
    %dma_wait3A_235 = arith.constant 128 : i32
    %dma_wait3A_236 = tpu.memref_slice %arg9[%dma_wait3A_235] : memref<256xi32, #tpu.memory_space<vmem>> -> memref<32xi32, #tpu.memory_space<vmem>>
    %dma_wait3A_237 = arith.constant 0 : i32
    %dma_wait3A_238 = arith.constant 0 : i32
    %dma_wait3A_239 = tpu.memref_slice %arg4[%dma_wait3A_237, %dma_wait3A_238] : memref<100000x128xf32, #tpu.memory_space<hbm>> -> memref<100000x128xf32, #tpu.memory_space<hbm>>
    tpu.wait_indirect_dma semaphore(%arg16 : memref<!tpu.dma_semaphore, #tpu.memory_space<semaphore_mem>>) src(%dma_wait3A_239 : memref<100000x128xf32, #tpu.memory_space<hbm>>) dst(%arg11 : memref<32x128xf32, #tpu.memory_space<vmem>>)
    %dma_wait3A_240 = arith.constant 128 : i32
    %dma_wait3A_241 = tpu.memref_slice %arg9[%dma_wait3A_240] : memref<256xi32, #tpu.memory_space<vmem>> -> memref<32xi32, #tpu.memory_space<vmem>>
    %dma_wait3A_242 = arith.constant 0 : i32
    %dma_wait3A_243 = arith.constant 0 : i32
    %dma_wait3A_244 = tpu.memref_slice %arg5[%dma_wait3A_242, %dma_wait3A_243] : memref<100000x768xf32, #tpu.memory_space<hbm>> -> memref<100000x768xf32, #tpu.memory_space<hbm>>
    tpu.wait_indirect_dma semaphore(%arg16 : memref<!tpu.dma_semaphore, #tpu.memory_space<semaphore_mem>>) src(%dma_wait3A_244 : memref<100000x768xf32, #tpu.memory_space<hbm>>) dst(%arg12 : memref<32x768xf32, #tpu.memory_space<vmem>>)
    %dma_wait3A_245 = arith.constant 0 : i32
    %dma_wait3A_246 = tpu.memref_slice %arg6[%add3A_217, %dma_wait3A_245] : memref<8192x512xf32, #tpu.memory_space<hbm>> -> memref<32x512xf32, #tpu.memory_space<hbm>>
    %dma_wait3A_247 = arith.constant 0 : i32
    %dma_wait3A_248 = tpu.memref_slice %arg6[%add3A_217, %dma_wait3A_247] : memref<8192x512xf32, #tpu.memory_space<hbm>> -> memref<32x512xf32, #tpu.memory_space<hbm>>
    tpu.wait_dma2 semaphore(%arg19 : memref<!tpu.dma_semaphore, #tpu.memory_space<semaphore_mem>>) src(%arg13 : memref<32x512xf32, #tpu.memory_space<vmem>>) dst(%dma_wait3A_248 : memref<32x512xf32, #tpu.memory_space<hbm>>)
    %dma_wait3A_249 = arith.constant 0 : i32
    %dma_wait3A_250 = tpu.memref_slice %arg7[%add3A_217, %dma_wait3A_249] : memref<8192x128xf32, #tpu.memory_space<hbm>> -> memref<32x128xf32, #tpu.memory_space<hbm>>
    %dma_wait3A_251 = arith.constant 0 : i32
    %dma_wait3A_252 = tpu.memref_slice %arg7[%add3A_217, %dma_wait3A_251] : memref<8192x128xf32, #tpu.memory_space<hbm>> -> memref<32x128xf32, #tpu.memory_space<hbm>>
    tpu.wait_dma2 semaphore(%arg19 : memref<!tpu.dma_semaphore, #tpu.memory_space<semaphore_mem>>) src(%arg14 : memref<32x128xf32, #tpu.memory_space<vmem>>) dst(%dma_wait3A_252 : memref<32x128xf32, #tpu.memory_space<hbm>>)
    %dma_wait3A_253 = arith.constant 0 : i32
    %dma_wait3A_254 = tpu.memref_slice %arg8[%add3A_217, %dma_wait3A_253] : memref<8192x768xf32, #tpu.memory_space<hbm>> -> memref<32x768xf32, #tpu.memory_space<hbm>>
    %dma_wait3A_255 = arith.constant 0 : i32
    %dma_wait3A_256 = tpu.memref_slice %arg8[%add3A_217, %dma_wait3A_255] : memref<8192x768xf32, #tpu.memory_space<hbm>> -> memref<32x768xf32, #tpu.memory_space<hbm>>
    tpu.wait_dma2 semaphore(%arg19 : memref<!tpu.dma_semaphore, #tpu.memory_space<semaphore_mem>>) src(%arg15 : memref<32x768xf32, #tpu.memory_space<vmem>>) dst(%dma_wait3A_256 : memref<32x768xf32, #tpu.memory_space<hbm>>)
    %dma_start3A_257 = arith.constant 160 : i32
    %dma_start3A_258 = tpu.memref_slice %arg9[%dma_start3A_257] : memref<256xi32, #tpu.memory_space<vmem>> -> memref<32xi32, #tpu.memory_space<vmem>>
    %dma_start3A_259 = arith.constant 0 : i32
    %dma_start3A_260 = arith.constant 0 : i32
    %dma_start3A_261 = tpu.memref_slice %arg3[%dma_start3A_259, %dma_start3A_260] : memref<100000x512xf32, #tpu.memory_space<hbm>> -> memref<100000x512xf32, #tpu.memory_space<hbm>>
    tpu.enqueue_indirect_dma source(%dma_start3A_261 : memref<100000x512xf32, #tpu.memory_space<hbm>>) target(%arg13 : memref<32x512xf32, #tpu.memory_space<vmem>>) offsets(%dma_start3A_258 : memref<32xi32, #tpu.memory_space<vmem>>) semaphore(%arg17 : memref<!tpu.dma_semaphore, #tpu.memory_space<semaphore_mem>>)
    %dma_start3A_262 = arith.constant 160 : i32
    %dma_start3A_263 = tpu.memref_slice %arg9[%dma_start3A_262] : memref<256xi32, #tpu.memory_space<vmem>> -> memref<32xi32, #tpu.memory_space<vmem>>
    %dma_start3A_264 = arith.constant 0 : i32
    %dma_start3A_265 = arith.constant 0 : i32
    %dma_start3A_266 = tpu.memref_slice %arg4[%dma_start3A_264, %dma_start3A_265] : memref<100000x128xf32, #tpu.memory_space<hbm>> -> memref<100000x128xf32, #tpu.memory_space<hbm>>
    tpu.enqueue_indirect_dma source(%dma_start3A_266 : memref<100000x128xf32, #tpu.memory_space<hbm>>) target(%arg14 : memref<32x128xf32, #tpu.memory_space<vmem>>) offsets(%dma_start3A_263 : memref<32xi32, #tpu.memory_space<vmem>>) semaphore(%arg17 : memref<!tpu.dma_semaphore, #tpu.memory_space<semaphore_mem>>)
    %dma_start3A_267 = arith.constant 160 : i32
    %dma_start3A_268 = tpu.memref_slice %arg9[%dma_start3A_267] : memref<256xi32, #tpu.memory_space<vmem>> -> memref<32xi32, #tpu.memory_space<vmem>>
    %dma_start3A_269 = arith.constant 0 : i32
    %dma_start3A_270 = arith.constant 0 : i32
    %dma_start3A_271 = tpu.memref_slice %arg5[%dma_start3A_269, %dma_start3A_270] : memref<100000x768xf32, #tpu.memory_space<hbm>> -> memref<100000x768xf32, #tpu.memory_space<hbm>>
    tpu.enqueue_indirect_dma source(%dma_start3A_271 : memref<100000x768xf32, #tpu.memory_space<hbm>>) target(%arg15 : memref<32x768xf32, #tpu.memory_space<vmem>>) offsets(%dma_start3A_268 : memref<32xi32, #tpu.memory_space<vmem>>) semaphore(%arg17 : memref<!tpu.dma_semaphore, #tpu.memory_space<semaphore_mem>>)
    %add3A_272 = arith.constant 128 : i32
    %add3A_273 = arith.addi %mul3A_2, %add3A_272 : i32
    %dma_start3A_274 = arith.constant 0 : i32
    %dma_start3A_275 = tpu.memref_slice %arg6[%add3A_273, %dma_start3A_274] : memref<8192x512xf32, #tpu.memory_space<hbm>> -> memref<32x512xf32, #tpu.memory_space<hbm>>
    %dma_start3A_276 = arith.constant 0 : i32
    %dma_start3A_277 = tpu.memref_slice %arg6[%add3A_273, %dma_start3A_276] : memref<8192x512xf32, #tpu.memory_space<hbm>> -> memref<32x512xf32, #tpu.memory_space<hbm>>
    tpu.enqueue_dma source(%arg10 : memref<32x512xf32, #tpu.memory_space<vmem>>) target(%dma_start3A_277 : memref<32x512xf32, #tpu.memory_space<hbm>>) target_semaphore(%arg18 : memref<!tpu.dma_semaphore, #tpu.memory_space<semaphore_mem>>)
    %dma_start3A_278 = arith.constant 0 : i32
    %dma_start3A_279 = tpu.memref_slice %arg7[%add3A_273, %dma_start3A_278] : memref<8192x128xf32, #tpu.memory_space<hbm>> -> memref<32x128xf32, #tpu.memory_space<hbm>>
    %dma_start3A_280 = arith.constant 0 : i32
    %dma_start3A_281 = tpu.memref_slice %arg7[%add3A_273, %dma_start3A_280] : memref<8192x128xf32, #tpu.memory_space<hbm>> -> memref<32x128xf32, #tpu.memory_space<hbm>>
    tpu.enqueue_dma source(%arg11 : memref<32x128xf32, #tpu.memory_space<vmem>>) target(%dma_start3A_281 : memref<32x128xf32, #tpu.memory_space<hbm>>) target_semaphore(%arg18 : memref<!tpu.dma_semaphore, #tpu.memory_space<semaphore_mem>>)
    %dma_start3A_282 = arith.constant 0 : i32
    %dma_start3A_283 = tpu.memref_slice %arg8[%add3A_273, %dma_start3A_282] : memref<8192x768xf32, #tpu.memory_space<hbm>> -> memref<32x768xf32, #tpu.memory_space<hbm>>
    %dma_start3A_284 = arith.constant 0 : i32
    %dma_start3A_285 = tpu.memref_slice %arg8[%add3A_273, %dma_start3A_284] : memref<8192x768xf32, #tpu.memory_space<hbm>> -> memref<32x768xf32, #tpu.memory_space<hbm>>
    tpu.enqueue_dma source(%arg12 : memref<32x768xf32, #tpu.memory_space<vmem>>) target(%dma_start3A_285 : memref<32x768xf32, #tpu.memory_space<hbm>>) target_semaphore(%arg18 : memref<!tpu.dma_semaphore, #tpu.memory_space<semaphore_mem>>)
    %dma_wait3A_286 = arith.constant 160 : i32
    %dma_wait3A_287 = tpu.memref_slice %arg9[%dma_wait3A_286] : memref<256xi32, #tpu.memory_space<vmem>> -> memref<32xi32, #tpu.memory_space<vmem>>
    %dma_wait3A_288 = arith.constant 0 : i32
    %dma_wait3A_289 = arith.constant 0 : i32
    %dma_wait3A_290 = tpu.memref_slice %arg3[%dma_wait3A_288, %dma_wait3A_289] : memref<100000x512xf32, #tpu.memory_space<hbm>> -> memref<100000x512xf32, #tpu.memory_space<hbm>>
    tpu.wait_indirect_dma semaphore(%arg17 : memref<!tpu.dma_semaphore, #tpu.memory_space<semaphore_mem>>) src(%dma_wait3A_290 : memref<100000x512xf32, #tpu.memory_space<hbm>>) dst(%arg13 : memref<32x512xf32, #tpu.memory_space<vmem>>)
    %dma_wait3A_291 = arith.constant 160 : i32
    %dma_wait3A_292 = tpu.memref_slice %arg9[%dma_wait3A_291] : memref<256xi32, #tpu.memory_space<vmem>> -> memref<32xi32, #tpu.memory_space<vmem>>
    %dma_wait3A_293 = arith.constant 0 : i32
    %dma_wait3A_294 = arith.constant 0 : i32
    %dma_wait3A_295 = tpu.memref_slice %arg4[%dma_wait3A_293, %dma_wait3A_294] : memref<100000x128xf32, #tpu.memory_space<hbm>> -> memref<100000x128xf32, #tpu.memory_space<hbm>>
    tpu.wait_indirect_dma semaphore(%arg17 : memref<!tpu.dma_semaphore, #tpu.memory_space<semaphore_mem>>) src(%dma_wait3A_295 : memref<100000x128xf32, #tpu.memory_space<hbm>>) dst(%arg14 : memref<32x128xf32, #tpu.memory_space<vmem>>)
    %dma_wait3A_296 = arith.constant 160 : i32
    %dma_wait3A_297 = tpu.memref_slice %arg9[%dma_wait3A_296] : memref<256xi32, #tpu.memory_space<vmem>> -> memref<32xi32, #tpu.memory_space<vmem>>
    %dma_wait3A_298 = arith.constant 0 : i32
    %dma_wait3A_299 = arith.constant 0 : i32
    %dma_wait3A_300 = tpu.memref_slice %arg5[%dma_wait3A_298, %dma_wait3A_299] : memref<100000x768xf32, #tpu.memory_space<hbm>> -> memref<100000x768xf32, #tpu.memory_space<hbm>>
    tpu.wait_indirect_dma semaphore(%arg17 : memref<!tpu.dma_semaphore, #tpu.memory_space<semaphore_mem>>) src(%dma_wait3A_300 : memref<100000x768xf32, #tpu.memory_space<hbm>>) dst(%arg15 : memref<32x768xf32, #tpu.memory_space<vmem>>)
    %dma_wait3A_301 = arith.constant 0 : i32
    %dma_wait3A_302 = tpu.memref_slice %arg6[%add3A_273, %dma_wait3A_301] : memref<8192x512xf32, #tpu.memory_space<hbm>> -> memref<32x512xf32, #tpu.memory_space<hbm>>
    %dma_wait3A_303 = arith.constant 0 : i32
    %dma_wait3A_304 = tpu.memref_slice %arg6[%add3A_273, %dma_wait3A_303] : memref<8192x512xf32, #tpu.memory_space<hbm>> -> memref<32x512xf32, #tpu.memory_space<hbm>>
    tpu.wait_dma2 semaphore(%arg18 : memref<!tpu.dma_semaphore, #tpu.memory_space<semaphore_mem>>) src(%arg10 : memref<32x512xf32, #tpu.memory_space<vmem>>) dst(%dma_wait3A_304 : memref<32x512xf32, #tpu.memory_space<hbm>>)
    %dma_wait3A_305 = arith.constant 0 : i32
    %dma_wait3A_306 = tpu.memref_slice %arg7[%add3A_273, %dma_wait3A_305] : memref<8192x128xf32, #tpu.memory_space<hbm>> -> memref<32x128xf32, #tpu.memory_space<hbm>>
    %dma_wait3A_307 = arith.constant 0 : i32
    %dma_wait3A_308 = tpu.memref_slice %arg7[%add3A_273, %dma_wait3A_307] : memref<8192x128xf32, #tpu.memory_space<hbm>> -> memref<32x128xf32, #tpu.memory_space<hbm>>
    tpu.wait_dma2 semaphore(%arg18 : memref<!tpu.dma_semaphore, #tpu.memory_space<semaphore_mem>>) src(%arg11 : memref<32x128xf32, #tpu.memory_space<vmem>>) dst(%dma_wait3A_308 : memref<32x128xf32, #tpu.memory_space<hbm>>)
    %dma_wait3A_309 = arith.constant 0 : i32
    %dma_wait3A_310 = tpu.memref_slice %arg8[%add3A_273, %dma_wait3A_309] : memref<8192x768xf32, #tpu.memory_space<hbm>> -> memref<32x768xf32, #tpu.memory_space<hbm>>
    %dma_wait3A_311 = arith.constant 0 : i32
    %dma_wait3A_312 = tpu.memref_slice %arg8[%add3A_273, %dma_wait3A_311] : memref<8192x768xf32, #tpu.memory_space<hbm>> -> memref<32x768xf32, #tpu.memory_space<hbm>>
    tpu.wait_dma2 semaphore(%arg18 : memref<!tpu.dma_semaphore, #tpu.memory_space<semaphore_mem>>) src(%arg12 : memref<32x768xf32, #tpu.memory_space<vmem>>) dst(%dma_wait3A_312 : memref<32x768xf32, #tpu.memory_space<hbm>>)
    %dma_start3A_313 = arith.constant 192 : i32
    %dma_start3A_314 = tpu.memref_slice %arg9[%dma_start3A_313] : memref<256xi32, #tpu.memory_space<vmem>> -> memref<32xi32, #tpu.memory_space<vmem>>
    %dma_start3A_315 = arith.constant 0 : i32
    %dma_start3A_316 = arith.constant 0 : i32
    %dma_start3A_317 = tpu.memref_slice %arg3[%dma_start3A_315, %dma_start3A_316] : memref<100000x512xf32, #tpu.memory_space<hbm>> -> memref<100000x512xf32, #tpu.memory_space<hbm>>
    tpu.enqueue_indirect_dma source(%dma_start3A_317 : memref<100000x512xf32, #tpu.memory_space<hbm>>) target(%arg10 : memref<32x512xf32, #tpu.memory_space<vmem>>) offsets(%dma_start3A_314 : memref<32xi32, #tpu.memory_space<vmem>>) semaphore(%arg16 : memref<!tpu.dma_semaphore, #tpu.memory_space<semaphore_mem>>)
    %dma_start3A_318 = arith.constant 192 : i32
    %dma_start3A_319 = tpu.memref_slice %arg9[%dma_start3A_318] : memref<256xi32, #tpu.memory_space<vmem>> -> memref<32xi32, #tpu.memory_space<vmem>>
    %dma_start3A_320 = arith.constant 0 : i32
    %dma_start3A_321 = arith.constant 0 : i32
    %dma_start3A_322 = tpu.memref_slice %arg4[%dma_start3A_320, %dma_start3A_321] : memref<100000x128xf32, #tpu.memory_space<hbm>> -> memref<100000x128xf32, #tpu.memory_space<hbm>>
    tpu.enqueue_indirect_dma source(%dma_start3A_322 : memref<100000x128xf32, #tpu.memory_space<hbm>>) target(%arg11 : memref<32x128xf32, #tpu.memory_space<vmem>>) offsets(%dma_start3A_319 : memref<32xi32, #tpu.memory_space<vmem>>) semaphore(%arg16 : memref<!tpu.dma_semaphore, #tpu.memory_space<semaphore_mem>>)
    %dma_start3A_323 = arith.constant 192 : i32
    %dma_start3A_324 = tpu.memref_slice %arg9[%dma_start3A_323] : memref<256xi32, #tpu.memory_space<vmem>> -> memref<32xi32, #tpu.memory_space<vmem>>
    %dma_start3A_325 = arith.constant 0 : i32
    %dma_start3A_326 = arith.constant 0 : i32
    %dma_start3A_327 = tpu.memref_slice %arg5[%dma_start3A_325, %dma_start3A_326] : memref<100000x768xf32, #tpu.memory_space<hbm>> -> memref<100000x768xf32, #tpu.memory_space<hbm>>
    tpu.enqueue_indirect_dma source(%dma_start3A_327 : memref<100000x768xf32, #tpu.memory_space<hbm>>) target(%arg12 : memref<32x768xf32, #tpu.memory_space<vmem>>) offsets(%dma_start3A_324 : memref<32xi32, #tpu.memory_space<vmem>>) semaphore(%arg16 : memref<!tpu.dma_semaphore, #tpu.memory_space<semaphore_mem>>)
    %add3A_328 = arith.constant 160 : i32
    %add3A_329 = arith.addi %mul3A_2, %add3A_328 : i32
    %dma_start3A_330 = arith.constant 0 : i32
    %dma_start3A_331 = tpu.memref_slice %arg6[%add3A_329, %dma_start3A_330] : memref<8192x512xf32, #tpu.memory_space<hbm>> -> memref<32x512xf32, #tpu.memory_space<hbm>>
    %dma_start3A_332 = arith.constant 0 : i32
    %dma_start3A_333 = tpu.memref_slice %arg6[%add3A_329, %dma_start3A_332] : memref<8192x512xf32, #tpu.memory_space<hbm>> -> memref<32x512xf32, #tpu.memory_space<hbm>>
    tpu.enqueue_dma source(%arg13 : memref<32x512xf32, #tpu.memory_space<vmem>>) target(%dma_start3A_333 : memref<32x512xf32, #tpu.memory_space<hbm>>) target_semaphore(%arg19 : memref<!tpu.dma_semaphore, #tpu.memory_space<semaphore_mem>>)
    %dma_start3A_334 = arith.constant 0 : i32
    %dma_start3A_335 = tpu.memref_slice %arg7[%add3A_329, %dma_start3A_334] : memref<8192x128xf32, #tpu.memory_space<hbm>> -> memref<32x128xf32, #tpu.memory_space<hbm>>
    %dma_start3A_336 = arith.constant 0 : i32
    %dma_start3A_337 = tpu.memref_slice %arg7[%add3A_329, %dma_start3A_336] : memref<8192x128xf32, #tpu.memory_space<hbm>> -> memref<32x128xf32, #tpu.memory_space<hbm>>
    tpu.enqueue_dma source(%arg14 : memref<32x128xf32, #tpu.memory_space<vmem>>) target(%dma_start3A_337 : memref<32x128xf32, #tpu.memory_space<hbm>>) target_semaphore(%arg19 : memref<!tpu.dma_semaphore, #tpu.memory_space<semaphore_mem>>)
    %dma_start3A_338 = arith.constant 0 : i32
    %dma_start3A_339 = tpu.memref_slice %arg8[%add3A_329, %dma_start3A_338] : memref<8192x768xf32, #tpu.memory_space<hbm>> -> memref<32x768xf32, #tpu.memory_space<hbm>>
    %dma_start3A_340 = arith.constant 0 : i32
    %dma_start3A_341 = tpu.memref_slice %arg8[%add3A_329, %dma_start3A_340] : memref<8192x768xf32, #tpu.memory_space<hbm>> -> memref<32x768xf32, #tpu.memory_space<hbm>>
    tpu.enqueue_dma source(%arg15 : memref<32x768xf32, #tpu.memory_space<vmem>>) target(%dma_start3A_341 : memref<32x768xf32, #tpu.memory_space<hbm>>) target_semaphore(%arg19 : memref<!tpu.dma_semaphore, #tpu.memory_space<semaphore_mem>>)
    %dma_wait3A_342 = arith.constant 192 : i32
    %dma_wait3A_343 = tpu.memref_slice %arg9[%dma_wait3A_342] : memref<256xi32, #tpu.memory_space<vmem>> -> memref<32xi32, #tpu.memory_space<vmem>>
    %dma_wait3A_344 = arith.constant 0 : i32
    %dma_wait3A_345 = arith.constant 0 : i32
    %dma_wait3A_346 = tpu.memref_slice %arg3[%dma_wait3A_344, %dma_wait3A_345] : memref<100000x512xf32, #tpu.memory_space<hbm>> -> memref<100000x512xf32, #tpu.memory_space<hbm>>
    tpu.wait_indirect_dma semaphore(%arg16 : memref<!tpu.dma_semaphore, #tpu.memory_space<semaphore_mem>>) src(%dma_wait3A_346 : memref<100000x512xf32, #tpu.memory_space<hbm>>) dst(%arg10 : memref<32x512xf32, #tpu.memory_space<vmem>>)
    %dma_wait3A_347 = arith.constant 192 : i32
    %dma_wait3A_348 = tpu.memref_slice %arg9[%dma_wait3A_347] : memref<256xi32, #tpu.memory_space<vmem>> -> memref<32xi32, #tpu.memory_space<vmem>>
    %dma_wait3A_349 = arith.constant 0 : i32
    %dma_wait3A_350 = arith.constant 0 : i32
    %dma_wait3A_351 = tpu.memref_slice %arg4[%dma_wait3A_349, %dma_wait3A_350] : memref<100000x128xf32, #tpu.memory_space<hbm>> -> memref<100000x128xf32, #tpu.memory_space<hbm>>
    tpu.wait_indirect_dma semaphore(%arg16 : memref<!tpu.dma_semaphore, #tpu.memory_space<semaphore_mem>>) src(%dma_wait3A_351 : memref<100000x128xf32, #tpu.memory_space<hbm>>) dst(%arg11 : memref<32x128xf32, #tpu.memory_space<vmem>>)
    %dma_wait3A_352 = arith.constant 192 : i32
    %dma_wait3A_353 = tpu.memref_slice %arg9[%dma_wait3A_352] : memref<256xi32, #tpu.memory_space<vmem>> -> memref<32xi32, #tpu.memory_space<vmem>>
    %dma_wait3A_354 = arith.constant 0 : i32
    %dma_wait3A_355 = arith.constant 0 : i32
    %dma_wait3A_356 = tpu.memref_slice %arg5[%dma_wait3A_354, %dma_wait3A_355] : memref<100000x768xf32, #tpu.memory_space<hbm>> -> memref<100000x768xf32, #tpu.memory_space<hbm>>
    tpu.wait_indirect_dma semaphore(%arg16 : memref<!tpu.dma_semaphore, #tpu.memory_space<semaphore_mem>>) src(%dma_wait3A_356 : memref<100000x768xf32, #tpu.memory_space<hbm>>) dst(%arg12 : memref<32x768xf32, #tpu.memory_space<vmem>>)
    %dma_wait3A_357 = arith.constant 0 : i32
    %dma_wait3A_358 = tpu.memref_slice %arg6[%add3A_329, %dma_wait3A_357] : memref<8192x512xf32, #tpu.memory_space<hbm>> -> memref<32x512xf32, #tpu.memory_space<hbm>>
    %dma_wait3A_359 = arith.constant 0 : i32
    %dma_wait3A_360 = tpu.memref_slice %arg6[%add3A_329, %dma_wait3A_359] : memref<8192x512xf32, #tpu.memory_space<hbm>> -> memref<32x512xf32, #tpu.memory_space<hbm>>
    tpu.wait_dma2 semaphore(%arg19 : memref<!tpu.dma_semaphore, #tpu.memory_space<semaphore_mem>>) src(%arg13 : memref<32x512xf32, #tpu.memory_space<vmem>>) dst(%dma_wait3A_360 : memref<32x512xf32, #tpu.memory_space<hbm>>)
    %dma_wait3A_361 = arith.constant 0 : i32
    %dma_wait3A_362 = tpu.memref_slice %arg7[%add3A_329, %dma_wait3A_361] : memref<8192x128xf32, #tpu.memory_space<hbm>> -> memref<32x128xf32, #tpu.memory_space<hbm>>
    %dma_wait3A_363 = arith.constant 0 : i32
    %dma_wait3A_364 = tpu.memref_slice %arg7[%add3A_329, %dma_wait3A_363] : memref<8192x128xf32, #tpu.memory_space<hbm>> -> memref<32x128xf32, #tpu.memory_space<hbm>>
    tpu.wait_dma2 semaphore(%arg19 : memref<!tpu.dma_semaphore, #tpu.memory_space<semaphore_mem>>) src(%arg14 : memref<32x128xf32, #tpu.memory_space<vmem>>) dst(%dma_wait3A_364 : memref<32x128xf32, #tpu.memory_space<hbm>>)
    %dma_wait3A_365 = arith.constant 0 : i32
    %dma_wait3A_366 = tpu.memref_slice %arg8[%add3A_329, %dma_wait3A_365] : memref<8192x768xf32, #tpu.memory_space<hbm>> -> memref<32x768xf32, #tpu.memory_space<hbm>>
    %dma_wait3A_367 = arith.constant 0 : i32
    %dma_wait3A_368 = tpu.memref_slice %arg8[%add3A_329, %dma_wait3A_367] : memref<8192x768xf32, #tpu.memory_space<hbm>> -> memref<32x768xf32, #tpu.memory_space<hbm>>
    tpu.wait_dma2 semaphore(%arg19 : memref<!tpu.dma_semaphore, #tpu.memory_space<semaphore_mem>>) src(%arg15 : memref<32x768xf32, #tpu.memory_space<vmem>>) dst(%dma_wait3A_368 : memref<32x768xf32, #tpu.memory_space<hbm>>)
    %dma_start3A_369 = arith.constant 224 : i32
    %dma_start3A_370 = tpu.memref_slice %arg9[%dma_start3A_369] : memref<256xi32, #tpu.memory_space<vmem>> -> memref<32xi32, #tpu.memory_space<vmem>>
    %dma_start3A_371 = arith.constant 0 : i32
    %dma_start3A_372 = arith.constant 0 : i32
    %dma_start3A_373 = tpu.memref_slice %arg3[%dma_start3A_371, %dma_start3A_372] : memref<100000x512xf32, #tpu.memory_space<hbm>> -> memref<100000x512xf32, #tpu.memory_space<hbm>>
    tpu.enqueue_indirect_dma source(%dma_start3A_373 : memref<100000x512xf32, #tpu.memory_space<hbm>>) target(%arg13 : memref<32x512xf32, #tpu.memory_space<vmem>>) offsets(%dma_start3A_370 : memref<32xi32, #tpu.memory_space<vmem>>) semaphore(%arg17 : memref<!tpu.dma_semaphore, #tpu.memory_space<semaphore_mem>>)
    %dma_start3A_374 = arith.constant 224 : i32
    %dma_start3A_375 = tpu.memref_slice %arg9[%dma_start3A_374] : memref<256xi32, #tpu.memory_space<vmem>> -> memref<32xi32, #tpu.memory_space<vmem>>
    %dma_start3A_376 = arith.constant 0 : i32
    %dma_start3A_377 = arith.constant 0 : i32
    %dma_start3A_378 = tpu.memref_slice %arg4[%dma_start3A_376, %dma_start3A_377] : memref<100000x128xf32, #tpu.memory_space<hbm>> -> memref<100000x128xf32, #tpu.memory_space<hbm>>
    tpu.enqueue_indirect_dma source(%dma_start3A_378 : memref<100000x128xf32, #tpu.memory_space<hbm>>) target(%arg14 : memref<32x128xf32, #tpu.memory_space<vmem>>) offsets(%dma_start3A_375 : memref<32xi32, #tpu.memory_space<vmem>>) semaphore(%arg17 : memref<!tpu.dma_semaphore, #tpu.memory_space<semaphore_mem>>)
    %dma_start3A_379 = arith.constant 224 : i32
    %dma_start3A_380 = tpu.memref_slice %arg9[%dma_start3A_379] : memref<256xi32, #tpu.memory_space<vmem>> -> memref<32xi32, #tpu.memory_space<vmem>>
    %dma_start3A_381 = arith.constant 0 : i32
    %dma_start3A_382 = arith.constant 0 : i32
    %dma_start3A_383 = tpu.memref_slice %arg5[%dma_start3A_381, %dma_start3A_382] : memref<100000x768xf32, #tpu.memory_space<hbm>> -> memref<100000x768xf32, #tpu.memory_space<hbm>>
    tpu.enqueue_indirect_dma source(%dma_start3A_383 : memref<100000x768xf32, #tpu.memory_space<hbm>>) target(%arg15 : memref<32x768xf32, #tpu.memory_space<vmem>>) offsets(%dma_start3A_380 : memref<32xi32, #tpu.memory_space<vmem>>) semaphore(%arg17 : memref<!tpu.dma_semaphore, #tpu.memory_space<semaphore_mem>>)
    %add3A_384 = arith.constant 192 : i32
    %add3A_385 = arith.addi %mul3A_2, %add3A_384 : i32
    %dma_start3A_386 = arith.constant 0 : i32
    %dma_start3A_387 = tpu.memref_slice %arg6[%add3A_385, %dma_start3A_386] : memref<8192x512xf32, #tpu.memory_space<hbm>> -> memref<32x512xf32, #tpu.memory_space<hbm>>
    %dma_start3A_388 = arith.constant 0 : i32
    %dma_start3A_389 = tpu.memref_slice %arg6[%add3A_385, %dma_start3A_388] : memref<8192x512xf32, #tpu.memory_space<hbm>> -> memref<32x512xf32, #tpu.memory_space<hbm>>
    tpu.enqueue_dma source(%arg10 : memref<32x512xf32, #tpu.memory_space<vmem>>) target(%dma_start3A_389 : memref<32x512xf32, #tpu.memory_space<hbm>>) target_semaphore(%arg18 : memref<!tpu.dma_semaphore, #tpu.memory_space<semaphore_mem>>)
    %dma_start3A_390 = arith.constant 0 : i32
    %dma_start3A_391 = tpu.memref_slice %arg7[%add3A_385, %dma_start3A_390] : memref<8192x128xf32, #tpu.memory_space<hbm>> -> memref<32x128xf32, #tpu.memory_space<hbm>>
    %dma_start3A_392 = arith.constant 0 : i32
    %dma_start3A_393 = tpu.memref_slice %arg7[%add3A_385, %dma_start3A_392] : memref<8192x128xf32, #tpu.memory_space<hbm>> -> memref<32x128xf32, #tpu.memory_space<hbm>>
    tpu.enqueue_dma source(%arg11 : memref<32x128xf32, #tpu.memory_space<vmem>>) target(%dma_start3A_393 : memref<32x128xf32, #tpu.memory_space<hbm>>) target_semaphore(%arg18 : memref<!tpu.dma_semaphore, #tpu.memory_space<semaphore_mem>>)
    %dma_start3A_394 = arith.constant 0 : i32
    %dma_start3A_395 = tpu.memref_slice %arg8[%add3A_385, %dma_start3A_394] : memref<8192x768xf32, #tpu.memory_space<hbm>> -> memref<32x768xf32, #tpu.memory_space<hbm>>
    %dma_start3A_396 = arith.constant 0 : i32
    %dma_start3A_397 = tpu.memref_slice %arg8[%add3A_385, %dma_start3A_396] : memref<8192x768xf32, #tpu.memory_space<hbm>> -> memref<32x768xf32, #tpu.memory_space<hbm>>
    tpu.enqueue_dma source(%arg12 : memref<32x768xf32, #tpu.memory_space<vmem>>) target(%dma_start3A_397 : memref<32x768xf32, #tpu.memory_space<hbm>>) target_semaphore(%arg18 : memref<!tpu.dma_semaphore, #tpu.memory_space<semaphore_mem>>)
    %dma_wait3A_398 = arith.constant 224 : i32
    %dma_wait3A_399 = tpu.memref_slice %arg9[%dma_wait3A_398] : memref<256xi32, #tpu.memory_space<vmem>> -> memref<32xi32, #tpu.memory_space<vmem>>
    %dma_wait3A_400 = arith.constant 0 : i32
    %dma_wait3A_401 = arith.constant 0 : i32
    %dma_wait3A_402 = tpu.memref_slice %arg3[%dma_wait3A_400, %dma_wait3A_401] : memref<100000x512xf32, #tpu.memory_space<hbm>> -> memref<100000x512xf32, #tpu.memory_space<hbm>>
    tpu.wait_indirect_dma semaphore(%arg17 : memref<!tpu.dma_semaphore, #tpu.memory_space<semaphore_mem>>) src(%dma_wait3A_402 : memref<100000x512xf32, #tpu.memory_space<hbm>>) dst(%arg13 : memref<32x512xf32, #tpu.memory_space<vmem>>)
    %dma_wait3A_403 = arith.constant 224 : i32
    %dma_wait3A_404 = tpu.memref_slice %arg9[%dma_wait3A_403] : memref<256xi32, #tpu.memory_space<vmem>> -> memref<32xi32, #tpu.memory_space<vmem>>
    %dma_wait3A_405 = arith.constant 0 : i32
    %dma_wait3A_406 = arith.constant 0 : i32
    %dma_wait3A_407 = tpu.memref_slice %arg4[%dma_wait3A_405, %dma_wait3A_406] : memref<100000x128xf32, #tpu.memory_space<hbm>> -> memref<100000x128xf32, #tpu.memory_space<hbm>>
    tpu.wait_indirect_dma semaphore(%arg17 : memref<!tpu.dma_semaphore, #tpu.memory_space<semaphore_mem>>) src(%dma_wait3A_407 : memref<100000x128xf32, #tpu.memory_space<hbm>>) dst(%arg14 : memref<32x128xf32, #tpu.memory_space<vmem>>)
    %dma_wait3A_408 = arith.constant 224 : i32
    %dma_wait3A_409 = tpu.memref_slice %arg9[%dma_wait3A_408] : memref<256xi32, #tpu.memory_space<vmem>> -> memref<32xi32, #tpu.memory_space<vmem>>
    %dma_wait3A_410 = arith.constant 0 : i32
    %dma_wait3A_411 = arith.constant 0 : i32
    %dma_wait3A_412 = tpu.memref_slice %arg5[%dma_wait3A_410, %dma_wait3A_411] : memref<100000x768xf32, #tpu.memory_space<hbm>> -> memref<100000x768xf32, #tpu.memory_space<hbm>>
    tpu.wait_indirect_dma semaphore(%arg17 : memref<!tpu.dma_semaphore, #tpu.memory_space<semaphore_mem>>) src(%dma_wait3A_412 : memref<100000x768xf32, #tpu.memory_space<hbm>>) dst(%arg15 : memref<32x768xf32, #tpu.memory_space<vmem>>)
    %add3A_413 = arith.constant 224 : i32
    %add3A_414 = arith.addi %mul3A_2, %add3A_413 : i32
    %dma_start3A_415 = arith.constant 0 : i32
    %dma_start3A_416 = tpu.memref_slice %arg6[%add3A_414, %dma_start3A_415] : memref<8192x512xf32, #tpu.memory_space<hbm>> -> memref<32x512xf32, #tpu.memory_space<hbm>>
    %dma_start3A_417 = arith.constant 0 : i32
    %dma_start3A_418 = tpu.memref_slice %arg6[%add3A_414, %dma_start3A_417] : memref<8192x512xf32, #tpu.memory_space<hbm>> -> memref<32x512xf32, #tpu.memory_space<hbm>>
    tpu.enqueue_dma source(%arg13 : memref<32x512xf32, #tpu.memory_space<vmem>>) target(%dma_start3A_418 : memref<32x512xf32, #tpu.memory_space<hbm>>) target_semaphore(%arg19 : memref<!tpu.dma_semaphore, #tpu.memory_space<semaphore_mem>>)
    %dma_start3A_419 = arith.constant 0 : i32
    %dma_start3A_420 = tpu.memref_slice %arg7[%add3A_414, %dma_start3A_419] : memref<8192x128xf32, #tpu.memory_space<hbm>> -> memref<32x128xf32, #tpu.memory_space<hbm>>
    %dma_start3A_421 = arith.constant 0 : i32
    %dma_start3A_422 = tpu.memref_slice %arg7[%add3A_414, %dma_start3A_421] : memref<8192x128xf32, #tpu.memory_space<hbm>> -> memref<32x128xf32, #tpu.memory_space<hbm>>
    tpu.enqueue_dma source(%arg14 : memref<32x128xf32, #tpu.memory_space<vmem>>) target(%dma_start3A_422 : memref<32x128xf32, #tpu.memory_space<hbm>>) target_semaphore(%arg19 : memref<!tpu.dma_semaphore, #tpu.memory_space<semaphore_mem>>)
    %dma_start3A_423 = arith.constant 0 : i32
    %dma_start3A_424 = tpu.memref_slice %arg8[%add3A_414, %dma_start3A_423] : memref<8192x768xf32, #tpu.memory_space<hbm>> -> memref<32x768xf32, #tpu.memory_space<hbm>>
    %dma_start3A_425 = arith.constant 0 : i32
    %dma_start3A_426 = tpu.memref_slice %arg8[%add3A_414, %dma_start3A_425] : memref<8192x768xf32, #tpu.memory_space<hbm>> -> memref<32x768xf32, #tpu.memory_space<hbm>>
    tpu.enqueue_dma source(%arg15 : memref<32x768xf32, #tpu.memory_space<vmem>>) target(%dma_start3A_426 : memref<32x768xf32, #tpu.memory_space<hbm>>) target_semaphore(%arg19 : memref<!tpu.dma_semaphore, #tpu.memory_space<semaphore_mem>>)
    %dma_wait3A_427 = arith.constant 0 : i32
    %dma_wait3A_428 = tpu.memref_slice %arg6[%add3A_385, %dma_wait3A_427] : memref<8192x512xf32, #tpu.memory_space<hbm>> -> memref<32x512xf32, #tpu.memory_space<hbm>>
    %dma_wait3A_429 = arith.constant 0 : i32
    %dma_wait3A_430 = tpu.memref_slice %arg6[%add3A_385, %dma_wait3A_429] : memref<8192x512xf32, #tpu.memory_space<hbm>> -> memref<32x512xf32, #tpu.memory_space<hbm>>
    tpu.wait_dma2 semaphore(%arg18 : memref<!tpu.dma_semaphore, #tpu.memory_space<semaphore_mem>>) src(%arg10 : memref<32x512xf32, #tpu.memory_space<vmem>>) dst(%dma_wait3A_430 : memref<32x512xf32, #tpu.memory_space<hbm>>)
    %dma_wait3A_431 = arith.constant 0 : i32
    %dma_wait3A_432 = tpu.memref_slice %arg7[%add3A_385, %dma_wait3A_431] : memref<8192x128xf32, #tpu.memory_space<hbm>> -> memref<32x128xf32, #tpu.memory_space<hbm>>
    %dma_wait3A_433 = arith.constant 0 : i32
    %dma_wait3A_434 = tpu.memref_slice %arg7[%add3A_385, %dma_wait3A_433] : memref<8192x128xf32, #tpu.memory_space<hbm>> -> memref<32x128xf32, #tpu.memory_space<hbm>>
    tpu.wait_dma2 semaphore(%arg18 : memref<!tpu.dma_semaphore, #tpu.memory_space<semaphore_mem>>) src(%arg11 : memref<32x128xf32, #tpu.memory_space<vmem>>) dst(%dma_wait3A_434 : memref<32x128xf32, #tpu.memory_space<hbm>>)
    %dma_wait3A_435 = arith.constant 0 : i32
    %dma_wait3A_436 = tpu.memref_slice %arg8[%add3A_385, %dma_wait3A_435] : memref<8192x768xf32, #tpu.memory_space<hbm>> -> memref<32x768xf32, #tpu.memory_space<hbm>>
    %dma_wait3A_437 = arith.constant 0 : i32
    %dma_wait3A_438 = tpu.memref_slice %arg8[%add3A_385, %dma_wait3A_437] : memref<8192x768xf32, #tpu.memory_space<hbm>> -> memref<32x768xf32, #tpu.memory_space<hbm>>
    tpu.wait_dma2 semaphore(%arg18 : memref<!tpu.dma_semaphore, #tpu.memory_space<semaphore_mem>>) src(%arg12 : memref<32x768xf32, #tpu.memory_space<vmem>>) dst(%dma_wait3A_438 : memref<32x768xf32, #tpu.memory_space<hbm>>)
    %dma_wait3A_439 = arith.constant 0 : i32
    %dma_wait3A_440 = tpu.memref_slice %arg6[%add3A_414, %dma_wait3A_439] : memref<8192x512xf32, #tpu.memory_space<hbm>> -> memref<32x512xf32, #tpu.memory_space<hbm>>
    %dma_wait3A_441 = arith.constant 0 : i32
    %dma_wait3A_442 = tpu.memref_slice %arg6[%add3A_414, %dma_wait3A_441] : memref<8192x512xf32, #tpu.memory_space<hbm>> -> memref<32x512xf32, #tpu.memory_space<hbm>>
    tpu.wait_dma2 semaphore(%arg19 : memref<!tpu.dma_semaphore, #tpu.memory_space<semaphore_mem>>) src(%arg13 : memref<32x512xf32, #tpu.memory_space<vmem>>) dst(%dma_wait3A_442 : memref<32x512xf32, #tpu.memory_space<hbm>>)
    %dma_wait3A_443 = arith.constant 0 : i32
    %dma_wait3A_444 = tpu.memref_slice %arg7[%add3A_414, %dma_wait3A_443] : memref<8192x128xf32, #tpu.memory_space<hbm>> -> memref<32x128xf32, #tpu.memory_space<hbm>>
    %dma_wait3A_445 = arith.constant 0 : i32
    %dma_wait3A_446 = tpu.memref_slice %arg7[%add3A_414, %dma_wait3A_445] : memref<8192x128xf32, #tpu.memory_space<hbm>> -> memref<32x128xf32, #tpu.memory_space<hbm>>
    tpu.wait_dma2 semaphore(%arg19 : memref<!tpu.dma_semaphore, #tpu.memory_space<semaphore_mem>>) src(%arg14 : memref<32x128xf32, #tpu.memory_space<vmem>>) dst(%dma_wait3A_446 : memref<32x128xf32, #tpu.memory_space<hbm>>)
    %dma_wait3A_447 = arith.constant 0 : i32
    %dma_wait3A_448 = tpu.memref_slice %arg8[%add3A_414, %dma_wait3A_447] : memref<8192x768xf32, #tpu.memory_space<hbm>> -> memref<32x768xf32, #tpu.memory_space<hbm>>
    %dma_wait3A_449 = arith.constant 0 : i32
    %dma_wait3A_450 = tpu.memref_slice %arg8[%add3A_414, %dma_wait3A_449] : memref<8192x768xf32, #tpu.memory_space<hbm>> -> memref<32x768xf32, #tpu.memory_space<hbm>>
    tpu.wait_dma2 semaphore(%arg19 : memref<!tpu.dma_semaphore, #tpu.memory_space<semaphore_mem>>) src(%arg15 : memref<32x768xf32, #tpu.memory_space<vmem>>) dst(%dma_wait3A_450 : memref<32x768xf32, #tpu.memory_space<hbm>>)
    return
  }
}

module attributes {stable_mosaic.version = 14 : i64} {
  func.func @_fuse_body(%arg0: i32, %arg1: memref<1024x128xf32, #tpu.memory_space<vmem>>, %arg2: memref<1024x512xf32, #tpu.memory_space<vmem>>, %arg3: memref<1024x128xf32, #tpu.memory_space<vmem>>, %arg4: memref<1024x768xf32, #tpu.memory_space<vmem>>, %arg5: memref<512x64xf32, #tpu.memory_space<vmem>>, %arg6: memref<128x64xf32, #tpu.memory_space<vmem>>, %arg7: memref<768x64xf32, #tpu.memory_space<vmem>>, %arg8: memref<1x64xf32, #tpu.memory_space<vmem>>, %arg9: memref<1x1xf32, #tpu.memory_space<vmem>>, %arg10: memref<1x1xf32, #tpu.memory_space<vmem>>, %arg11: memref<1024xf32, #tpu.memory_space<vmem>>) attributes {dimension_semantics = [#tpu.dimension_semantics<arbitrary>], iteration_bounds = array<i64: 8>, scalar_prefetch = 0 : i64, scratch_operands = 0 : i64, tpu.core_type = #tpu.core_type<tc>, window_params = [{transform_indices = @transform_0, window_bounds = array<i64: 1024, 128>}, {transform_indices = @transform_1, window_bounds = array<i64: 1024, 512>}, {transform_indices = @transform_2, window_bounds = array<i64: 1024, 128>}, {transform_indices = @transform_3, window_bounds = array<i64: 1024, 768>}, {pipeline_mode = #tpu.pipeline_mode<synchronous>, transform_indices = @transform_4, window_bounds = array<i64: 512, 64>}, {pipeline_mode = #tpu.pipeline_mode<synchronous>, transform_indices = @transform_5, window_bounds = array<i64: 128, 64>}, {pipeline_mode = #tpu.pipeline_mode<synchronous>, transform_indices = @transform_6, window_bounds = array<i64: 768, 64>}, {pipeline_mode = #tpu.pipeline_mode<synchronous>, transform_indices = @transform_7, window_bounds = array<i64: 1, 64>}, {pipeline_mode = #tpu.pipeline_mode<synchronous>, transform_indices = @transform_8, window_bounds = array<i64: 1, 1>}, {pipeline_mode = #tpu.pipeline_mode<synchronous>, transform_indices = @transform_9, window_bounds = array<i64: 1, 1>}, {transform_indices = @transform_10, window_bounds = array<i64: 1024>}]} {
    %get3A = arith.constant 0 : index
    %get3A_0 = arith.constant 0 : index
    %get3A_1 = vector.load %arg2[%get3A, %get3A_0] : memref<1024x512xf32, #tpu.memory_space<vmem>>, vector<1024x512xf32>
    %get3A_2 = arith.constant 0 : index
    %get3A_3 = arith.constant 0 : index
    %get3A_4 = vector.load %arg5[%get3A_2, %get3A_3] : memref<512x64xf32, #tpu.memory_space<vmem>>, vector<512x64xf32>
    %dot_general3A = arith.constant dense<0.000000e+00> : vector<1024x64xf32>
    %dot_general3A_5 = tpu.matmul %get3A_1, %get3A_4, %dot_general3A {dimension_numbers = #tpu.dot_dimension_numbers<[1], [0], [0], [1], [0, 0, 1, 1], [], []>, transpose_lhs_hint = false} : vector<1024x512xf32>, vector<512x64xf32>, vector<1024x64xf32> -> vector<1024x64xf32>
    %get3A_6 = arith.constant 0 : index
    %get3A_7 = arith.constant 0 : index
    %get3A_8 = vector.load %arg3[%get3A_6, %get3A_7] : memref<1024x128xf32, #tpu.memory_space<vmem>>, vector<1024x128xf32>
    %get3A_9 = arith.constant 0 : index
    %get3A_10 = arith.constant 0 : index
    %get3A_11 = vector.load %arg6[%get3A_9, %get3A_10] : memref<128x64xf32, #tpu.memory_space<vmem>>, vector<128x64xf32>
    %dot_general3A_12 = arith.constant dense<0.000000e+00> : vector<1024x64xf32>
    %dot_general3A_13 = tpu.matmul %get3A_8, %get3A_11, %dot_general3A_12 {dimension_numbers = #tpu.dot_dimension_numbers<[1], [0], [0], [1], [0, 0, 1, 1], [], []>, transpose_lhs_hint = false} : vector<1024x128xf32>, vector<128x64xf32>, vector<1024x64xf32> -> vector<1024x64xf32>
    %add3A = arith.addf %dot_general3A_5, %dot_general3A_13 : vector<1024x64xf32>
    %get3A_14 = arith.constant 0 : index
    %get3A_15 = arith.constant 0 : index
    %get3A_16 = vector.load %arg4[%get3A_14, %get3A_15] : memref<1024x768xf32, #tpu.memory_space<vmem>>, vector<1024x768xf32>
    %get3A_17 = arith.constant 0 : index
    %get3A_18 = arith.constant 0 : index
    %get3A_19 = vector.load %arg7[%get3A_17, %get3A_18] : memref<768x64xf32, #tpu.memory_space<vmem>>, vector<768x64xf32>
    %dot_general3A_20 = arith.constant dense<0.000000e+00> : vector<1024x64xf32>
    %dot_general3A_21 = tpu.matmul %get3A_16, %get3A_19, %dot_general3A_20 {dimension_numbers = #tpu.dot_dimension_numbers<[1], [0], [0], [1], [0, 0, 1, 1], [], []>, transpose_lhs_hint = false} : vector<1024x768xf32>, vector<768x64xf32>, vector<1024x64xf32> -> vector<1024x64xf32>
    %add3A_22 = arith.addf %add3A, %dot_general3A_21 : vector<1024x64xf32>
    %get3A_23 = arith.constant 0 : index
    %get3A_24 = arith.constant 0 : index
    %get3A_25 = vector.load %arg8[%get3A_23, %get3A_24] : memref<1x64xf32, #tpu.memory_space<vmem>>, vector<1x64xf32>
    %add3A_26 = vector.broadcast %get3A_25 : vector<1x64xf32> to vector<1024x64xf32>
    %add3A_27 = arith.addf %add3A_22, %add3A_26 : vector<1024x64xf32>
    %get3A_28 = arith.constant 0 : index
    %get3A_29 = arith.constant 0 : index
    %get3A_30 = vector.load %arg1[%get3A_28, %get3A_29] : memref<1024x128xf32, #tpu.memory_space<vmem>>, vector<1024x64xf32>
    %mul3A = arith.mulf %add3A_27, %get3A_30 : vector<1024x64xf32>
    %reduce_sum3A = arith.constant dense<0.000000e+00> : vector<1024xf32>
    %reduce_sum3A_31 = vector.multi_reduction <add>, %mul3A, %reduce_sum3A [1] : vector<1024x64xf32> to vector<1024xf32>
    %get3A_32 = arith.constant 0 : index
    %get3A_33 = arith.constant 0 : index
    %get3A_34 = vector.load %arg9[%get3A_32, %get3A_33] : memref<1x1xf32, #tpu.memory_space<vmem>>, vector<1x1xf32>
    %get3A_35 = vector.extract %get3A_34[0, 0] : f32 from vector<1x1xf32>
    %mul3A_36 = vector.broadcast %get3A_35 : f32 to vector<1024xf32>
    %mul3A_37 = arith.mulf %reduce_sum3A_31, %mul3A_36 : vector<1024xf32>
    %get3A_38 = arith.constant 0 : index
    %get3A_39 = arith.constant 0 : index
    %get3A_40 = vector.load %arg10[%get3A_38, %get3A_39] : memref<1x1xf32, #tpu.memory_space<vmem>>, vector<1x1xf32>
    %get3A_41 = vector.extract %get3A_40[0, 0] : f32 from vector<1x1xf32>
    %add3A_42 = vector.broadcast %get3A_41 : f32 to vector<1024xf32>
    %add3A_43 = arith.addf %mul3A_37, %add3A_42 : vector<1024xf32>
    %logistic3A = arith.negf %add3A_43 : vector<1024xf32>
    %logistic3A_44 = math.exp %logistic3A : vector<1024xf32>
    %logistic3A_45 = arith.constant 1.000000e+00 : f32
    %logistic3A_46 = vector.broadcast %logistic3A_45 : f32 to vector<1024xf32>
    %logistic3A_47 = arith.addf %logistic3A_46, %logistic3A_44 : vector<1024xf32>
    %logistic3A_48 = arith.divf %logistic3A_46, %logistic3A_47 : vector<1024xf32>
    %swap3A = arith.constant 0 : index
    %swap3A_49 = vector.load %arg11[%swap3A] : memref<1024xf32, #tpu.memory_space<vmem>>, vector<1024xf32>
    tpu.vector_store %arg11[%swap3A], %logistic3A_48 {strides = array<i32>} : memref<1024xf32, #tpu.memory_space<vmem>>, vector<1024xf32>,
    return
  }
  func.func @transform_0(%arg0: i32) -> (i32, i32) {
    %c0_i32 = arith.constant 0 : i32
    %c0_i32_0 = arith.constant 0 : i32
    return %arg0, %c0_i32 : i32, i32
  }
  func.func @transform_1(%arg0: i32) -> (i32, i32) {
    %c0_i32 = arith.constant 0 : i32
    %c0_i32_0 = arith.constant 0 : i32
    return %arg0, %c0_i32 : i32, i32
  }
  func.func @transform_2(%arg0: i32) -> (i32, i32) {
    %c0_i32 = arith.constant 0 : i32
    %c0_i32_0 = arith.constant 0 : i32
    return %arg0, %c0_i32 : i32, i32
  }
  func.func @transform_3(%arg0: i32) -> (i32, i32) {
    %c0_i32 = arith.constant 0 : i32
    %c0_i32_0 = arith.constant 0 : i32
    return %arg0, %c0_i32 : i32, i32
  }
  func.func @transform_4(%arg0: i32) -> (i32, i32) {
    %c0_i32 = arith.constant 0 : i32
    %c0_i32_0 = arith.constant 0 : i32
    %c0_i32_1 = arith.constant 0 : i32
    return %c0_i32, %c0_i32_0 : i32, i32
  }
  func.func @transform_5(%arg0: i32) -> (i32, i32) {
    %c0_i32 = arith.constant 0 : i32
    %c0_i32_0 = arith.constant 0 : i32
    %c0_i32_1 = arith.constant 0 : i32
    return %c0_i32, %c0_i32_0 : i32, i32
  }
  func.func @transform_6(%arg0: i32) -> (i32, i32) {
    %c0_i32 = arith.constant 0 : i32
    %c0_i32_0 = arith.constant 0 : i32
    %c0_i32_1 = arith.constant 0 : i32
    return %c0_i32, %c0_i32_0 : i32, i32
  }
  func.func @transform_7(%arg0: i32) -> (i32, i32) {
    %c0_i32 = arith.constant 0 : i32
    %c0_i32_0 = arith.constant 0 : i32
    %c0_i32_1 = arith.constant 0 : i32
    return %c0_i32, %c0_i32_0 : i32, i32
  }
  func.func @transform_8(%arg0: i32) -> (i32, i32) {
    %c0_i32 = arith.constant 0 : i32
    %c0_i32_0 = arith.constant 0 : i32
    %c0_i32_1 = arith.constant 0 : i32
    return %c0_i32, %c0_i32_0 : i32, i32
  }
  func.func @transform_9(%arg0: i32) -> (i32, i32) {
    %c0_i32 = arith.constant 0 : i32
    %c0_i32_0 = arith.constant 0 : i32
    %c0_i32_1 = arith.constant 0 : i32
    return %c0_i32, %c0_i32_0 : i32, i32
  }
  func.func @transform_10(%arg0: i32) -> i32 {
    %c0_i32 = arith.constant 0 : i32
    return %arg0 : i32
  }
}

</mosaic_0001>

<sc_bundles>
// kernel: kernel.11.cloned.1.call-start
scs
__scs_entry_jumppad:
0x0: {  	(pc) =	sbr.rel $0x88, $3  }
0x1: {  	(tag) =	ssettag $0x0;
	lr =	simm.s32 $0x1  }
0x2: {  	[smem:$0x3F98] =	sst lr;
	_ =	strace $0xD0000000  }
0x3: {  	_ = 	snop  }
0x4: {  	_ = 	snop  }
0x5: {  	_ = 	snop  }
0x6: {  	_ = 	snop  }
0x7: {  	_ = 	snop  }
__scs_overlays_trampoline_lowered:
0x8: {  	[smem:$0x3FA7] =	sst s0  }
0x9: {  	[smem:$0x3FA8] =	sst s1  }
0xa: {  	[smem:$0x3FA9] =	sst s2  }
0xb: {  	[smem:$0x3FAA] =	sst s3  }
0xc: {  	[smem:$0x3FAB] =	sst s4  }
0xd: {  	[smem:$0x3FAC] =	sst s5  }
0xe: {  	[smem:$0x3FAD] =	sst s6  }
0xf: {  	[smem:$0x3FAE] =	sst s7  }
0x10: {  	[smem:$0x3FAF] =	sst s8  }
0x11: {  	[smem:$0x3FB0] =	sst s9;
	s0 =	simm.s32 @!p0 $0x0  }
0x12: {  	s1 =	sld [smem:$0x3F96];
	s0 =	simm.s32 @p0 $0x1  }
0x13: {  	[smem:$0x3FB1] =	sst s0;
	s0 =	simm.s32 @!p1 $0x0  }
0x14: {  	s2 =	sld [smem:$0x3F95];
	s0 =	simm.s32 @p1 $0x1  }
0x15: {  	[smem:$0x3FB2] =	sst s0;
	s0 =	simm.s32 @!p2 $0x0  }
0x16: {  	s3 =	sld [smem:$0x3FDB];
	s0 =	simm.s32 @p2 $0x1  }
0x17: {  	s4 =	simm.s32 $0x1BF5;
	[smem:$0x3FB4] =	sst s0  }
0x18: {  	s0 =	sld [smem:$0x3F97];
	_ =	swait.ge [sflag:s4], $0x0  }
0x19: {  	s7 =	sld [smem:$0x3F98]  }
0x1a: {  	s8 =	sadd.s32 $0xFFFFE003, lr  }
0x1b: {  	s9 =	sadd.s32 $0xFFFFFEF7, lr;
	s5 =	simm.s32 $0xFFFFFFFF;
	p2 =	slt.u32 s8, $0xFFFFF086  }
0x1c: {  	p1 =	slt.u32 s9, $0xF7A;
	s5 =	simm.s32 @!p2 $0x0  }
0x1d: {  	s5 =	simm.s32 @p1 $0x1;
	p0 =	seq.s32 s7, s2  }
0x1e: {  	s7 =	smul.u32 @!p0 $0xF7A, s2;
	p2 =	seq.s32 @!p0 s5, $0x0  }
0x1f: {  	s9 =	smul.u32 $0xF7A, s1;
	s8 =	simm.s32 @!p0 $0x1BF5;
	p2 =	por !p2, p0  }
0x20: {  	[sflag:s8] =	ssyncset.s32 @!p0 $0xFFFFF086;
	s6 =	sadd.s32 @!p0 s3, s7;
	s7 =	simm.s32 @!p0 $0x108  }
0x21: {  	s3 =	sadd.s32 s3, s9;
	s6 =	sadd.s32 @!p0 $0x88, s6;
	s7 =	simm.s32 @p2 $0x1082  }
0x22: {  	[simem:s7], [sflag:s8] =	dma.local @!p0 [hbm:s6], $0xF7A  }
0x23: {  	s9 =	sor.u32 $0xD0000000, s2;
	s6 =	simm.s32 $0x108;
	_ =	swait.ge @!p0 [sflag:s8], $0x0  }
0x24: {  	s3 =	sadd.s32 $0x88, s3;
	s6 =	simm.s32 @!p1 $0x1082;
	[sflag:s4] =	ssyncset.s32 $0xFFFFF086  }
0x25: {  	[simem:s6], [sflag:s4] =	dma.local [hbm:s3], $0xF7A  }
0x26: {  	[smem:$0x3F98] =	sst s1;
	(tag) =	ssettag s2;
	_ =	strace s9  }
0x27: {  	s1 =	sld [smem:$0x3FA8]  }
0x28: {  	s2 =	sld [smem:$0x3FA9]  }
0x29: {  	s4 =	sld [smem:$0x3FAB]  }
0x2a: {  	p0 =	seq.s32 s5, $0x0;
	s5 =	sld [smem:$0x3FAC]  }
0x2b: {  	s6 =	sld [smem:$0x3FAD]  }
0x2c: {  	s7 =	sld [smem:$0x3FAE]  }
0x2d: {  	s3 =	simm.s32 $0x108;
	s8 =	sld [smem:$0x3FAF]  }
0x2e: {  	s3 =	simm.s32 @!p0 $0x1082;
	s9 =	sld [smem:$0x3FB0]  }
0x2f: {  	lr =	sadd.s32 s0, s3;
	s0 =	sld [smem:$0x3FA7]  }
0x30: {  	s3 =	sld [smem:$0x3FAA]  }
0x31: {  	[smem:$0x3FB3] =	sst s10  }
0x32: {  	s10 =	sld [smem:$0x3FB1];
	_ =	sdelay $0x3  }
0x33: {  	p0 =	seq.s32 s10, $0x1;
	s10 =	sld [smem:$0x3FB3];
	_ =	sdelay $0x3  }
0x34: {  	[smem:$0x3FB3] =	sst s10  }
0x35: {  	s10 =	sld [smem:$0x3FB2];
	_ =	sdelay $0x3  }
0x36: {  	p1 =	seq.s32 s10, $0x1;
	s10 =	sld [smem:$0x3FB3];
	_ =	sdelay $0x3  }
0x37: {  	[smem:$0x3FB3] =	sst s10  }
0x38: {  	s10 =	sld [smem:$0x3FB4]  }
0x39: {  	_ = 	snop;
	(pc) =	sbr.ind lr, $3  }
0x3a: {  	_ = 	snop  }
0x3b: {  	_ = 	snop  }
0x3c: {  	p2 =	seq.s32 s10, $0x1;
	s10 =	sld [smem:$0x3FB3]  }
0x3d: {  	_ =	shalt  }
0x3e: {  	_ =	shalt  }
0x3f: {  	_ =	shalt  }
0x40: {  	_ =	shalt  }
0x41: {  	_ =	shalt  }
0x42: {  	_ =	shalt  }
0x43: {  	_ =	shalt  }
0x44: {  	_ =	shalt  }
0x45: {  	_ =	shalt  }
0x46: {  	_ =	shalt  }
0x47: {  	_ =	shalt  }
0x48: {  	_ =	shalt  }
0x49: {  	_ =	shalt  }
0x4a: {  	_ =	shalt  }
0x4b: {  	_ =	shalt  }
0x4c: {  	_ =	shalt  }
0x4d: {  	_ =	shalt  }
0x4e: {  	_ =	shalt  }
0x4f: {  	_ =	shalt  }
0x50: {  	_ =	shalt  }
0x51: {  	_ =	shalt  }
0x52: {  	_ =	shalt  }
0x53: {  	_ =	shalt  }
0x54: {  	_ =	shalt  }
0x55: {  	_ =	shalt  }
0x56: {  	_ =	shalt  }
0x57: {  	_ =	shalt  }
0x58: {  	_ =	shalt  }
0x59: {  	_ =	shalt  }
0x5a: {  	_ =	shalt  }
0x5b: {  	_ =	shalt  }
0x5c: {  	_ =	shalt  }
0x5d: {  	_ =	shalt  }
0x5e: {  	_ =	shalt  }
0x5f: {  	_ =	shalt  }
0x60: {  	_ =	shalt  }
0x61: {  	_ =	shalt  }
0x62: {  	_ =	shalt  }
0x63: {  	_ =	shalt  }
0x64: {  	_ =	shalt  }
0x65: {  	_ =	shalt  }
0x66: {  	_ =	shalt  }
0x67: {  	_ =	shalt  }
0x68: {  	_ =	shalt  }
0x69: {  	_ =	shalt  }
0x6a: {  	_ =	shalt  }
0x6b: {  	_ =	shalt  }
0x6c: {  	_ =	shalt  }
0x6d: {  	_ =	shalt  }
0x6e: {  	_ =	shalt  }
0x6f: {  	_ =	shalt  }
0x70: {  	_ =	shalt  }
0x71: {  	_ =	shalt  }
0x72: {  	_ =	shalt  }
0x73: {  	_ =	shalt  }
0x74: {  	_ =	shalt  }
0x75: {  	_ =	shalt  }
0x76: {  	_ =	shalt  }
0x77: {  	_ =	shalt  }
0x78: {  	_ =	shalt  }
0x79: {  	_ =	shalt  }
0x7a: {  	_ =	shalt  }
0x7b: {  	_ =	shalt  }
0x7c: {  	_ =	shalt  }
0x7d: {  	_ =	shalt  }
0x7e: {  	_ =	shalt  }
0x7f: {  	_ =	shalt  }
0x80: {  	_ =	shalt  }
0x81: {  	_ =	shalt  }
0x82: {  	_ =	shalt  }
0x83: {  	_ =	shalt  }
0x84: {  	_ =	shalt  }
0x85: {  	_ =	shalt  }
0x86: {  	_ =	shalt  }
0x87: {  	_ =	shalt  }
.Lfunc_end0:
.L_simem_size_0:
called_computation.1_lowered:
.L_overlay_start_0:
0x88: {  	s2 =	sld [smem:$0x3FD9]  }
0x89: {  	s3 =	sld [smem:$0x3FFE];
	_ =	sdelay $0x1  }
0x8a: {  	s1 =	srdreg.scid  }
0x8b: {  	s0 =	sand.u32 $0x1, s1  }
0x8c: {  	s17 =	sshll.u32 s0, $0xA;
	s2 =	sadd.s32 s3, s2  }
0x8d: {  	s2 =	sadd.s32 s2, s17  }
0x8e: {  	[smem:$0x3FBF] =	sst s2  }
0x8f: {  	_ = 	snop  }
0x90: {  	(tm) =	ssettm $0x1  }
0x91: {  	s18 =	sld [smem:$0x3FFB];
	_ =	sdelay $0x3  }
0x92: {  	_ =	strace s18  }
0x93: {  	s2 =	sld [smem:$0x3FFC];
	_ =	sdelay $0x3  }
0x94: {  	_ =	strace s2  }
0x95: {  	s2 =	sld [smem:$0x3FFD];
	_ =	sdelay $0x3  }
0x96: {  	_ =	strace s2  }
0x97: {  	_ =	strace $0x8FFFFFFF  }
0x98: {  	s19 =	sld [smem:$0x3FDB];
	_ =	sdelay $0x1  }
0x99: {  	s20 =	simm.s32 $_scs_section_size  }
0x9a: {  	s4 =	simm.s32 $_size__tile_overlayer_lowered;
	s5 =	simm.s32 $_tile_overlayer_lowered  }
0x9b: {  	s6 =	simm.s32 $0x1BFF;
	s21 =	sshll.u32 s5, $0x1;
	s3 =	sadd.s32 s20, s19  }
0x9c: {  	s22 =	simm.s32 $0x0;
	s4 =	sshll.u32 s4, $0x1;
	s5 =	sadd.s32 s21, s3  }
0x9d: {  	[timem:s22], [sflag:s6] =	dma.local [hbm:s5], s4  }
0x9e: {  	_ =	swait.ge [sflag:s6], s4  }
0x9f: {  	s4 =	ssub.s32 $0x0, s4;
	[sflag:s6] =	ssyncset.done $0x0  }
0xa0: {  	[sflag:s6] =	ssyncadd.s32 s4;
	_ =	sdelay $0x1  }
0xa1: {  	s23 =	simm.s32 $0x1B8B  }
0xa2: {  	_ =	swait.ge [sflag:s23], $0x1  }
0xa3: {  	[sflag:s23] =	ssyncset.done $0x0  }
0xa4: {  	[sflag:s23] =	ssyncadd.s32 $0xFFFFFFFF  }
0xa5: {  	s4 =	sld [smem:$0x0]  }
0xa6: {  	s5 =	sand.u32 $0xFFFFFFFE, s1  }
0xa7: {  	p0 =	sne.s32 s1, s5  }
0xa8: {  	s5 =	sshll.u32 @p0 s5, $0xE  }
0xa9: {  	s5 =	sadd.s32 @p0 $0x11B8D, s5;
	s6 =	sshll.u32 @p0 s4, $0x11  }
0xaa: {  	s5 =	sor.u32 @p0 s6, s5  }
0xab: {  	[sflag:s5] =	ssyncadd.remote.s32 @p0 $0x1;
	_ =	sdelay $0x1  }
0xac: {  	s5 =	simm.s32 @p0 $0x1B8D  }
0xad: {  	_ =	swait.eq @p0 [sflag:s5], $0x1  }
0xae: {  	[sflag:s5] =	ssyncadd.s32 @p0 $0xFFFFFFFF  }
0xaf: {  	s6 =	sshll.u32 @!p0 s1, $0xE  }
0xb0: {  	s6 =	sor.u32 @!p0 $0x4000, s6;
	s5 =	simm.s32 @!p0 $0x1B8D  }
0xb1: {  	s4 =	sshll.u32 @!p0 s4, $0x11;
	s6 =	sadd.s32 @!p0 $0x11B8D, s6;
	_ =	swait.eq @!p0 [sflag:s5], $0x1  }
0xb2: {  	s4 =	sor.u32 @!p0 s4, s6;
	[sflag:s5] =	ssyncadd.s32 @!p0 $0xFFFFFFFF  }
0xb3: {  	s25 =	simm.s32 $0x1B8E;
	s24 =	sld [smem:$0x3FFE];
	[sflag:s4] =	ssyncadd.remote.s32 @!p0 $0x1  }
0xb4: {  	s26 =	simm.s32 $execute0_lowered;
	[smem:$0x3FD2] =	sst s25  }
0xb5: {  	s5 =	sshll.u32 s26, $0x1;
	_ =	strace $0x8000004C;
	[dreg:$0x1] =	wrdreg $0xFFFFFFFF  }
0xb6: {  	s28 =	simm.s32 $_size_execute0_lowered;
	s3 =	sadd.s32 s3, s5;
	[dreg:$0x0] =	wrdreg $0x0  }
0xb7: {  	s5 =	sshll.u32 s28, $0x1;
	[dreg:$0x2] =	wrdreg s3  }
0xb8: {  	[dreg:$0x3] =	wrdreg s5  }
0xb9: {  	[dreg:$0x4] =	wrdreg $0xC0  }
0xba: {  	_ =	task [dreg:s22], $0x5FFFF  }
0xbb: {  	[dreg:$0x1] =	wrdreg $0xFFFFFFFF  }
0xbc: {  	[dreg:$0x0] =	wrdreg $0x60  }
0xbd: {  	[dreg:$0x2] =	wrdreg s24  }
0xbe: {  	[dreg:$0x3] =	wrdreg $0xA  }
0xbf: {  	_ =	task.clear_ibuf [dreg:s22], $0x4FFFF;
	_ =	strace $0x9000004C  }
0xc0: {  	s29 =	simm.s32 $0xA;
	_ =	strace $0x8000004E  }
0xc1: {  	_ =	swait.ge [sflag:s29], $0x1  }
0xc2: {  	[sflag:s29] =	ssyncadd.s32 $0xFFFFFFFF  }
0xc3: {  	_ =	strace $0x9000004E  }
0xc4: {  	_ =	sfence  }
0xc5: {  	s30 =	sld [smem:$0x0];
	_ =	sdelay $0x2  }
0xc6: {  	s31 =	sshll.u32 s1, $0xD;
	s1 =	sshrl.u32 s1, $0x2  }
0xc7: {  	s4 =	sand.u32 $0x4000, s31;
	s1 =	sadd.s32 s1, s30  }
0xc8: {  	s0 =	sor.u32 s4, s0;
	s1 =	sshll.u32 s1, $0x11  }
0xc9: {  	s0 =	sor.u32 s1, s0  }
0xca: {  	s0 =	sadd.s32 $0x8F2B, s0  }
0xcb: {  	[sflag:s0] =	ssyncadd.remote.s32 $0x1  }
0xcc: {  	_ =	sfence.sel $0xFFFF  }
0xcd: {  	[dreg:$0x0] =	wrdreg $0xFFFFFFFF;
	(pc) =	sbr.abs _section_cstart, $3  }
0xce: {  	[dreg:$0x1] =	wrdreg $0xFFFFFFFF  }
0xcf: {  	_ =	task.clear_ibuf [dreg:s22], $0x2FFFF;
	_ =	strace $0x9FFFFFFF  }
0xd0: {  	(tm) =	ssettm $0x7FFFFFFF  }
0xd1: {  	_ =	shalt  }
tec
execute0_lowered:
.L_overlay_start_1:
0x0: {  	(tag) =	ssettag $0x1  }
0x1: {  	s1 =	srdreg.scid  }
0x2: {  	s0 =	stileid.u32;
	s12 =	sand.u32 $0x1, s1  }
0x3: {  	s30 =	sshll.u32 s0, $0x9;
	s2 =	sshll.u32 s12, $0x8  }
0x4: {  	s11 =	sor.u32 s2, s30  }
0x5: {  	s10 =	rddreg [dreg:$0x0];
	s2 =	simm.s32 $0x0;
	s3 =	sshrl.u32 s11, $0x3  }
0x6: {  	s4 =	simm.s32 $0x3;
	[smem:$0x7FF] =	sst s2;
	s3 =	sadd.s32 s3, s10  }
0x7: {  	s1 =	rddreg [dreg:$0x1];
	_ =	strace $0x8000004D;
	s3 =	sadd.s32 $0x3000, s3  }
0x8: {  	[tilespmem:s2], [sflag:$0x3] =	stream.linear.gather [hbm4b:s3+s2], $0x100, $0x38;
	[tilespmem:$0x8100] =	vst v63  }
0x9: {  	_ =	swait.ge [sflag:s4], $0x100  }
0xa: {  	s6 =	simm.s32 $0x80;
	[sflag:s4] =	ssyncset.done $0x0  }
0xb: {  	s7 =	simm.s32 $0x100;
	s5 =	sadd.s32 $0x18A200, s10;
	[sflag:s4] =	ssyncadd.s32 $0xFFFFFF00  }
0xc: {  	[tilespmem:s7], [sflag:$0x1] =	stream.indirect.gather [hbm4b:s5+s6], $0x80, s2, s6, $0xb8;
	[tilespmem:$0x8100] =	vst v63  }
0xd: {  	s8 =	simm.s32 $0x4100;
	s9 =	simm.s32 $0x1  }
0xe: {  	[tilespmem:s8], [sflag:$0x2] =	stream.indirect.gather [hbm4b:s5+s6], $0x80, s6, s6, $0xb8;
	[tilespmem:$0x8100] =	vst v63  }
0xf: {  	s14 =	ssub.s32 $0x2, s12;
	s11 =	sshll.u32 s11, $0x4;
	_ =	swait.ge [sflag:s9], $0x4000  }
0x10: {  	s31 =	sshrl.u32 s14, $0x1;
	s13 =	sadd.s32 s11, s10;
	[sflag:s9] =	ssyncset.done $0x0  }
0x11: {  	s10 =	simm.s32 $0x2;
	s11 =	sadd.s32 $0x310C00, s13;
	[sflag:s9] =	ssyncadd.s32 $0xFFFFC000  }
0x12: {  	[hbm4b:s11+s2] =	stream.linear.scatter [tilespmem:s7], [sflag:$0x1], $0x4000, $0x38;
	[tilespmem:$0x8100] =	vst v63  }
0x13: {  	s12 =	sadd.s32 $0x311400, s13;
	s13 =	ssub.s32 s14, s31;
	_ =	swait.ge [sflag:s10], $0x4000  }
0x14: {  	s13 =	smax.u32 s13, $0x1;
	[sflag:s10] =	ssyncset.done $0x0  }
0x15: {  	p0 =	sne.s32 s13, $0x1;
	[sflag:s10] =	ssyncadd.s32 $0xFFFFC000  }
0x16: {  	[hbm4b:s12+s2] =	stream.linear.scatter [tilespmem:s8], [sflag:$0x2], $0x4000, $0x38;
	[tilespmem:$0x8100] =	vst v63  }
.Ltmp0:
0x17: {  	_ =	swait.ge [sflag:s9], $0x4000;
	(pc) =	sbr.rel @!p0 .LBB2_2-.Ltmp0, $4  }
0x18: {  	[sflag:s9] =	ssyncset.done $0x0  }
0x19: {  	[sflag:s9] =	ssyncadd.s32 $0xFFFFC000  }
0x1a: {  	_ =	swait.ge [sflag:s10], $0x4000  }
0x1b: {  	s13 =	sadd.s32 $0xFFFFFFFF, s13;
	[sflag:s10] =	ssyncset.done $0x0  }
.LBB2_1:
0x1c: {  	p0 =	sne.s32 s13, $0x1;
	s13 =	sadd.s32 $0xFFFFFFFF, s13;
	[sflag:s10] =	ssyncadd.s32 $0xFFFFC000  }
0x1d: {  	[tilespmem:s2], [sflag:$0x3] =	stream.linear.gather [hbm4b:s3+s2], $0x100, $0x38;
	[tilespmem:$0x8100] =	vst v63  }
0x1e: {  	_ =	swait.ge [sflag:s4], $0x100  }
0x1f: {  	[sflag:s4] =	ssyncset.done $0x0  }
0x20: {  	[sflag:s4] =	ssyncadd.s32 $0xFFFFFF00  }
0x21: {  	[tilespmem:s7], [sflag:$0x1] =	stream.indirect.gather [hbm4b:s5+s6], $0x80, s2, s6, $0xb8;
	[tilespmem:$0x8100] =	vst v63  }
0x22: {  	_ = 	snop  }
0x23: {  	[tilespmem:s8], [sflag:$0x2] =	stream.indirect.gather [hbm4b:s5+s6], $0x80, s6, s6, $0xb8;
	[tilespmem:$0x8100] =	vst v63  }
0x24: {  	_ =	swait.ge [sflag:s9], $0x4000  }
0x25: {  	[sflag:s9] =	ssyncset.done $0x0  }
0x26: {  	[sflag:s9] =	ssyncadd.s32 $0xFFFFC000  }
0x27: {  	[hbm4b:s11+s2] =	stream.linear.scatter [tilespmem:s7], [sflag:$0x1], $0x4000, $0x38;
	[tilespmem:$0x8100] =	vst v63  }
0x28: {  	_ =	swait.ge [sflag:s10], $0x4000  }
0x29: {  	[sflag:s10] =	ssyncset.done $0x0  }
0x2a: {  	[sflag:s10] =	ssyncadd.s32 $0xFFFFC000  }
0x2b: {  	[hbm4b:s12+s2] =	stream.linear.scatter [tilespmem:s8], [sflag:$0x2], $0x4000, $0x38;
	[tilespmem:$0x8100] =	vst v63  }
.Ltmp1:
0x2c: {  	_ =	swait.ge [sflag:s9], $0x4000;
	(pc) =	sbr.rel @p0 .LBB2_1-.Ltmp1, $4  }
0x2d: {  	[sflag:s9] =	ssyncset.done $0x0  }
0x2e: {  	[sflag:s9] =	ssyncadd.s32 $0xFFFFC000  }
0x2f: {  	_ =	swait.ge [sflag:s10], $0x4000  }
0x30: {  	[sflag:s10] =	ssyncset.done $0x0  }
.LBB2_2:
0x31: {  	[sflag:s10] =	ssyncadd.s32 $0xFFFFC000  }
0x32: {  	_ =	sfence.sel $0x180000  }
0x33: {  	[bflag:$0x0] =	sbarrier.arrive $0xFFFF  }
0x34: {  	p0 =	sne.s32 s0, $0x0;
	_ =	strace $0x9000004D  }
0x35: {  	s0 =	sadd.s32 @!p0 $0x100000, s1;
	[bflag:$0x2] =	sbarrier.arrive $0xFFFF  }
0x36: {  	[sflag:s0] =	ssyncadd.tile.s32 @!p0 $0x1;
	_ =	shalt  }
.Lfunc_end2:
_tile_overlayer_lowered:
.L_overlay_start_2:
0x37: {  	(tag) =	ssettag $0x2  }
0x38: {  	s0 =	rddreg [dreg:$0x0];
	s2 =	stileid.u32  }
0x39: {  	s1 =	rddreg [dreg:$0x1];
	p0 =	sne.s32 s2, $0x0  }
0x3a: {  	s3 =	rddreg [dreg:$0x2];
	[bflag:$0x3] =	sbarrier.arrive $0xFFFF;
	s2 =	simm.s32 @!p0 $0x1C03  }
0x3b: {  	[timem:s3], [sflag:s2] =	dma.local @!p0 [hbm:s0], s1  }
0x3c: {  	s0 =	simm.s32 @!p0 $0x3  }
0x3d: {  	_ =	swait.ge @!p0 [sflag:s0], s1  }
0x3e: {  	s1 =	ssub.s32 @!p0 $0x0, s1;
	[sflag:s0] =	ssyncset.done @!p0 $0x0  }
0x3f: {  	[sflag:s0] =	ssyncadd.s32 @!p0 s1  }
0x40: {  	[bflag:$0x3] =	sbarrier.arrive $0xFFFF  }
0x41: {  	_ =	shalt  }

// kernel: kernel.14.cloned.1.call-start
scs
__scs_entry_jumppad:
0x0: {  	(pc) =	sbr.rel $0x88, $3  }
0x1: {  	(tag) =	ssettag $0x0;
	lr =	simm.s32 $0x1  }
0x2: {  	[smem:$0x3F98] =	sst lr;
	_ =	strace $0xD0000000  }
0x3: {  	_ = 	snop  }
0x4: {  	_ = 	snop  }
0x5: {  	_ = 	snop  }
0x6: {  	_ = 	snop  }
0x7: {  	_ = 	snop  }
__scs_overlays_trampoline_lowered:
0x8: {  	[smem:$0x3FA7] =	sst s0  }
0x9: {  	[smem:$0x3FA8] =	sst s1  }
0xa: {  	[smem:$0x3FA9] =	sst s2  }
0xb: {  	[smem:$0x3FAA] =	sst s3  }
0xc: {  	[smem:$0x3FAB] =	sst s4  }
0xd: {  	[smem:$0x3FAC] =	sst s5  }
0xe: {  	[smem:$0x3FAD] =	sst s6  }
0xf: {  	[smem:$0x3FAE] =	sst s7  }
0x10: {  	[smem:$0x3FAF] =	sst s8  }
0x11: {  	[smem:$0x3FB0] =	sst s9;
	s0 =	simm.s32 @!p0 $0x0  }
0x12: {  	s1 =	sld [smem:$0x3F96];
	s0 =	simm.s32 @p0 $0x1  }
0x13: {  	[smem:$0x3FB1] =	sst s0;
	s0 =	simm.s32 @!p1 $0x0  }
0x14: {  	s2 =	sld [smem:$0x3F95];
	s0 =	simm.s32 @p1 $0x1  }
0x15: {  	[smem:$0x3FB2] =	sst s0;
	s0 =	simm.s32 @!p2 $0x0  }
0x16: {  	s3 =	sld [smem:$0x3FDB];
	s0 =	simm.s32 @p2 $0x1  }
0x17: {  	s4 =	simm.s32 $0x1BF5;
	[smem:$0x3FB4] =	sst s0  }
0x18: {  	s0 =	sld [smem:$0x3F97];
	_ =	swait.ge [sflag:s4], $0x0  }
0x19: {  	s7 =	sld [smem:$0x3F98]  }
0x1a: {  	s8 =	sadd.s32 $0xFFFFE003, lr  }
0x1b: {  	s9 =	sadd.s32 $0xFFFFFEF7, lr;
	s5 =	simm.s32 $0xFFFFFFFF;
	p2 =	slt.u32 s8, $0xFFFFF086  }
0x1c: {  	p1 =	slt.u32 s9, $0xF7A;
	s5 =	simm.s32 @!p2 $0x0  }
0x1d: {  	s5 =	simm.s32 @p1 $0x1;
	p0 =	seq.s32 s7, s2  }
0x1e: {  	s7 =	smul.u32 @!p0 $0xF7A, s2;
	p2 =	seq.s32 @!p0 s5, $0x0  }
0x1f: {  	s9 =	smul.u32 $0xF7A, s1;
	s8 =	simm.s32 @!p0 $0x1BF5;
	p2 =	por !p2, p0  }
0x20: {  	[sflag:s8] =	ssyncset.s32 @!p0 $0xFFFFF086;
	s6 =	sadd.s32 @!p0 s3, s7;
	s7 =	simm.s32 @!p0 $0x108  }
0x21: {  	s3 =	sadd.s32 s3, s9;
	s6 =	sadd.s32 @!p0 $0x88, s6;
	s7 =	simm.s32 @p2 $0x1082  }
0x22: {  	[simem:s7], [sflag:s8] =	dma.local @!p0 [hbm:s6], $0xF7A  }
0x23: {  	s9 =	sor.u32 $0xD0000000, s2;
	s6 =	simm.s32 $0x108;
	_ =	swait.ge @!p0 [sflag:s8], $0x0  }
0x24: {  	s3 =	sadd.s32 $0x88, s3;
	s6 =	simm.s32 @!p1 $0x1082;
	[sflag:s4] =	ssyncset.s32 $0xFFFFF086  }
0x25: {  	[simem:s6], [sflag:s4] =	dma.local [hbm:s3], $0xF7A  }
0x26: {  	[smem:$0x3F98] =	sst s1;
	(tag) =	ssettag s2;
	_ =	strace s9  }
0x27: {  	s1 =	sld [smem:$0x3FA8]  }
0x28: {  	s2 =	sld [smem:$0x3FA9]  }
0x29: {  	s4 =	sld [smem:$0x3FAB]  }
0x2a: {  	p0 =	seq.s32 s5, $0x0;
	s5 =	sld [smem:$0x3FAC]  }
0x2b: {  	s6 =	sld [smem:$0x3FAD]  }
0x2c: {  	s7 =	sld [smem:$0x3FAE]  }
0x2d: {  	s3 =	simm.s32 $0x108;
	s8 =	sld [smem:$0x3FAF]  }
0x2e: {  	s3 =	simm.s32 @!p0 $0x1082;
	s9 =	sld [smem:$0x3FB0]  }
0x2f: {  	lr =	sadd.s32 s0, s3;
	s0 =	sld [smem:$0x3FA7]  }
0x30: {  	s3 =	sld [smem:$0x3FAA]  }
0x31: {  	[smem:$0x3FB3] =	sst s10  }
0x32: {  	s10 =	sld [smem:$0x3FB1];
	_ =	sdelay $0x3  }
0x33: {  	p0 =	seq.s32 s10, $0x1;
	s10 =	sld [smem:$0x3FB3];
	_ =	sdelay $0x3  }
0x34: {  	[smem:$0x3FB3] =	sst s10  }
0x35: {  	s10 =	sld [smem:$0x3FB2];
	_ =	sdelay $0x3  }
0x36: {  	p1 =	seq.s32 s10, $0x1;
	s10 =	sld [smem:$0x3FB3];
	_ =	sdelay $0x3  }
0x37: {  	[smem:$0x3FB3] =	sst s10  }
0x38: {  	s10 =	sld [smem:$0x3FB4]  }
0x39: {  	_ = 	snop;
	(pc) =	sbr.ind lr, $3  }
0x3a: {  	_ = 	snop  }
0x3b: {  	_ = 	snop  }
0x3c: {  	p2 =	seq.s32 s10, $0x1;
	s10 =	sld [smem:$0x3FB3]  }
0x3d: {  	_ =	shalt  }
0x3e: {  	_ =	shalt  }
0x3f: {  	_ =	shalt  }
0x40: {  	_ =	shalt  }
0x41: {  	_ =	shalt  }
0x42: {  	_ =	shalt  }
0x43: {  	_ =	shalt  }
0x44: {  	_ =	shalt  }
0x45: {  	_ =	shalt  }
0x46: {  	_ =	shalt  }
0x47: {  	_ =	shalt  }
0x48: {  	_ =	shalt  }
0x49: {  	_ =	shalt  }
0x4a: {  	_ =	shalt  }
0x4b: {  	_ =	shalt  }
0x4c: {  	_ =	shalt  }
0x4d: {  	_ =	shalt  }
0x4e: {  	_ =	shalt  }
0x4f: {  	_ =	shalt  }
0x50: {  	_ =	shalt  }
0x51: {  	_ =	shalt  }
0x52: {  	_ =	shalt  }
0x53: {  	_ =	shalt  }
0x54: {  	_ =	shalt  }
0x55: {  	_ =	shalt  }
0x56: {  	_ =	shalt  }
0x57: {  	_ =	shalt  }
0x58: {  	_ =	shalt  }
0x59: {  	_ =	shalt  }
0x5a: {  	_ =	shalt  }
0x5b: {  	_ =	shalt  }
0x5c: {  	_ =	shalt  }
0x5d: {  	_ =	shalt  }
0x5e: {  	_ =	shalt  }
0x5f: {  	_ =	shalt  }
0x60: {  	_ =	shalt  }
0x61: {  	_ =	shalt  }
0x62: {  	_ =	shalt  }
0x63: {  	_ =	shalt  }
0x64: {  	_ =	shalt  }
0x65: {  	_ =	shalt  }
0x66: {  	_ =	shalt  }
0x67: {  	_ =	shalt  }
0x68: {  	_ =	shalt  }
0x69: {  	_ =	shalt  }
0x6a: {  	_ =	shalt  }
0x6b: {  	_ =	shalt  }
0x6c: {  	_ =	shalt  }
0x6d: {  	_ =	shalt  }
0x6e: {  	_ =	shalt  }
0x6f: {  	_ =	shalt  }
0x70: {  	_ =	shalt  }
0x71: {  	_ =	shalt  }
0x72: {  	_ =	shalt  }
0x73: {  	_ =	shalt  }
0x74: {  	_ =	shalt  }
0x75: {  	_ =	shalt  }
0x76: {  	_ =	shalt  }
0x77: {  	_ =	shalt  }
0x78: {  	_ =	shalt  }
0x79: {  	_ =	shalt  }
0x7a: {  	_ =	shalt  }
0x7b: {  	_ =	shalt  }
0x7c: {  	_ =	shalt  }
0x7d: {  	_ =	shalt  }
0x7e: {  	_ =	shalt  }
0x7f: {  	_ =	shalt  }
0x80: {  	_ =	shalt  }
0x81: {  	_ =	shalt  }
0x82: {  	_ =	shalt  }
0x83: {  	_ =	shalt  }
0x84: {  	_ =	shalt  }
0x85: {  	_ =	shalt  }
0x86: {  	_ =	shalt  }
0x87: {  	_ =	shalt  }
.Lfunc_end0:
.L_simem_size_0:
called_computation.2_lowered:
.L_overlay_start_0:
0x88: {  	s2 =	sld [smem:$0x3FD9]  }
0x89: {  	s3 =	sld [smem:$0x3FFE];
	_ =	sdelay $0x1  }
0x8a: {  	s1 =	srdreg.scid  }
0x8b: {  	s0 =	sand.u32 $0x1, s1  }
0x8c: {  	s17 =	sshll.u32 s0, $0xA;
	s2 =	sadd.s32 s3, s2  }
0x8d: {  	s2 =	sadd.s32 s2, s17  }
0x8e: {  	[smem:$0x3FBF] =	sst s2  }
0x8f: {  	_ = 	snop  }
0x90: {  	s18 =	sld [smem:$0x3FC7]  }
0x91: {  	s4 =	sld [smem:$0x3FC6]  }
0x92: {  	s5 =	sld [smem:$0x3FC5]  }
0x93: {  	s6 =	sld [smem:$0x3FD0];
	(tm) =	ssettm $0x1  }
0x94: {  	s19 =	sld [smem:$0x3FFB];
	_ =	sdelay $0x3  }
0x95: {  	_ =	strace s19  }
0x96: {  	s2 =	sld [smem:$0x3FFC];
	_ =	sdelay $0x3  }
0x97: {  	_ =	strace s2  }
0x98: {  	s2 =	sld [smem:$0x3FFD];
	_ =	sdelay $0x3  }
0x99: {  	_ =	strace s2  }
0x9a: {  	_ =	strace $0x8FFFFFFF  }
0x9b: {  	s20 =	sld [smem:$0x3FDB];
	_ =	sdelay $0x1  }
0x9c: {  	s7 =	simm.s32 $_scs_section_size  }
0x9d: {  	s8 =	simm.s32 $_size__tile_overlayer_lowered;
	s9 =	simm.s32 $_tile_overlayer_lowered  }
0x9e: {  	s10 =	simm.s32 $0x1BFF;
	s21 =	sshll.u32 s9, $0x1;
	s7 =	sadd.s32 s7, s20  }
0x9f: {  	s22 =	simm.s32 $0x0;
	s8 =	sshll.u32 s8, $0x1;
	s9 =	sadd.s32 s21, s7  }
0xa0: {  	[timem:s22], [sflag:s10] =	dma.local [hbm:s9], s8  }
0xa1: {  	_ =	swait.ge [sflag:s10], s8  }
0xa2: {  	s8 =	ssub.s32 $0x0, s8;
	[sflag:s10] =	ssyncset.done $0x0  }
0xa3: {  	[sflag:s10] =	ssyncadd.s32 s8;
	_ =	sdelay $0x1  }
0xa4: {  	s23 =	simm.s32 $0x1B8B  }
0xa5: {  	_ =	swait.ge [sflag:s23], $0x1  }
0xa6: {  	[sflag:s23] =	ssyncset.done $0x0  }
0xa7: {  	[sflag:s23] =	ssyncadd.s32 $0xFFFFFFFF  }
0xa8: {  	s8 =	sld [smem:$0x0]  }
0xa9: {  	s9 =	sand.u32 $0xFFFFFFFE, s1  }
0xaa: {  	p0 =	sne.s32 s1, s9  }
0xab: {  	s9 =	sshll.u32 @p0 s9, $0xE  }
0xac: {  	s9 =	sadd.s32 @p0 $0x11B8D, s9;
	s10 =	sshll.u32 @p0 s8, $0x11  }
0xad: {  	s9 =	sor.u32 @p0 s10, s9  }
0xae: {  	[sflag:s9] =	ssyncadd.remote.s32 @p0 $0x1;
	_ =	sdelay $0x1  }
0xaf: {  	s9 =	simm.s32 @p0 $0x1B8D  }
0xb0: {  	_ =	swait.eq @p0 [sflag:s9], $0x1  }
0xb1: {  	[sflag:s9] =	ssyncadd.s32 @p0 $0xFFFFFFFF  }
0xb2: {  	s10 =	sshll.u32 @!p0 s1, $0xE  }
0xb3: {  	s10 =	sor.u32 @!p0 $0x4000, s10;
	s9 =	simm.s32 @!p0 $0x1B8D  }
0xb4: {  	s8 =	sshll.u32 @!p0 s8, $0x11;
	s10 =	sadd.s32 @!p0 $0x11B8D, s10;
	_ =	swait.eq @!p0 [sflag:s9], $0x1  }
0xb5: {  	s8 =	sor.u32 @!p0 s8, s10;
	[sflag:s9] =	ssyncadd.s32 @!p0 $0xFFFFFFFF  }
0xb6: {  	s25 =	simm.s32 $0x1B8E;
	s24 =	sld [smem:$0x3FFE];
	[sflag:s8] =	ssyncadd.remote.s32 @!p0 $0x1  }
0xb7: {  	s26 =	simm.s32 $execute0_lowered;
	[smem:$0x3FD2] =	sst s25  }
0xb8: {  	s9 =	sshll.u32 s26, $0x1;
	_ =	strace $0x80000049;
	[dreg:$0x1] =	wrdreg $0xFFFFFFFF  }
0xb9: {  	s28 =	simm.s32 $_size_execute0_lowered;
	s7 =	sadd.s32 s7, s9;
	[dreg:$0x0] =	wrdreg $0x0  }
0xba: {  	s9 =	sshll.u32 s28, $0x1;
	[dreg:$0x2] =	wrdreg s7  }
0xbb: {  	[dreg:$0x3] =	wrdreg s9  }
0xbc: {  	[dreg:$0x4] =	wrdreg $0xC0  }
0xbd: {  	_ =	task [dreg:s22], $0x5FFFF  }
0xbe: {  	[dreg:$0x1] =	wrdreg $0xFFFFFFFF  }
0xbf: {  	[dreg:$0x0] =	wrdreg $0x60  }
0xc0: {  	[dreg:$0x2] =	wrdreg s6  }
0xc1: {  	[dreg:$0x3] =	wrdreg s18  }
0xc2: {  	[dreg:$0x4] =	wrdreg s4  }
0xc3: {  	[dreg:$0x5] =	wrdreg s5  }
0xc4: {  	[dreg:$0x6] =	wrdreg s24  }
0xc5: {  	[dreg:$0x7] =	wrdreg $0xB  }
0xc6: {  	_ =	task.clear_ibuf [dreg:s22], $0x8FFFF;
	_ =	strace $0x90000049  }
0xc7: {  	s29 =	simm.s32 $0xB;
	_ =	strace $0x8000004B  }
0xc8: {  	_ =	swait.ge [sflag:s29], $0x1  }
0xc9: {  	[sflag:s29] =	ssyncadd.s32 $0xFFFFFFFF  }
0xca: {  	_ =	strace $0x9000004B  }
0xcb: {  	_ =	sfence  }
0xcc: {  	s30 =	sld [smem:$0x0];
	_ =	sdelay $0x2  }
0xcd: {  	s31 =	sshll.u32 s1, $0xD;
	s1 =	sshrl.u32 s1, $0x2  }
0xce: {  	s4 =	sand.u32 $0x4000, s31;
	s1 =	sadd.s32 s1, s30  }
0xcf: {  	s0 =	sor.u32 s4, s0;
	s1 =	sshll.u32 s1, $0x11  }
0xd0: {  	s0 =	sor.u32 s1, s0  }
0xd1: {  	s0 =	sadd.s32 $0x8F2B, s0  }
0xd2: {  	[sflag:s0] =	ssyncadd.remote.s32 $0x1  }
0xd3: {  	_ =	sfence.sel $0xFFFF  }
0xd4: {  	[dreg:$0x0] =	wrdreg $0xFFFFFFFF;
	(pc) =	sbr.abs _section_cstart, $3  }
0xd5: {  	[dreg:$0x1] =	wrdreg $0xFFFFFFFF  }
0xd6: {  	_ =	task.clear_ibuf [dreg:s22], $0x2FFFF;
	_ =	strace $0x9FFFFFFF  }
0xd7: {  	(tm) =	ssettm $0x7FFFFFFF  }
tec
execute0_lowered:
.L_overlay_start_1:
0x0: {  	(tag) =	ssettag $0x1  }
0x1: {  	s0 =	rddreg [dreg:$0x0]  }
0x2: {  	s1 =	rddreg [dreg:$0x1]  }
0x3: {  	s3 =	srdreg.scid;
	s4 =	rddreg [dreg:$0x3]  }
0x4: {  	s5 =	stileid.u32;
	s8 =	rddreg [dreg:$0x4]  }
0x5: {  	s7 =	sand.u32 $0x1, s3;
	s30 =	sshll.u32 s5, $0x9;
	s5 =	simm.s32 $0x0  }
0x6: {  	s3 =	sadd.s32 $0x43800, s8;
	s31 =	sshll.u32 s7, $0x8;
	[smem:$0x7FF] =	sst s5  }
0x7: {  	s7 =	ssub.s32 $0x2, s7;
	s9 =	sor.u32 s31, s30;
	_ =	strace $0x8000004A  }
0x8: {  	s6 =	sshrl.u32 s9, $0x3;
	s2 =	sshll.u32 s9, $0x6;
	s9 =	sshll.u32 s9, $0x4  }
0x9: {  	s0 =	sadd.s32 s6, s0;
	s11 =	smul.u32 $0x300, s6;
	s16 =	sor.u32 $0x8, s6  }
0xa: {  	s21 =	sor.u32 $0xC, s6;
	s26 =	sor.u32 $0x10, s6;
	s10 =	sadd.s32 $0x400, s0  }
0xb: {  	s0 =	sadd.s32 $0x23800, s8;
	s8 =	sadd.s32 $0xC3800, s8;
	s17 =	sshll.u32 s16, $0x9  }
0xc: {  	s18 =	sshll.u32 s16, $0x7;
	[dreg:$0x6] =	wrdreg s10;
	s10 =	sadd.s32 s3, s2  }
0xd: {  	s22 =	sshll.u32 s21, $0x9;
	s9 =	sadd.s32 s0, s9;
	[dreg:$0x7] =	wrdreg s10  }
0xe: {  	s23 =	sshll.u32 s21, $0x7;
	s19 =	sadd.s32 s0, s18;
	[dreg:$0x8] =	wrdreg s9  }
0xf: {  	s29 =	sshll.u32 s26, $0x7;
	s24 =	sadd.s32 s0, s23;
	[dreg:$0xe] =	wrdreg s19  }
0x10: {  	s28 =	sshll.u32 s26, $0x9;
	s30 =	sadd.s32 s0, s29;
	[dreg:$0x11] =	wrdreg s24  }
0x11: {  	s29 =	simm.s32 $0xA0;
	s10 =	sadd.s32 s8, s11;
	[dreg:$0x14] =	wrdreg s30  }
0x12: {  	s11 =	sor.u32 $0x4, s6;
	[smem:$0x7FB] =	sst s29;
	s30 =	simm.s32 $0xC0  }
0x13: {  	[dreg:$0x9] =	wrdreg s10;
	s12 =	sshll.u32 s11, $0x9;
	s13 =	sshll.u32 s11, $0x7  }
0x14: {  	s10 =	smul.u32 $0x300, s11;
	[smem:$0x7FC] =	sst s30;
	s9 =	sadd.s32 s3, s12  }
0x15: {  	s2 =	sor.u32 $0x14, s6;
	s14 =	sadd.s32 s0, s13;
	[dreg:$0xa] =	wrdreg s9  }
0x16: {  	s11 =	sshll.u32 s2, $0x9;
	[dreg:$0xb] =	wrdreg s14;
	s15 =	sadd.s32 s8, s10  }
0x17: {  	s12 =	sshll.u32 s2, $0x7;
	s9 =	sadd.s32 s3, s17;
	[dreg:$0xc] =	wrdreg s15  }
0x18: {  	s10 =	smul.u32 $0x300, s16;
	s13 =	sadd.s32 s0, s12;
	[dreg:$0xd] =	wrdreg s9  }
0x19: {  	s12 =	sshrl.u32 s7, $0x1;
	s9 =	sadd.s32 s3, s22;
	[dreg:$0x17] =	wrdreg s13  }
0x1a: {  	s15 =	sor.u32 $0x18, s6;
	s20 =	sadd.s32 s8, s10;
	[dreg:$0x10] =	wrdreg s9  }
0x1b: {  	s6 =	sor.u32 $0x1C, s6;
	s9 =	sadd.s32 s3, s28;
	[dreg:$0xf] =	wrdreg s20  }
0x1c: {  	s10 =	smul.u32 $0x300, s21;
	s28 =	simm.s32 $0x80;
	[dreg:$0x13] =	wrdreg s9  }
0x1d: {  	s17 =	sshll.u32 s15, $0x7;
	s9 =	sadd.s32 s3, s11;
	[smem:$0x7FA] =	sst s28  }
0x1e: {  	s22 =	sshll.u32 s6, $0x7;
	s18 =	sadd.s32 s0, s17;
	[dreg:$0x16] =	wrdreg s9  }
0x1f: {  	s16 =	sshll.u32 s15, $0x9;
	s0 =	sadd.s32 s0, s22;
	[dreg:$0x1a] =	wrdreg s18  }
0x20: {  	s21 =	sshll.u32 s6, $0x9;
	s25 =	sadd.s32 s8, s10;
	[dreg:$0x1d] =	wrdreg s0  }
0x21: {  	s23 =	smul.u32 $0x300, s6;
	s9 =	sadd.s32 s3, s16;
	[dreg:$0x12] =	wrdreg s25  }
0x22: {  	s6 =	sadd.s32 $0x100, s1;
	s3 =	sadd.s32 s3, s21;
	[dreg:$0x19] =	wrdreg s9  }
0x23: {  	s20 =	ssub.s32 s7, s12;
	s24 =	sadd.s32 s8, s23;
	[dreg:$0x1c] =	wrdreg s3  }
0x24: {  	s10 =	smul.u32 $0x300, s26;
	s26 =	simm.s32 $0x60;
	[dreg:$0x1e] =	wrdreg s24  }
0x25: {  	s7 =	sadd.s32 $0x100, s4;
	s25 =	simm.s32 $0x40;
	[smem:$0x7F9] =	sst s26  }
0x26: {  	s31 =	sadd.s32 s8, s10;
	s10 =	smul.u32 $0x300, s2;
	[dreg:$0x1f] =	wrdreg s25  }
0x27: {  	s17 =	simm.s32 $0x3;
	s16 =	simm.s32 $0x2;
	[dreg:$0x15] =	wrdreg s31  }
0x28: {  	s31 =	simm.s32 $0xE0;
	s14 =	sadd.s32 s8, s10;
	s10 =	smul.u32 $0x300, s15  }
0x29: {  	v2 =	vlaneseq.u32;
	s18 =	simm.s32 $0x4;
	s9 =	smax.u32 s20, $0x1;
	[smem:$0x7FD] =	sst s31  }
0x2a: {  	vm0 =	vmmov $0xffff;
	v1 =	vshrl.u32 v2, $0x3;
	s24 =	simm.s32 $0xF100;
	[dreg:$0x18] =	wrdreg s14;
	s19 =	sadd.s32 s8, s10  }
0x2b: {  	v0 =	vand.u32 $0x7, v2;
	v2 =	vor.u32 $0x8, v2;
	v1 =	vmul.u32 $0x8, v1;
	s8 =	sadd.s32 $0x200, s4;
	s10 =	simm.s32 $0x1;
	[dreg:$0x1b] =	wrdreg s19  }
.LBB2_1:
0x2c: {  	s22 =	rddreg [dreg:$0x6];
	s0 =	simm.s32 $0x5  }
0x2d: {  	[tilespmem:s5], [sflag:$0x5] =	stream.linear.gather [hbm4b:s22+s5], $0x100, $0x38;
	[tilespmem:$0x16100] =	vst v63  }
0x2e: {  	_ =	swait.ge [sflag:s0], $0x100  }
0x2f: {  	[sflag:s0] =	ssyncset.done $0x0  }
0x30: {  	[sflag:s0] =	ssyncadd.s32 $0xFFFFFF00  }
0x31: {  	v3 =	vld [tilespmem:$0x0];
	_ =	sdelay $0x4  }
0x32: {  	v4 =	vshll.u32 v3, $0x2  }
0x33: {  	v3 =	vand.u32 $0x7, v3;
	v4 =	vand.u32 $0xFFFFFFE0, v4  }
0x34: {  	v3 =	vor.u32 v3, v4  }
0x35: {  	v4 =	vperm.xlane v3, v0;
	_ =	sdelay $0x1  }
0x36: {  	v4 =	vadd.s32 v1, v4;
	_ =	sdelay $0x1  }
0x37: {  	v3 =	vperm.xlane v3, v2;
	_ =	sdelay $0x1  }
0x38: {  	s0 =	simm.s32 $0x100;
	v3 =	vadd.s32 v1, v3  }
0x39: {  	[tilespmem:s0], [sflag:$0x1] =	stream.indirect_vreg.gather [hbm4b:s1+s5], $0x80, v4, vm0, $0xb8;
	[tilespmem:$0x16100] =	vst v63  }
0x3a: {  	s2 =	simm.s32 $0x900  }
0x3b: {  	[tilespmem:s2], [sflag:$0x1] =	stream.indirect_vreg.gather [hbm4b:s6+s5], $0x80, v4, vm0, $0xb8;
	[tilespmem:$0x16100] =	vst v63  }
0x3c: {  	s3 =	simm.s32 $0x1100  }
0x3d: {  	[tilespmem:s3], [sflag:$0x1] =	stream.indirect_vreg.gather [hbm4b:s1+s5], $0x80, v3, vm0, $0xb8;
	[tilespmem:$0x16100] =	vst v63  }
0x3e: {  	s11 =	simm.s32 $0x1900  }
0x3f: {  	[tilespmem:s11], [sflag:$0x1] =	stream.indirect_vreg.gather [hbm4b:s6+s5], $0x80, v3, vm0, $0xb8;
	[tilespmem:$0x16100] =	vst v63  }
0x40: {  	v3 =	vld [tilespmem:$0x10];
	_ =	sdelay $0x4  }
0x41: {  	v33 =	vshll.u32 v3, $0x2  }
0x42: {  	v3 =	vand.u32 $0x7, v3;
	v4 =	vand.u32 $0xFFFFFFE0, v33  }
0x43: {  	v3 =	vor.u32 v3, v4  }
0x44: {  	v4 =	vperm.xlane v3, v0;
	_ =	sdelay $0x1  }
0x45: {  	v4 =	vadd.s32 v1, v4;
	_ =	sdelay $0x1  }
0x46: {  	v3 =	vperm.xlane v3, v2;
	_ =	sdelay $0x1  }
0x47: {  	s13 =	simm.s32 $0x2100;
	v3 =	vadd.s32 v1, v3  }
0x48: {  	[tilespmem:s13], [sflag:$0x1] =	stream.indirect_vreg.gather [hbm4b:s1+s5], $0x80, v4, vm0, $0xb8;
	[tilespmem:$0x16100] =	vst v63  }
0x49: {  	s14 =	simm.s32 $0x2900  }
0x4a: {  	[tilespmem:s14], [sflag:$0x1] =	stream.indirect_vreg.gather [hbm4b:s6+s5], $0x80, v4, vm0, $0xb8;
	[tilespmem:$0x16100] =	vst v63  }
0x4b: {  	s15 =	simm.s32 $0x3100  }
0x4c: {  	[tilespmem:s15], [sflag:$0x1] =	stream.indirect_vreg.gather [hbm4b:s1+s5], $0x80, v3, vm0, $0xb8;
	[tilespmem:$0x16100] =	vst v63  }
0x4d: {  	s19 =	simm.s32 $0x3900  }
0x4e: {  	[tilespmem:s19], [sflag:$0x1] =	stream.indirect_vreg.gather [hbm4b:s6+s5], $0x80, v3, vm0, $0xb8;
	[tilespmem:$0x16100] =	vst v63  }
0x4f: {  	s20 =	simm.s32 $0x4100;
	s2 =	simm.s32 $0x20;
	s11 =	rddreg [dreg:$0x2]  }
0x50: {  	[tilespmem:s20], [sflag:$0x1] =	stream.indirect.gather [hbm4b:s11+s2], $0x80, s5, s2, $0xb8;
	[tilespmem:$0x16100] =	vst v63  }
0x51: {  	v3 =	vld [tilespmem:$0x0];
	_ =	sdelay $0x4  }
0x52: {  	v34 =	vshrl.u32 v3, $0x3  }
0x53: {  	v4 =	vmul.u32 $0x30, v34  }
0x54: {  	v3 =	vand.u32 $0x7, v3  }
0x55: {  	v3 =	vor.u32 v3, v4  }
0x56: {  	v4 =	vperm.xlane v3, v0;
	_ =	sdelay $0x1  }
0x57: {  	v4 =	vadd.s32 v1, v4;
	_ =	sdelay $0x3  }
0x58: {  	s21 =	simm.s32 $0x5100;
	v3 =	vperm.xlane v3, v2  }
0x59: {  	[tilespmem:s21], [sflag:$0x1] =	stream.indirect_vreg.gather [hbm4b:s4+s5], $0x80, v4, vm0, $0xb8;
	[tilespmem:$0x16100] =	vst v63  }
0x5a: {  	s22 =	simm.s32 $0x5900;
	v3 =	vadd.s32 v1, v3  }
0x5b: {  	[tilespmem:s22], [sflag:$0x1] =	stream.indirect_vreg.gather [hbm4b:s7+s5], $0x80, v4, vm0, $0xb8;
	[tilespmem:$0x16100] =	vst v63  }
0x5c: {  	s23 =	simm.s32 $0x6100  }
0x5d: {  	[tilespmem:s23], [sflag:$0x1] =	stream.indirect_vreg.gather [hbm4b:s8+s5], $0x80, v4, vm0, $0xb8;
	[tilespmem:$0x16100] =	vst v63  }
0x5e: {  	s25 =	simm.s32 $0x6900  }
0x5f: {  	[tilespmem:s25], [sflag:$0x1] =	stream.indirect_vreg.gather [hbm4b:s4+s5], $0x80, v3, vm0, $0xb8;
	[tilespmem:$0x16100] =	vst v63  }
0x60: {  	s26 =	simm.s32 $0x7100  }
0x61: {  	[tilespmem:s26], [sflag:$0x1] =	stream.indirect_vreg.gather [hbm4b:s7+s5], $0x80, v3, vm0, $0xb8;
	[tilespmem:$0x16100] =	vst v63  }
0x62: {  	s0 =	simm.s32 $0x7900  }
0x63: {  	[tilespmem:s0], [sflag:$0x1] =	stream.indirect_vreg.gather [hbm4b:s8+s5], $0x80, v3, vm0, $0xb8;
	[tilespmem:$0x16100] =	vst v63  }
0x64: {  	v3 =	vld [tilespmem:$0x10];
	_ =	sdelay $0x4  }
0x65: {  	v35 =	vshrl.u32 v3, $0x3  }
0x66: {  	v4 =	vmul.u32 $0x30, v35  }
0x67: {  	v3 =	vand.u32 $0x7, v3  }
0x68: {  	v3 =	vor.u32 v3, v4  }
0x69: {  	v4 =	vperm.xlane v3, v0;
	_ =	sdelay $0x1  }
0x6a: {  	v4 =	vadd.s32 v1, v4;
	_ =	sdelay $0x3  }
0x6b: {  	s14 =	simm.s32 $0x8100;
	v3 =	vperm.xlane v3, v2  }
0x6c: {  	[tilespmem:s14], [sflag:$0x1] =	stream.indirect_vreg.gather [hbm4b:s4+s5], $0x80, v4, vm0, $0xb8;
	[tilespmem:$0x16100] =	vst v63  }
0x6d: {  	s15 =	simm.s32 $0x8900;
	v3 =	vadd.s32 v1, v3  }
0x6e: {  	[tilespmem:s15], [sflag:$0x1] =	stream.indirect_vreg.gather [hbm4b:s7+s5], $0x80, v4, vm0, $0xb8;
	[tilespmem:$0x16100] =	vst v63  }
0x6f: {  	s19 =	simm.s32 $0x9100  }
0x70: {  	[tilespmem:s19], [sflag:$0x1] =	stream.indirect_vreg.gather [hbm4b:s8+s5], $0x80, v4, vm0, $0xb8;
	[tilespmem:$0x16100] =	vst v63  }
0x71: {  	s20 =	simm.s32 $0x9900  }
0x72: {  	[tilespmem:s20], [sflag:$0x1] =	stream.indirect_vreg.gather [hbm4b:s4+s5], $0x80, v3, vm0, $0xb8;
	[tilespmem:$0x16100] =	vst v63  }
0x73: {  	s21 =	simm.s32 $0xA100  }
0x74: {  	[tilespmem:s21], [sflag:$0x1] =	stream.indirect_vreg.gather [hbm4b:s7+s5], $0x80, v3, vm0, $0xb8;
	[tilespmem:$0x16100] =	vst v63  }
0x75: {  	s22 =	simm.s32 $0xA900  }
0x76: {  	[tilespmem:s22], [sflag:$0x1] =	stream.indirect_vreg.gather [hbm4b:s8+s5], $0x80, v3, vm0, $0xb8;
	[tilespmem:$0x16100] =	vst v63  }
0x77: {  	_ =	swait.ge [sflag:s10], $0x4000  }
0x78: {  	[sflag:s10] =	ssyncset.done $0x0  }
0x79: {  	[sflag:s10] =	ssyncadd.s32 $0xFFFFC000  }
0x7a: {  	_ =	swait.ge [sflag:s10], $0x1000  }
0x7b: {  	[sflag:s10] =	ssyncset.done $0x0  }
0x7c: {  	[sflag:s10] =	ssyncadd.s32 $0xFFFFF000  }
0x7d: {  	_ =	swait.ge [sflag:s10], $0x6000  }
0x7e: {  	[sflag:s10] =	ssyncset.done $0x0  }
0x7f: {  	[sflag:s10] =	ssyncadd.s32 $0xFFFFA000  }
0x80: {  	v3 =	vld [tilespmem:$0x20];
	_ =	sdelay $0x4  }
0x81: {  	v36 =	vshll.u32 v3, $0x2  }
0x82: {  	v3 =	vand.u32 $0x7, v3;
	v4 =	vand.u32 $0xFFFFFFE0, v36  }
0x83: {  	v3 =	vor.u32 v3, v4  }
0x84: {  	v4 =	vperm.xlane v3, v0;
	_ =	sdelay $0x1  }
0x85: {  	v4 =	vadd.s32 v1, v4;
	_ =	sdelay $0x1  }
0x86: {  	v3 =	vperm.xlane v3, v2;
	_ =	sdelay $0x1  }
0x87: {  	s25 =	simm.s32 $0xB100;
	v3 =	vadd.s32 v1, v3  }
0x88: {  	[tilespmem:s25], [sflag:$0x2] =	stream.indirect_vreg.gather [hbm4b:s1+s5], $0x80, v4, vm0, $0xb8;
	[tilespmem:$0x16100] =	vst v63  }
0x89: {  	s0 =	simm.s32 $0xB900  }
0x8a: {  	[tilespmem:s0], [sflag:$0x2] =	stream.indirect_vreg.gather [hbm4b:s6+s5], $0x80, v4, vm0, $0xb8;
	[tilespmem:$0x16100] =	vst v63  }
0x8b: {  	s14 =	simm.s32 $0xC100  }
0x8c: {  	[tilespmem:s14], [sflag:$0x2] =	stream.indirect_vreg.gather [hbm4b:s1+s5], $0x80, v3, vm0, $0xb8;
	[tilespmem:$0x16100] =	vst v63  }
0x8d: {  	s15 =	simm.s32 $0xC900  }
0x8e: {  	[tilespmem:s15], [sflag:$0x2] =	stream.indirect_vreg.gather [hbm4b:s6+s5], $0x80, v3, vm0, $0xb8;
	[tilespmem:$0x16100] =	vst v63  }
0x8f: {  	v3 =	vld [tilespmem:$0x30];
	_ =	sdelay $0x4  }
0x90: {  	v37 =	vshll.u32 v3, $0x2  }
0x91: {  	v3 =	vand.u32 $0x7, v3;
	v4 =	vand.u32 $0xFFFFFFE0, v37  }
0x92: {  	v3 =	vor.u32 v3, v4  }
0x93: {  	v4 =	vperm.xlane v3, v0;
	_ =	sdelay $0x1  }
0x94: {  	v4 =	vadd.s32 v1, v4;
	_ =	sdelay $0x1  }
0x95: {  	v3 =	vperm.xlane v3, v2;
	_ =	sdelay $0x1  }
0x96: {  	s19 =	simm.s32 $0xD100;
	v3 =	vadd.s32 v1, v3  }
0x97: {  	[tilespmem:s19], [sflag:$0x2] =	stream.indirect_vreg.gather [hbm4b:s1+s5], $0x80, v4, vm0, $0xb8;
	[tilespmem:$0x16100] =	vst v63  }
0x98: {  	s21 =	simm.s32 $0xD900  }
0x99: {  	[tilespmem:s21], [sflag:$0x2] =	stream.indirect_vreg.gather [hbm4b:s6+s5], $0x80, v4, vm0, $0xb8;
	[tilespmem:$0x16100] =	vst v63  }
0x9a: {  	s22 =	simm.s32 $0xE100  }
0x9b: {  	[tilespmem:s22], [sflag:$0x2] =	stream.indirect_vreg.gather [hbm4b:s1+s5], $0x80, v3, vm0, $0xb8;
	[tilespmem:$0x16100] =	vst v63  }
0x9c: {  	s25 =	simm.s32 $0xE900  }
0x9d: {  	[tilespmem:s25], [sflag:$0x2] =	stream.indirect_vreg.gather [hbm4b:s6+s5], $0x80, v3, vm0, $0xb8;
	[tilespmem:$0x16100] =	vst v63  }
0x9e: {  	s3 =	simm.s32 $0x20  }
0x9f: {  	[tilespmem:s24], [sflag:$0x2] =	stream.indirect.gather [hbm4b:s11+s3], $0x80, s3, s3, $0xb8;
	[tilespmem:$0x16100] =	vst v63  }
0xa0: {  	v3 =	vld [tilespmem:$0x20];
	_ =	sdelay $0x4  }
0xa1: {  	v38 =	vshrl.u32 v3, $0x3  }
0xa2: {  	v4 =	vmul.u32 $0x30, v38  }
0xa3: {  	v3 =	vand.u32 $0x7, v3  }
0xa4: {  	v3 =	vor.u32 v3, v4  }
0xa5: {  	v4 =	vperm.xlane v3, v0;
	_ =	sdelay $0x1  }
0xa6: {  	v4 =	vadd.s32 v1, v4;
	_ =	sdelay $0x3  }
0xa7: {  	s3 =	simm.s32 $0x10100;
	v3 =	vperm.xlane v3, v2  }
0xa8: {  	[tilespmem:s3], [sflag:$0x2] =	stream.indirect_vreg.gather [hbm4b:s4+s5], $0x80, v4, vm0, $0xb8;
	[tilespmem:$0x16100] =	vst v63  }
0xa9: {  	s0 =	simm.s32 $0x10900;
	v3 =	vadd.s32 v1, v3  }
0xaa: {  	[tilespmem:s0], [sflag:$0x2] =	stream.indirect_vreg.gather [hbm4b:s7+s5], $0x80, v4, vm0, $0xb8;
	[tilespmem:$0x16100] =	vst v63  }
0xab: {  	s2 =	simm.s32 $0x11100  }
0xac: {  	[tilespmem:s2], [sflag:$0x2] =	stream.indirect_vreg.gather [hbm4b:s8+s5], $0x80, v4, vm0, $0xb8;
	[tilespmem:$0x16100] =	vst v63  }
0xad: {  	s14 =	simm.s32 $0x11900  }
0xae: {  	[tilespmem:s14], [sflag:$0x2] =	stream.indirect_vreg.gather [hbm4b:s4+s5], $0x80, v3, vm0, $0xb8;
	[tilespmem:$0x16100] =	vst v63  }
0xaf: {  	s15 =	simm.s32 $0x12100  }
0xb0: {  	[tilespmem:s15], [sflag:$0x2] =	stream.indirect_vreg.gather [hbm4b:s7+s5], $0x80, v3, vm0, $0xb8;
	[tilespmem:$0x16100] =	vst v63  }
0xb1: {  	s19 =	simm.s32 $0x12900  }
0xb2: {  	[tilespmem:s19], [sflag:$0x2] =	stream.indirect_vreg.gather [hbm4b:s8+s5], $0x80, v3, vm0, $0xb8;
	[tilespmem:$0x16100] =	vst v63  }
0xb3: {  	v3 =	vld [tilespmem:$0x30];
	_ =	sdelay $0x4  }
0xb4: {  	v39 =	vshrl.u32 v3, $0x3  }
0xb5: {  	v4 =	vmul.u32 $0x30, v39  }
0xb6: {  	v3 =	vand.u32 $0x7, v3  }
0xb7: {  	v3 =	vor.u32 v3, v4  }
0xb8: {  	v4 =	vperm.xlane v3, v0;
	_ =	sdelay $0x1  }
0xb9: {  	v4 =	vadd.s32 v1, v4;
	_ =	sdelay $0x3  }
0xba: {  	s21 =	simm.s32 $0x13100;
	v3 =	vperm.xlane v3, v2  }
0xbb: {  	[tilespmem:s21], [sflag:$0x2] =	stream.indirect_vreg.gather [hbm4b:s4+s5], $0x80, v4, vm0, $0xb8;
	[tilespmem:$0x16100] =	vst v63  }
0xbc: {  	s25 =	simm.s32 $0x13900;
	v3 =	vadd.s32 v1, v3  }
0xbd: {  	[tilespmem:s25], [sflag:$0x2] =	stream.indirect_vreg.gather [hbm4b:s7+s5], $0x80, v4, vm0, $0xb8;
	[tilespmem:$0x16100] =	vst v63  }
0xbe: {  	s0 =	simm.s32 $0x14100  }
0xbf: {  	[tilespmem:s0], [sflag:$0x2] =	stream.indirect_vreg.gather [hbm4b:s8+s5], $0x80, v4, vm0, $0xb8;
	[tilespmem:$0x16100] =	vst v63  }
0xc0: {  	s2 =	simm.s32 $0x14900  }
0xc1: {  	[tilespmem:s2], [sflag:$0x2] =	stream.indirect_vreg.gather [hbm4b:s4+s5], $0x80, v3, vm0, $0xb8;
	[tilespmem:$0x16100] =	vst v63  }
0xc2: {  	s14 =	simm.s32 $0x15100  }
0xc3: {  	[tilespmem:s14], [sflag:$0x2] =	stream.indirect_vreg.gather [hbm4b:s7+s5], $0x80, v3, vm0, $0xb8;
	[tilespmem:$0x16100] =	vst v63  }
0xc4: {  	s25 =	simm.s32 $0x15900  }
0xc5: {  	[tilespmem:s25], [sflag:$0x2] =	stream.indirect_vreg.gather [hbm4b:s8+s5], $0x80, v3, vm0, $0xb8;
	[tilespmem:$0x16100] =	vst v63  }
0xc6: {  	s15 =	rddreg [dreg:$0x7];
	s21 =	simm.s32 $0x100  }
0xc7: {  	[hbm4b:s15+s5] =	stream.linear.scatter [tilespmem:s21], [sflag:$0x3], $0x4000, $0x38;
	[tilespmem:$0x16100] =	vst v63  }
0xc8: {  	s19 =	rddreg [dreg:$0x8];
	s15 =	simm.s32 $0x4100  }
0xc9: {  	[hbm4b:s19+s5] =	stream.linear.scatter [tilespmem:s15], [sflag:$0x3], $0x1000, $0x38;
	[tilespmem:$0x16100] =	vst v63  }
0xca: {  	s0 =	rddreg [dreg:$0x9];
	s25 =	simm.s32 $0x5100  }
0xcb: {  	[hbm4b:s0+s5] =	stream.linear.scatter [tilespmem:s25], [sflag:$0x3], $0x6000, $0x38;
	[tilespmem:$0x16100] =	vst v63  }
0xcc: {  	_ =	swait.ge [sflag:s16], $0x4000  }
0xcd: {  	[sflag:s16] =	ssyncset.done $0x0  }
0xce: {  	[sflag:s16] =	ssyncadd.s32 $0xFFFFC000  }
0xcf: {  	_ =	swait.ge [sflag:s16], $0x1000  }
0xd0: {  	[sflag:s16] =	ssyncset.done $0x0  }
0xd1: {  	[sflag:s16] =	ssyncadd.s32 $0xFFFFF000  }
0xd2: {  	_ =	swait.ge [sflag:s16], $0x6000  }
0xd3: {  	[sflag:s16] =	ssyncset.done $0x0  }
0xd4: {  	[sflag:s16] =	ssyncadd.s32 $0xFFFFA000  }
0xd5: {  	_ =	swait.ge [sflag:s17], $0x4000  }
0xd6: {  	[sflag:s17] =	ssyncset.done $0x0  }
0xd7: {  	[sflag:s17] =	ssyncadd.s32 $0xFFFFC000  }
0xd8: {  	_ =	swait.ge [sflag:s17], $0x1000  }
0xd9: {  	[sflag:s17] =	ssyncset.done $0x0  }
0xda: {  	[sflag:s17] =	ssyncadd.s32 $0xFFFFF000  }
0xdb: {  	_ =	swait.ge [sflag:s17], $0x6000  }
0xdc: {  	[sflag:s17] =	ssyncset.done $0x0  }
0xdd: {  	[sflag:s17] =	ssyncadd.s32 $0xFFFFA000  }
0xde: {  	v3 =	vld [tilespmem:$0x40];
	_ =	sdelay $0x4  }
0xdf: {  	v40 =	vshll.u32 v3, $0x2  }
0xe0: {  	v3 =	vand.u32 $0x7, v3;
	v4 =	vand.u32 $0xFFFFFFE0, v40  }
0xe1: {  	v3 =	vor.u32 v3, v4  }
0xe2: {  	v4 =	vperm.xlane v3, v0;
	_ =	sdelay $0x1  }
0xe3: {  	v4 =	vadd.s32 v1, v4;
	_ =	sdelay $0x1  }
0xe4: {  	v3 =	vperm.xlane v3, v2;
	_ =	sdelay $0x1  }
0xe5: {  	v3 =	vadd.s32 v1, v3  }
0xe6: {  	[tilespmem:s21], [sflag:$0x1] =	stream.indirect_vreg.gather [hbm4b:s1+s5], $0x80, v4, vm0, $0xb8;
	[tilespmem:$0x16100] =	vst v63  }
0xe7: {  	s12 =	simm.s32 $0x900  }
0xe8: {  	[tilespmem:s12], [sflag:$0x1] =	stream.indirect_vreg.gather [hbm4b:s6+s5], $0x80, v4, vm0, $0xb8;
	[tilespmem:$0x16100] =	vst v63  }
0xe9: {  	s30 =	simm.s32 $0x1100  }
0xea: {  	[tilespmem:s30], [sflag:$0x1] =	stream.indirect_vreg.gather [hbm4b:s1+s5], $0x80, v3, vm0, $0xb8;
	[tilespmem:$0x16100] =	vst v63  }
0xeb: {  	s19 =	simm.s32 $0x1900  }
0xec: {  	[tilespmem:s19], [sflag:$0x1] =	stream.indirect_vreg.gather [hbm4b:s6+s5], $0x80, v3, vm0, $0xb8;
	[tilespmem:$0x16100] =	vst v63  }
0xed: {  	v3 =	vld [tilespmem:$0x50];
	_ =	sdelay $0x4  }
0xee: {  	v41 =	vshll.u32 v3, $0x2  }
0xef: {  	v3 =	vand.u32 $0x7, v3;
	v4 =	vand.u32 $0xFFFFFFE0, v41  }
0xf0: {  	v3 =	vor.u32 v3, v4  }
0xf1: {  	v4 =	vperm.xlane v3, v0;
	_ =	sdelay $0x1  }
0xf2: {  	v4 =	vadd.s32 v1, v4;
	_ =	sdelay $0x1  }
0xf3: {  	v3 =	vperm.xlane v3, v2;
	_ =	sdelay $0x1  }
0xf4: {  	s31 =	simm.s32 $0x2100;
	v3 =	vadd.s32 v1, v3  }
0xf5: {  	[tilespmem:s31], [sflag:$0x1] =	stream.indirect_vreg.gather [hbm4b:s1+s5], $0x80, v4, vm0, $0xb8;
	[tilespmem:$0x16100] =	vst v63  }
0xf6: {  	s14 =	simm.s32 $0x2900  }
0xf7: {  	[tilespmem:s14], [sflag:$0x1] =	stream.indirect_vreg.gather [hbm4b:s6+s5], $0x80, v4, vm0, $0xb8;
	[tilespmem:$0x16100] =	vst v63  }
0xf8: {  	s21 =	simm.s32 $0x3100  }
0xf9: {  	[tilespmem:s21], [sflag:$0x1] =	stream.indirect_vreg.gather [hbm4b:s1+s5], $0x80, v3, vm0, $0xb8;
	[tilespmem:$0x16100] =	vst v63  }
0xfa: {  	s13 =	simm.s32 $0x3900  }
0xfb: {  	[tilespmem:s13], [sflag:$0x1] =	stream.indirect_vreg.gather [hbm4b:s6+s5], $0x80, v3, vm0, $0xb8;
	[tilespmem:$0x16100] =	vst v63  }
0xfc: {  	s0 =	simm.s32 $0x20;
	s12 =	rddreg [dreg:$0x1f]  }
0xfd: {  	[tilespmem:s15], [sflag:$0x1] =	stream.indirect.gather [hbm4b:s11+s0], $0x80, s12, s0, $0xb8;
	[tilespmem:$0x16100] =	vst v63  }
0xfe: {  	v3 =	vld [tilespmem:$0x40];
	_ =	sdelay $0x4  }
0xff: {  	v42 =	vshrl.u32 v3, $0x3  }
0x100: {  	v4 =	vmul.u32 $0x30, v42  }
0x101: {  	v3 =	vand.u32 $0x7, v3  }
0x102: {  	v3 =	vor.u32 v3, v4  }
0x103: {  	v4 =	vperm.xlane v3, v0;
	_ =	sdelay $0x1  }
0x104: {  	v4 =	vadd.s32 v1, v4;
	_ =	sdelay $0x3  }
0x105: {  	v3 =	vperm.xlane v3, v2  }
0x106: {  	[tilespmem:s25], [sflag:$0x1] =	stream.indirect_vreg.gather [hbm4b:s4+s5], $0x80, v4, vm0, $0xb8;
	[tilespmem:$0x16100] =	vst v63  }
0x107: {  	s28 =	simm.s32 $0x5900;
	v3 =	vadd.s32 v1, v3  }
0x108: {  	[tilespmem:s28], [sflag:$0x1] =	stream.indirect_vreg.gather [hbm4b:s7+s5], $0x80, v4, vm0, $0xb8;
	[tilespmem:$0x16100] =	vst v63  }
0x109: {  	s29 =	simm.s32 $0x6100  }
0x10a: {  	[tilespmem:s29], [sflag:$0x1] =	stream.indirect_vreg.gather [hbm4b:s8+s5], $0x80, v4, vm0, $0xb8;
	[tilespmem:$0x16100] =	vst v63  }
0x10b: {  	s30 =	simm.s32 $0x6900  }
0x10c: {  	[tilespmem:s30], [sflag:$0x1] =	stream.indirect_vreg.gather [hbm4b:s4+s5], $0x80, v3, vm0, $0xb8;
	[tilespmem:$0x16100] =	vst v63  }
0x10d: {  	s25 =	simm.s32 $0x7100  }
0x10e: {  	[tilespmem:s25], [sflag:$0x1] =	stream.indirect_vreg.gather [hbm4b:s7+s5], $0x80, v3, vm0, $0xb8;
	[tilespmem:$0x16100] =	vst v63  }
0x10f: {  	s23 =	simm.s32 $0x7900  }
0x110: {  	[tilespmem:s23], [sflag:$0x1] =	stream.indirect_vreg.gather [hbm4b:s8+s5], $0x80, v3, vm0, $0xb8;
	[tilespmem:$0x16100] =	vst v63  }
0x111: {  	v3 =	vld [tilespmem:$0x50];
	_ =	sdelay $0x4  }
0x112: {  	v43 =	vshrl.u32 v3, $0x3  }
0x113: {  	v4 =	vmul.u32 $0x30, v43  }
0x114: {  	v3 =	vand.u32 $0x7, v3  }
0x115: {  	v3 =	vor.u32 v3, v4  }
0x116: {  	v4 =	vperm.xlane v3, v0;
	_ =	sdelay $0x1  }
0x117: {  	v4 =	vadd.s32 v1, v4;
	_ =	sdelay $0x3  }
0x118: {  	s26 =	simm.s32 $0x8100;
	v3 =	vperm.xlane v3, v2  }
0x119: {  	[tilespmem:s26], [sflag:$0x1] =	stream.indirect_vreg.gather [hbm4b:s4+s5], $0x80, v4, vm0, $0xb8;
	[tilespmem:$0x16100] =	vst v63  }
0x11a: {  	s23 =	simm.s32 $0x8900;
	v3 =	vadd.s32 v1, v3  }
0x11b: {  	[tilespmem:s23], [sflag:$0x1] =	stream.indirect_vreg.gather [hbm4b:s7+s5], $0x80, v4, vm0, $0xb8;
	[tilespmem:$0x16100] =	vst v63  }
0x11c: {  	s28 =	simm.s32 $0x9100  }
0x11d: {  	[tilespmem:s28], [sflag:$0x1] =	stream.indirect_vreg.gather [hbm4b:s8+s5], $0x80, v4, vm0, $0xb8;
	[tilespmem:$0x16100] =	vst v63  }
0x11e: {  	s15 =	simm.s32 $0x9900  }
0x11f: {  	[tilespmem:s15], [sflag:$0x1] =	stream.indirect_vreg.gather [hbm4b:s4+s5], $0x80, v3, vm0, $0xb8;
	[tilespmem:$0x16100] =	vst v63  }
0x120: {  	s31 =	simm.s32 $0xA100  }
0x121: {  	[tilespmem:s31], [sflag:$0x1] =	stream.indirect_vreg.gather [hbm4b:s7+s5], $0x80, v3, vm0, $0xb8;
	[tilespmem:$0x16100] =	vst v63  }
0x122: {  	s25 =	simm.s32 $0xA900  }
0x123: {  	[tilespmem:s25], [sflag:$0x1] =	stream.indirect_vreg.gather [hbm4b:s8+s5], $0x80, v3, vm0, $0xb8;
	[tilespmem:$0x16100] =	vst v63  }
0x124: {  	s20 =	simm.s32 $0xB100;
	s29 =	rddreg [dreg:$0xa]  }
0x125: {  	[hbm4b:s29+s5] =	stream.linear.scatter [tilespmem:s20], [sflag:$0x4], $0x4000, $0x38;
	[tilespmem:$0x16100] =	vst v63  }
0x126: {  	s26 =	rddreg [dreg:$0xb]  }
0x127: {  	[hbm4b:s26+s5] =	stream.linear.scatter [tilespmem:s24], [sflag:$0x4], $0x1000, $0x38;
	[tilespmem:$0x16100] =	vst v63  }
0x128: {  	s28 =	rddreg [dreg:$0xc]  }
0x129: {  	[hbm4b:s28+s5] =	stream.linear.scatter [tilespmem:s3], [sflag:$0x4], $0x6000, $0x38;
	[tilespmem:$0x16100] =	vst v63  }
0x12a: {  	_ =	swait.ge [sflag:s10], $0x4000  }
0x12b: {  	[sflag:s10] =	ssyncset.done $0x0  }
0x12c: {  	[sflag:s10] =	ssyncadd.s32 $0xFFFFC000  }
0x12d: {  	_ =	swait.ge [sflag:s10], $0x1000  }
0x12e: {  	[sflag:s10] =	ssyncset.done $0x0  }
0x12f: {  	[sflag:s10] =	ssyncadd.s32 $0xFFFFF000  }
0x130: {  	_ =	swait.ge [sflag:s10], $0x6000  }
0x131: {  	[sflag:s10] =	ssyncset.done $0x0  }
0x132: {  	[sflag:s10] =	ssyncadd.s32 $0xFFFFA000  }
0x133: {  	_ =	swait.ge [sflag:s18], $0x4000  }
0x134: {  	[sflag:s18] =	ssyncset.done $0x0  }
0x135: {  	[sflag:s18] =	ssyncadd.s32 $0xFFFFC000  }
0x136: {  	_ =	swait.ge [sflag:s18], $0x1000  }
0x137: {  	[sflag:s18] =	ssyncset.done $0x0  }
0x138: {  	[sflag:s18] =	ssyncadd.s32 $0xFFFFF000  }
0x139: {  	_ =	swait.ge [sflag:s18], $0x6000  }
0x13a: {  	[sflag:s18] =	ssyncset.done $0x0  }
0x13b: {  	[sflag:s18] =	ssyncadd.s32 $0xFFFFA000  }
0x13c: {  	v3 =	vld [tilespmem:$0x60];
	_ =	sdelay $0x4  }
0x13d: {  	v44 =	vshll.u32 v3, $0x2  }
0x13e: {  	v3 =	vand.u32 $0x7, v3;
	v4 =	vand.u32 $0xFFFFFFE0, v44  }
0x13f: {  	v3 =	vor.u32 v3, v4  }
0x140: {  	v4 =	vperm.xlane v3, v0;
	_ =	sdelay $0x1  }
0x141: {  	v4 =	vadd.s32 v1, v4;
	_ =	sdelay $0x1  }
0x142: {  	v3 =	vperm.xlane v3, v2;
	_ =	sdelay $0x1  }
0x143: {  	v3 =	vadd.s32 v1, v3  }
0x144: {  	[tilespmem:s20], [sflag:$0x2] =	stream.indirect_vreg.gather [hbm4b:s1+s5], $0x80, v4, vm0, $0xb8;
	[tilespmem:$0x16100] =	vst v63  }
0x145: {  	s20 =	simm.s32 $0xB900  }
0x146: {  	[tilespmem:s20], [sflag:$0x2] =	stream.indirect_vreg.gather [hbm4b:s6+s5], $0x80, v4, vm0, $0xb8;
	[tilespmem:$0x16100] =	vst v63  }
0x147: {  	s26 =	simm.s32 $0xC100  }
0x148: {  	[tilespmem:s26], [sflag:$0x2] =	stream.indirect_vreg.gather [hbm4b:s1+s5], $0x80, v3, vm0, $0xb8;
	[tilespmem:$0x16100] =	vst v63  }
0x149: {  	s29 =	simm.s32 $0xC900  }
0x14a: {  	[tilespmem:s29], [sflag:$0x2] =	stream.indirect_vreg.gather [hbm4b:s6+s5], $0x80, v3, vm0, $0xb8;
	[tilespmem:$0x16100] =	vst v63  }
0x14b: {  	v3 =	vld [tilespmem:$0x70];
	_ =	sdelay $0x4  }
0x14c: {  	v45 =	vshll.u32 v3, $0x2  }
0x14d: {  	v3 =	vand.u32 $0x7, v3;
	v4 =	vand.u32 $0xFFFFFFE0, v45  }
0x14e: {  	v3 =	vor.u32 v3, v4  }
0x14f: {  	v4 =	vperm.xlane v3, v0;
	_ =	sdelay $0x1  }
0x150: {  	v4 =	vadd.s32 v1, v4;
	_ =	sdelay $0x1  }
0x151: {  	v3 =	vperm.xlane v3, v2;
	_ =	sdelay $0x1  }
0x152: {  	s28 =	simm.s32 $0xD100;
	v3 =	vadd.s32 v1, v3  }
0x153: {  	[tilespmem:s28], [sflag:$0x2] =	stream.indirect_vreg.gather [hbm4b:s1+s5], $0x80, v4, vm0, $0xb8;
	[tilespmem:$0x16100] =	vst v63  }
0x154: {  	s29 =	simm.s32 $0xD900  }
0x155: {  	[tilespmem:s29], [sflag:$0x2] =	stream.indirect_vreg.gather [hbm4b:s6+s5], $0x80, v4, vm0, $0xb8;
	[tilespmem:$0x16100] =	vst v63  }
0x156: {  	s22 =	simm.s32 $0xE100  }
0x157: {  	[tilespmem:s22], [sflag:$0x2] =	stream.indirect_vreg.gather [hbm4b:s1+s5], $0x80, v3, vm0, $0xb8;
	[tilespmem:$0x16100] =	vst v63  }
0x158: {  	s25 =	simm.s32 $0xE900;
	s22 =	sld [smem:$0x7F9]  }
0x159: {  	[tilespmem:s25], [sflag:$0x2] =	stream.indirect_vreg.gather [hbm4b:s6+s5], $0x80, v3, vm0, $0xb8;
	[tilespmem:$0x16100] =	vst v63  }
0x15a: {  	s2 =	smov.u32 s11  }
0x15b: {  	[tilespmem:s24], [sflag:$0x2] =	stream.indirect.gather [hbm4b:s2+s0], $0x80, s22, s0, $0xb8;
	[tilespmem:$0x16100] =	vst v63  }
0x15c: {  	v3 =	vld [tilespmem:$0x60];
	_ =	sdelay $0x4  }
0x15d: {  	v46 =	vshrl.u32 v3, $0x3  }
0x15e: {  	v4 =	vmul.u32 $0x30, v46  }
0x15f: {  	v3 =	vand.u32 $0x7, v3  }
0x160: {  	v3 =	vor.u32 v3, v4  }
0x161: {  	v4 =	vperm.xlane v3, v0;
	_ =	sdelay $0x1  }
0x162: {  	v4 =	vadd.s32 v1, v4;
	_ =	sdelay $0x3  }
0x163: {  	v3 =	vperm.xlane v3, v2  }
0x164: {  	[tilespmem:s3], [sflag:$0x2] =	stream.indirect_vreg.gather [hbm4b:s4+s5], $0x80, v4, vm0, $0xb8;
	[tilespmem:$0x16100] =	vst v63  }
0x165: {  	s25 =	simm.s32 $0x10900;
	v3 =	vadd.s32 v1, v3  }
0x166: {  	[tilespmem:s25], [sflag:$0x2] =	stream.indirect_vreg.gather [hbm4b:s7+s5], $0x80, v4, vm0, $0xb8;
	[tilespmem:$0x16100] =	vst v63  }
0x167: {  	s22 =	simm.s32 $0x11100  }
0x168: {  	[tilespmem:s22], [sflag:$0x2] =	stream.indirect_vreg.gather [hbm4b:s8+s5], $0x80, v4, vm0, $0xb8;
	[tilespmem:$0x16100] =	vst v63  }
0x169: {  	s25 =	simm.s32 $0x11900  }
0x16a: {  	[tilespmem:s25], [sflag:$0x2] =	stream.indirect_vreg.gather [hbm4b:s4+s5], $0x80, v3, vm0, $0xb8;
	[tilespmem:$0x16100] =	vst v63  }
0x16b: {  	s22 =	simm.s32 $0x12100  }
0x16c: {  	[tilespmem:s22], [sflag:$0x2] =	stream.indirect_vreg.gather [hbm4b:s7+s5], $0x80, v3, vm0, $0xb8;
	[tilespmem:$0x16100] =	vst v63  }
0x16d: {  	s25 =	simm.s32 $0x12900  }
0x16e: {  	[tilespmem:s25], [sflag:$0x2] =	stream.indirect_vreg.gather [hbm4b:s8+s5], $0x80, v3, vm0, $0xb8;
	[tilespmem:$0x16100] =	vst v63  }
0x16f: {  	v3 =	vld [tilespmem:$0x70];
	_ =	sdelay $0x4  }
0x170: {  	v47 =	vshrl.u32 v3, $0x3  }
0x171: {  	v4 =	vmul.u32 $0x30, v47  }
0x172: {  	v3 =	vand.u32 $0x7, v3  }
0x173: {  	v3 =	vor.u32 v3, v4  }
0x174: {  	v4 =	vperm.xlane v3, v0;
	_ =	sdelay $0x1  }
0x175: {  	v4 =	vadd.s32 v1, v4;
	_ =	sdelay $0x3  }
0x176: {  	s22 =	simm.s32 $0x13100;
	v3 =	vperm.xlane v3, v2  }
0x177: {  	[tilespmem:s22], [sflag:$0x2] =	stream.indirect_vreg.gather [hbm4b:s4+s5], $0x80, v4, vm0, $0xb8;
	[tilespmem:$0x16100] =	vst v63  }
0x178: {  	s25 =	simm.s32 $0x13900;
	v3 =	vadd.s32 v1, v3  }
0x179: {  	[tilespmem:s25], [sflag:$0x2] =	stream.indirect_vreg.gather [hbm4b:s7+s5], $0x80, v4, vm0, $0xb8;
	[tilespmem:$0x16100] =	vst v63  }
0x17a: {  	s22 =	simm.s32 $0x14100  }
0x17b: {  	[tilespmem:s22], [sflag:$0x2] =	stream.indirect_vreg.gather [hbm4b:s8+s5], $0x80, v4, vm0, $0xb8;
	[tilespmem:$0x16100] =	vst v63  }
0x17c: {  	s25 =	simm.s32 $0x14900  }
0x17d: {  	[tilespmem:s25], [sflag:$0x2] =	stream.indirect_vreg.gather [hbm4b:s4+s5], $0x80, v3, vm0, $0xb8;
	[tilespmem:$0x16100] =	vst v63  }
0x17e: {  	s22 =	simm.s32 $0x15100  }
0x17f: {  	[tilespmem:s22], [sflag:$0x2] =	stream.indirect_vreg.gather [hbm4b:s7+s5], $0x80, v3, vm0, $0xb8;
	[tilespmem:$0x16100] =	vst v63  }
0x180: {  	s25 =	simm.s32 $0x15900  }
0x181: {  	[tilespmem:s25], [sflag:$0x2] =	stream.indirect_vreg.gather [hbm4b:s8+s5], $0x80, v3, vm0, $0xb8;
	[tilespmem:$0x16100] =	vst v63  }
0x182: {  	s0 =	simm.s32 $0x100;
	s22 =	rddreg [dreg:$0xd]  }
0x183: {  	[hbm4b:s22+s5] =	stream.linear.scatter [tilespmem:s0], [sflag:$0x3], $0x4000, $0x38;
	[tilespmem:$0x16100] =	vst v63  }
0x184: {  	s12 =	simm.s32 $0x4100;
	s25 =	rddreg [dreg:$0xe]  }
0x185: {  	[hbm4b:s25+s5] =	stream.linear.scatter [tilespmem:s12], [sflag:$0x3], $0x1000, $0x38;
	[tilespmem:$0x16100] =	vst v63  }
0x186: {  	s13 =	simm.s32 $0x5100;
	s22 =	rddreg [dreg:$0xf]  }
0x187: {  	[hbm4b:s22+s5] =	stream.linear.scatter [tilespmem:s13], [sflag:$0x3], $0x6000, $0x38;
	[tilespmem:$0x16100] =	vst v63  }
0x188: {  	_ =	swait.ge [sflag:s16], $0x4000  }
0x189: {  	[sflag:s16] =	ssyncset.done $0x0  }
0x18a: {  	[sflag:s16] =	ssyncadd.s32 $0xFFFFC000  }
0x18b: {  	_ =	swait.ge [sflag:s16], $0x1000  }
0x18c: {  	[sflag:s16] =	ssyncset.done $0x0  }
0x18d: {  	[sflag:s16] =	ssyncadd.s32 $0xFFFFF000  }
0x18e: {  	_ =	swait.ge [sflag:s16], $0x6000  }
0x18f: {  	[sflag:s16] =	ssyncset.done $0x0  }
0x190: {  	[sflag:s16] =	ssyncadd.s32 $0xFFFFA000  }
0x191: {  	_ =	swait.ge [sflag:s17], $0x4000  }
0x192: {  	[sflag:s17] =	ssyncset.done $0x0  }
0x193: {  	[sflag:s17] =	ssyncadd.s32 $0xFFFFC000  }
0x194: {  	_ =	swait.ge [sflag:s17], $0x1000  }
0x195: {  	[sflag:s17] =	ssyncset.done $0x0  }
0x196: {  	[sflag:s17] =	ssyncadd.s32 $0xFFFFF000  }
0x197: {  	_ =	swait.ge [sflag:s17], $0x6000  }
0x198: {  	[sflag:s17] =	ssyncset.done $0x0  }
0x199: {  	[sflag:s17] =	ssyncadd.s32 $0xFFFFA000  }
0x19a: {  	v3 =	vld [tilespmem:$0x80];
	_ =	sdelay $0x4  }
0x19b: {  	v48 =	vshll.u32 v3, $0x2  }
0x19c: {  	v3 =	vand.u32 $0x7, v3;
	v4 =	vand.u32 $0xFFFFFFE0, v48  }
0x19d: {  	v3 =	vor.u32 v3, v4  }
0x19e: {  	v4 =	vperm.xlane v3, v0;
	_ =	sdelay $0x1  }
0x19f: {  	v4 =	vadd.s32 v1, v4;
	_ =	sdelay $0x1  }
0x1a0: {  	v3 =	vperm.xlane v3, v2;
	_ =	sdelay $0x1  }
0x1a1: {  	v3 =	vadd.s32 v1, v3  }
0x1a2: {  	[tilespmem:s0], [sflag:$0x1] =	stream.indirect_vreg.gather [hbm4b:s1+s5], $0x80, v4, vm0, $0xb8;
	[tilespmem:$0x16100] =	vst v63  }
0x1a3: {  	s22 =	simm.s32 $0x900  }
0x1a4: {  	[tilespmem:s22], [sflag:$0x1] =	stream.indirect_vreg.gather [hbm4b:s6+s5], $0x80, v4, vm0, $0xb8;
	[tilespmem:$0x16100] =	vst v63  }
0x1a5: {  	s25 =	simm.s32 $0x1100  }
0x1a6: {  	[tilespmem:s25], [sflag:$0x1] =	stream.indirect_vreg.gather [hbm4b:s1+s5], $0x80, v3, vm0, $0xb8;
	[tilespmem:$0x16100] =	vst v63  }
0x1a7: {  	_ = 	snop  }
0x1a8: {  	[tilespmem:s19], [sflag:$0x1] =	stream.indirect_vreg.gather [hbm4b:s6+s5], $0x80, v3, vm0, $0xb8;
	[tilespmem:$0x16100] =	vst v63  }
0x1a9: {  	v3 =	vld [tilespmem:$0x90];
	_ =	sdelay $0x4  }
0x1aa: {  	v49 =	vshll.u32 v3, $0x2  }
0x1ab: {  	v3 =	vand.u32 $0x7, v3;
	v4 =	vand.u32 $0xFFFFFFE0, v49  }
0x1ac: {  	v3 =	vor.u32 v3, v4  }
0x1ad: {  	v4 =	vperm.xlane v3, v0;
	_ =	sdelay $0x1  }
0x1ae: {  	v4 =	vadd.s32 v1, v4;
	_ =	sdelay $0x1  }
0x1af: {  	v3 =	vperm.xlane v3, v2;
	_ =	sdelay $0x1  }
0x1b0: {  	s19 =	simm.s32 $0x2100;
	v3 =	vadd.s32 v1, v3  }
0x1b1: {  	[tilespmem:s19], [sflag:$0x1] =	stream.indirect_vreg.gather [hbm4b:s1+s5], $0x80, v4, vm0, $0xb8;
	[tilespmem:$0x16100] =	vst v63  }
0x1b2: {  	_ = 	snop  }
0x1b3: {  	[tilespmem:s14], [sflag:$0x1] =	stream.indirect_vreg.gather [hbm4b:s6+s5], $0x80, v4, vm0, $0xb8;
	[tilespmem:$0x16100] =	vst v63  }
0x1b4: {  	_ = 	snop  }
0x1b5: {  	[tilespmem:s21], [sflag:$0x1] =	stream.indirect_vreg.gather [hbm4b:s1+s5], $0x80, v3, vm0, $0xb8;
	[tilespmem:$0x16100] =	vst v63  }
0x1b6: {  	s25 =	simm.s32 $0x3900;
	s21 =	sld [smem:$0x7FA]  }
0x1b7: {  	[tilespmem:s25], [sflag:$0x1] =	stream.indirect_vreg.gather [hbm4b:s6+s5], $0x80, v3, vm0, $0xb8;
	[tilespmem:$0x16100] =	vst v63  }
0x1b8: {  	s11 =	smov.u32 s2;
	s2 =	simm.s32 $0x20  }
0x1b9: {  	[tilespmem:s12], [sflag:$0x1] =	stream.indirect.gather [hbm4b:s11+s2], $0x80, s21, s2, $0xb8;
	[tilespmem:$0x16100] =	vst v63  }
0x1ba: {  	v3 =	vld [tilespmem:$0x80];
	_ =	sdelay $0x4  }
0x1bb: {  	v50 =	vshrl.u32 v3, $0x3  }
0x1bc: {  	v4 =	vmul.u32 $0x30, v50  }
0x1bd: {  	v3 =	vand.u32 $0x7, v3  }
0x1be: {  	v3 =	vor.u32 v3, v4  }
0x1bf: {  	v4 =	vperm.xlane v3, v0;
	_ =	sdelay $0x1  }
0x1c0: {  	v4 =	vadd.s32 v1, v4;
	_ =	sdelay $0x3  }
0x1c1: {  	v3 =	vperm.xlane v3, v2  }
0x1c2: {  	[tilespmem:s13], [sflag:$0x1] =	stream.indirect_vreg.gather [hbm4b:s4+s5], $0x80, v4, vm0, $0xb8;
	[tilespmem:$0x16100] =	vst v63  }
0x1c3: {  	v3 =	vadd.s32 v1, v3;
	s13 =	simm.s32 $0x5900  }
0x1c4: {  	[tilespmem:s13], [sflag:$0x1] =	stream.indirect_vreg.gather [hbm4b:s7+s5], $0x80, v4, vm0, $0xb8;
	[tilespmem:$0x16100] =	vst v63  }
0x1c5: {  	s14 =	simm.s32 $0x6100  }
0x1c6: {  	[tilespmem:s14], [sflag:$0x1] =	stream.indirect_vreg.gather [hbm4b:s8+s5], $0x80, v4, vm0, $0xb8;
	[tilespmem:$0x16100] =	vst v63  }
0x1c7: {  	_ = 	snop  }
0x1c8: {  	[tilespmem:s30], [sflag:$0x1] =	stream.indirect_vreg.gather [hbm4b:s4+s5], $0x80, v3, vm0, $0xb8;
	[tilespmem:$0x16100] =	vst v63  }
0x1c9: {  	s19 =	simm.s32 $0x7100  }
0x1ca: {  	[tilespmem:s19], [sflag:$0x1] =	stream.indirect_vreg.gather [hbm4b:s7+s5], $0x80, v3, vm0, $0xb8;
	[tilespmem:$0x16100] =	vst v63  }
0x1cb: {  	s21 =	simm.s32 $0x7900  }
0x1cc: {  	[tilespmem:s21], [sflag:$0x1] =	stream.indirect_vreg.gather [hbm4b:s8+s5], $0x80, v3, vm0, $0xb8;
	[tilespmem:$0x16100] =	vst v63  }
0x1cd: {  	v3 =	vld [tilespmem:$0x90];
	_ =	sdelay $0x4  }
0x1ce: {  	v51 =	vshrl.u32 v3, $0x3  }
0x1cf: {  	v4 =	vmul.u32 $0x30, v51  }
0x1d0: {  	v3 =	vand.u32 $0x7, v3  }
0x1d1: {  	v3 =	vor.u32 v3, v4  }
0x1d2: {  	v4 =	vperm.xlane v3, v0;
	_ =	sdelay $0x1  }
0x1d3: {  	v4 =	vadd.s32 v1, v4;
	_ =	sdelay $0x3  }
0x1d4: {  	s22 =	simm.s32 $0x8100;
	v3 =	vperm.xlane v3, v2  }
0x1d5: {  	[tilespmem:s22], [sflag:$0x1] =	stream.indirect_vreg.gather [hbm4b:s4+s5], $0x80, v4, vm0, $0xb8;
	[tilespmem:$0x16100] =	vst v63  }
0x1d6: {  	v3 =	vadd.s32 v1, v3  }
0x1d7: {  	[tilespmem:s23], [sflag:$0x1] =	stream.indirect_vreg.gather [hbm4b:s7+s5], $0x80, v4, vm0, $0xb8;
	[tilespmem:$0x16100] =	vst v63  }
0x1d8: {  	s23 =	simm.s32 $0x9100  }
0x1d9: {  	[tilespmem:s23], [sflag:$0x1] =	stream.indirect_vreg.gather [hbm4b:s8+s5], $0x80, v4, vm0, $0xb8;
	[tilespmem:$0x16100] =	vst v63  }
0x1da: {  	_ = 	snop  }
0x1db: {  	[tilespmem:s15], [sflag:$0x1] =	stream.indirect_vreg.gather [hbm4b:s4+s5], $0x80, v3, vm0, $0xb8;
	[tilespmem:$0x16100] =	vst v63  }
0x1dc: {  	_ = 	snop  }
0x1dd: {  	[tilespmem:s31], [sflag:$0x1] =	stream.indirect_vreg.gather [hbm4b:s7+s5], $0x80, v3, vm0, $0xb8;
	[tilespmem:$0x16100] =	vst v63  }
0x1de: {  	s2 =	simm.s32 $0xA900  }
0x1df: {  	[tilespmem:s2], [sflag:$0x1] =	stream.indirect_vreg.gather [hbm4b:s8+s5], $0x80, v3, vm0, $0xb8;
	[tilespmem:$0x16100] =	vst v63  }
0x1e0: {  	s25 =	rddreg [dreg:$0x10];
	s13 =	simm.s32 $0xB100  }
0x1e1: {  	[hbm4b:s25+s5] =	stream.linear.scatter [tilespmem:s13], [sflag:$0x4], $0x4000, $0x38;
	[tilespmem:$0x16100] =	vst v63  }
0x1e2: {  	s12 =	rddreg [dreg:$0x11]  }
0x1e3: {  	[hbm4b:s12+s5] =	stream.linear.scatter [tilespmem:s24], [sflag:$0x4], $0x1000, $0x38;
	[tilespmem:$0x16100] =	vst v63  }
0x1e4: {  	s14 =	rddreg [dreg:$0x12]  }
0x1e5: {  	[hbm4b:s14+s5] =	stream.linear.scatter [tilespmem:s3], [sflag:$0x4], $0x6000, $0x38;
	[tilespmem:$0x16100] =	vst v63  }
0x1e6: {  	_ =	swait.ge [sflag:s10], $0x4000  }
0x1e7: {  	[sflag:s10] =	ssyncset.done $0x0  }
0x1e8: {  	[sflag:s10] =	ssyncadd.s32 $0xFFFFC000  }
0x1e9: {  	_ =	swait.ge [sflag:s10], $0x1000  }
0x1ea: {  	[sflag:s10] =	ssyncset.done $0x0  }
0x1eb: {  	[sflag:s10] =	ssyncadd.s32 $0xFFFFF000  }
0x1ec: {  	_ =	swait.ge [sflag:s10], $0x6000  }
0x1ed: {  	[sflag:s10] =	ssyncset.done $0x0  }
0x1ee: {  	[sflag:s10] =	ssyncadd.s32 $0xFFFFA000  }
0x1ef: {  	_ =	swait.ge [sflag:s18], $0x4000  }
0x1f0: {  	[sflag:s18] =	ssyncset.done $0x0  }
0x1f1: {  	[sflag:s18] =	ssyncadd.s32 $0xFFFFC000  }
0x1f2: {  	_ =	swait.ge [sflag:s18], $0x1000  }
0x1f3: {  	[sflag:s18] =	ssyncset.done $0x0  }
0x1f4: {  	[sflag:s18] =	ssyncadd.s32 $0xFFFFF000  }
0x1f5: {  	_ =	swait.ge [sflag:s18], $0x6000  }
0x1f6: {  	[sflag:s18] =	ssyncset.done $0x0  }
0x1f7: {  	[sflag:s18] =	ssyncadd.s32 $0xFFFFA000  }
0x1f8: {  	v3 =	vld [tilespmem:$0xA0];
	_ =	sdelay $0x4  }
0x1f9: {  	v52 =	vshll.u32 v3, $0x2  }
0x1fa: {  	v3 =	vand.u32 $0x7, v3;
	v4 =	vand.u32 $0xFFFFFFE0, v52  }
0x1fb: {  	v3 =	vor.u32 v3, v4  }
0x1fc: {  	v4 =	vperm.xlane v3, v0;
	_ =	sdelay $0x1  }
0x1fd: {  	v4 =	vadd.s32 v1, v4;
	_ =	sdelay $0x1  }
0x1fe: {  	v3 =	vperm.xlane v3, v2;
	_ =	sdelay $0x1  }
0x1ff: {  	v3 =	vadd.s32 v1, v3  }
0x200: {  	[tilespmem:s13], [sflag:$0x2] =	stream.indirect_vreg.gather [hbm4b:s1+s5], $0x80, v4, vm0, $0xb8;
	[tilespmem:$0x16100] =	vst v63  }
0x201: {  	_ = 	snop  }
0x202: {  	[tilespmem:s20], [sflag:$0x2] =	stream.indirect_vreg.gather [hbm4b:s6+s5], $0x80, v4, vm0, $0xb8;
	[tilespmem:$0x16100] =	vst v63  }
0x203: {  	_ = 	snop  }
0x204: {  	[tilespmem:s26], [sflag:$0x2] =	stream.indirect_vreg.gather [hbm4b:s1+s5], $0x80, v3, vm0, $0xb8;
	[tilespmem:$0x16100] =	vst v63  }
0x205: {  	s19 =	simm.s32 $0xC900  }
0x206: {  	[tilespmem:s19], [sflag:$0x2] =	stream.indirect_vreg.gather [hbm4b:s6+s5], $0x80, v3, vm0, $0xb8;
	[tilespmem:$0x16100] =	vst v63  }
0x207: {  	v3 =	vld [tilespmem:$0xB0];
	_ =	sdelay $0x4  }
0x208: {  	v53 =	vshll.u32 v3, $0x2  }
0x209: {  	v3 =	vand.u32 $0x7, v3;
	v4 =	vand.u32 $0xFFFFFFE0, v53  }
0x20a: {  	v3 =	vor.u32 v3, v4  }
0x20b: {  	v4 =	vperm.xlane v3, v0;
	_ =	sdelay $0x1  }
0x20c: {  	v4 =	vadd.s32 v1, v4;
	_ =	sdelay $0x1  }
0x20d: {  	v3 =	vperm.xlane v3, v2;
	_ =	sdelay $0x1  }
0x20e: {  	v3 =	vadd.s32 v1, v3  }
0x20f: {  	[tilespmem:s28], [sflag:$0x2] =	stream.indirect_vreg.gather [hbm4b:s1+s5], $0x80, v4, vm0, $0xb8;
	[tilespmem:$0x16100] =	vst v63  }
0x210: {  	_ = 	snop  }
0x211: {  	[tilespmem:s29], [sflag:$0x2] =	stream.indirect_vreg.gather [hbm4b:s6+s5], $0x80, v4, vm0, $0xb8;
	[tilespmem:$0x16100] =	vst v63  }
0x212: {  	s20 =	simm.s32 $0xE100  }
0x213: {  	[tilespmem:s20], [sflag:$0x2] =	stream.indirect_vreg.gather [hbm4b:s1+s5], $0x80, v3, vm0, $0xb8;
	[tilespmem:$0x16100] =	vst v63  }
0x214: {  	s25 =	simm.s32 $0xE900;
	s21 =	sld [smem:$0x7FB]  }
0x215: {  	[tilespmem:s25], [sflag:$0x2] =	stream.indirect_vreg.gather [hbm4b:s6+s5], $0x80, v3, vm0, $0xb8;
	[tilespmem:$0x16100] =	vst v63  }
0x216: {  	s0 =	simm.s32 $0x20  }
0x217: {  	[tilespmem:s24], [sflag:$0x2] =	stream.indirect.gather [hbm4b:s11+s0], $0x80, s21, s0, $0xb8;
	[tilespmem:$0x16100] =	vst v63  }
0x218: {  	v3 =	vld [tilespmem:$0xA0];
	_ =	sdelay $0x4  }
0x219: {  	v54 =	vshrl.u32 v3, $0x3  }
0x21a: {  	v4 =	vmul.u32 $0x30, v54  }
0x21b: {  	v3 =	vand.u32 $0x7, v3  }
0x21c: {  	v3 =	vor.u32 v3, v4  }
0x21d: {  	v4 =	vperm.xlane v3, v0;
	_ =	sdelay $0x1  }
0x21e: {  	v4 =	vadd.s32 v1, v4;
	_ =	sdelay $0x3  }
0x21f: {  	v3 =	vperm.xlane v3, v2  }
0x220: {  	[tilespmem:s3], [sflag:$0x2] =	stream.indirect_vreg.gather [hbm4b:s4+s5], $0x80, v4, vm0, $0xb8;
	[tilespmem:$0x16100] =	vst v63  }
0x221: {  	s29 =	simm.s32 $0x10900;
	v3 =	vadd.s32 v1, v3  }
0x222: {  	[tilespmem:s29], [sflag:$0x2] =	stream.indirect_vreg.gather [hbm4b:s7+s5], $0x80, v4, vm0, $0xb8;
	[tilespmem:$0x16100] =	vst v63  }
0x223: {  	s12 =	simm.s32 $0x11100  }
0x224: {  	[tilespmem:s12], [sflag:$0x2] =	stream.indirect_vreg.gather [hbm4b:s8+s5], $0x80, v4, vm0, $0xb8;
	[tilespmem:$0x16100] =	vst v63  }
0x225: {  	s13 =	simm.s32 $0x11900  }
0x226: {  	[tilespmem:s13], [sflag:$0x2] =	stream.indirect_vreg.gather [hbm4b:s4+s5], $0x80, v3, vm0, $0xb8;
	[tilespmem:$0x16100] =	vst v63  }
0x227: {  	s19 =	simm.s32 $0x12100  }
0x228: {  	[tilespmem:s19], [sflag:$0x2] =	stream.indirect_vreg.gather [hbm4b:s7+s5], $0x80, v3, vm0, $0xb8;
	[tilespmem:$0x16100] =	vst v63  }
0x229: {  	s22 =	simm.s32 $0x12900  }
0x22a: {  	[tilespmem:s22], [sflag:$0x2] =	stream.indirect_vreg.gather [hbm4b:s8+s5], $0x80, v3, vm0, $0xb8;
	[tilespmem:$0x16100] =	vst v63  }
0x22b: {  	v3 =	vld [tilespmem:$0xB0];
	_ =	sdelay $0x4  }
0x22c: {  	v55 =	vshrl.u32 v3, $0x3  }
0x22d: {  	v4 =	vmul.u32 $0x30, v55  }
0x22e: {  	v3 =	vand.u32 $0x7, v3  }
0x22f: {  	v3 =	vor.u32 v3, v4  }
0x230: {  	v4 =	vperm.xlane v3, v0;
	_ =	sdelay $0x1  }
0x231: {  	v4 =	vadd.s32 v1, v4;
	_ =	sdelay $0x3  }
0x232: {  	s25 =	simm.s32 $0x13100;
	v3 =	vperm.xlane v3, v2  }
0x233: {  	[tilespmem:s25], [sflag:$0x2] =	stream.indirect_vreg.gather [hbm4b:s4+s5], $0x80, v4, vm0, $0xb8;
	[tilespmem:$0x16100] =	vst v63  }
0x234: {  	s12 =	simm.s32 $0x13900;
	v3 =	vadd.s32 v1, v3  }
0x235: {  	[tilespmem:s12], [sflag:$0x2] =	stream.indirect_vreg.gather [hbm4b:s7+s5], $0x80, v4, vm0, $0xb8;
	[tilespmem:$0x16100] =	vst v63  }
0x236: {  	s13 =	simm.s32 $0x14100  }
0x237: {  	[tilespmem:s13], [sflag:$0x2] =	stream.indirect_vreg.gather [hbm4b:s8+s5], $0x80, v4, vm0, $0xb8;
	[tilespmem:$0x16100] =	vst v63  }
0x238: {  	s19 =	simm.s32 $0x14900  }
0x239: {  	[tilespmem:s19], [sflag:$0x2] =	stream.indirect_vreg.gather [hbm4b:s4+s5], $0x80, v3, vm0, $0xb8;
	[tilespmem:$0x16100] =	vst v63  }
0x23a: {  	s22 =	simm.s32 $0x15100  }
0x23b: {  	[tilespmem:s22], [sflag:$0x2] =	stream.indirect_vreg.gather [hbm4b:s7+s5], $0x80, v3, vm0, $0xb8;
	[tilespmem:$0x16100] =	vst v63  }
0x23c: {  	s13 =	simm.s32 $0x15900  }
0x23d: {  	[tilespmem:s13], [sflag:$0x2] =	stream.indirect_vreg.gather [hbm4b:s8+s5], $0x80, v3, vm0, $0xb8;
	[tilespmem:$0x16100] =	vst v63  }
0x23e: {  	s25 =	rddreg [dreg:$0x13];
	s12 =	simm.s32 $0x100  }
0x23f: {  	[hbm4b:s25+s5] =	stream.linear.scatter [tilespmem:s12], [sflag:$0x3], $0x4000, $0x38;
	[tilespmem:$0x16100] =	vst v63  }
0x240: {  	s2 =	simm.s32 $0x4100;
	s19 =	rddreg [dreg:$0x14]  }
0x241: {  	[hbm4b:s19+s5] =	stream.linear.scatter [tilespmem:s2], [sflag:$0x3], $0x1000, $0x38;
	[tilespmem:$0x16100] =	vst v63  }
0x242: {  	s13 =	rddreg [dreg:$0x15];
	s19 =	simm.s32 $0x5100  }
0x243: {  	[hbm4b:s13+s5] =	stream.linear.scatter [tilespmem:s19], [sflag:$0x3], $0x6000, $0x38;
	[tilespmem:$0x16100] =	vst v63  }
0x244: {  	_ =	swait.ge [sflag:s16], $0x4000  }
0x245: {  	[sflag:s16] =	ssyncset.done $0x0  }
0x246: {  	[sflag:s16] =	ssyncadd.s32 $0xFFFFC000  }
0x247: {  	_ =	swait.ge [sflag:s16], $0x1000  }
0x248: {  	[sflag:s16] =	ssyncset.done $0x0  }
0x249: {  	[sflag:s16] =	ssyncadd.s32 $0xFFFFF000  }
0x24a: {  	_ =	swait.ge [sflag:s16], $0x6000  }
0x24b: {  	[sflag:s16] =	ssyncset.done $0x0  }
0x24c: {  	[sflag:s16] =	ssyncadd.s32 $0xFFFFA000  }
0x24d: {  	_ =	swait.ge [sflag:s17], $0x4000  }
0x24e: {  	[sflag:s17] =	ssyncset.done $0x0  }
0x24f: {  	[sflag:s17] =	ssyncadd.s32 $0xFFFFC000  }
0x250: {  	_ =	swait.ge [sflag:s17], $0x1000  }
0x251: {  	[sflag:s17] =	ssyncset.done $0x0  }
0x252: {  	[sflag:s17] =	ssyncadd.s32 $0xFFFFF000  }
0x253: {  	_ =	swait.ge [sflag:s17], $0x6000  }
0x254: {  	[sflag:s17] =	ssyncset.done $0x0  }
0x255: {  	[sflag:s17] =	ssyncadd.s32 $0xFFFFA000  }
0x256: {  	v3 =	vld [tilespmem:$0xC0];
	_ =	sdelay $0x4  }
0x257: {  	v56 =	vshll.u32 v3, $0x2  }
0x258: {  	v3 =	vand.u32 $0x7, v3;
	v4 =	vand.u32 $0xFFFFFFE0, v56  }
0x259: {  	v3 =	vor.u32 v3, v4  }
0x25a: {  	v4 =	vperm.xlane v3, v0;
	_ =	sdelay $0x1  }
0x25b: {  	v4 =	vadd.s32 v1, v4;
	_ =	sdelay $0x1  }
0x25c: {  	v3 =	vperm.xlane v3, v2;
	_ =	sdelay $0x1  }
0x25d: {  	v3 =	vadd.s32 v1, v3  }
0x25e: {  	[tilespmem:s12], [sflag:$0x1] =	stream.indirect_vreg.gather [hbm4b:s1+s5], $0x80, v4, vm0, $0xb8;
	[tilespmem:$0x16100] =	vst v63  }
0x25f: {  	s25 =	simm.s32 $0x900  }
0x260: {  	[tilespmem:s25], [sflag:$0x1] =	stream.indirect_vreg.gather [hbm4b:s6+s5], $0x80, v4, vm0, $0xb8;
	[tilespmem:$0x16100] =	vst v63  }
0x261: {  	s22 =	simm.s32 $0x1100  }
0x262: {  	[tilespmem:s22], [sflag:$0x1] =	stream.indirect_vreg.gather [hbm4b:s1+s5], $0x80, v3, vm0, $0xb8;
	[tilespmem:$0x16100] =	vst v63  }
0x263: {  	s25 =	simm.s32 $0x1900  }
0x264: {  	[tilespmem:s25], [sflag:$0x1] =	stream.indirect_vreg.gather [hbm4b:s6+s5], $0x80, v3, vm0, $0xb8;
	[tilespmem:$0x16100] =	vst v63  }
0x265: {  	v3 =	vld [tilespmem:$0xD0];
	_ =	sdelay $0x4  }
0x266: {  	v57 =	vshll.u32 v3, $0x2  }
0x267: {  	v3 =	vand.u32 $0x7, v3;
	v4 =	vand.u32 $0xFFFFFFE0, v57  }
0x268: {  	v3 =	vor.u32 v3, v4  }
0x269: {  	v4 =	vperm.xlane v3, v0;
	_ =	sdelay $0x1  }
0x26a: {  	v4 =	vadd.s32 v1, v4;
	_ =	sdelay $0x1  }
0x26b: {  	v3 =	vperm.xlane v3, v2;
	_ =	sdelay $0x1  }
0x26c: {  	s22 =	simm.s32 $0x2100;
	v3 =	vadd.s32 v1, v3  }
0x26d: {  	[tilespmem:s22], [sflag:$0x1] =	stream.indirect_vreg.gather [hbm4b:s1+s5], $0x80, v4, vm0, $0xb8;
	[tilespmem:$0x16100] =	vst v63  }
0x26e: {  	s25 =	simm.s32 $0x2900  }
0x26f: {  	[tilespmem:s25], [sflag:$0x1] =	stream.indirect_vreg.gather [hbm4b:s6+s5], $0x80, v4, vm0, $0xb8;
	[tilespmem:$0x16100] =	vst v63  }
0x270: {  	s22 =	simm.s32 $0x3100  }
0x271: {  	[tilespmem:s22], [sflag:$0x1] =	stream.indirect_vreg.gather [hbm4b:s1+s5], $0x80, v3, vm0, $0xb8;
	[tilespmem:$0x16100] =	vst v63  }
0x272: {  	s25 =	simm.s32 $0x3900;
	s22 =	sld [smem:$0x7FC]  }
0x273: {  	[tilespmem:s25], [sflag:$0x1] =	stream.indirect_vreg.gather [hbm4b:s6+s5], $0x80, v3, vm0, $0xb8;
	[tilespmem:$0x16100] =	vst v63  }
0x274: {  	_ = 	snop  }
0x275: {  	[tilespmem:s2], [sflag:$0x1] =	stream.indirect.gather [hbm4b:s11+s0], $0x80, s22, s0, $0xb8;
	[tilespmem:$0x16100] =	vst v63  }
0x276: {  	v3 =	vld [tilespmem:$0xC0];
	_ =	sdelay $0x4  }
0x277: {  	v58 =	vshrl.u32 v3, $0x3  }
0x278: {  	v4 =	vmul.u32 $0x30, v58  }
0x279: {  	v3 =	vand.u32 $0x7, v3  }
0x27a: {  	v3 =	vor.u32 v3, v4  }
0x27b: {  	v4 =	vperm.xlane v3, v0;
	_ =	sdelay $0x1  }
0x27c: {  	v4 =	vadd.s32 v1, v4;
	_ =	sdelay $0x3  }
0x27d: {  	v3 =	vperm.xlane v3, v2  }
0x27e: {  	[tilespmem:s19], [sflag:$0x1] =	stream.indirect_vreg.gather [hbm4b:s4+s5], $0x80, v4, vm0, $0xb8;
	[tilespmem:$0x16100] =	vst v63  }
0x27f: {  	s22 =	simm.s32 $0x5900;
	v3 =	vadd.s32 v1, v3  }
0x280: {  	[tilespmem:s22], [sflag:$0x1] =	stream.indirect_vreg.gather [hbm4b:s7+s5], $0x80, v4, vm0, $0xb8;
	[tilespmem:$0x16100] =	vst v63  }
0x281: {  	s25 =	simm.s32 $0x6100  }
0x282: {  	[tilespmem:s25], [sflag:$0x1] =	stream.indirect_vreg.gather [hbm4b:s8+s5], $0x80, v4, vm0, $0xb8;
	[tilespmem:$0x16100] =	vst v63  }
0x283: {  	s30 =	simm.s32 $0x6900  }
0x284: {  	[tilespmem:s30], [sflag:$0x1] =	stream.indirect_vreg.gather [hbm4b:s4+s5], $0x80, v3, vm0, $0xb8;
	[tilespmem:$0x16100] =	vst v63  }
0x285: {  	s30 =	simm.s32 $0x7100  }
0x286: {  	[tilespmem:s30], [sflag:$0x1] =	stream.indirect_vreg.gather [hbm4b:s7+s5], $0x80, v3, vm0, $0xb8;
	[tilespmem:$0x16100] =	vst v63  }
0x287: {  	s22 =	simm.s32 $0x7900  }
0x288: {  	[tilespmem:s22], [sflag:$0x1] =	stream.indirect_vreg.gather [hbm4b:s8+s5], $0x80, v3, vm0, $0xb8;
	[tilespmem:$0x16100] =	vst v63  }
0x289: {  	v3 =	vld [tilespmem:$0xD0];
	_ =	sdelay $0x4  }
0x28a: {  	v59 =	vshrl.u32 v3, $0x3  }
0x28b: {  	v4 =	vmul.u32 $0x30, v59  }
0x28c: {  	v3 =	vand.u32 $0x7, v3  }
0x28d: {  	v3 =	vor.u32 v3, v4  }
0x28e: {  	v4 =	vperm.xlane v3, v0;
	_ =	sdelay $0x1  }
0x28f: {  	v4 =	vadd.s32 v1, v4;
	_ =	sdelay $0x3  }
0x290: {  	s25 =	simm.s32 $0x8100;
	v3 =	vperm.xlane v3, v2  }
0x291: {  	[tilespmem:s25], [sflag:$0x1] =	stream.indirect_vreg.gather [hbm4b:s4+s5], $0x80, v4, vm0, $0xb8;
	[tilespmem:$0x16100] =	vst v63  }
0x292: {  	s30 =	simm.s32 $0x8900;
	v3 =	vadd.s32 v1, v3  }
0x293: {  	[tilespmem:s30], [sflag:$0x1] =	stream.indirect_vreg.gather [hbm4b:s7+s5], $0x80, v4, vm0, $0xb8;
	[tilespmem:$0x16100] =	vst v63  }
0x294: {  	s22 =	simm.s32 $0x9100  }
0x295: {  	[tilespmem:s22], [sflag:$0x1] =	stream.indirect_vreg.gather [hbm4b:s8+s5], $0x80, v4, vm0, $0xb8;
	[tilespmem:$0x16100] =	vst v63  }
0x296: {  	s15 =	simm.s32 $0x9900  }
0x297: {  	[tilespmem:s15], [sflag:$0x1] =	stream.indirect_vreg.gather [hbm4b:s4+s5], $0x80, v3, vm0, $0xb8;
	[tilespmem:$0x16100] =	vst v63  }
0x298: {  	s31 =	simm.s32 $0xA100  }
0x299: {  	[tilespmem:s31], [sflag:$0x1] =	stream.indirect_vreg.gather [hbm4b:s7+s5], $0x80, v3, vm0, $0xb8;
	[tilespmem:$0x16100] =	vst v63  }
0x29a: {  	s30 =	simm.s32 $0xA900  }
0x29b: {  	[tilespmem:s30], [sflag:$0x1] =	stream.indirect_vreg.gather [hbm4b:s8+s5], $0x80, v3, vm0, $0xb8;
	[tilespmem:$0x16100] =	vst v63  }
0x29c: {  	s23 =	simm.s32 $0xB100;
	s25 =	rddreg [dreg:$0x16]  }
0x29d: {  	[hbm4b:s25+s5] =	stream.linear.scatter [tilespmem:s23], [sflag:$0x4], $0x4000, $0x38;
	[tilespmem:$0x16100] =	vst v63  }
0x29e: {  	s31 =	rddreg [dreg:$0x17]  }
0x29f: {  	[hbm4b:s31+s5] =	stream.linear.scatter [tilespmem:s24], [sflag:$0x4], $0x1000, $0x38;
	[tilespmem:$0x16100] =	vst v63  }
0x2a0: {  	s15 =	rddreg [dreg:$0x18]  }
0x2a1: {  	[hbm4b:s15+s5] =	stream.linear.scatter [tilespmem:s3], [sflag:$0x4], $0x6000, $0x38;
	[tilespmem:$0x16100] =	vst v63  }
0x2a2: {  	_ =	swait.ge [sflag:s10], $0x4000  }
0x2a3: {  	[sflag:s10] =	ssyncset.done $0x0  }
0x2a4: {  	[sflag:s10] =	ssyncadd.s32 $0xFFFFC000  }
0x2a5: {  	_ =	swait.ge [sflag:s10], $0x1000  }
0x2a6: {  	[sflag:s10] =	ssyncset.done $0x0  }
0x2a7: {  	[sflag:s10] =	ssyncadd.s32 $0xFFFFF000  }
0x2a8: {  	_ =	swait.ge [sflag:s10], $0x6000  }
0x2a9: {  	[sflag:s10] =	ssyncset.done $0x0  }
0x2aa: {  	[sflag:s10] =	ssyncadd.s32 $0xFFFFA000  }
0x2ab: {  	_ =	swait.ge [sflag:s18], $0x4000  }
0x2ac: {  	[sflag:s18] =	ssyncset.done $0x0  }
0x2ad: {  	[sflag:s18] =	ssyncadd.s32 $0xFFFFC000  }
0x2ae: {  	_ =	swait.ge [sflag:s18], $0x1000  }
0x2af: {  	[sflag:s18] =	ssyncset.done $0x0  }
0x2b0: {  	[sflag:s18] =	ssyncadd.s32 $0xFFFFF000  }
0x2b1: {  	_ =	swait.ge [sflag:s18], $0x6000  }
0x2b2: {  	[sflag:s18] =	ssyncset.done $0x0  }
0x2b3: {  	[sflag:s18] =	ssyncadd.s32 $0xFFFFA000  }
0x2b4: {  	v3 =	vld [tilespmem:$0xE0];
	_ =	sdelay $0x4  }
0x2b5: {  	v60 =	vshll.u32 v3, $0x2  }
0x2b6: {  	v3 =	vand.u32 $0x7, v3;
	v4 =	vand.u32 $0xFFFFFFE0, v60  }
0x2b7: {  	v3 =	vor.u32 v3, v4  }
0x2b8: {  	v4 =	vperm.xlane v3, v0;
	_ =	sdelay $0x1  }
0x2b9: {  	v4 =	vadd.s32 v1, v4;
	_ =	sdelay $0x1  }
0x2ba: {  	v3 =	vperm.xlane v3, v2;
	_ =	sdelay $0x1  }
0x2bb: {  	v3 =	vadd.s32 v1, v3  }
0x2bc: {  	[tilespmem:s23], [sflag:$0x2] =	stream.indirect_vreg.gather [hbm4b:s1+s5], $0x80, v4, vm0, $0xb8;
	[tilespmem:$0x16100] =	vst v63  }
0x2bd: {  	s19 =	simm.s32 $0xB900  }
0x2be: {  	[tilespmem:s19], [sflag:$0x2] =	stream.indirect_vreg.gather [hbm4b:s6+s5], $0x80, v4, vm0, $0xb8;
	[tilespmem:$0x16100] =	vst v63  }
0x2bf: {  	s14 =	simm.s32 $0xC100  }
0x2c0: {  	[tilespmem:s14], [sflag:$0x2] =	stream.indirect_vreg.gather [hbm4b:s1+s5], $0x80, v3, vm0, $0xb8;
	[tilespmem:$0x16100] =	vst v63  }
0x2c1: {  	s22 =	simm.s32 $0xC900  }
0x2c2: {  	[tilespmem:s22], [sflag:$0x2] =	stream.indirect_vreg.gather [hbm4b:s6+s5], $0x80, v3, vm0, $0xb8;
	[tilespmem:$0x16100] =	vst v63  }
0x2c3: {  	v3 =	vld [tilespmem:$0xF0];
	_ =	sdelay $0x4  }
0x2c4: {  	v61 =	vshll.u32 v3, $0x2  }
0x2c5: {  	v3 =	vand.u32 $0x7, v3;
	v4 =	vand.u32 $0xFFFFFFE0, v61  }
0x2c6: {  	v3 =	vor.u32 v3, v4  }
0x2c7: {  	v4 =	vperm.xlane v3, v0;
	_ =	sdelay $0x1  }
0x2c8: {  	v4 =	vadd.s32 v1, v4;
	_ =	sdelay $0x1  }
0x2c9: {  	v3 =	vperm.xlane v3, v2;
	_ =	sdelay $0x1  }
0x2ca: {  	s26 =	simm.s32 $0xD100;
	v3 =	vadd.s32 v1, v3  }
0x2cb: {  	[tilespmem:s26], [sflag:$0x2] =	stream.indirect_vreg.gather [hbm4b:s1+s5], $0x80, v4, vm0, $0xb8;
	[tilespmem:$0x16100] =	vst v63  }
0x2cc: {  	s28 =	simm.s32 $0xD900  }
0x2cd: {  	[tilespmem:s28], [sflag:$0x2] =	stream.indirect_vreg.gather [hbm4b:s6+s5], $0x80, v4, vm0, $0xb8;
	[tilespmem:$0x16100] =	vst v63  }
0x2ce: {  	s25 =	simm.s32 $0xE100  }
0x2cf: {  	[tilespmem:s25], [sflag:$0x2] =	stream.indirect_vreg.gather [hbm4b:s1+s5], $0x80, v3, vm0, $0xb8;
	[tilespmem:$0x16100] =	vst v63  }
0x2d0: {  	s26 =	sld [smem:$0x7FD];
	s28 =	simm.s32 $0xE900  }
0x2d1: {  	[tilespmem:s28], [sflag:$0x2] =	stream.indirect_vreg.gather [hbm4b:s6+s5], $0x80, v3, vm0, $0xb8;
	[tilespmem:$0x16100] =	vst v63  }
0x2d2: {  	s0 =	simm.s32 $0x20  }
0x2d3: {  	[tilespmem:s24], [sflag:$0x2] =	stream.indirect.gather [hbm4b:s11+s0], $0x80, s26, s0, $0xb8;
	[tilespmem:$0x16100] =	vst v63  }
0x2d4: {  	v3 =	vld [tilespmem:$0xE0];
	_ =	sdelay $0x4  }
0x2d5: {  	v62 =	vshrl.u32 v3, $0x3  }
0x2d6: {  	v4 =	vmul.u32 $0x30, v62  }
0x2d7: {  	v3 =	vand.u32 $0x7, v3  }
0x2d8: {  	v3 =	vor.u32 v3, v4  }
0x2d9: {  	v4 =	vperm.xlane v3, v0;
	_ =	sdelay $0x1  }
0x2da: {  	v4 =	vadd.s32 v1, v4;
	_ =	sdelay $0x3  }
0x2db: {  	v3 =	vperm.xlane v3, v2  }
0x2dc: {  	[tilespmem:s3], [sflag:$0x2] =	stream.indirect_vreg.gather [hbm4b:s4+s5], $0x80, v4, vm0, $0xb8;
	[tilespmem:$0x16100] =	vst v63  }
0x2dd: {  	s20 =	simm.s32 $0x10900;
	v3 =	vadd.s32 v1, v3  }
0x2de: {  	[tilespmem:s20], [sflag:$0x2] =	stream.indirect_vreg.gather [hbm4b:s7+s5], $0x80, v4, vm0, $0xb8;
	[tilespmem:$0x16100] =	vst v63  }
0x2df: {  	s21 =	simm.s32 $0x11100  }
0x2e0: {  	[tilespmem:s21], [sflag:$0x2] =	stream.indirect_vreg.gather [hbm4b:s8+s5], $0x80, v4, vm0, $0xb8;
	[tilespmem:$0x16100] =	vst v63  }
0x2e1: {  	s29 =	simm.s32 $0x11900  }
0x2e2: {  	[tilespmem:s29], [sflag:$0x2] =	stream.indirect_vreg.gather [hbm4b:s4+s5], $0x80, v3, vm0, $0xb8;
	[tilespmem:$0x16100] =	vst v63  }
0x2e3: {  	s30 =	simm.s32 $0x12100  }
0x2e4: {  	[tilespmem:s30], [sflag:$0x2] =	stream.indirect_vreg.gather [hbm4b:s7+s5], $0x80, v3, vm0, $0xb8;
	[tilespmem:$0x16100] =	vst v63  }
0x2e5: {  	s31 =	simm.s32 $0x12900  }
0x2e6: {  	[tilespmem:s31], [sflag:$0x2] =	stream.indirect_vreg.gather [hbm4b:s8+s5], $0x80, v3, vm0, $0xb8;
	[tilespmem:$0x16100] =	vst v63  }
0x2e7: {  	v3 =	vld [tilespmem:$0xF0];
	_ =	sdelay $0x4  }
0x2e8: {  	v63 =	vshrl.u32 v3, $0x3  }
0x2e9: {  	v4 =	vmul.u32 $0x30, v63  }
0x2ea: {  	v3 =	vand.u32 $0x7, v3  }
0x2eb: {  	v3 =	vor.u32 v3, v4  }
0x2ec: {  	v4 =	vperm.xlane v3, v0;
	_ =	sdelay $0x1  }
0x2ed: {  	v4 =	vadd.s32 v1, v4;
	_ =	sdelay $0x3  }
0x2ee: {  	s11 =	simm.s32 $0x13100;
	v3 =	vperm.xlane v3, v2  }
0x2ef: {  	[tilespmem:s11], [sflag:$0x2] =	stream.indirect_vreg.gather [hbm4b:s4+s5], $0x80, v4, vm0, $0xb8;
	[tilespmem:$0x16100] =	vst v63  }
0x2f0: {  	s14 =	simm.s32 $0x13900;
	v3 =	vadd.s32 v1, v3  }
0x2f1: {  	[tilespmem:s14], [sflag:$0x2] =	stream.indirect_vreg.gather [hbm4b:s7+s5], $0x80, v4, vm0, $0xb8;
	[tilespmem:$0x16100] =	vst v63  }
0x2f2: {  	s15 =	simm.s32 $0x14100  }
0x2f3: {  	[tilespmem:s15], [sflag:$0x2] =	stream.indirect_vreg.gather [hbm4b:s8+s5], $0x80, v4, vm0, $0xb8;
	[tilespmem:$0x16100] =	vst v63  }
0x2f4: {  	s19 =	simm.s32 $0x14900  }
0x2f5: {  	[tilespmem:s19], [sflag:$0x2] =	stream.indirect_vreg.gather [hbm4b:s4+s5], $0x80, v3, vm0, $0xb8;
	[tilespmem:$0x16100] =	vst v63  }
0x2f6: {  	s20 =	simm.s32 $0x15100  }
0x2f7: {  	[tilespmem:s20], [sflag:$0x2] =	stream.indirect_vreg.gather [hbm4b:s7+s5], $0x80, v3, vm0, $0xb8;
	[tilespmem:$0x16100] =	vst v63  }
0x2f8: {  	s25 =	simm.s32 $0x15900  }
0x2f9: {  	[tilespmem:s25], [sflag:$0x2] =	stream.indirect_vreg.gather [hbm4b:s8+s5], $0x80, v3, vm0, $0xb8;
	[tilespmem:$0x16100] =	vst v63  }
0x2fa: {  	s13 =	simm.s32 $0x100;
	s21 =	rddreg [dreg:$0x19]  }
0x2fb: {  	[hbm4b:s21+s5] =	stream.linear.scatter [tilespmem:s13], [sflag:$0x3], $0x4000, $0x38;
	[tilespmem:$0x16100] =	vst v63  }
0x2fc: {  	s12 =	simm.s32 $0x4100;
	s26 =	rddreg [dreg:$0x1a]  }
0x2fd: {  	[hbm4b:s26+s5] =	stream.linear.scatter [tilespmem:s12], [sflag:$0x3], $0x1000, $0x38;
	[tilespmem:$0x16100] =	vst v63  }
0x2fe: {  	s2 =	simm.s32 $0x5100;
	s28 =	rddreg [dreg:$0x1b]  }
0x2ff: {  	[hbm4b:s28+s5] =	stream.linear.scatter [tilespmem:s2], [sflag:$0x3], $0x6000, $0x38;
	[tilespmem:$0x16100] =	vst v63  }
0x300: {  	_ =	swait.ge [sflag:s16], $0x4000  }
0x301: {  	[sflag:s16] =	ssyncset.done $0x0  }
0x302: {  	[sflag:s16] =	ssyncadd.s32 $0xFFFFC000  }
0x303: {  	_ =	swait.ge [sflag:s16], $0x1000  }
0x304: {  	[sflag:s16] =	ssyncset.done $0x0  }
0x305: {  	[sflag:s16] =	ssyncadd.s32 $0xFFFFF000  }
0x306: {  	_ =	swait.ge [sflag:s16], $0x6000  }
0x307: {  	[sflag:s16] =	ssyncset.done $0x0  }
0x308: {  	s29 =	rddreg [dreg:$0x1c];
	[sflag:s16] =	ssyncadd.s32 $0xFFFFA000  }
0x309: {  	[hbm4b:s29+s5] =	stream.linear.scatter [tilespmem:s23], [sflag:$0x4], $0x4000, $0x38;
	[tilespmem:$0x16100] =	vst v63  }
0x30a: {  	s30 =	rddreg [dreg:$0x1d]  }
0x30b: {  	[hbm4b:s30+s5] =	stream.linear.scatter [tilespmem:s24], [sflag:$0x4], $0x1000, $0x38;
	[tilespmem:$0x16100] =	vst v63  }
0x30c: {  	s31 =	rddreg [dreg:$0x1e]  }
0x30d: {  	[hbm4b:s31+s5] =	stream.linear.scatter [tilespmem:s3], [sflag:$0x4], $0x6000, $0x38;
	[tilespmem:$0x16100] =	vst v63  }
0x30e: {  	_ =	swait.ge [sflag:s17], $0x4000  }
0x30f: {  	[sflag:s17] =	ssyncset.done $0x0  }
0x310: {  	[sflag:s17] =	ssyncadd.s32 $0xFFFFC000  }
0x311: {  	_ =	swait.ge [sflag:s17], $0x1000  }
0x312: {  	[sflag:s17] =	ssyncset.done $0x0  }
0x313: {  	[sflag:s17] =	ssyncadd.s32 $0xFFFFF000  }
0x314: {  	_ =	swait.ge [sflag:s17], $0x6000  }
0x315: {  	[sflag:s17] =	ssyncset.done $0x0  }
0x316: {  	[sflag:s17] =	ssyncadd.s32 $0xFFFFA000  }
0x317: {  	_ =	swait.ge [sflag:s18], $0x4000  }
0x318: {  	[sflag:s18] =	ssyncset.done $0x0  }
0x319: {  	[sflag:s18] =	ssyncadd.s32 $0xFFFFC000  }
0x31a: {  	p0 =	sne.s32 s9, $0x1;
	_ =	swait.ge [sflag:s18], $0x1000  }
.Ltmp0:
0x31b: {  	[sflag:s18] =	ssyncset.done $0x0;
	(pc) =	sbr.rel @p0 .LBB2_1-.Ltmp0, $4  }
0x31c: {  	[sflag:s18] =	ssyncadd.s32 $0xFFFFF000  }
0x31d: {  	_ =	swait.ge [sflag:s18], $0x6000  }
0x31e: {  	[sflag:s18] =	ssyncset.done $0x0  }
0x31f: {  	s9 =	sadd.s32 $0xFFFFFFFF, s9;
	[sflag:s18] =	ssyncadd.s32 $0xFFFFA000  }
0x320: {  	_ =	sfence.sel $0x180000  }
0x321: {  	[bflag:$0x0] =	sbarrier.arrive $0xFFFF  }
0x322: {  	_ =	strace $0x9000004A  }
0x323: {  	s0 =	stileid.u32;
	[bflag:$0x2] =	sbarrier.arrive $0xFFFF  }
0x324: {  	p0 =	sne.s32 s0, $0x0;
	s0 =	rddreg [dreg:$0x5]  }
0x325: {  	s0 =	sadd.s32 @!p0 $0x100000, s0  }
0x326: {  	[sflag:s0] =	ssyncadd.tile.s32 @!p0 $0x1;
	_ =	shalt  }
.Lfunc_end2:
_tile_overlayer_lowered:
.L_overlay_start_2:
0x327: {  	(tag) =	ssettag $0x2  }
0x328: {  	s0 =	rddreg [dreg:$0x0];
	s2 =	stileid.u32  }
0x329: {  	s1 =	rddreg [dreg:$0x1];
	p0 =	sne.s32 s2, $0x0  }
0x32a: {  	s3 =	rddreg [dreg:$0x2];
	[bflag:$0x3] =	sbarrier.arrive $0xFFFF;
	s2 =	simm.s32 @!p0 $0x1C05  }
0x32b: {  	[timem:s3], [sflag:s2] =	dma.local @!p0 [hbm:s0], s1  }
0x32c: {  	s0 =	simm.s32 @!p0 $0x5  }
0x32d: {  	_ =	swait.ge @!p0 [sflag:s0], s1  }
0x32e: {  	s1 =	ssub.s32 @!p0 $0x0, s1;
	[sflag:s0] =	ssyncset.done @!p0 $0x0  }
0x32f: {  	[sflag:s0] =	ssyncadd.s32 @!p0 s1  }
0x330: {  	[bflag:$0x3] =	sbarrier.arrive $0xFFFF  }
0x331: {  	_ =	shalt  }

// kernel: kernel.17.cloned.1.call-start
scs
__scs_entry_jumppad:
0x0: {  	(pc) =	sbr.rel $0x88, $3  }
0x1: {  	(tag) =	ssettag $0x0;
	lr =	simm.s32 $0x1  }
0x2: {  	[smem:$0x3F98] =	sst lr;
	_ =	strace $0xD0000000  }
0x3: {  	_ = 	snop  }
0x4: {  	_ = 	snop  }
0x5: {  	_ = 	snop  }
0x6: {  	_ = 	snop  }
0x7: {  	_ = 	snop  }
__scs_overlays_trampoline_lowered:
0x8: {  	[smem:$0x3FA7] =	sst s0  }
0x9: {  	[smem:$0x3FA8] =	sst s1  }
0xa: {  	[smem:$0x3FA9] =	sst s2  }
0xb: {  	[smem:$0x3FAA] =	sst s3  }
0xc: {  	[smem:$0x3FAB] =	sst s4  }
0xd: {  	[smem:$0x3FAC] =	sst s5  }
0xe: {  	[smem:$0x3FAD] =	sst s6  }
0xf: {  	[smem:$0x3FAE] =	sst s7  }
0x10: {  	[smem:$0x3FAF] =	sst s8  }
0x11: {  	[smem:$0x3FB0] =	sst s9;
	s0 =	simm.s32 @!p0 $0x0  }
0x12: {  	s1 =	sld [smem:$0x3F96];
	s0 =	simm.s32 @p0 $0x1  }
0x13: {  	[smem:$0x3FB1] =	sst s0;
	s0 =	simm.s32 @!p1 $0x0  }
0x14: {  	s2 =	sld [smem:$0x3F95];
	s0 =	simm.s32 @p1 $0x1  }
0x15: {  	[smem:$0x3FB2] =	sst s0;
	s0 =	simm.s32 @!p2 $0x0  }
0x16: {  	s3 =	sld [smem:$0x3FDB];
	s0 =	simm.s32 @p2 $0x1  }
0x17: {  	s4 =	simm.s32 $0x1BF5;
	[smem:$0x3FB4] =	sst s0  }
0x18: {  	s0 =	sld [smem:$0x3F97];
	_ =	swait.ge [sflag:s4], $0x0  }
0x19: {  	s7 =	sld [smem:$0x3F98]  }
0x1a: {  	s8 =	sadd.s32 $0xFFFFE003, lr  }
0x1b: {  	s9 =	sadd.s32 $0xFFFFFEF7, lr;
	s5 =	simm.s32 $0xFFFFFFFF;
	p2 =	slt.u32 s8, $0xFFFFF086  }
0x1c: {  	p1 =	slt.u32 s9, $0xF7A;
	s5 =	simm.s32 @!p2 $0x0  }
0x1d: {  	s5 =	simm.s32 @p1 $0x1;
	p0 =	seq.s32 s7, s2  }
0x1e: {  	s7 =	smul.u32 @!p0 $0xF7A, s2;
	p2 =	seq.s32 @!p0 s5, $0x0  }
0x1f: {  	s9 =	smul.u32 $0xF7A, s1;
	s8 =	simm.s32 @!p0 $0x1BF5;
	p2 =	por !p2, p0  }
0x20: {  	[sflag:s8] =	ssyncset.s32 @!p0 $0xFFFFF086;
	s6 =	sadd.s32 @!p0 s3, s7;
	s7 =	simm.s32 @!p0 $0x108  }
0x21: {  	s3 =	sadd.s32 s3, s9;
	s6 =	sadd.s32 @!p0 $0x88, s6;
	s7 =	simm.s32 @p2 $0x1082  }
0x22: {  	[simem:s7], [sflag:s8] =	dma.local @!p0 [hbm:s6], $0xF7A  }
0x23: {  	s9 =	sor.u32 $0xD0000000, s2;
	s6 =	simm.s32 $0x108;
	_ =	swait.ge @!p0 [sflag:s8], $0x0  }
0x24: {  	s3 =	sadd.s32 $0x88, s3;
	s6 =	simm.s32 @!p1 $0x1082;
	[sflag:s4] =	ssyncset.s32 $0xFFFFF086  }
0x25: {  	[simem:s6], [sflag:s4] =	dma.local [hbm:s3], $0xF7A  }
0x26: {  	[smem:$0x3F98] =	sst s1;
	(tag) =	ssettag s2;
	_ =	strace s9  }
0x27: {  	s1 =	sld [smem:$0x3FA8]  }
0x28: {  	s2 =	sld [smem:$0x3FA9]  }
0x29: {  	s4 =	sld [smem:$0x3FAB]  }
0x2a: {  	p0 =	seq.s32 s5, $0x0;
	s5 =	sld [smem:$0x3FAC]  }
0x2b: {  	s6 =	sld [smem:$0x3FAD]  }
0x2c: {  	s7 =	sld [smem:$0x3FAE]  }
0x2d: {  	s3 =	simm.s32 $0x108;
	s8 =	sld [smem:$0x3FAF]  }
0x2e: {  	s3 =	simm.s32 @!p0 $0x1082;
	s9 =	sld [smem:$0x3FB0]  }
0x2f: {  	lr =	sadd.s32 s0, s3;
	s0 =	sld [smem:$0x3FA7]  }
0x30: {  	s3 =	sld [smem:$0x3FAA]  }
0x31: {  	[smem:$0x3FB3] =	sst s10  }
0x32: {  	s10 =	sld [smem:$0x3FB1];
	_ =	sdelay $0x3  }
0x33: {  	p0 =	seq.s32 s10, $0x1;
	s10 =	sld [smem:$0x3FB3];
	_ =	sdelay $0x3  }
0x34: {  	[smem:$0x3FB3] =	sst s10  }
0x35: {  	s10 =	sld [smem:$0x3FB2];
	_ =	sdelay $0x3  }
0x36: {  	p1 =	seq.s32 s10, $0x1;
	s10 =	sld [smem:$0x3FB3];
	_ =	sdelay $0x3  }
0x37: {  	[smem:$0x3FB3] =	sst s10  }
0x38: {  	s10 =	sld [smem:$0x3FB4]  }
0x39: {  	_ = 	snop;
	(pc) =	sbr.ind lr, $3  }
0x3a: {  	_ = 	snop  }
0x3b: {  	_ = 	snop  }
0x3c: {  	p2 =	seq.s32 s10, $0x1;
	s10 =	sld [smem:$0x3FB3]  }
0x3d: {  	_ =	shalt  }
0x3e: {  	_ =	shalt  }
0x3f: {  	_ =	shalt  }
0x40: {  	_ =	shalt  }
0x41: {  	_ =	shalt  }
0x42: {  	_ =	shalt  }
0x43: {  	_ =	shalt  }
0x44: {  	_ =	shalt  }
0x45: {  	_ =	shalt  }
0x46: {  	_ =	shalt  }
0x47: {  	_ =	shalt  }
0x48: {  	_ =	shalt  }
0x49: {  	_ =	shalt  }
0x4a: {  	_ =	shalt  }
0x4b: {  	_ =	shalt  }
0x4c: {  	_ =	shalt  }
0x4d: {  	_ =	shalt  }
0x4e: {  	_ =	shalt  }
0x4f: {  	_ =	shalt  }
0x50: {  	_ =	shalt  }
0x51: {  	_ =	shalt  }
0x52: {  	_ =	shalt  }
0x53: {  	_ =	shalt  }
0x54: {  	_ =	shalt  }
0x55: {  	_ =	shalt  }
0x56: {  	_ =	shalt  }
0x57: {  	_ =	shalt  }
0x58: {  	_ =	shalt  }
0x59: {  	_ =	shalt  }
0x5a: {  	_ =	shalt  }
0x5b: {  	_ =	shalt  }
0x5c: {  	_ =	shalt  }
0x5d: {  	_ =	shalt  }
0x5e: {  	_ =	shalt  }
0x5f: {  	_ =	shalt  }
0x60: {  	_ =	shalt  }
0x61: {  	_ =	shalt  }
0x62: {  	_ =	shalt  }
0x63: {  	_ =	shalt  }
0x64: {  	_ =	shalt  }
0x65: {  	_ =	shalt  }
0x66: {  	_ =	shalt  }
0x67: {  	_ =	shalt  }
0x68: {  	_ =	shalt  }
0x69: {  	_ =	shalt  }
0x6a: {  	_ =	shalt  }
0x6b: {  	_ =	shalt  }
0x6c: {  	_ =	shalt  }
0x6d: {  	_ =	shalt  }
0x6e: {  	_ =	shalt  }
0x6f: {  	_ =	shalt  }
0x70: {  	_ =	shalt  }
0x71: {  	_ =	shalt  }
0x72: {  	_ =	shalt  }
0x73: {  	_ =	shalt  }
0x74: {  	_ =	shalt  }
0x75: {  	_ =	shalt  }
0x76: {  	_ =	shalt  }
0x77: {  	_ =	shalt  }
0x78: {  	_ =	shalt  }
0x79: {  	_ =	shalt  }
0x7a: {  	_ =	shalt  }
0x7b: {  	_ =	shalt  }
0x7c: {  	_ =	shalt  }
0x7d: {  	_ =	shalt  }
0x7e: {  	_ =	shalt  }
0x7f: {  	_ =	shalt  }
0x80: {  	_ =	shalt  }
0x81: {  	_ =	shalt  }
0x82: {  	_ =	shalt  }
0x83: {  	_ =	shalt  }
0x84: {  	_ =	shalt  }
0x85: {  	_ =	shalt  }
0x86: {  	_ =	shalt  }
0x87: {  	_ =	shalt  }
.Lfunc_end0:
.L_simem_size_0:
called_computation.3_lowered:
.L_overlay_start_0:
0x88: {  	s2 =	sld [smem:$0x3FD9]  }
0x89: {  	s3 =	sld [smem:$0x3FFE];
	_ =	sdelay $0x1  }
0x8a: {  	s1 =	srdreg.scid  }
0x8b: {  	s0 =	sand.u32 $0x1, s1  }
0x8c: {  	s16 =	sshll.u32 s0, $0xA;
	s2 =	sadd.s32 s3, s2  }
0x8d: {  	s2 =	sadd.s32 s2, s16  }
0x8e: {  	[smem:$0x3FBF] =	sst s2  }
0x8f: {  	_ = 	snop  }
0x90: {  	(tm) =	ssettm $0x1  }
0x91: {  	s17 =	sld [smem:$0x3FFB];
	_ =	sdelay $0x3  }
0x92: {  	_ =	strace s17  }
0x93: {  	s2 =	sld [smem:$0x3FFC];
	_ =	sdelay $0x3  }
0x94: {  	_ =	strace s2  }
0x95: {  	s2 =	sld [smem:$0x3FFD];
	_ =	sdelay $0x3  }
0x96: {  	_ =	strace s2  }
0x97: {  	_ =	strace $0x8FFFFFFF  }
0x98: {  	s18 =	sld [smem:$0x3FDB];
	_ =	sdelay $0x1  }
0x99: {  	s19 =	simm.s32 $_scs_section_size  }
0x9a: {  	s4 =	simm.s32 $_size__tile_overlayer_lowered;
	s5 =	simm.s32 $_tile_overlayer_lowered  }
0x9b: {  	s22 =	simm.s32 $0x1BFF;
	s21 =	sshll.u32 s5, $0x1;
	s2 =	sadd.s32 s19, s18  }
0x9c: {  	s6 =	simm.s32 $0x0;
	s20 =	sshll.u32 s4, $0x1;
	s4 =	sadd.s32 s21, s2  }
0x9d: {  	[timem:s6], [sflag:s22] =	dma.local [hbm:s4], s20  }
0x9e: {  	_ =	swait.ge [sflag:s22], s20  }
0x9f: {  	s3 =	ssub.s32 $0x0, s20;
	[sflag:s22] =	ssyncset.done $0x0  }
0xa0: {  	[sflag:s22] =	ssyncadd.s32 s3;
	_ =	sdelay $0x1  }
0xa1: {  	s23 =	simm.s32 $0x1B8B  }
0xa2: {  	_ =	swait.ge [sflag:s23], $0x1  }
0xa3: {  	[sflag:s23] =	ssyncset.done $0x0  }
0xa4: {  	s25 =	simm.s32 $0x1B8E;
	s24 =	sld [smem:$0x3FFE];
	[sflag:s23] =	ssyncadd.s32 $0xFFFFFFFF  }
0xa5: {  	s26 =	simm.s32 $execute0_lowered;
	[smem:$0x3FD2] =	sst s25  }
0xa6: {  	s4 =	sshll.u32 s26, $0x1;
	_ =	strace $0x80000046;
	[dreg:$0x1] =	wrdreg $0xFFFFFFFF  }
0xa7: {  	s28 =	simm.s32 $_size_execute0_lowered;
	s2 =	sadd.s32 s2, s4;
	[dreg:$0x0] =	wrdreg $0x0  }
0xa8: {  	s4 =	sshll.u32 s28, $0x1;
	[dreg:$0x2] =	wrdreg s2  }
0xa9: {  	[dreg:$0x3] =	wrdreg s4  }
0xaa: {  	[dreg:$0x4] =	wrdreg $0xC0  }
0xab: {  	_ =	task [dreg:s6], $0x5FFFF  }
0xac: {  	[dreg:$0x1] =	wrdreg $0xFFFFFFFF  }
0xad: {  	[dreg:$0x0] =	wrdreg $0x60  }
0xae: {  	[dreg:$0x2] =	wrdreg s24  }
0xaf: {  	[dreg:$0x3] =	wrdreg $0xC  }
0xb0: {  	_ =	task.clear_ibuf [dreg:s6], $0x4FFFF;
	_ =	strace $0x90000046  }
0xb1: {  	s29 =	simm.s32 $0xC;
	_ =	strace $0x80000048  }
0xb2: {  	_ =	swait.ge [sflag:s29], $0x1  }
0xb3: {  	[sflag:s29] =	ssyncadd.s32 $0xFFFFFFFF  }
0xb4: {  	_ =	strace $0x90000048  }
0xb5: {  	_ =	sfence  }
0xb6: {  	s30 =	sld [smem:$0x0];
	_ =	sdelay $0x2  }
0xb7: {  	s31 =	sshll.u32 s1, $0xD;
	s1 =	sshrl.u32 s1, $0x2  }
0xb8: {  	s3 =	sand.u32 $0x4000, s31;
	s1 =	sadd.s32 s1, s30  }
0xb9: {  	s0 =	sor.u32 s3, s0;
	s1 =	sshll.u32 s1, $0x11  }
0xba: {  	s0 =	sor.u32 s1, s0  }
0xbb: {  	s0 =	sadd.s32 $0x8F2B, s0  }
0xbc: {  	[sflag:s0] =	ssyncadd.remote.s32 $0x1  }
0xbd: {  	_ =	sfence.sel $0xFFFF  }
0xbe: {  	[dreg:$0x0] =	wrdreg $0xFFFFFFFF;
	(pc) =	sbr.abs _section_cstart, $3  }
0xbf: {  	[dreg:$0x1] =	wrdreg $0xFFFFFFFF  }
0xc0: {  	_ =	task.clear_ibuf [dreg:s6], $0x2FFFF;
	_ =	strace $0x9FFFFFFF  }
0xc1: {  	(tm) =	ssettm $0x7FFFFFFF  }
tec
execute0_lowered:
.L_overlay_start_1:
0x0: {  	(tag) =	ssettag $0x1  }
0x1: {  	s1 =	srdreg.scid  }
0x2: {  	s0 =	stileid.u32;
	s12 =	sand.u32 $0x1, s1  }
0x3: {  	s30 =	sshll.u32 s0, $0x9;
	s2 =	sshll.u32 s12, $0x8  }
0x4: {  	s11 =	sor.u32 s2, s30  }
0x5: {  	s10 =	rddreg [dreg:$0x0];
	s2 =	simm.s32 $0x0;
	s3 =	sshrl.u32 s11, $0x3  }
0x6: {  	s4 =	simm.s32 $0x3;
	[smem:$0x7FF] =	sst s2;
	s3 =	sadd.s32 s3, s10  }
0x7: {  	s1 =	rddreg [dreg:$0x1];
	_ =	strace $0x80000047;
	s3 =	sadd.s32 $0x3400, s3  }
0x8: {  	[tilespmem:s2], [sflag:$0x3] =	stream.linear.gather [hbm4b:s3+s2], $0x100, $0x38;
	[tilespmem:$0x8100] =	vst v63  }
0x9: {  	_ =	swait.ge [sflag:s4], $0x100  }
0xa: {  	s6 =	simm.s32 $0x80;
	[sflag:s4] =	ssyncset.done $0x0  }
0xb: {  	s7 =	simm.s32 $0x100;
	s5 =	sadd.s32 $0x18A200, s10;
	[sflag:s4] =	ssyncadd.s32 $0xFFFFFF00  }
0xc: {  	[tilespmem:s7], [sflag:$0x1] =	stream.indirect.gather [hbm4b:s5+s6], $0x80, s2, s6, $0xb8;
	[tilespmem:$0x8100] =	vst v63  }
0xd: {  	s8 =	simm.s32 $0x4100;
	s9 =	simm.s32 $0x1  }
0xe: {  	[tilespmem:s8], [sflag:$0x2] =	stream.indirect.gather [hbm4b:s5+s6], $0x80, s6, s6, $0xb8;
	[tilespmem:$0x8100] =	vst v63  }
0xf: {  	s14 =	ssub.s32 $0x2, s12;
	s11 =	sshll.u32 s11, $0x4;
	_ =	swait.ge [sflag:s9], $0x4000  }
0x10: {  	s31 =	sshrl.u32 s14, $0x1;
	s13 =	sadd.s32 s11, s10;
	[sflag:s9] =	ssyncset.done $0x0  }
0x11: {  	s10 =	simm.s32 $0x2;
	s11 =	sadd.s32 $0x3800, s13;
	[sflag:s9] =	ssyncadd.s32 $0xFFFFC000  }
0x12: {  	[hbm4b:s11+s2] =	stream.linear.scatter [tilespmem:s7], [sflag:$0x1], $0x4000, $0x38;
	[tilespmem:$0x8100] =	vst v63  }
0x13: {  	s12 =	sadd.s32 $0x4000, s13;
	s13 =	ssub.s32 s14, s31;
	_ =	swait.ge [sflag:s10], $0x4000  }
0x14: {  	s13 =	smax.u32 s13, $0x1;
	[sflag:s10] =	ssyncset.done $0x0  }
0x15: {  	p0 =	sne.s32 s13, $0x1;
	[sflag:s10] =	ssyncadd.s32 $0xFFFFC000  }
0x16: {  	[hbm4b:s12+s2] =	stream.linear.scatter [tilespmem:s8], [sflag:$0x2], $0x4000, $0x38;
	[tilespmem:$0x8100] =	vst v63  }
.Ltmp0:
0x17: {  	_ =	swait.ge [sflag:s9], $0x4000;
	(pc) =	sbr.rel @!p0 .LBB2_2-.Ltmp0, $4  }
0x18: {  	[sflag:s9] =	ssyncset.done $0x0  }
0x19: {  	[sflag:s9] =	ssyncadd.s32 $0xFFFFC000  }
0x1a: {  	_ =	swait.ge [sflag:s10], $0x4000  }
0x1b: {  	s13 =	sadd.s32 $0xFFFFFFFF, s13;
	[sflag:s10] =	ssyncset.done $0x0  }
.LBB2_1:
0x1c: {  	p0 =	sne.s32 s13, $0x1;
	s13 =	sadd.s32 $0xFFFFFFFF, s13;
	[sflag:s10] =	ssyncadd.s32 $0xFFFFC000  }
0x1d: {  	[tilespmem:s2], [sflag:$0x3] =	stream.linear.gather [hbm4b:s3+s2], $0x100, $0x38;
	[tilespmem:$0x8100] =	vst v63  }
0x1e: {  	_ =	swait.ge [sflag:s4], $0x100  }
0x1f: {  	[sflag:s4] =	ssyncset.done $0x0  }
0x20: {  	[sflag:s4] =	ssyncadd.s32 $0xFFFFFF00  }
0x21: {  	[tilespmem:s7], [sflag:$0x1] =	stream.indirect.gather [hbm4b:s5+s6], $0x80, s2, s6, $0xb8;
	[tilespmem:$0x8100] =	vst v63  }
0x22: {  	_ = 	snop  }
0x23: {  	[tilespmem:s8], [sflag:$0x2] =	stream.indirect.gather [hbm4b:s5+s6], $0x80, s6, s6, $0xb8;
	[tilespmem:$0x8100] =	vst v63  }
0x24: {  	_ =	swait.ge [sflag:s9], $0x4000  }
0x25: {  	[sflag:s9] =	ssyncset.done $0x0  }
0x26: {  	[sflag:s9] =	ssyncadd.s32 $0xFFFFC000  }
0x27: {  	[hbm4b:s11+s2] =	stream.linear.scatter [tilespmem:s7], [sflag:$0x1], $0x4000, $0x38;
	[tilespmem:$0x8100] =	vst v63  }
0x28: {  	_ =	swait.ge [sflag:s10], $0x4000  }
0x29: {  	[sflag:s10] =	ssyncset.done $0x0  }
0x2a: {  	[sflag:s10] =	ssyncadd.s32 $0xFFFFC000  }
0x2b: {  	[hbm4b:s12+s2] =	stream.linear.scatter [tilespmem:s8], [sflag:$0x2], $0x4000, $0x38;
	[tilespmem:$0x8100] =	vst v63  }
.Ltmp1:
0x2c: {  	_ =	swait.ge [sflag:s9], $0x4000;
	(pc) =	sbr.rel @p0 .LBB2_1-.Ltmp1, $4  }
0x2d: {  	[sflag:s9] =	ssyncset.done $0x0  }
0x2e: {  	[sflag:s9] =	ssyncadd.s32 $0xFFFFC000  }
0x2f: {  	_ =	swait.ge [sflag:s10], $0x4000  }
0x30: {  	[sflag:s10] =	ssyncset.done $0x0  }
.LBB2_2:
0x31: {  	[sflag:s10] =	ssyncadd.s32 $0xFFFFC000  }
0x32: {  	_ =	sfence.sel $0x180000  }
0x33: {  	[bflag:$0x0] =	sbarrier.arrive $0xFFFF  }
0x34: {  	p0 =	sne.s32 s0, $0x0;
	_ =	strace $0x90000047  }
0x35: {  	s0 =	sadd.s32 @!p0 $0x100000, s1;
	[bflag:$0x2] =	sbarrier.arrive $0xFFFF  }
0x36: {  	[sflag:s0] =	ssyncadd.tile.s32 @!p0 $0x1;
	_ =	shalt  }
.Lfunc_end2:
_tile_overlayer_lowered:
.L_overlay_start_2:
0x37: {  	(tag) =	ssettag $0x2  }
0x38: {  	s0 =	rddreg [dreg:$0x0];
	s2 =	stileid.u32  }
0x39: {  	s1 =	rddreg [dreg:$0x1];
	p0 =	sne.s32 s2, $0x0  }
0x3a: {  	s3 =	rddreg [dreg:$0x2];
	[bflag:$0x3] =	sbarrier.arrive $0xFFFF;
	s2 =	simm.s32 @!p0 $0x1C03  }
0x3b: {  	[timem:s3], [sflag:s2] =	dma.local @!p0 [hbm:s0], s1  }
0x3c: {  	s0 =	simm.s32 @!p0 $0x3  }
0x3d: {  	_ =	swait.ge @!p0 [sflag:s0], s1  }
0x3e: {  	s1 =	ssub.s32 @!p0 $0x0, s1;
	[sflag:s0] =	ssyncset.done @!p0 $0x0  }
0x3f: {  	[sflag:s0] =	ssyncadd.s32 @!p0 s1  }
0x40: {  	[bflag:$0x3] =	sbarrier.arrive $0xFFFF  }
0x41: {  	_ =	shalt  }

// kernel: kernel.8.cloned.1.call-start
scs
__scs_entry_jumppad:
0x0: {  	(pc) =	sbr.rel $0x88, $3  }
0x1: {  	(tag) =	ssettag $0x0;
	lr =	simm.s32 $0x1  }
0x2: {  	[smem:$0x3F98] =	sst lr;
	_ =	strace $0xD0000000  }
0x3: {  	_ = 	snop  }
0x4: {  	_ = 	snop  }
0x5: {  	_ = 	snop  }
0x6: {  	_ = 	snop  }
0x7: {  	_ = 	snop  }
__scs_overlays_trampoline_lowered:
0x8: {  	[smem:$0x3FA7] =	sst s0  }
0x9: {  	[smem:$0x3FA8] =	sst s1  }
0xa: {  	[smem:$0x3FA9] =	sst s2  }
0xb: {  	[smem:$0x3FAA] =	sst s3  }
0xc: {  	[smem:$0x3FAB] =	sst s4  }
0xd: {  	[smem:$0x3FAC] =	sst s5  }
0xe: {  	[smem:$0x3FAD] =	sst s6  }
0xf: {  	[smem:$0x3FAE] =	sst s7  }
0x10: {  	[smem:$0x3FAF] =	sst s8  }
0x11: {  	[smem:$0x3FB0] =	sst s9;
	s0 =	simm.s32 @!p0 $0x0  }
0x12: {  	s1 =	sld [smem:$0x3F96];
	s0 =	simm.s32 @p0 $0x1  }
0x13: {  	[smem:$0x3FB1] =	sst s0;
	s0 =	simm.s32 @!p1 $0x0  }
0x14: {  	s2 =	sld [smem:$0x3F95];
	s0 =	simm.s32 @p1 $0x1  }
0x15: {  	[smem:$0x3FB2] =	sst s0;
	s0 =	simm.s32 @!p2 $0x0  }
0x16: {  	s3 =	sld [smem:$0x3FDB];
	s0 =	simm.s32 @p2 $0x1  }
0x17: {  	s4 =	simm.s32 $0x1BF5;
	[smem:$0x3FB4] =	sst s0  }
0x18: {  	s0 =	sld [smem:$0x3F97];
	_ =	swait.ge [sflag:s4], $0x0  }
0x19: {  	s7 =	sld [smem:$0x3F98]  }
0x1a: {  	s8 =	sadd.s32 $0xFFFFE003, lr  }
0x1b: {  	s9 =	sadd.s32 $0xFFFFFEF7, lr;
	s5 =	simm.s32 $0xFFFFFFFF;
	p2 =	slt.u32 s8, $0xFFFFF086  }
0x1c: {  	p1 =	slt.u32 s9, $0xF7A;
	s5 =	simm.s32 @!p2 $0x0  }
0x1d: {  	s5 =	simm.s32 @p1 $0x1;
	p0 =	seq.s32 s7, s2  }
0x1e: {  	s7 =	smul.u32 @!p0 $0xF7A, s2;
	p2 =	seq.s32 @!p0 s5, $0x0  }
0x1f: {  	s9 =	smul.u32 $0xF7A, s1;
	s8 =	simm.s32 @!p0 $0x1BF5;
	p2 =	por !p2, p0  }
0x20: {  	[sflag:s8] =	ssyncset.s32 @!p0 $0xFFFFF086;
	s6 =	sadd.s32 @!p0 s3, s7;
	s7 =	simm.s32 @!p0 $0x108  }
0x21: {  	s3 =	sadd.s32 s3, s9;
	s6 =	sadd.s32 @!p0 $0x88, s6;
	s7 =	simm.s32 @p2 $0x1082  }
0x22: {  	[simem:s7], [sflag:s8] =	dma.local @!p0 [hbm:s6], $0xF7A  }
0x23: {  	s9 =	sor.u32 $0xD0000000, s2;
	s6 =	simm.s32 $0x108;
	_ =	swait.ge @!p0 [sflag:s8], $0x0  }
0x24: {  	s3 =	sadd.s32 $0x88, s3;
	s6 =	simm.s32 @!p1 $0x1082;
	[sflag:s4] =	ssyncset.s32 $0xFFFFF086  }
0x25: {  	[simem:s6], [sflag:s4] =	dma.local [hbm:s3], $0xF7A  }
0x26: {  	[smem:$0x3F98] =	sst s1;
	(tag) =	ssettag s2;
	_ =	strace s9  }
0x27: {  	s1 =	sld [smem:$0x3FA8]  }
0x28: {  	s2 =	sld [smem:$0x3FA9]  }
0x29: {  	s4 =	sld [smem:$0x3FAB]  }
0x2a: {  	p0 =	seq.s32 s5, $0x0;
	s5 =	sld [smem:$0x3FAC]  }
0x2b: {  	s6 =	sld [smem:$0x3FAD]  }
0x2c: {  	s7 =	sld [smem:$0x3FAE]  }
0x2d: {  	s3 =	simm.s32 $0x108;
	s8 =	sld [smem:$0x3FAF]  }
0x2e: {  	s3 =	simm.s32 @!p0 $0x1082;
	s9 =	sld [smem:$0x3FB0]  }
0x2f: {  	lr =	sadd.s32 s0, s3;
	s0 =	sld [smem:$0x3FA7]  }
0x30: {  	s3 =	sld [smem:$0x3FAA]  }
0x31: {  	[smem:$0x3FB3] =	sst s10  }
0x32: {  	s10 =	sld [smem:$0x3FB1];
	_ =	sdelay $0x3  }
0x33: {  	p0 =	seq.s32 s10, $0x1;
	s10 =	sld [smem:$0x3FB3];
	_ =	sdelay $0x3  }
0x34: {  	[smem:$0x3FB3] =	sst s10  }
0x35: {  	s10 =	sld [smem:$0x3FB2];
	_ =	sdelay $0x3  }
0x36: {  	p1 =	seq.s32 s10, $0x1;
	s10 =	sld [smem:$0x3FB3];
	_ =	sdelay $0x3  }
0x37: {  	[smem:$0x3FB3] =	sst s10  }
0x38: {  	s10 =	sld [smem:$0x3FB4]  }
0x39: {  	_ = 	snop;
	(pc) =	sbr.ind lr, $3  }
0x3a: {  	_ = 	snop  }
0x3b: {  	_ = 	snop  }
0x3c: {  	p2 =	seq.s32 s10, $0x1;
	s10 =	sld [smem:$0x3FB3]  }
0x3d: {  	_ =	shalt  }
0x3e: {  	_ =	shalt  }
0x3f: {  	_ =	shalt  }
0x40: {  	_ =	shalt  }
0x41: {  	_ =	shalt  }
0x42: {  	_ =	shalt  }
0x43: {  	_ =	shalt  }
0x44: {  	_ =	shalt  }
0x45: {  	_ =	shalt  }
0x46: {  	_ =	shalt  }
0x47: {  	_ =	shalt  }
0x48: {  	_ =	shalt  }
0x49: {  	_ =	shalt  }
0x4a: {  	_ =	shalt  }
0x4b: {  	_ =	shalt  }
0x4c: {  	_ =	shalt  }
0x4d: {  	_ =	shalt  }
0x4e: {  	_ =	shalt  }
0x4f: {  	_ =	shalt  }
0x50: {  	_ =	shalt  }
0x51: {  	_ =	shalt  }
0x52: {  	_ =	shalt  }
0x53: {  	_ =	shalt  }
0x54: {  	_ =	shalt  }
0x55: {  	_ =	shalt  }
0x56: {  	_ =	shalt  }
0x57: {  	_ =	shalt  }
0x58: {  	_ =	shalt  }
0x59: {  	_ =	shalt  }
0x5a: {  	_ =	shalt  }
0x5b: {  	_ =	shalt  }
0x5c: {  	_ =	shalt  }
0x5d: {  	_ =	shalt  }
0x5e: {  	_ =	shalt  }
0x5f: {  	_ =	shalt  }
0x60: {  	_ =	shalt  }
0x61: {  	_ =	shalt  }
0x62: {  	_ =	shalt  }
0x63: {  	_ =	shalt  }
0x64: {  	_ =	shalt  }
0x65: {  	_ =	shalt  }
0x66: {  	_ =	shalt  }
0x67: {  	_ =	shalt  }
0x68: {  	_ =	shalt  }
0x69: {  	_ =	shalt  }
0x6a: {  	_ =	shalt  }
0x6b: {  	_ =	shalt  }
0x6c: {  	_ =	shalt  }
0x6d: {  	_ =	shalt  }
0x6e: {  	_ =	shalt  }
0x6f: {  	_ =	shalt  }
0x70: {  	_ =	shalt  }
0x71: {  	_ =	shalt  }
0x72: {  	_ =	shalt  }
0x73: {  	_ =	shalt  }
0x74: {  	_ =	shalt  }
0x75: {  	_ =	shalt  }
0x76: {  	_ =	shalt  }
0x77: {  	_ =	shalt  }
0x78: {  	_ =	shalt  }
0x79: {  	_ =	shalt  }
0x7a: {  	_ =	shalt  }
0x7b: {  	_ =	shalt  }
0x7c: {  	_ =	shalt  }
0x7d: {  	_ =	shalt  }
0x7e: {  	_ =	shalt  }
0x7f: {  	_ =	shalt  }
0x80: {  	_ =	shalt  }
0x81: {  	_ =	shalt  }
0x82: {  	_ =	shalt  }
0x83: {  	_ =	shalt  }
0x84: {  	_ =	shalt  }
0x85: {  	_ =	shalt  }
0x86: {  	_ =	shalt  }
0x87: {  	_ =	shalt  }
.Lfunc_end0:
.L_simem_size_0:
called_computation_lowered:
.L_overlay_start_0:
0x88: {  	s2 =	sld [smem:$0x3FD9]  }
0x89: {  	s3 =	sld [smem:$0x3FFE];
	_ =	sdelay $0x1  }
0x8a: {  	s1 =	srdreg.scid  }
0x8b: {  	s0 =	sand.u32 $0x1, s1  }
0x8c: {  	s17 =	sshll.u32 s0, $0xA;
	s2 =	sadd.s32 s3, s2  }
0x8d: {  	s2 =	sadd.s32 s2, s17  }
0x8e: {  	[smem:$0x3FBF] =	sst s2  }
0x8f: {  	_ = 	snop  }
0x90: {  	s18 =	sld [smem:$0x3FC7]  }
0x91: {  	s4 =	sld [smem:$0x3FC6]  }
0x92: {  	s5 =	sld [smem:$0x3FC5]  }
0x93: {  	s6 =	sld [smem:$0x3FD0];
	(tm) =	ssettm $0x1  }
0x94: {  	s19 =	sld [smem:$0x3FFB];
	_ =	sdelay $0x3  }
0x95: {  	_ =	strace s19  }
0x96: {  	s2 =	sld [smem:$0x3FFC];
	_ =	sdelay $0x3  }
0x97: {  	_ =	strace s2  }
0x98: {  	s2 =	sld [smem:$0x3FFD];
	_ =	sdelay $0x3  }
0x99: {  	_ =	strace s2  }
0x9a: {  	_ =	strace $0x8FFFFFFF  }
0x9b: {  	s20 =	sld [smem:$0x3FDB];
	_ =	sdelay $0x1  }
0x9c: {  	s7 =	simm.s32 $_scs_section_size  }
0x9d: {  	s8 =	simm.s32 $_size__tile_overlayer_lowered;
	s9 =	simm.s32 $_tile_overlayer_lowered  }
0x9e: {  	s10 =	simm.s32 $0x1BFF;
	s21 =	sshll.u32 s9, $0x1;
	s7 =	sadd.s32 s7, s20  }
0x9f: {  	s22 =	simm.s32 $0x0;
	s8 =	sshll.u32 s8, $0x1;
	s9 =	sadd.s32 s21, s7  }
0xa0: {  	[timem:s22], [sflag:s10] =	dma.local [hbm:s9], s8  }
0xa1: {  	_ =	swait.ge [sflag:s10], s8  }
0xa2: {  	s8 =	ssub.s32 $0x0, s8;
	[sflag:s10] =	ssyncset.done $0x0  }
0xa3: {  	[sflag:s10] =	ssyncadd.s32 s8;
	_ =	sdelay $0x1  }
0xa4: {  	s23 =	simm.s32 $0x1B8B  }
0xa5: {  	_ =	swait.ge [sflag:s23], $0x1  }
0xa6: {  	[sflag:s23] =	ssyncset.done $0x0  }
0xa7: {  	[sflag:s23] =	ssyncadd.s32 $0xFFFFFFFF  }
0xa8: {  	s8 =	sld [smem:$0x0]  }
0xa9: {  	s9 =	sand.u32 $0xFFFFFFFE, s1  }
0xaa: {  	p0 =	sne.s32 s1, s9  }
0xab: {  	s9 =	sshll.u32 @p0 s9, $0xE  }
0xac: {  	s9 =	sadd.s32 @p0 $0x11B8D, s9;
	s10 =	sshll.u32 @p0 s8, $0x11  }
0xad: {  	s9 =	sor.u32 @p0 s10, s9  }
0xae: {  	[sflag:s9] =	ssyncadd.remote.s32 @p0 $0x1;
	_ =	sdelay $0x1  }
0xaf: {  	s9 =	simm.s32 @p0 $0x1B8D  }
0xb0: {  	_ =	swait.eq @p0 [sflag:s9], $0x1  }
0xb1: {  	[sflag:s9] =	ssyncadd.s32 @p0 $0xFFFFFFFF  }
0xb2: {  	s10 =	sshll.u32 @!p0 s1, $0xE  }
0xb3: {  	s10 =	sor.u32 @!p0 $0x4000, s10;
	s9 =	simm.s32 @!p0 $0x1B8D  }
0xb4: {  	s8 =	sshll.u32 @!p0 s8, $0x11;
	s10 =	sadd.s32 @!p0 $0x11B8D, s10;
	_ =	swait.eq @!p0 [sflag:s9], $0x1  }
0xb5: {  	s8 =	sor.u32 @!p0 s8, s10;
	[sflag:s9] =	ssyncadd.s32 @!p0 $0xFFFFFFFF  }
0xb6: {  	s25 =	simm.s32 $0x1B8E;
	s24 =	sld [smem:$0x3FFE];
	[sflag:s8] =	ssyncadd.remote.s32 @!p0 $0x1  }
0xb7: {  	s26 =	simm.s32 $execute0_lowered;
	[smem:$0x3FD2] =	sst s25  }
0xb8: {  	s9 =	sshll.u32 s26, $0x1;
	_ =	strace $0x8000004F;
	[dreg:$0x1] =	wrdreg $0xFFFFFFFF  }
0xb9: {  	s28 =	simm.s32 $_size_execute0_lowered;
	s7 =	sadd.s32 s7, s9;
	[dreg:$0x0] =	wrdreg $0x0  }
0xba: {  	s9 =	sshll.u32 s28, $0x1;
	[dreg:$0x2] =	wrdreg s7  }
0xbb: {  	[dreg:$0x3] =	wrdreg s9  }
0xbc: {  	[dreg:$0x4] =	wrdreg $0xC0  }
0xbd: {  	_ =	task [dreg:s22], $0x5FFFF  }
0xbe: {  	[dreg:$0x1] =	wrdreg $0xFFFFFFFF  }
0xbf: {  	[dreg:$0x0] =	wrdreg $0x60  }
0xc0: {  	[dreg:$0x2] =	wrdreg s6  }
0xc1: {  	[dreg:$0x3] =	wrdreg s18  }
0xc2: {  	[dreg:$0x4] =	wrdreg s4  }
0xc3: {  	[dreg:$0x5] =	wrdreg s5  }
0xc4: {  	[dreg:$0x6] =	wrdreg s24  }
0xc5: {  	[dreg:$0x7] =	wrdreg $0x9  }
0xc6: {  	_ =	task.clear_ibuf [dreg:s22], $0x8FFFF;
	_ =	strace $0x9000004F  }
0xc7: {  	s29 =	simm.s32 $0x9;
	_ =	strace $0x80000051  }
0xc8: {  	_ =	swait.ge [sflag:s29], $0x1  }
0xc9: {  	[sflag:s29] =	ssyncadd.s32 $0xFFFFFFFF  }
0xca: {  	_ =	strace $0x90000051  }
0xcb: {  	_ =	sfence  }
0xcc: {  	s30 =	sld [smem:$0x0];
	_ =	sdelay $0x2  }
0xcd: {  	s31 =	sshll.u32 s1, $0xD;
	s1 =	sshrl.u32 s1, $0x2  }
0xce: {  	s4 =	sand.u32 $0x4000, s31;
	s1 =	sadd.s32 s1, s30  }
0xcf: {  	s0 =	sor.u32 s4, s0;
	s1 =	sshll.u32 s1, $0x11  }
0xd0: {  	s0 =	sor.u32 s1, s0  }
0xd1: {  	s0 =	sadd.s32 $0x8F2B, s0  }
0xd2: {  	[sflag:s0] =	ssyncadd.remote.s32 $0x1  }
0xd3: {  	_ =	sfence.sel $0xFFFF  }
0xd4: {  	[dreg:$0x0] =	wrdreg $0xFFFFFFFF;
	(pc) =	sbr.abs _section_cstart, $3  }
0xd5: {  	[dreg:$0x1] =	wrdreg $0xFFFFFFFF  }
0xd6: {  	_ =	task.clear_ibuf [dreg:s22], $0x2FFFF;
	_ =	strace $0x9FFFFFFF  }
0xd7: {  	(tm) =	ssettm $0x7FFFFFFF  }
tec
execute0_lowered:
.L_overlay_start_1:
0x0: {  	(tag) =	ssettag $0x1  }
0x1: {  	s0 =	rddreg [dreg:$0x0]  }
0x2: {  	s1 =	rddreg [dreg:$0x1];
	s3 =	srdreg.scid  }
0x3: {  	s4 =	rddreg [dreg:$0x3];
	s5 =	stileid.u32  }
0x4: {  	s8 =	rddreg [dreg:$0x4];
	s7 =	sand.u32 $0x1, s3;
	s31 =	sshll.u32 s5, $0x9  }
0x5: {  	s5 =	simm.s32 $0x0;
	s3 =	sadd.s32 $0x350C00, s8;
	s6 =	sshll.u32 s7, $0x8  }
0x6: {  	[smem:$0x7FF] =	sst s5;
	s7 =	ssub.s32 $0x2, s7;
	s9 =	sor.u32 s6, s31  }
0x7: {  	_ =	strace $0x80000050;
	s6 =	sshrl.u32 s9, $0x3;
	s2 =	sshll.u32 s9, $0x6  }
0x8: {  	s9 =	sshll.u32 s9, $0x4;
	s10 =	sadd.s32 s0, s6;
	s0 =	sadd.s32 $0x330C00, s8  }
0x9: {  	s11 =	smul.u32 $0x300, s6;
	s8 =	sadd.s32 $0x3D0C00, s8;
	s16 =	sor.u32 $0x8, s6  }
0xa: {  	s21 =	sor.u32 $0xC, s6;
	s26 =	sor.u32 $0x10, s6;
	[dreg:$0x6] =	wrdreg s10  }
0xb: {  	s10 =	sadd.s32 s3, s2;
	s9 =	sadd.s32 s0, s9;
	s17 =	sshll.u32 s16, $0x9  }
0xc: {  	s18 =	sshll.u32 s16, $0x7;
	s22 =	sshll.u32 s21, $0x9;
	[dreg:$0x7] =	wrdreg s10  }
0xd: {  	s23 =	sshll.u32 s21, $0x7;
	[dreg:$0x8] =	wrdreg s9;
	s10 =	sadd.s32 s8, s11  }
0xe: {  	s28 =	sshll.u32 s26, $0x9;
	s19 =	sadd.s32 s0, s18;
	[dreg:$0x9] =	wrdreg s10  }
0xf: {  	s29 =	sshll.u32 s26, $0x7;
	s24 =	sadd.s32 s0, s23;
	[dreg:$0xe] =	wrdreg s19  }
0x10: {  	s11 =	sor.u32 $0x4, s6;
	s30 =	sadd.s32 s0, s29;
	[dreg:$0x11] =	wrdreg s24  }
0x11: {  	s29 =	simm.s32 $0xA0;
	s12 =	sshll.u32 s11, $0x9;
	[dreg:$0x14] =	wrdreg s30  }
0x12: {  	s13 =	sshll.u32 s11, $0x7;
	[smem:$0x7FB] =	sst s29;
	s30 =	simm.s32 $0xC0  }
0x13: {  	s10 =	smul.u32 $0x300, s11;
	s9 =	sadd.s32 s3, s12;
	[smem:$0x7FC] =	sst s30  }
0x14: {  	s2 =	sor.u32 $0x14, s6;
	s14 =	sadd.s32 s0, s13;
	[dreg:$0xa] =	wrdreg s9  }
0x15: {  	s11 =	sshll.u32 s2, $0x9;
	[dreg:$0xb] =	wrdreg s14;
	s15 =	sadd.s32 s8, s10  }
0x16: {  	s12 =	sshll.u32 s2, $0x7;
	s9 =	sadd.s32 s3, s17;
	[dreg:$0xc] =	wrdreg s15  }
0x17: {  	s10 =	smul.u32 $0x300, s16;
	s13 =	sadd.s32 s0, s12;
	[dreg:$0xd] =	wrdreg s9  }
0x18: {  	s12 =	sshrl.u32 s7, $0x1;
	s9 =	sadd.s32 s3, s22;
	[dreg:$0x17] =	wrdreg s13  }
0x19: {  	s15 =	sor.u32 $0x18, s6;
	s20 =	sadd.s32 s8, s10;
	[dreg:$0x10] =	wrdreg s9  }
0x1a: {  	s6 =	sor.u32 $0x1C, s6;
	s9 =	sadd.s32 s3, s28;
	[dreg:$0xf] =	wrdreg s20  }
0x1b: {  	s10 =	smul.u32 $0x300, s21;
	s28 =	simm.s32 $0x80;
	[dreg:$0x13] =	wrdreg s9  }
0x1c: {  	s17 =	sshll.u32 s15, $0x7;
	s9 =	sadd.s32 s3, s11;
	[smem:$0x7FA] =	sst s28  }
0x1d: {  	s22 =	sshll.u32 s6, $0x7;
	s18 =	sadd.s32 s0, s17;
	[dreg:$0x16] =	wrdreg s9  }
0x1e: {  	s16 =	sshll.u32 s15, $0x9;
	s0 =	sadd.s32 s0, s22;
	[dreg:$0x1a] =	wrdreg s18  }
0x1f: {  	s21 =	sshll.u32 s6, $0x9;
	s25 =	sadd.s32 s8, s10;
	[dreg:$0x1d] =	wrdreg s0  }
0x20: {  	s23 =	smul.u32 $0x300, s6;
	s9 =	sadd.s32 s3, s16;
	[dreg:$0x12] =	wrdreg s25  }
0x21: {  	s6 =	sadd.s32 $0x100, s1;
	s3 =	sadd.s32 s3, s21;
	[dreg:$0x19] =	wrdreg s9  }
0x22: {  	s20 =	ssub.s32 s7, s12;
	s24 =	sadd.s32 s8, s23;
	[dreg:$0x1c] =	wrdreg s3  }
0x23: {  	s10 =	smul.u32 $0x300, s26;
	s26 =	simm.s32 $0x60;
	[dreg:$0x1e] =	wrdreg s24  }
0x24: {  	s7 =	sadd.s32 $0x100, s4;
	s25 =	simm.s32 $0x40;
	[smem:$0x7F9] =	sst s26  }
0x25: {  	s31 =	sadd.s32 s8, s10;
	s10 =	smul.u32 $0x300, s2;
	[dreg:$0x1f] =	wrdreg s25  }
0x26: {  	s17 =	simm.s32 $0x3;
	s16 =	simm.s32 $0x2;
	[dreg:$0x15] =	wrdreg s31  }
0x27: {  	s31 =	simm.s32 $0xE0;
	s14 =	sadd.s32 s8, s10;
	s10 =	smul.u32 $0x300, s15  }
0x28: {  	v2 =	vlaneseq.u32;
	s18 =	simm.s32 $0x4;
	s9 =	smax.u32 s20, $0x1;
	[smem:$0x7FD] =	sst s31  }
0x29: {  	vm0 =	vmmov $0xffff;
	v1 =	vshrl.u32 v2, $0x3;
	s24 =	simm.s32 $0xF100;
	[dreg:$0x18] =	wrdreg s14;
	s19 =	sadd.s32 s8, s10  }
0x2a: {  	v0 =	vand.u32 $0x7, v2;
	v2 =	vor.u32 $0x8, v2;
	v1 =	vmul.u32 $0x8, v1;
	s8 =	sadd.s32 $0x200, s4;
	s10 =	simm.s32 $0x1;
	[dreg:$0x1b] =	wrdreg s19  }
.LBB2_1:
0x2b: {  	s22 =	rddreg [dreg:$0x6];
	s0 =	simm.s32 $0x5  }
0x2c: {  	[tilespmem:s5], [sflag:$0x5] =	stream.linear.gather [hbm4b:s22+s5], $0x100, $0x38;
	[tilespmem:$0x16100] =	vst v63  }
0x2d: {  	_ =	swait.ge [sflag:s0], $0x100  }
0x2e: {  	[sflag:s0] =	ssyncset.done $0x0  }
0x2f: {  	[sflag:s0] =	ssyncadd.s32 $0xFFFFFF00  }
0x30: {  	v3 =	vld [tilespmem:$0x0];
	_ =	sdelay $0x4  }
0x31: {  	v4 =	vshll.u32 v3, $0x2  }
0x32: {  	v3 =	vand.u32 $0x7, v3;
	v4 =	vand.u32 $0xFFFFFFE0, v4  }
0x33: {  	v3 =	vor.u32 v3, v4  }
0x34: {  	v4 =	vperm.xlane v3, v0;
	_ =	sdelay $0x1  }
0x35: {  	v4 =	vadd.s32 v1, v4;
	_ =	sdelay $0x1  }
0x36: {  	v3 =	vperm.xlane v3, v2;
	_ =	sdelay $0x1  }
0x37: {  	s0 =	simm.s32 $0x100;
	v3 =	vadd.s32 v1, v3  }
0x38: {  	[tilespmem:s0], [sflag:$0x1] =	stream.indirect_vreg.gather [hbm4b:s1+s5], $0x80, v4, vm0, $0xb8;
	[tilespmem:$0x16100] =	vst v63  }
0x39: {  	s2 =	simm.s32 $0x900  }
0x3a: {  	[tilespmem:s2], [sflag:$0x1] =	stream.indirect_vreg.gather [hbm4b:s6+s5], $0x80, v4, vm0, $0xb8;
	[tilespmem:$0x16100] =	vst v63  }
0x3b: {  	s3 =	simm.s32 $0x1100  }
0x3c: {  	[tilespmem:s3], [sflag:$0x1] =	stream.indirect_vreg.gather [hbm4b:s1+s5], $0x80, v3, vm0, $0xb8;
	[tilespmem:$0x16100] =	vst v63  }
0x3d: {  	s11 =	simm.s32 $0x1900  }
0x3e: {  	[tilespmem:s11], [sflag:$0x1] =	stream.indirect_vreg.gather [hbm4b:s6+s5], $0x80, v3, vm0, $0xb8;
	[tilespmem:$0x16100] =	vst v63  }
0x3f: {  	v3 =	vld [tilespmem:$0x10];
	_ =	sdelay $0x4  }
0x40: {  	v33 =	vshll.u32 v3, $0x2  }
0x41: {  	v3 =	vand.u32 $0x7, v3;
	v4 =	vand.u32 $0xFFFFFFE0, v33  }
0x42: {  	v3 =	vor.u32 v3, v4  }
0x43: {  	v4 =	vperm.xlane v3, v0;
	_ =	sdelay $0x1  }
0x44: {  	v4 =	vadd.s32 v1, v4;
	_ =	sdelay $0x1  }
0x45: {  	v3 =	vperm.xlane v3, v2;
	_ =	sdelay $0x1  }
0x46: {  	s13 =	simm.s32 $0x2100;
	v3 =	vadd.s32 v1, v3  }
0x47: {  	[tilespmem:s13], [sflag:$0x1] =	stream.indirect_vreg.gather [hbm4b:s1+s5], $0x80, v4, vm0, $0xb8;
	[tilespmem:$0x16100] =	vst v63  }
0x48: {  	s14 =	simm.s32 $0x2900  }
0x49: {  	[tilespmem:s14], [sflag:$0x1] =	stream.indirect_vreg.gather [hbm4b:s6+s5], $0x80, v4, vm0, $0xb8;
	[tilespmem:$0x16100] =	vst v63  }
0x4a: {  	s15 =	simm.s32 $0x3100  }
0x4b: {  	[tilespmem:s15], [sflag:$0x1] =	stream.indirect_vreg.gather [hbm4b:s1+s5], $0x80, v3, vm0, $0xb8;
	[tilespmem:$0x16100] =	vst v63  }
0x4c: {  	s19 =	simm.s32 $0x3900  }
0x4d: {  	[tilespmem:s19], [sflag:$0x1] =	stream.indirect_vreg.gather [hbm4b:s6+s5], $0x80, v3, vm0, $0xb8;
	[tilespmem:$0x16100] =	vst v63  }
0x4e: {  	s20 =	simm.s32 $0x4100;
	s2 =	simm.s32 $0x20;
	s11 =	rddreg [dreg:$0x2]  }
0x4f: {  	[tilespmem:s20], [sflag:$0x1] =	stream.indirect.gather [hbm4b:s11+s2], $0x80, s5, s2, $0xb8;
	[tilespmem:$0x16100] =	vst v63  }
0x50: {  	v3 =	vld [tilespmem:$0x0];
	_ =	sdelay $0x4  }
0x51: {  	v34 =	vshrl.u32 v3, $0x3  }
0x52: {  	v4 =	vmul.u32 $0x30, v34  }
0x53: {  	v3 =	vand.u32 $0x7, v3  }
0x54: {  	v3 =	vor.u32 v3, v4  }
0x55: {  	v4 =	vperm.xlane v3, v0;
	_ =	sdelay $0x1  }
0x56: {  	v4 =	vadd.s32 v1, v4;
	_ =	sdelay $0x3  }
0x57: {  	s21 =	simm.s32 $0x5100;
	v3 =	vperm.xlane v3, v2  }
0x58: {  	[tilespmem:s21], [sflag:$0x1] =	stream.indirect_vreg.gather [hbm4b:s4+s5], $0x80, v4, vm0, $0xb8;
	[tilespmem:$0x16100] =	vst v63  }
0x59: {  	s22 =	simm.s32 $0x5900;
	v3 =	vadd.s32 v1, v3  }
0x5a: {  	[tilespmem:s22], [sflag:$0x1] =	stream.indirect_vreg.gather [hbm4b:s7+s5], $0x80, v4, vm0, $0xb8;
	[tilespmem:$0x16100] =	vst v63  }
0x5b: {  	s23 =	simm.s32 $0x6100  }
0x5c: {  	[tilespmem:s23], [sflag:$0x1] =	stream.indirect_vreg.gather [hbm4b:s8+s5], $0x80, v4, vm0, $0xb8;
	[tilespmem:$0x16100] =	vst v63  }
0x5d: {  	s25 =	simm.s32 $0x6900  }
0x5e: {  	[tilespmem:s25], [sflag:$0x1] =	stream.indirect_vreg.gather [hbm4b:s4+s5], $0x80, v3, vm0, $0xb8;
	[tilespmem:$0x16100] =	vst v63  }
0x5f: {  	s26 =	simm.s32 $0x7100  }
0x60: {  	[tilespmem:s26], [sflag:$0x1] =	stream.indirect_vreg.gather [hbm4b:s7+s5], $0x80, v3, vm0, $0xb8;
	[tilespmem:$0x16100] =	vst v63  }
0x61: {  	s0 =	simm.s32 $0x7900  }
0x62: {  	[tilespmem:s0], [sflag:$0x1] =	stream.indirect_vreg.gather [hbm4b:s8+s5], $0x80, v3, vm0, $0xb8;
	[tilespmem:$0x16100] =	vst v63  }
0x63: {  	v3 =	vld [tilespmem:$0x10];
	_ =	sdelay $0x4  }
0x64: {  	v35 =	vshrl.u32 v3, $0x3  }
0x65: {  	v4 =	vmul.u32 $0x30, v35  }
0x66: {  	v3 =	vand.u32 $0x7, v3  }
0x67: {  	v3 =	vor.u32 v3, v4  }
0x68: {  	v4 =	vperm.xlane v3, v0;
	_ =	sdelay $0x1  }
0x69: {  	v4 =	vadd.s32 v1, v4;
	_ =	sdelay $0x3  }
0x6a: {  	s14 =	simm.s32 $0x8100;
	v3 =	vperm.xlane v3, v2  }
0x6b: {  	[tilespmem:s14], [sflag:$0x1] =	stream.indirect_vreg.gather [hbm4b:s4+s5], $0x80, v4, vm0, $0xb8;
	[tilespmem:$0x16100] =	vst v63  }
0x6c: {  	s15 =	simm.s32 $0x8900;
	v3 =	vadd.s32 v1, v3  }
0x6d: {  	[tilespmem:s15], [sflag:$0x1] =	stream.indirect_vreg.gather [hbm4b:s7+s5], $0x80, v4, vm0, $0xb8;
	[tilespmem:$0x16100] =	vst v63  }
0x6e: {  	s19 =	simm.s32 $0x9100  }
0x6f: {  	[tilespmem:s19], [sflag:$0x1] =	stream.indirect_vreg.gather [hbm4b:s8+s5], $0x80, v4, vm0, $0xb8;
	[tilespmem:$0x16100] =	vst v63  }
0x70: {  	s20 =	simm.s32 $0x9900  }
0x71: {  	[tilespmem:s20], [sflag:$0x1] =	stream.indirect_vreg.gather [hbm4b:s4+s5], $0x80, v3, vm0, $0xb8;
	[tilespmem:$0x16100] =	vst v63  }
0x72: {  	s21 =	simm.s32 $0xA100  }
0x73: {  	[tilespmem:s21], [sflag:$0x1] =	stream.indirect_vreg.gather [hbm4b:s7+s5], $0x80, v3, vm0, $0xb8;
	[tilespmem:$0x16100] =	vst v63  }
0x74: {  	s22 =	simm.s32 $0xA900  }
0x75: {  	[tilespmem:s22], [sflag:$0x1] =	stream.indirect_vreg.gather [hbm4b:s8+s5], $0x80, v3, vm0, $0xb8;
	[tilespmem:$0x16100] =	vst v63  }
0x76: {  	_ =	swait.ge [sflag:s10], $0x4000  }
0x77: {  	[sflag:s10] =	ssyncset.done $0x0  }
0x78: {  	[sflag:s10] =	ssyncadd.s32 $0xFFFFC000  }
0x79: {  	_ =	swait.ge [sflag:s10], $0x1000  }
0x7a: {  	[sflag:s10] =	ssyncset.done $0x0  }
0x7b: {  	[sflag:s10] =	ssyncadd.s32 $0xFFFFF000  }
0x7c: {  	_ =	swait.ge [sflag:s10], $0x6000  }
0x7d: {  	[sflag:s10] =	ssyncset.done $0x0  }
0x7e: {  	[sflag:s10] =	ssyncadd.s32 $0xFFFFA000  }
0x7f: {  	v3 =	vld [tilespmem:$0x20];
	_ =	sdelay $0x4  }
0x80: {  	v36 =	vshll.u32 v3, $0x2  }
0x81: {  	v3 =	vand.u32 $0x7, v3;
	v4 =	vand.u32 $0xFFFFFFE0, v36  }
0x82: {  	v3 =	vor.u32 v3, v4  }
0x83: {  	v4 =	vperm.xlane v3, v0;
	_ =	sdelay $0x1  }
0x84: {  	v4 =	vadd.s32 v1, v4;
	_ =	sdelay $0x1  }
0x85: {  	v3 =	vperm.xlane v3, v2;
	_ =	sdelay $0x1  }
0x86: {  	s25 =	simm.s32 $0xB100;
	v3 =	vadd.s32 v1, v3  }
0x87: {  	[tilespmem:s25], [sflag:$0x2] =	stream.indirect_vreg.gather [hbm4b:s1+s5], $0x80, v4, vm0, $0xb8;
	[tilespmem:$0x16100] =	vst v63  }
0x88: {  	s0 =	simm.s32 $0xB900  }
0x89: {  	[tilespmem:s0], [sflag:$0x2] =	stream.indirect_vreg.gather [hbm4b:s6+s5], $0x80, v4, vm0, $0xb8;
	[tilespmem:$0x16100] =	vst v63  }
0x8a: {  	s14 =	simm.s32 $0xC100  }
0x8b: {  	[tilespmem:s14], [sflag:$0x2] =	stream.indirect_vreg.gather [hbm4b:s1+s5], $0x80, v3, vm0, $0xb8;
	[tilespmem:$0x16100] =	vst v63  }
0x8c: {  	s15 =	simm.s32 $0xC900  }
0x8d: {  	[tilespmem:s15], [sflag:$0x2] =	stream.indirect_vreg.gather [hbm4b:s6+s5], $0x80, v3, vm0, $0xb8;
	[tilespmem:$0x16100] =	vst v63  }
0x8e: {  	v3 =	vld [tilespmem:$0x30];
	_ =	sdelay $0x4  }
0x8f: {  	v37 =	vshll.u32 v3, $0x2  }
0x90: {  	v3 =	vand.u32 $0x7, v3;
	v4 =	vand.u32 $0xFFFFFFE0, v37  }
0x91: {  	v3 =	vor.u32 v3, v4  }
0x92: {  	v4 =	vperm.xlane v3, v0;
	_ =	sdelay $0x1  }
0x93: {  	v4 =	vadd.s32 v1, v4;
	_ =	sdelay $0x1  }
0x94: {  	v3 =	vperm.xlane v3, v2;
	_ =	sdelay $0x1  }
0x95: {  	s19 =	simm.s32 $0xD100;
	v3 =	vadd.s32 v1, v3  }
0x96: {  	[tilespmem:s19], [sflag:$0x2] =	stream.indirect_vreg.gather [hbm4b:s1+s5], $0x80, v4, vm0, $0xb8;
	[tilespmem:$0x16100] =	vst v63  }
0x97: {  	s21 =	simm.s32 $0xD900  }
0x98: {  	[tilespmem:s21], [sflag:$0x2] =	stream.indirect_vreg.gather [hbm4b:s6+s5], $0x80, v4, vm0, $0xb8;
	[tilespmem:$0x16100] =	vst v63  }
0x99: {  	s22 =	simm.s32 $0xE100  }
0x9a: {  	[tilespmem:s22], [sflag:$0x2] =	stream.indirect_vreg.gather [hbm4b:s1+s5], $0x80, v3, vm0, $0xb8;
	[tilespmem:$0x16100] =	vst v63  }
0x9b: {  	s25 =	simm.s32 $0xE900  }
0x9c: {  	[tilespmem:s25], [sflag:$0x2] =	stream.indirect_vreg.gather [hbm4b:s6+s5], $0x80, v3, vm0, $0xb8;
	[tilespmem:$0x16100] =	vst v63  }
0x9d: {  	s3 =	simm.s32 $0x20  }
0x9e: {  	[tilespmem:s24], [sflag:$0x2] =	stream.indirect.gather [hbm4b:s11+s3], $0x80, s3, s3, $0xb8;
	[tilespmem:$0x16100] =	vst v63  }
0x9f: {  	v3 =	vld [tilespmem:$0x20];
	_ =	sdelay $0x4  }
0xa0: {  	v38 =	vshrl.u32 v3, $0x3  }
0xa1: {  	v4 =	vmul.u32 $0x30, v38  }
0xa2: {  	v3 =	vand.u32 $0x7, v3  }
0xa3: {  	v3 =	vor.u32 v3, v4  }
0xa4: {  	v4 =	vperm.xlane v3, v0;
	_ =	sdelay $0x1  }
0xa5: {  	v4 =	vadd.s32 v1, v4;
	_ =	sdelay $0x3  }
0xa6: {  	s3 =	simm.s32 $0x10100;
	v3 =	vperm.xlane v3, v2  }
0xa7: {  	[tilespmem:s3], [sflag:$0x2] =	stream.indirect_vreg.gather [hbm4b:s4+s5], $0x80, v4, vm0, $0xb8;
	[tilespmem:$0x16100] =	vst v63  }
0xa8: {  	s0 =	simm.s32 $0x10900;
	v3 =	vadd.s32 v1, v3  }
0xa9: {  	[tilespmem:s0], [sflag:$0x2] =	stream.indirect_vreg.gather [hbm4b:s7+s5], $0x80, v4, vm0, $0xb8;
	[tilespmem:$0x16100] =	vst v63  }
0xaa: {  	s2 =	simm.s32 $0x11100  }
0xab: {  	[tilespmem:s2], [sflag:$0x2] =	stream.indirect_vreg.gather [hbm4b:s8+s5], $0x80, v4, vm0, $0xb8;
	[tilespmem:$0x16100] =	vst v63  }
0xac: {  	s14 =	simm.s32 $0x11900  }
0xad: {  	[tilespmem:s14], [sflag:$0x2] =	stream.indirect_vreg.gather [hbm4b:s4+s5], $0x80, v3, vm0, $0xb8;
	[tilespmem:$0x16100] =	vst v63  }
0xae: {  	s15 =	simm.s32 $0x12100  }
0xaf: {  	[tilespmem:s15], [sflag:$0x2] =	stream.indirect_vreg.gather [hbm4b:s7+s5], $0x80, v3, vm0, $0xb8;
	[tilespmem:$0x16100] =	vst v63  }
0xb0: {  	s19 =	simm.s32 $0x12900  }
0xb1: {  	[tilespmem:s19], [sflag:$0x2] =	stream.indirect_vreg.gather [hbm4b:s8+s5], $0x80, v3, vm0, $0xb8;
	[tilespmem:$0x16100] =	vst v63  }
0xb2: {  	v3 =	vld [tilespmem:$0x30];
	_ =	sdelay $0x4  }
0xb3: {  	v39 =	vshrl.u32 v3, $0x3  }
0xb4: {  	v4 =	vmul.u32 $0x30, v39  }
0xb5: {  	v3 =	vand.u32 $0x7, v3  }
0xb6: {  	v3 =	vor.u32 v3, v4  }
0xb7: {  	v4 =	vperm.xlane v3, v0;
	_ =	sdelay $0x1  }
0xb8: {  	v4 =	vadd.s32 v1, v4;
	_ =	sdelay $0x3  }
0xb9: {  	s21 =	simm.s32 $0x13100;
	v3 =	vperm.xlane v3, v2  }
0xba: {  	[tilespmem:s21], [sflag:$0x2] =	stream.indirect_vreg.gather [hbm4b:s4+s5], $0x80, v4, vm0, $0xb8;
	[tilespmem:$0x16100] =	vst v63  }
0xbb: {  	s25 =	simm.s32 $0x13900;
	v3 =	vadd.s32 v1, v3  }
0xbc: {  	[tilespmem:s25], [sflag:$0x2] =	stream.indirect_vreg.gather [hbm4b:s7+s5], $0x80, v4, vm0, $0xb8;
	[tilespmem:$0x16100] =	vst v63  }
0xbd: {  	s0 =	simm.s32 $0x14100  }
0xbe: {  	[tilespmem:s0], [sflag:$0x2] =	stream.indirect_vreg.gather [hbm4b:s8+s5], $0x80, v4, vm0, $0xb8;
	[tilespmem:$0x16100] =	vst v63  }
0xbf: {  	s2 =	simm.s32 $0x14900  }
0xc0: {  	[tilespmem:s2], [sflag:$0x2] =	stream.indirect_vreg.gather [hbm4b:s4+s5], $0x80, v3, vm0, $0xb8;
	[tilespmem:$0x16100] =	vst v63  }
0xc1: {  	s14 =	simm.s32 $0x15100  }
0xc2: {  	[tilespmem:s14], [sflag:$0x2] =	stream.indirect_vreg.gather [hbm4b:s7+s5], $0x80, v3, vm0, $0xb8;
	[tilespmem:$0x16100] =	vst v63  }
0xc3: {  	s25 =	simm.s32 $0x15900  }
0xc4: {  	[tilespmem:s25], [sflag:$0x2] =	stream.indirect_vreg.gather [hbm4b:s8+s5], $0x80, v3, vm0, $0xb8;
	[tilespmem:$0x16100] =	vst v63  }
0xc5: {  	s15 =	rddreg [dreg:$0x7];
	s21 =	simm.s32 $0x100  }
0xc6: {  	[hbm4b:s15+s5] =	stream.linear.scatter [tilespmem:s21], [sflag:$0x3], $0x4000, $0x38;
	[tilespmem:$0x16100] =	vst v63  }
0xc7: {  	s19 =	rddreg [dreg:$0x8];
	s15 =	simm.s32 $0x4100  }
0xc8: {  	[hbm4b:s19+s5] =	stream.linear.scatter [tilespmem:s15], [sflag:$0x3], $0x1000, $0x38;
	[tilespmem:$0x16100] =	vst v63  }
0xc9: {  	s0 =	rddreg [dreg:$0x9];
	s25 =	simm.s32 $0x5100  }
0xca: {  	[hbm4b:s0+s5] =	stream.linear.scatter [tilespmem:s25], [sflag:$0x3], $0x6000, $0x38;
	[tilespmem:$0x16100] =	vst v63  }
0xcb: {  	_ =	swait.ge [sflag:s16], $0x4000  }
0xcc: {  	[sflag:s16] =	ssyncset.done $0x0  }
0xcd: {  	[sflag:s16] =	ssyncadd.s32 $0xFFFFC000  }
0xce: {  	_ =	swait.ge [sflag:s16], $0x1000  }
0xcf: {  	[sflag:s16] =	ssyncset.done $0x0  }
0xd0: {  	[sflag:s16] =	ssyncadd.s32 $0xFFFFF000  }
0xd1: {  	_ =	swait.ge [sflag:s16], $0x6000  }
0xd2: {  	[sflag:s16] =	ssyncset.done $0x0  }
0xd3: {  	[sflag:s16] =	ssyncadd.s32 $0xFFFFA000  }
0xd4: {  	_ =	swait.ge [sflag:s17], $0x4000  }
0xd5: {  	[sflag:s17] =	ssyncset.done $0x0  }
0xd6: {  	[sflag:s17] =	ssyncadd.s32 $0xFFFFC000  }
0xd7: {  	_ =	swait.ge [sflag:s17], $0x1000  }
0xd8: {  	[sflag:s17] =	ssyncset.done $0x0  }
0xd9: {  	[sflag:s17] =	ssyncadd.s32 $0xFFFFF000  }
0xda: {  	_ =	swait.ge [sflag:s17], $0x6000  }
0xdb: {  	[sflag:s17] =	ssyncset.done $0x0  }
0xdc: {  	[sflag:s17] =	ssyncadd.s32 $0xFFFFA000  }
0xdd: {  	v3 =	vld [tilespmem:$0x40];
	_ =	sdelay $0x4  }
0xde: {  	v40 =	vshll.u32 v3, $0x2  }
0xdf: {  	v3 =	vand.u32 $0x7, v3;
	v4 =	vand.u32 $0xFFFFFFE0, v40  }
0xe0: {  	v3 =	vor.u32 v3, v4  }
0xe1: {  	v4 =	vperm.xlane v3, v0;
	_ =	sdelay $0x1  }
0xe2: {  	v4 =	vadd.s32 v1, v4;
	_ =	sdelay $0x1  }
0xe3: {  	v3 =	vperm.xlane v3, v2;
	_ =	sdelay $0x1  }
0xe4: {  	v3 =	vadd.s32 v1, v3  }
0xe5: {  	[tilespmem:s21], [sflag:$0x1] =	stream.indirect_vreg.gather [hbm4b:s1+s5], $0x80, v4, vm0, $0xb8;
	[tilespmem:$0x16100] =	vst v63  }
0xe6: {  	s12 =	simm.s32 $0x900  }
0xe7: {  	[tilespmem:s12], [sflag:$0x1] =	stream.indirect_vreg.gather [hbm4b:s6+s5], $0x80, v4, vm0, $0xb8;
	[tilespmem:$0x16100] =	vst v63  }
0xe8: {  	s30 =	simm.s32 $0x1100  }
0xe9: {  	[tilespmem:s30], [sflag:$0x1] =	stream.indirect_vreg.gather [hbm4b:s1+s5], $0x80, v3, vm0, $0xb8;
	[tilespmem:$0x16100] =	vst v63  }
0xea: {  	s19 =	simm.s32 $0x1900  }
0xeb: {  	[tilespmem:s19], [sflag:$0x1] =	stream.indirect_vreg.gather [hbm4b:s6+s5], $0x80, v3, vm0, $0xb8;
	[tilespmem:$0x16100] =	vst v63  }
0xec: {  	v3 =	vld [tilespmem:$0x50];
	_ =	sdelay $0x4  }
0xed: {  	v41 =	vshll.u32 v3, $0x2  }
0xee: {  	v3 =	vand.u32 $0x7, v3;
	v4 =	vand.u32 $0xFFFFFFE0, v41  }
0xef: {  	v3 =	vor.u32 v3, v4  }
0xf0: {  	v4 =	vperm.xlane v3, v0;
	_ =	sdelay $0x1  }
0xf1: {  	v4 =	vadd.s32 v1, v4;
	_ =	sdelay $0x1  }
0xf2: {  	v3 =	vperm.xlane v3, v2;
	_ =	sdelay $0x1  }
0xf3: {  	s31 =	simm.s32 $0x2100;
	v3 =	vadd.s32 v1, v3  }
0xf4: {  	[tilespmem:s31], [sflag:$0x1] =	stream.indirect_vreg.gather [hbm4b:s1+s5], $0x80, v4, vm0, $0xb8;
	[tilespmem:$0x16100] =	vst v63  }
0xf5: {  	s14 =	simm.s32 $0x2900  }
0xf6: {  	[tilespmem:s14], [sflag:$0x1] =	stream.indirect_vreg.gather [hbm4b:s6+s5], $0x80, v4, vm0, $0xb8;
	[tilespmem:$0x16100] =	vst v63  }
0xf7: {  	s21 =	simm.s32 $0x3100  }
0xf8: {  	[tilespmem:s21], [sflag:$0x1] =	stream.indirect_vreg.gather [hbm4b:s1+s5], $0x80, v3, vm0, $0xb8;
	[tilespmem:$0x16100] =	vst v63  }
0xf9: {  	s13 =	simm.s32 $0x3900  }
0xfa: {  	[tilespmem:s13], [sflag:$0x1] =	stream.indirect_vreg.gather [hbm4b:s6+s5], $0x80, v3, vm0, $0xb8;
	[tilespmem:$0x16100] =	vst v63  }
0xfb: {  	s0 =	simm.s32 $0x20;
	s12 =	rddreg [dreg:$0x1f]  }
0xfc: {  	[tilespmem:s15], [sflag:$0x1] =	stream.indirect.gather [hbm4b:s11+s0], $0x80, s12, s0, $0xb8;
	[tilespmem:$0x16100] =	vst v63  }
0xfd: {  	v3 =	vld [tilespmem:$0x40];
	_ =	sdelay $0x4  }
0xfe: {  	v42 =	vshrl.u32 v3, $0x3  }
0xff: {  	v4 =	vmul.u32 $0x30, v42  }
0x100: {  	v3 =	vand.u32 $0x7, v3  }
0x101: {  	v3 =	vor.u32 v3, v4  }
0x102: {  	v4 =	vperm.xlane v3, v0;
	_ =	sdelay $0x1  }
0x103: {  	v4 =	vadd.s32 v1, v4;
	_ =	sdelay $0x3  }
0x104: {  	v3 =	vperm.xlane v3, v2  }
0x105: {  	[tilespmem:s25], [sflag:$0x1] =	stream.indirect_vreg.gather [hbm4b:s4+s5], $0x80, v4, vm0, $0xb8;
	[tilespmem:$0x16100] =	vst v63  }
0x106: {  	s28 =	simm.s32 $0x5900;
	v3 =	vadd.s32 v1, v3  }
0x107: {  	[tilespmem:s28], [sflag:$0x1] =	stream.indirect_vreg.gather [hbm4b:s7+s5], $0x80, v4, vm0, $0xb8;
	[tilespmem:$0x16100] =	vst v63  }
0x108: {  	s29 =	simm.s32 $0x6100  }
0x109: {  	[tilespmem:s29], [sflag:$0x1] =	stream.indirect_vreg.gather [hbm4b:s8+s5], $0x80, v4, vm0, $0xb8;
	[tilespmem:$0x16100] =	vst v63  }
0x10a: {  	s30 =	simm.s32 $0x6900  }
0x10b: {  	[tilespmem:s30], [sflag:$0x1] =	stream.indirect_vreg.gather [hbm4b:s4+s5], $0x80, v3, vm0, $0xb8;
	[tilespmem:$0x16100] =	vst v63  }
0x10c: {  	s25 =	simm.s32 $0x7100  }
0x10d: {  	[tilespmem:s25], [sflag:$0x1] =	stream.indirect_vreg.gather [hbm4b:s7+s5], $0x80, v3, vm0, $0xb8;
	[tilespmem:$0x16100] =	vst v63  }
0x10e: {  	s23 =	simm.s32 $0x7900  }
0x10f: {  	[tilespmem:s23], [sflag:$0x1] =	stream.indirect_vreg.gather [hbm4b:s8+s5], $0x80, v3, vm0, $0xb8;
	[tilespmem:$0x16100] =	vst v63  }
0x110: {  	v3 =	vld [tilespmem:$0x50];
	_ =	sdelay $0x4  }
0x111: {  	v43 =	vshrl.u32 v3, $0x3  }
0x112: {  	v4 =	vmul.u32 $0x30, v43  }
0x113: {  	v3 =	vand.u32 $0x7, v3  }
0x114: {  	v3 =	vor.u32 v3, v4  }
0x115: {  	v4 =	vperm.xlane v3, v0;
	_ =	sdelay $0x1  }
0x116: {  	v4 =	vadd.s32 v1, v4;
	_ =	sdelay $0x3  }
0x117: {  	s26 =	simm.s32 $0x8100;
	v3 =	vperm.xlane v3, v2  }
0x118: {  	[tilespmem:s26], [sflag:$0x1] =	stream.indirect_vreg.gather [hbm4b:s4+s5], $0x80, v4, vm0, $0xb8;
	[tilespmem:$0x16100] =	vst v63  }
0x119: {  	s23 =	simm.s32 $0x8900;
	v3 =	vadd.s32 v1, v3  }
0x11a: {  	[tilespmem:s23], [sflag:$0x1] =	stream.indirect_vreg.gather [hbm4b:s7+s5], $0x80, v4, vm0, $0xb8;
	[tilespmem:$0x16100] =	vst v63  }
0x11b: {  	s28 =	simm.s32 $0x9100  }
0x11c: {  	[tilespmem:s28], [sflag:$0x1] =	stream.indirect_vreg.gather [hbm4b:s8+s5], $0x80, v4, vm0, $0xb8;
	[tilespmem:$0x16100] =	vst v63  }
0x11d: {  	s15 =	simm.s32 $0x9900  }
0x11e: {  	[tilespmem:s15], [sflag:$0x1] =	stream.indirect_vreg.gather [hbm4b:s4+s5], $0x80, v3, vm0, $0xb8;
	[tilespmem:$0x16100] =	vst v63  }
0x11f: {  	s31 =	simm.s32 $0xA100  }
0x120: {  	[tilespmem:s31], [sflag:$0x1] =	stream.indirect_vreg.gather [hbm4b:s7+s5], $0x80, v3, vm0, $0xb8;
	[tilespmem:$0x16100] =	vst v63  }
0x121: {  	s25 =	simm.s32 $0xA900  }
0x122: {  	[tilespmem:s25], [sflag:$0x1] =	stream.indirect_vreg.gather [hbm4b:s8+s5], $0x80, v3, vm0, $0xb8;
	[tilespmem:$0x16100] =	vst v63  }
0x123: {  	s20 =	simm.s32 $0xB100;
	s29 =	rddreg [dreg:$0xa]  }
0x124: {  	[hbm4b:s29+s5] =	stream.linear.scatter [tilespmem:s20], [sflag:$0x4], $0x4000, $0x38;
	[tilespmem:$0x16100] =	vst v63  }
0x125: {  	s26 =	rddreg [dreg:$0xb]  }
0x126: {  	[hbm4b:s26+s5] =	stream.linear.scatter [tilespmem:s24], [sflag:$0x4], $0x1000, $0x38;
	[tilespmem:$0x16100] =	vst v63  }
0x127: {  	s28 =	rddreg [dreg:$0xc]  }
0x128: {  	[hbm4b:s28+s5] =	stream.linear.scatter [tilespmem:s3], [sflag:$0x4], $0x6000, $0x38;
	[tilespmem:$0x16100] =	vst v63  }
0x129: {  	_ =	swait.ge [sflag:s10], $0x4000  }
0x12a: {  	[sflag:s10] =	ssyncset.done $0x0  }
0x12b: {  	[sflag:s10] =	ssyncadd.s32 $0xFFFFC000  }
0x12c: {  	_ =	swait.ge [sflag:s10], $0x1000  }
0x12d: {  	[sflag:s10] =	ssyncset.done $0x0  }
0x12e: {  	[sflag:s10] =	ssyncadd.s32 $0xFFFFF000  }
0x12f: {  	_ =	swait.ge [sflag:s10], $0x6000  }
0x130: {  	[sflag:s10] =	ssyncset.done $0x0  }
0x131: {  	[sflag:s10] =	ssyncadd.s32 $0xFFFFA000  }
0x132: {  	_ =	swait.ge [sflag:s18], $0x4000  }
0x133: {  	[sflag:s18] =	ssyncset.done $0x0  }
0x134: {  	[sflag:s18] =	ssyncadd.s32 $0xFFFFC000  }
0x135: {  	_ =	swait.ge [sflag:s18], $0x1000  }
0x136: {  	[sflag:s18] =	ssyncset.done $0x0  }
0x137: {  	[sflag:s18] =	ssyncadd.s32 $0xFFFFF000  }
0x138: {  	_ =	swait.ge [sflag:s18], $0x6000  }
0x139: {  	[sflag:s18] =	ssyncset.done $0x0  }
0x13a: {  	[sflag:s18] =	ssyncadd.s32 $0xFFFFA000  }
0x13b: {  	v3 =	vld [tilespmem:$0x60];
	_ =	sdelay $0x4  }
0x13c: {  	v44 =	vshll.u32 v3, $0x2  }
0x13d: {  	v3 =	vand.u32 $0x7, v3;
	v4 =	vand.u32 $0xFFFFFFE0, v44  }
0x13e: {  	v3 =	vor.u32 v3, v4  }
0x13f: {  	v4 =	vperm.xlane v3, v0;
	_ =	sdelay $0x1  }
0x140: {  	v4 =	vadd.s32 v1, v4;
	_ =	sdelay $0x1  }
0x141: {  	v3 =	vperm.xlane v3, v2;
	_ =	sdelay $0x1  }
0x142: {  	v3 =	vadd.s32 v1, v3  }
0x143: {  	[tilespmem:s20], [sflag:$0x2] =	stream.indirect_vreg.gather [hbm4b:s1+s5], $0x80, v4, vm0, $0xb8;
	[tilespmem:$0x16100] =	vst v63  }
0x144: {  	s20 =	simm.s32 $0xB900  }
0x145: {  	[tilespmem:s20], [sflag:$0x2] =	stream.indirect_vreg.gather [hbm4b:s6+s5], $0x80, v4, vm0, $0xb8;
	[tilespmem:$0x16100] =	vst v63  }
0x146: {  	s26 =	simm.s32 $0xC100  }
0x147: {  	[tilespmem:s26], [sflag:$0x2] =	stream.indirect_vreg.gather [hbm4b:s1+s5], $0x80, v3, vm0, $0xb8;
	[tilespmem:$0x16100] =	vst v63  }
0x148: {  	s29 =	simm.s32 $0xC900  }
0x149: {  	[tilespmem:s29], [sflag:$0x2] =	stream.indirect_vreg.gather [hbm4b:s6+s5], $0x80, v3, vm0, $0xb8;
	[tilespmem:$0x16100] =	vst v63  }
0x14a: {  	v3 =	vld [tilespmem:$0x70];
	_ =	sdelay $0x4  }
0x14b: {  	v45 =	vshll.u32 v3, $0x2  }
0x14c: {  	v3 =	vand.u32 $0x7, v3;
	v4 =	vand.u32 $0xFFFFFFE0, v45  }
0x14d: {  	v3 =	vor.u32 v3, v4  }
0x14e: {  	v4 =	vperm.xlane v3, v0;
	_ =	sdelay $0x1  }
0x14f: {  	v4 =	vadd.s32 v1, v4;
	_ =	sdelay $0x1  }
0x150: {  	v3 =	vperm.xlane v3, v2;
	_ =	sdelay $0x1  }
0x151: {  	s28 =	simm.s32 $0xD100;
	v3 =	vadd.s32 v1, v3  }
0x152: {  	[tilespmem:s28], [sflag:$0x2] =	stream.indirect_vreg.gather [hbm4b:s1+s5], $0x80, v4, vm0, $0xb8;
	[tilespmem:$0x16100] =	vst v63  }
0x153: {  	s29 =	simm.s32 $0xD900  }
0x154: {  	[tilespmem:s29], [sflag:$0x2] =	stream.indirect_vreg.gather [hbm4b:s6+s5], $0x80, v4, vm0, $0xb8;
	[tilespmem:$0x16100] =	vst v63  }
0x155: {  	s22 =	simm.s32 $0xE100  }
0x156: {  	[tilespmem:s22], [sflag:$0x2] =	stream.indirect_vreg.gather [hbm4b:s1+s5], $0x80, v3, vm0, $0xb8;
	[tilespmem:$0x16100] =	vst v63  }
0x157: {  	s25 =	simm.s32 $0xE900;
	s22 =	sld [smem:$0x7F9]  }
0x158: {  	[tilespmem:s25], [sflag:$0x2] =	stream.indirect_vreg.gather [hbm4b:s6+s5], $0x80, v3, vm0, $0xb8;
	[tilespmem:$0x16100] =	vst v63  }
0x159: {  	s2 =	smov.u32 s11  }
0x15a: {  	[tilespmem:s24], [sflag:$0x2] =	stream.indirect.gather [hbm4b:s2+s0], $0x80, s22, s0, $0xb8;
	[tilespmem:$0x16100] =	vst v63  }
0x15b: {  	v3 =	vld [tilespmem:$0x60];
	_ =	sdelay $0x4  }
0x15c: {  	v46 =	vshrl.u32 v3, $0x3  }
0x15d: {  	v4 =	vmul.u32 $0x30, v46  }
0x15e: {  	v3 =	vand.u32 $0x7, v3  }
0x15f: {  	v3 =	vor.u32 v3, v4  }
0x160: {  	v4 =	vperm.xlane v3, v0;
	_ =	sdelay $0x1  }
0x161: {  	v4 =	vadd.s32 v1, v4;
	_ =	sdelay $0x3  }
0x162: {  	v3 =	vperm.xlane v3, v2  }
0x163: {  	[tilespmem:s3], [sflag:$0x2] =	stream.indirect_vreg.gather [hbm4b:s4+s5], $0x80, v4, vm0, $0xb8;
	[tilespmem:$0x16100] =	vst v63  }
0x164: {  	s25 =	simm.s32 $0x10900;
	v3 =	vadd.s32 v1, v3  }
0x165: {  	[tilespmem:s25], [sflag:$0x2] =	stream.indirect_vreg.gather [hbm4b:s7+s5], $0x80, v4, vm0, $0xb8;
	[tilespmem:$0x16100] =	vst v63  }
0x166: {  	s22 =	simm.s32 $0x11100  }
0x167: {  	[tilespmem:s22], [sflag:$0x2] =	stream.indirect_vreg.gather [hbm4b:s8+s5], $0x80, v4, vm0, $0xb8;
	[tilespmem:$0x16100] =	vst v63  }
0x168: {  	s25 =	simm.s32 $0x11900  }
0x169: {  	[tilespmem:s25], [sflag:$0x2] =	stream.indirect_vreg.gather [hbm4b:s4+s5], $0x80, v3, vm0, $0xb8;
	[tilespmem:$0x16100] =	vst v63  }
0x16a: {  	s22 =	simm.s32 $0x12100  }
0x16b: {  	[tilespmem:s22], [sflag:$0x2] =	stream.indirect_vreg.gather [hbm4b:s7+s5], $0x80, v3, vm0, $0xb8;
	[tilespmem:$0x16100] =	vst v63  }
0x16c: {  	s25 =	simm.s32 $0x12900  }
0x16d: {  	[tilespmem:s25], [sflag:$0x2] =	stream.indirect_vreg.gather [hbm4b:s8+s5], $0x80, v3, vm0, $0xb8;
	[tilespmem:$0x16100] =	vst v63  }
0x16e: {  	v3 =	vld [tilespmem:$0x70];
	_ =	sdelay $0x4  }
0x16f: {  	v47 =	vshrl.u32 v3, $0x3  }
0x170: {  	v4 =	vmul.u32 $0x30, v47  }
0x171: {  	v3 =	vand.u32 $0x7, v3  }
0x172: {  	v3 =	vor.u32 v3, v4  }
0x173: {  	v4 =	vperm.xlane v3, v0;
	_ =	sdelay $0x1  }
0x174: {  	v4 =	vadd.s32 v1, v4;
	_ =	sdelay $0x3  }
0x175: {  	s22 =	simm.s32 $0x13100;
	v3 =	vperm.xlane v3, v2  }
0x176: {  	[tilespmem:s22], [sflag:$0x2] =	stream.indirect_vreg.gather [hbm4b:s4+s5], $0x80, v4, vm0, $0xb8;
	[tilespmem:$0x16100] =	vst v63  }
0x177: {  	s25 =	simm.s32 $0x13900;
	v3 =	vadd.s32 v1, v3  }
0x178: {  	[tilespmem:s25], [sflag:$0x2] =	stream.indirect_vreg.gather [hbm4b:s7+s5], $0x80, v4, vm0, $0xb8;
	[tilespmem:$0x16100] =	vst v63  }
0x179: {  	s22 =	simm.s32 $0x14100  }
0x17a: {  	[tilespmem:s22], [sflag:$0x2] =	stream.indirect_vreg.gather [hbm4b:s8+s5], $0x80, v4, vm0, $0xb8;
	[tilespmem:$0x16100] =	vst v63  }
0x17b: {  	s25 =	simm.s32 $0x14900  }
0x17c: {  	[tilespmem:s25], [sflag:$0x2] =	stream.indirect_vreg.gather [hbm4b:s4+s5], $0x80, v3, vm0, $0xb8;
	[tilespmem:$0x16100] =	vst v63  }
0x17d: {  	s22 =	simm.s32 $0x15100  }
0x17e: {  	[tilespmem:s22], [sflag:$0x2] =	stream.indirect_vreg.gather [hbm4b:s7+s5], $0x80, v3, vm0, $0xb8;
	[tilespmem:$0x16100] =	vst v63  }
0x17f: {  	s25 =	simm.s32 $0x15900  }
0x180: {  	[tilespmem:s25], [sflag:$0x2] =	stream.indirect_vreg.gather [hbm4b:s8+s5], $0x80, v3, vm0, $0xb8;
	[tilespmem:$0x16100] =	vst v63  }
0x181: {  	s0 =	simm.s32 $0x100;
	s22 =	rddreg [dreg:$0xd]  }
0x182: {  	[hbm4b:s22+s5] =	stream.linear.scatter [tilespmem:s0], [sflag:$0x3], $0x4000, $0x38;
	[tilespmem:$0x16100] =	vst v63  }
0x183: {  	s12 =	simm.s32 $0x4100;
	s25 =	rddreg [dreg:$0xe]  }
0x184: {  	[hbm4b:s25+s5] =	stream.linear.scatter [tilespmem:s12], [sflag:$0x3], $0x1000, $0x38;
	[tilespmem:$0x16100] =	vst v63  }
0x185: {  	s13 =	simm.s32 $0x5100;
	s22 =	rddreg [dreg:$0xf]  }
0x186: {  	[hbm4b:s22+s5] =	stream.linear.scatter [tilespmem:s13], [sflag:$0x3], $0x6000, $0x38;
	[tilespmem:$0x16100] =	vst v63  }
0x187: {  	_ =	swait.ge [sflag:s16], $0x4000  }
0x188: {  	[sflag:s16] =	ssyncset.done $0x0  }
0x189: {  	[sflag:s16] =	ssyncadd.s32 $0xFFFFC000  }
0x18a: {  	_ =	swait.ge [sflag:s16], $0x1000  }
0x18b: {  	[sflag:s16] =	ssyncset.done $0x0  }
0x18c: {  	[sflag:s16] =	ssyncadd.s32 $0xFFFFF000  }
0x18d: {  	_ =	swait.ge [sflag:s16], $0x6000  }
0x18e: {  	[sflag:s16] =	ssyncset.done $0x0  }
0x18f: {  	[sflag:s16] =	ssyncadd.s32 $0xFFFFA000  }
0x190: {  	_ =	swait.ge [sflag:s17], $0x4000  }
0x191: {  	[sflag:s17] =	ssyncset.done $0x0  }
0x192: {  	[sflag:s17] =	ssyncadd.s32 $0xFFFFC000  }
0x193: {  	_ =	swait.ge [sflag:s17], $0x1000  }
0x194: {  	[sflag:s17] =	ssyncset.done $0x0  }
0x195: {  	[sflag:s17] =	ssyncadd.s32 $0xFFFFF000  }
0x196: {  	_ =	swait.ge [sflag:s17], $0x6000  }
0x197: {  	[sflag:s17] =	ssyncset.done $0x0  }
0x198: {  	[sflag:s17] =	ssyncadd.s32 $0xFFFFA000  }
0x199: {  	v3 =	vld [tilespmem:$0x80];
	_ =	sdelay $0x4  }
0x19a: {  	v48 =	vshll.u32 v3, $0x2  }
0x19b: {  	v3 =	vand.u32 $0x7, v3;
	v4 =	vand.u32 $0xFFFFFFE0, v48  }
0x19c: {  	v3 =	vor.u32 v3, v4  }
0x19d: {  	v4 =	vperm.xlane v3, v0;
	_ =	sdelay $0x1  }
0x19e: {  	v4 =	vadd.s32 v1, v4;
	_ =	sdelay $0x1  }
0x19f: {  	v3 =	vperm.xlane v3, v2;
	_ =	sdelay $0x1  }
0x1a0: {  	v3 =	vadd.s32 v1, v3  }
0x1a1: {  	[tilespmem:s0], [sflag:$0x1] =	stream.indirect_vreg.gather [hbm4b:s1+s5], $0x80, v4, vm0, $0xb8;
	[tilespmem:$0x16100] =	vst v63  }
0x1a2: {  	s22 =	simm.s32 $0x900  }
0x1a3: {  	[tilespmem:s22], [sflag:$0x1] =	stream.indirect_vreg.gather [hbm4b:s6+s5], $0x80, v4, vm0, $0xb8;
	[tilespmem:$0x16100] =	vst v63  }
0x1a4: {  	s25 =	simm.s32 $0x1100  }
0x1a5: {  	[tilespmem:s25], [sflag:$0x1] =	stream.indirect_vreg.gather [hbm4b:s1+s5], $0x80, v3, vm0, $0xb8;
	[tilespmem:$0x16100] =	vst v63  }
0x1a6: {  	_ = 	snop  }
0x1a7: {  	[tilespmem:s19], [sflag:$0x1] =	stream.indirect_vreg.gather [hbm4b:s6+s5], $0x80, v3, vm0, $0xb8;
	[tilespmem:$0x16100] =	vst v63  }
0x1a8: {  	v3 =	vld [tilespmem:$0x90];
	_ =	sdelay $0x4  }
0x1a9: {  	v49 =	vshll.u32 v3, $0x2  }
0x1aa: {  	v3 =	vand.u32 $0x7, v3;
	v4 =	vand.u32 $0xFFFFFFE0, v49  }
0x1ab: {  	v3 =	vor.u32 v3, v4  }
0x1ac: {  	v4 =	vperm.xlane v3, v0;
	_ =	sdelay $0x1  }
0x1ad: {  	v4 =	vadd.s32 v1, v4;
	_ =	sdelay $0x1  }
0x1ae: {  	v3 =	vperm.xlane v3, v2;
	_ =	sdelay $0x1  }
0x1af: {  	s19 =	simm.s32 $0x2100;
	v3 =	vadd.s32 v1, v3  }
0x1b0: {  	[tilespmem:s19], [sflag:$0x1] =	stream.indirect_vreg.gather [hbm4b:s1+s5], $0x80, v4, vm0, $0xb8;
	[tilespmem:$0x16100] =	vst v63  }
0x1b1: {  	_ = 	snop  }
0x1b2: {  	[tilespmem:s14], [sflag:$0x1] =	stream.indirect_vreg.gather [hbm4b:s6+s5], $0x80, v4, vm0, $0xb8;
	[tilespmem:$0x16100] =	vst v63  }
0x1b3: {  	_ = 	snop  }
0x1b4: {  	[tilespmem:s21], [sflag:$0x1] =	stream.indirect_vreg.gather [hbm4b:s1+s5], $0x80, v3, vm0, $0xb8;
	[tilespmem:$0x16100] =	vst v63  }
0x1b5: {  	s25 =	simm.s32 $0x3900;
	s21 =	sld [smem:$0x7FA]  }
0x1b6: {  	[tilespmem:s25], [sflag:$0x1] =	stream.indirect_vreg.gather [hbm4b:s6+s5], $0x80, v3, vm0, $0xb8;
	[tilespmem:$0x16100] =	vst v63  }
0x1b7: {  	s11 =	smov.u32 s2;
	s2 =	simm.s32 $0x20  }
0x1b8: {  	[tilespmem:s12], [sflag:$0x1] =	stream.indirect.gather [hbm4b:s11+s2], $0x80, s21, s2, $0xb8;
	[tilespmem:$0x16100] =	vst v63  }
0x1b9: {  	v3 =	vld [tilespmem:$0x80];
	_ =	sdelay $0x4  }
0x1ba: {  	v50 =	vshrl.u32 v3, $0x3  }
0x1bb: {  	v4 =	vmul.u32 $0x30, v50  }
0x1bc: {  	v3 =	vand.u32 $0x7, v3  }
0x1bd: {  	v3 =	vor.u32 v3, v4  }
0x1be: {  	v4 =	vperm.xlane v3, v0;
	_ =	sdelay $0x1  }
0x1bf: {  	v4 =	vadd.s32 v1, v4;
	_ =	sdelay $0x3  }
0x1c0: {  	v3 =	vperm.xlane v3, v2  }
0x1c1: {  	[tilespmem:s13], [sflag:$0x1] =	stream.indirect_vreg.gather [hbm4b:s4+s5], $0x80, v4, vm0, $0xb8;
	[tilespmem:$0x16100] =	vst v63  }
0x1c2: {  	v3 =	vadd.s32 v1, v3;
	s13 =	simm.s32 $0x5900  }
0x1c3: {  	[tilespmem:s13], [sflag:$0x1] =	stream.indirect_vreg.gather [hbm4b:s7+s5], $0x80, v4, vm0, $0xb8;
	[tilespmem:$0x16100] =	vst v63  }
0x1c4: {  	s14 =	simm.s32 $0x6100  }
0x1c5: {  	[tilespmem:s14], [sflag:$0x1] =	stream.indirect_vreg.gather [hbm4b:s8+s5], $0x80, v4, vm0, $0xb8;
	[tilespmem:$0x16100] =	vst v63  }
0x1c6: {  	_ = 	snop  }
0x1c7: {  	[tilespmem:s30], [sflag:$0x1] =	stream.indirect_vreg.gather [hbm4b:s4+s5], $0x80, v3, vm0, $0xb8;
	[tilespmem:$0x16100] =	vst v63  }
0x1c8: {  	s19 =	simm.s32 $0x7100  }
0x1c9: {  	[tilespmem:s19], [sflag:$0x1] =	stream.indirect_vreg.gather [hbm4b:s7+s5], $0x80, v3, vm0, $0xb8;
	[tilespmem:$0x16100] =	vst v63  }
0x1ca: {  	s21 =	simm.s32 $0x7900  }
0x1cb: {  	[tilespmem:s21], [sflag:$0x1] =	stream.indirect_vreg.gather [hbm4b:s8+s5], $0x80, v3, vm0, $0xb8;
	[tilespmem:$0x16100] =	vst v63  }
0x1cc: {  	v3 =	vld [tilespmem:$0x90];
	_ =	sdelay $0x4  }
0x1cd: {  	v51 =	vshrl.u32 v3, $0x3  }
0x1ce: {  	v4 =	vmul.u32 $0x30, v51  }
0x1cf: {  	v3 =	vand.u32 $0x7, v3  }
0x1d0: {  	v3 =	vor.u32 v3, v4  }
0x1d1: {  	v4 =	vperm.xlane v3, v0;
	_ =	sdelay $0x1  }
0x1d2: {  	v4 =	vadd.s32 v1, v4;
	_ =	sdelay $0x3  }
0x1d3: {  	s22 =	simm.s32 $0x8100;
	v3 =	vperm.xlane v3, v2  }
0x1d4: {  	[tilespmem:s22], [sflag:$0x1] =	stream.indirect_vreg.gather [hbm4b:s4+s5], $0x80, v4, vm0, $0xb8;
	[tilespmem:$0x16100] =	vst v63  }
0x1d5: {  	v3 =	vadd.s32 v1, v3  }
0x1d6: {  	[tilespmem:s23], [sflag:$0x1] =	stream.indirect_vreg.gather [hbm4b:s7+s5], $0x80, v4, vm0, $0xb8;
	[tilespmem:$0x16100] =	vst v63  }
0x1d7: {  	s23 =	simm.s32 $0x9100  }
0x1d8: {  	[tilespmem:s23], [sflag:$0x1] =	stream.indirect_vreg.gather [hbm4b:s8+s5], $0x80, v4, vm0, $0xb8;
	[tilespmem:$0x16100] =	vst v63  }
0x1d9: {  	_ = 	snop  }
0x1da: {  	[tilespmem:s15], [sflag:$0x1] =	stream.indirect_vreg.gather [hbm4b:s4+s5], $0x80, v3, vm0, $0xb8;
	[tilespmem:$0x16100] =	vst v63  }
0x1db: {  	_ = 	snop  }
0x1dc: {  	[tilespmem:s31], [sflag:$0x1] =	stream.indirect_vreg.gather [hbm4b:s7+s5], $0x80, v3, vm0, $0xb8;
	[tilespmem:$0x16100] =	vst v63  }
0x1dd: {  	s2 =	simm.s32 $0xA900  }
0x1de: {  	[tilespmem:s2], [sflag:$0x1] =	stream.indirect_vreg.gather [hbm4b:s8+s5], $0x80, v3, vm0, $0xb8;
	[tilespmem:$0x16100] =	vst v63  }
0x1df: {  	s25 =	rddreg [dreg:$0x10];
	s13 =	simm.s32 $0xB100  }
0x1e0: {  	[hbm4b:s25+s5] =	stream.linear.scatter [tilespmem:s13], [sflag:$0x4], $0x4000, $0x38;
	[tilespmem:$0x16100] =	vst v63  }
0x1e1: {  	s12 =	rddreg [dreg:$0x11]  }
0x1e2: {  	[hbm4b:s12+s5] =	stream.linear.scatter [tilespmem:s24], [sflag:$0x4], $0x1000, $0x38;
	[tilespmem:$0x16100] =	vst v63  }
0x1e3: {  	s14 =	rddreg [dreg:$0x12]  }
0x1e4: {  	[hbm4b:s14+s5] =	stream.linear.scatter [tilespmem:s3], [sflag:$0x4], $0x6000, $0x38;
	[tilespmem:$0x16100] =	vst v63  }
0x1e5: {  	_ =	swait.ge [sflag:s10], $0x4000  }
0x1e6: {  	[sflag:s10] =	ssyncset.done $0x0  }
0x1e7: {  	[sflag:s10] =	ssyncadd.s32 $0xFFFFC000  }
0x1e8: {  	_ =	swait.ge [sflag:s10], $0x1000  }
0x1e9: {  	[sflag:s10] =	ssyncset.done $0x0  }
0x1ea: {  	[sflag:s10] =	ssyncadd.s32 $0xFFFFF000  }
0x1eb: {  	_ =	swait.ge [sflag:s10], $0x6000  }
0x1ec: {  	[sflag:s10] =	ssyncset.done $0x0  }
0x1ed: {  	[sflag:s10] =	ssyncadd.s32 $0xFFFFA000  }
0x1ee: {  	_ =	swait.ge [sflag:s18], $0x4000  }
0x1ef: {  	[sflag:s18] =	ssyncset.done $0x0  }
0x1f0: {  	[sflag:s18] =	ssyncadd.s32 $0xFFFFC000  }
0x1f1: {  	_ =	swait.ge [sflag:s18], $0x1000  }
0x1f2: {  	[sflag:s18] =	ssyncset.done $0x0  }
0x1f3: {  	[sflag:s18] =	ssyncadd.s32 $0xFFFFF000  }
0x1f4: {  	_ =	swait.ge [sflag:s18], $0x6000  }
0x1f5: {  	[sflag:s18] =	ssyncset.done $0x0  }
0x1f6: {  	[sflag:s18] =	ssyncadd.s32 $0xFFFFA000  }
0x1f7: {  	v3 =	vld [tilespmem:$0xA0];
	_ =	sdelay $0x4  }
0x1f8: {  	v52 =	vshll.u32 v3, $0x2  }
0x1f9: {  	v3 =	vand.u32 $0x7, v3;
	v4 =	vand.u32 $0xFFFFFFE0, v52  }
0x1fa: {  	v3 =	vor.u32 v3, v4  }
0x1fb: {  	v4 =	vperm.xlane v3, v0;
	_ =	sdelay $0x1  }
0x1fc: {  	v4 =	vadd.s32 v1, v4;
	_ =	sdelay $0x1  }
0x1fd: {  	v3 =	vperm.xlane v3, v2;
	_ =	sdelay $0x1  }
0x1fe: {  	v3 =	vadd.s32 v1, v3  }
0x1ff: {  	[tilespmem:s13], [sflag:$0x2] =	stream.indirect_vreg.gather [hbm4b:s1+s5], $0x80, v4, vm0, $0xb8;
	[tilespmem:$0x16100] =	vst v63  }
0x200: {  	_ = 	snop  }
0x201: {  	[tilespmem:s20], [sflag:$0x2] =	stream.indirect_vreg.gather [hbm4b:s6+s5], $0x80, v4, vm0, $0xb8;
	[tilespmem:$0x16100] =	vst v63  }
0x202: {  	_ = 	snop  }
0x203: {  	[tilespmem:s26], [sflag:$0x2] =	stream.indirect_vreg.gather [hbm4b:s1+s5], $0x80, v3, vm0, $0xb8;
	[tilespmem:$0x16100] =	vst v63  }
0x204: {  	s19 =	simm.s32 $0xC900  }
0x205: {  	[tilespmem:s19], [sflag:$0x2] =	stream.indirect_vreg.gather [hbm4b:s6+s5], $0x80, v3, vm0, $0xb8;
	[tilespmem:$0x16100] =	vst v63  }
0x206: {  	v3 =	vld [tilespmem:$0xB0];
	_ =	sdelay $0x4  }
0x207: {  	v53 =	vshll.u32 v3, $0x2  }
0x208: {  	v3 =	vand.u32 $0x7, v3;
	v4 =	vand.u32 $0xFFFFFFE0, v53  }
0x209: {  	v3 =	vor.u32 v3, v4  }
0x20a: {  	v4 =	vperm.xlane v3, v0;
	_ =	sdelay $0x1  }
0x20b: {  	v4 =	vadd.s32 v1, v4;
	_ =	sdelay $0x1  }
0x20c: {  	v3 =	vperm.xlane v3, v2;
	_ =	sdelay $0x1  }
0x20d: {  	v3 =	vadd.s32 v1, v3  }
0x20e: {  	[tilespmem:s28], [sflag:$0x2] =	stream.indirect_vreg.gather [hbm4b:s1+s5], $0x80, v4, vm0, $0xb8;
	[tilespmem:$0x16100] =	vst v63  }
0x20f: {  	_ = 	snop  }
0x210: {  	[tilespmem:s29], [sflag:$0x2] =	stream.indirect_vreg.gather [hbm4b:s6+s5], $0x80, v4, vm0, $0xb8;
	[tilespmem:$0x16100] =	vst v63  }
0x211: {  	s20 =	simm.s32 $0xE100  }
0x212: {  	[tilespmem:s20], [sflag:$0x2] =	stream.indirect_vreg.gather [hbm4b:s1+s5], $0x80, v3, vm0, $0xb8;
	[tilespmem:$0x16100] =	vst v63  }
0x213: {  	s25 =	simm.s32 $0xE900;
	s21 =	sld [smem:$0x7FB]  }
0x214: {  	[tilespmem:s25], [sflag:$0x2] =	stream.indirect_vreg.gather [hbm4b:s6+s5], $0x80, v3, vm0, $0xb8;
	[tilespmem:$0x16100] =	vst v63  }
0x215: {  	s0 =	simm.s32 $0x20  }
0x216: {  	[tilespmem:s24], [sflag:$0x2] =	stream.indirect.gather [hbm4b:s11+s0], $0x80, s21, s0, $0xb8;
	[tilespmem:$0x16100] =	vst v63  }
0x217: {  	v3 =	vld [tilespmem:$0xA0];
	_ =	sdelay $0x4  }
0x218: {  	v54 =	vshrl.u32 v3, $0x3  }
0x219: {  	v4 =	vmul.u32 $0x30, v54  }
0x21a: {  	v3 =	vand.u32 $0x7, v3  }
0x21b: {  	v3 =	vor.u32 v3, v4  }
0x21c: {  	v4 =	vperm.xlane v3, v0;
	_ =	sdelay $0x1  }
0x21d: {  	v4 =	vadd.s32 v1, v4;
	_ =	sdelay $0x3  }
0x21e: {  	v3 =	vperm.xlane v3, v2  }
0x21f: {  	[tilespmem:s3], [sflag:$0x2] =	stream.indirect_vreg.gather [hbm4b:s4+s5], $0x80, v4, vm0, $0xb8;
	[tilespmem:$0x16100] =	vst v63  }
0x220: {  	s29 =	simm.s32 $0x10900;
	v3 =	vadd.s32 v1, v3  }
0x221: {  	[tilespmem:s29], [sflag:$0x2] =	stream.indirect_vreg.gather [hbm4b:s7+s5], $0x80, v4, vm0, $0xb8;
	[tilespmem:$0x16100] =	vst v63  }
0x222: {  	s12 =	simm.s32 $0x11100  }
0x223: {  	[tilespmem:s12], [sflag:$0x2] =	stream.indirect_vreg.gather [hbm4b:s8+s5], $0x80, v4, vm0, $0xb8;
	[tilespmem:$0x16100] =	vst v63  }
0x224: {  	s13 =	simm.s32 $0x11900  }
0x225: {  	[tilespmem:s13], [sflag:$0x2] =	stream.indirect_vreg.gather [hbm4b:s4+s5], $0x80, v3, vm0, $0xb8;
	[tilespmem:$0x16100] =	vst v63  }
0x226: {  	s19 =	simm.s32 $0x12100  }
0x227: {  	[tilespmem:s19], [sflag:$0x2] =	stream.indirect_vreg.gather [hbm4b:s7+s5], $0x80, v3, vm0, $0xb8;
	[tilespmem:$0x16100] =	vst v63  }
0x228: {  	s22 =	simm.s32 $0x12900  }
0x229: {  	[tilespmem:s22], [sflag:$0x2] =	stream.indirect_vreg.gather [hbm4b:s8+s5], $0x80, v3, vm0, $0xb8;
	[tilespmem:$0x16100] =	vst v63  }
0x22a: {  	v3 =	vld [tilespmem:$0xB0];
	_ =	sdelay $0x4  }
0x22b: {  	v55 =	vshrl.u32 v3, $0x3  }
0x22c: {  	v4 =	vmul.u32 $0x30, v55  }
0x22d: {  	v3 =	vand.u32 $0x7, v3  }
0x22e: {  	v3 =	vor.u32 v3, v4  }
0x22f: {  	v4 =	vperm.xlane v3, v0;
	_ =	sdelay $0x1  }
0x230: {  	v4 =	vadd.s32 v1, v4;
	_ =	sdelay $0x3  }
0x231: {  	s25 =	simm.s32 $0x13100;
	v3 =	vperm.xlane v3, v2  }
0x232: {  	[tilespmem:s25], [sflag:$0x2] =	stream.indirect_vreg.gather [hbm4b:s4+s5], $0x80, v4, vm0, $0xb8;
	[tilespmem:$0x16100] =	vst v63  }
0x233: {  	s12 =	simm.s32 $0x13900;
	v3 =	vadd.s32 v1, v3  }
0x234: {  	[tilespmem:s12], [sflag:$0x2] =	stream.indirect_vreg.gather [hbm4b:s7+s5], $0x80, v4, vm0, $0xb8;
	[tilespmem:$0x16100] =	vst v63  }
0x235: {  	s13 =	simm.s32 $0x14100  }
0x236: {  	[tilespmem:s13], [sflag:$0x2] =	stream.indirect_vreg.gather [hbm4b:s8+s5], $0x80, v4, vm0, $0xb8;
	[tilespmem:$0x16100] =	vst v63  }
0x237: {  	s19 =	simm.s32 $0x14900  }
0x238: {  	[tilespmem:s19], [sflag:$0x2] =	stream.indirect_vreg.gather [hbm4b:s4+s5], $0x80, v3, vm0, $0xb8;
	[tilespmem:$0x16100] =	vst v63  }
0x239: {  	s22 =	simm.s32 $0x15100  }
0x23a: {  	[tilespmem:s22], [sflag:$0x2] =	stream.indirect_vreg.gather [hbm4b:s7+s5], $0x80, v3, vm0, $0xb8;
	[tilespmem:$0x16100] =	vst v63  }
0x23b: {  	s13 =	simm.s32 $0x15900  }
0x23c: {  	[tilespmem:s13], [sflag:$0x2] =	stream.indirect_vreg.gather [hbm4b:s8+s5], $0x80, v3, vm0, $0xb8;
	[tilespmem:$0x16100] =	vst v63  }
0x23d: {  	s25 =	rddreg [dreg:$0x13];
	s12 =	simm.s32 $0x100  }
0x23e: {  	[hbm4b:s25+s5] =	stream.linear.scatter [tilespmem:s12], [sflag:$0x3], $0x4000, $0x38;
	[tilespmem:$0x16100] =	vst v63  }
0x23f: {  	s2 =	simm.s32 $0x4100;
	s19 =	rddreg [dreg:$0x14]  }
0x240: {  	[hbm4b:s19+s5] =	stream.linear.scatter [tilespmem:s2], [sflag:$0x3], $0x1000, $0x38;
	[tilespmem:$0x16100] =	vst v63  }
0x241: {  	s13 =	rddreg [dreg:$0x15];
	s19 =	simm.s32 $0x5100  }
0x242: {  	[hbm4b:s13+s5] =	stream.linear.scatter [tilespmem:s19], [sflag:$0x3], $0x6000, $0x38;
	[tilespmem:$0x16100] =	vst v63  }
0x243: {  	_ =	swait.ge [sflag:s16], $0x4000  }
0x244: {  	[sflag:s16] =	ssyncset.done $0x0  }
0x245: {  	[sflag:s16] =	ssyncadd.s32 $0xFFFFC000  }
0x246: {  	_ =	swait.ge [sflag:s16], $0x1000  }
0x247: {  	[sflag:s16] =	ssyncset.done $0x0  }
0x248: {  	[sflag:s16] =	ssyncadd.s32 $0xFFFFF000  }
0x249: {  	_ =	swait.ge [sflag:s16], $0x6000  }
0x24a: {  	[sflag:s16] =	ssyncset.done $0x0  }
0x24b: {  	[sflag:s16] =	ssyncadd.s32 $0xFFFFA000  }
0x24c: {  	_ =	swait.ge [sflag:s17], $0x4000  }
0x24d: {  	[sflag:s17] =	ssyncset.done $0x0  }
0x24e: {  	[sflag:s17] =	ssyncadd.s32 $0xFFFFC000  }
0x24f: {  	_ =	swait.ge [sflag:s17], $0x1000  }
0x250: {  	[sflag:s17] =	ssyncset.done $0x0  }
0x251: {  	[sflag:s17] =	ssyncadd.s32 $0xFFFFF000  }
0x252: {  	_ =	swait.ge [sflag:s17], $0x6000  }
0x253: {  	[sflag:s17] =	ssyncset.done $0x0  }
0x254: {  	[sflag:s17] =	ssyncadd.s32 $0xFFFFA000  }
0x255: {  	v3 =	vld [tilespmem:$0xC0];
	_ =	sdelay $0x4  }
0x256: {  	v56 =	vshll.u32 v3, $0x2  }
0x257: {  	v3 =	vand.u32 $0x7, v3;
	v4 =	vand.u32 $0xFFFFFFE0, v56  }
0x258: {  	v3 =	vor.u32 v3, v4  }
0x259: {  	v4 =	vperm.xlane v3, v0;
	_ =	sdelay $0x1  }
0x25a: {  	v4 =	vadd.s32 v1, v4;
	_ =	sdelay $0x1  }
0x25b: {  	v3 =	vperm.xlane v3, v2;
	_ =	sdelay $0x1  }
0x25c: {  	v3 =	vadd.s32 v1, v3  }
0x25d: {  	[tilespmem:s12], [sflag:$0x1] =	stream.indirect_vreg.gather [hbm4b:s1+s5], $0x80, v4, vm0, $0xb8;
	[tilespmem:$0x16100] =	vst v63  }
0x25e: {  	s25 =	simm.s32 $0x900  }
0x25f: {  	[tilespmem:s25], [sflag:$0x1] =	stream.indirect_vreg.gather [hbm4b:s6+s5], $0x80, v4, vm0, $0xb8;
	[tilespmem:$0x16100] =	vst v63  }
0x260: {  	s22 =	simm.s32 $0x1100  }
0x261: {  	[tilespmem:s22], [sflag:$0x1] =	stream.indirect_vreg.gather [hbm4b:s1+s5], $0x80, v3, vm0, $0xb8;
	[tilespmem:$0x16100] =	vst v63  }
0x262: {  	s25 =	simm.s32 $0x1900  }
0x263: {  	[tilespmem:s25], [sflag:$0x1] =	stream.indirect_vreg.gather [hbm4b:s6+s5], $0x80, v3, vm0, $0xb8;
	[tilespmem:$0x16100] =	vst v63  }
0x264: {  	v3 =	vld [tilespmem:$0xD0];
	_ =	sdelay $0x4  }
0x265: {  	v57 =	vshll.u32 v3, $0x2  }
0x266: {  	v3 =	vand.u32 $0x7, v3;
	v4 =	vand.u32 $0xFFFFFFE0, v57  }
0x267: {  	v3 =	vor.u32 v3, v4  }
0x268: {  	v4 =	vperm.xlane v3, v0;
	_ =	sdelay $0x1  }
0x269: {  	v4 =	vadd.s32 v1, v4;
	_ =	sdelay $0x1  }
0x26a: {  	v3 =	vperm.xlane v3, v2;
	_ =	sdelay $0x1  }
0x26b: {  	s22 =	simm.s32 $0x2100;
	v3 =	vadd.s32 v1, v3  }
0x26c: {  	[tilespmem:s22], [sflag:$0x1] =	stream.indirect_vreg.gather [hbm4b:s1+s5], $0x80, v4, vm0, $0xb8;
	[tilespmem:$0x16100] =	vst v63  }
0x26d: {  	s25 =	simm.s32 $0x2900  }
0x26e: {  	[tilespmem:s25], [sflag:$0x1] =	stream.indirect_vreg.gather [hbm4b:s6+s5], $0x80, v4, vm0, $0xb8;
	[tilespmem:$0x16100] =	vst v63  }
0x26f: {  	s22 =	simm.s32 $0x3100  }
0x270: {  	[tilespmem:s22], [sflag:$0x1] =	stream.indirect_vreg.gather [hbm4b:s1+s5], $0x80, v3, vm0, $0xb8;
	[tilespmem:$0x16100] =	vst v63  }
0x271: {  	s25 =	simm.s32 $0x3900;
	s22 =	sld [smem:$0x7FC]  }
0x272: {  	[tilespmem:s25], [sflag:$0x1] =	stream.indirect_vreg.gather [hbm4b:s6+s5], $0x80, v3, vm0, $0xb8;
	[tilespmem:$0x16100] =	vst v63  }
0x273: {  	_ = 	snop  }
0x274: {  	[tilespmem:s2], [sflag:$0x1] =	stream.indirect.gather [hbm4b:s11+s0], $0x80, s22, s0, $0xb8;
	[tilespmem:$0x16100] =	vst v63  }
0x275: {  	v3 =	vld [tilespmem:$0xC0];
	_ =	sdelay $0x4  }
0x276: {  	v58 =	vshrl.u32 v3, $0x3  }
0x277: {  	v4 =	vmul.u32 $0x30, v58  }
0x278: {  	v3 =	vand.u32 $0x7, v3  }
0x279: {  	v3 =	vor.u32 v3, v4  }
0x27a: {  	v4 =	vperm.xlane v3, v0;
	_ =	sdelay $0x1  }
0x27b: {  	v4 =	vadd.s32 v1, v4;
	_ =	sdelay $0x3  }
0x27c: {  	v3 =	vperm.xlane v3, v2  }
0x27d: {  	[tilespmem:s19], [sflag:$0x1] =	stream.indirect_vreg.gather [hbm4b:s4+s5], $0x80, v4, vm0, $0xb8;
	[tilespmem:$0x16100] =	vst v63  }
0x27e: {  	s22 =	simm.s32 $0x5900;
	v3 =	vadd.s32 v1, v3  }
0x27f: {  	[tilespmem:s22], [sflag:$0x1] =	stream.indirect_vreg.gather [hbm4b:s7+s5], $0x80, v4, vm0, $0xb8;
	[tilespmem:$0x16100] =	vst v63  }
0x280: {  	s25 =	simm.s32 $0x6100  }
0x281: {  	[tilespmem:s25], [sflag:$0x1] =	stream.indirect_vreg.gather [hbm4b:s8+s5], $0x80, v4, vm0, $0xb8;
	[tilespmem:$0x16100] =	vst v63  }
0x282: {  	s30 =	simm.s32 $0x6900  }
0x283: {  	[tilespmem:s30], [sflag:$0x1] =	stream.indirect_vreg.gather [hbm4b:s4+s5], $0x80, v3, vm0, $0xb8;
	[tilespmem:$0x16100] =	vst v63  }
0x284: {  	s30 =	simm.s32 $0x7100  }
0x285: {  	[tilespmem:s30], [sflag:$0x1] =	stream.indirect_vreg.gather [hbm4b:s7+s5], $0x80, v3, vm0, $0xb8;
	[tilespmem:$0x16100] =	vst v63  }
0x286: {  	s22 =	simm.s32 $0x7900  }
0x287: {  	[tilespmem:s22], [sflag:$0x1] =	stream.indirect_vreg.gather [hbm4b:s8+s5], $0x80, v3, vm0, $0xb8;
	[tilespmem:$0x16100] =	vst v63  }
0x288: {  	v3 =	vld [tilespmem:$0xD0];
	_ =	sdelay $0x4  }
0x289: {  	v59 =	vshrl.u32 v3, $0x3  }
0x28a: {  	v4 =	vmul.u32 $0x30, v59  }
0x28b: {  	v3 =	vand.u32 $0x7, v3  }
0x28c: {  	v3 =	vor.u32 v3, v4  }
0x28d: {  	v4 =	vperm.xlane v3, v0;
	_ =	sdelay $0x1  }
0x28e: {  	v4 =	vadd.s32 v1, v4;
	_ =	sdelay $0x3  }
0x28f: {  	s25 =	simm.s32 $0x8100;
	v3 =	vperm.xlane v3, v2  }
0x290: {  	[tilespmem:s25], [sflag:$0x1] =	stream.indirect_vreg.gather [hbm4b:s4+s5], $0x80, v4, vm0, $0xb8;
	[tilespmem:$0x16100] =	vst v63  }
0x291: {  	s30 =	simm.s32 $0x8900;
	v3 =	vadd.s32 v1, v3  }
0x292: {  	[tilespmem:s30], [sflag:$0x1] =	stream.indirect_vreg.gather [hbm4b:s7+s5], $0x80, v4, vm0, $0xb8;
	[tilespmem:$0x16100] =	vst v63  }
0x293: {  	s22 =	simm.s32 $0x9100  }
0x294: {  	[tilespmem:s22], [sflag:$0x1] =	stream.indirect_vreg.gather [hbm4b:s8+s5], $0x80, v4, vm0, $0xb8;
	[tilespmem:$0x16100] =	vst v63  }
0x295: {  	s15 =	simm.s32 $0x9900  }
0x296: {  	[tilespmem:s15], [sflag:$0x1] =	stream.indirect_vreg.gather [hbm4b:s4+s5], $0x80, v3, vm0, $0xb8;
	[tilespmem:$0x16100] =	vst v63  }
0x297: {  	s31 =	simm.s32 $0xA100  }
0x298: {  	[tilespmem:s31], [sflag:$0x1] =	stream.indirect_vreg.gather [hbm4b:s7+s5], $0x80, v3, vm0, $0xb8;
	[tilespmem:$0x16100] =	vst v63  }
0x299: {  	s30 =	simm.s32 $0xA900  }
0x29a: {  	[tilespmem:s30], [sflag:$0x1] =	stream.indirect_vreg.gather [hbm4b:s8+s5], $0x80, v3, vm0, $0xb8;
	[tilespmem:$0x16100] =	vst v63  }
0x29b: {  	s23 =	simm.s32 $0xB100;
	s25 =	rddreg [dreg:$0x16]  }
0x29c: {  	[hbm4b:s25+s5] =	stream.linear.scatter [tilespmem:s23], [sflag:$0x4], $0x4000, $0x38;
	[tilespmem:$0x16100] =	vst v63  }
0x29d: {  	s31 =	rddreg [dreg:$0x17]  }
0x29e: {  	[hbm4b:s31+s5] =	stream.linear.scatter [tilespmem:s24], [sflag:$0x4], $0x1000, $0x38;
	[tilespmem:$0x16100] =	vst v63  }
0x29f: {  	s15 =	rddreg [dreg:$0x18]  }
0x2a0: {  	[hbm4b:s15+s5] =	stream.linear.scatter [tilespmem:s3], [sflag:$0x4], $0x6000, $0x38;
	[tilespmem:$0x16100] =	vst v63  }
0x2a1: {  	_ =	swait.ge [sflag:s10], $0x4000  }
0x2a2: {  	[sflag:s10] =	ssyncset.done $0x0  }
0x2a3: {  	[sflag:s10] =	ssyncadd.s32 $0xFFFFC000  }
0x2a4: {  	_ =	swait.ge [sflag:s10], $0x1000  }
0x2a5: {  	[sflag:s10] =	ssyncset.done $0x0  }
0x2a6: {  	[sflag:s10] =	ssyncadd.s32 $0xFFFFF000  }
0x2a7: {  	_ =	swait.ge [sflag:s10], $0x6000  }
0x2a8: {  	[sflag:s10] =	ssyncset.done $0x0  }
0x2a9: {  	[sflag:s10] =	ssyncadd.s32 $0xFFFFA000  }
0x2aa: {  	_ =	swait.ge [sflag:s18], $0x4000  }
0x2ab: {  	[sflag:s18] =	ssyncset.done $0x0  }
0x2ac: {  	[sflag:s18] =	ssyncadd.s32 $0xFFFFC000  }
0x2ad: {  	_ =	swait.ge [sflag:s18], $0x1000  }
0x2ae: {  	[sflag:s18] =	ssyncset.done $0x0  }
0x2af: {  	[sflag:s18] =	ssyncadd.s32 $0xFFFFF000  }
0x2b0: {  	_ =	swait.ge [sflag:s18], $0x6000  }
0x2b1: {  	[sflag:s18] =	ssyncset.done $0x0  }
0x2b2: {  	[sflag:s18] =	ssyncadd.s32 $0xFFFFA000  }
0x2b3: {  	v3 =	vld [tilespmem:$0xE0];
	_ =	sdelay $0x4  }
0x2b4: {  	v60 =	vshll.u32 v3, $0x2  }
0x2b5: {  	v3 =	vand.u32 $0x7, v3;
	v4 =	vand.u32 $0xFFFFFFE0, v60  }
0x2b6: {  	v3 =	vor.u32 v3, v4  }
0x2b7: {  	v4 =	vperm.xlane v3, v0;
	_ =	sdelay $0x1  }
0x2b8: {  	v4 =	vadd.s32 v1, v4;
	_ =	sdelay $0x1  }
0x2b9: {  	v3 =	vperm.xlane v3, v2;
	_ =	sdelay $0x1  }
0x2ba: {  	v3 =	vadd.s32 v1, v3  }
0x2bb: {  	[tilespmem:s23], [sflag:$0x2] =	stream.indirect_vreg.gather [hbm4b:s1+s5], $0x80, v4, vm0, $0xb8;
	[tilespmem:$0x16100] =	vst v63  }
0x2bc: {  	s19 =	simm.s32 $0xB900  }
0x2bd: {  	[tilespmem:s19], [sflag:$0x2] =	stream.indirect_vreg.gather [hbm4b:s6+s5], $0x80, v4, vm0, $0xb8;
	[tilespmem:$0x16100] =	vst v63  }
0x2be: {  	s14 =	simm.s32 $0xC100  }
0x2bf: {  	[tilespmem:s14], [sflag:$0x2] =	stream.indirect_vreg.gather [hbm4b:s1+s5], $0x80, v3, vm0, $0xb8;
	[tilespmem:$0x16100] =	vst v63  }
0x2c0: {  	s22 =	simm.s32 $0xC900  }
0x2c1: {  	[tilespmem:s22], [sflag:$0x2] =	stream.indirect_vreg.gather [hbm4b:s6+s5], $0x80, v3, vm0, $0xb8;
	[tilespmem:$0x16100] =	vst v63  }
0x2c2: {  	v3 =	vld [tilespmem:$0xF0];
	_ =	sdelay $0x4  }
0x2c3: {  	v61 =	vshll.u32 v3, $0x2  }
0x2c4: {  	v3 =	vand.u32 $0x7, v3;
	v4 =	vand.u32 $0xFFFFFFE0, v61  }
0x2c5: {  	v3 =	vor.u32 v3, v4  }
0x2c6: {  	v4 =	vperm.xlane v3, v0;
	_ =	sdelay $0x1  }
0x2c7: {  	v4 =	vadd.s32 v1, v4;
	_ =	sdelay $0x1  }
0x2c8: {  	v3 =	vperm.xlane v3, v2;
	_ =	sdelay $0x1  }
0x2c9: {  	s26 =	simm.s32 $0xD100;
	v3 =	vadd.s32 v1, v3  }
0x2ca: {  	[tilespmem:s26], [sflag:$0x2] =	stream.indirect_vreg.gather [hbm4b:s1+s5], $0x80, v4, vm0, $0xb8;
	[tilespmem:$0x16100] =	vst v63  }
0x2cb: {  	s28 =	simm.s32 $0xD900  }
0x2cc: {  	[tilespmem:s28], [sflag:$0x2] =	stream.indirect_vreg.gather [hbm4b:s6+s5], $0x80, v4, vm0, $0xb8;
	[tilespmem:$0x16100] =	vst v63  }
0x2cd: {  	s25 =	simm.s32 $0xE100  }
0x2ce: {  	[tilespmem:s25], [sflag:$0x2] =	stream.indirect_vreg.gather [hbm4b:s1+s5], $0x80, v3, vm0, $0xb8;
	[tilespmem:$0x16100] =	vst v63  }
0x2cf: {  	s26 =	sld [smem:$0x7FD];
	s28 =	simm.s32 $0xE900  }
0x2d0: {  	[tilespmem:s28], [sflag:$0x2] =	stream.indirect_vreg.gather [hbm4b:s6+s5], $0x80, v3, vm0, $0xb8;
	[tilespmem:$0x16100] =	vst v63  }
0x2d1: {  	s0 =	simm.s32 $0x20  }
0x2d2: {  	[tilespmem:s24], [sflag:$0x2] =	stream.indirect.gather [hbm4b:s11+s0], $0x80, s26, s0, $0xb8;
	[tilespmem:$0x16100] =	vst v63  }
0x2d3: {  	v3 =	vld [tilespmem:$0xE0];
	_ =	sdelay $0x4  }
0x2d4: {  	v62 =	vshrl.u32 v3, $0x3  }
0x2d5: {  	v4 =	vmul.u32 $0x30, v62  }
0x2d6: {  	v3 =	vand.u32 $0x7, v3  }
0x2d7: {  	v3 =	vor.u32 v3, v4  }
0x2d8: {  	v4 =	vperm.xlane v3, v0;
	_ =	sdelay $0x1  }
0x2d9: {  	v4 =	vadd.s32 v1, v4;
	_ =	sdelay $0x3  }
0x2da: {  	v3 =	vperm.xlane v3, v2  }
0x2db: {  	[tilespmem:s3], [sflag:$0x2] =	stream.indirect_vreg.gather [hbm4b:s4+s5], $0x80, v4, vm0, $0xb8;
	[tilespmem:$0x16100] =	vst v63  }
0x2dc: {  	s20 =	simm.s32 $0x10900;
	v3 =	vadd.s32 v1, v3  }
0x2dd: {  	[tilespmem:s20], [sflag:$0x2] =	stream.indirect_vreg.gather [hbm4b:s7+s5], $0x80, v4, vm0, $0xb8;
	[tilespmem:$0x16100] =	vst v63  }
0x2de: {  	s21 =	simm.s32 $0x11100  }
0x2df: {  	[tilespmem:s21], [sflag:$0x2] =	stream.indirect_vreg.gather [hbm4b:s8+s5], $0x80, v4, vm0, $0xb8;
	[tilespmem:$0x16100] =	vst v63  }
0x2e0: {  	s29 =	simm.s32 $0x11900  }
0x2e1: {  	[tilespmem:s29], [sflag:$0x2] =	stream.indirect_vreg.gather [hbm4b:s4+s5], $0x80, v3, vm0, $0xb8;
	[tilespmem:$0x16100] =	vst v63  }
0x2e2: {  	s30 =	simm.s32 $0x12100  }
0x2e3: {  	[tilespmem:s30], [sflag:$0x2] =	stream.indirect_vreg.gather [hbm4b:s7+s5], $0x80, v3, vm0, $0xb8;
	[tilespmem:$0x16100] =	vst v63  }
0x2e4: {  	s31 =	simm.s32 $0x12900  }
0x2e5: {  	[tilespmem:s31], [sflag:$0x2] =	stream.indirect_vreg.gather [hbm4b:s8+s5], $0x80, v3, vm0, $0xb8;
	[tilespmem:$0x16100] =	vst v63  }
0x2e6: {  	v3 =	vld [tilespmem:$0xF0];
	_ =	sdelay $0x4  }
0x2e7: {  	v63 =	vshrl.u32 v3, $0x3  }
0x2e8: {  	v4 =	vmul.u32 $0x30, v63  }
0x2e9: {  	v3 =	vand.u32 $0x7, v3  }
0x2ea: {  	v3 =	vor.u32 v3, v4  }
0x2eb: {  	v4 =	vperm.xlane v3, v0;
	_ =	sdelay $0x1  }
0x2ec: {  	v4 =	vadd.s32 v1, v4;
	_ =	sdelay $0x3  }
0x2ed: {  	s11 =	simm.s32 $0x13100;
	v3 =	vperm.xlane v3, v2  }
0x2ee: {  	[tilespmem:s11], [sflag:$0x2] =	stream.indirect_vreg.gather [hbm4b:s4+s5], $0x80, v4, vm0, $0xb8;
	[tilespmem:$0x16100] =	vst v63  }
0x2ef: {  	s14 =	simm.s32 $0x13900;
	v3 =	vadd.s32 v1, v3  }
0x2f0: {  	[tilespmem:s14], [sflag:$0x2] =	stream.indirect_vreg.gather [hbm4b:s7+s5], $0x80, v4, vm0, $0xb8;
	[tilespmem:$0x16100] =	vst v63  }
0x2f1: {  	s15 =	simm.s32 $0x14100  }
0x2f2: {  	[tilespmem:s15], [sflag:$0x2] =	stream.indirect_vreg.gather [hbm4b:s8+s5], $0x80, v4, vm0, $0xb8;
	[tilespmem:$0x16100] =	vst v63  }
0x2f3: {  	s19 =	simm.s32 $0x14900  }
0x2f4: {  	[tilespmem:s19], [sflag:$0x2] =	stream.indirect_vreg.gather [hbm4b:s4+s5], $0x80, v3, vm0, $0xb8;
	[tilespmem:$0x16100] =	vst v63  }
0x2f5: {  	s20 =	simm.s32 $0x15100  }
0x2f6: {  	[tilespmem:s20], [sflag:$0x2] =	stream.indirect_vreg.gather [hbm4b:s7+s5], $0x80, v3, vm0, $0xb8;
	[tilespmem:$0x16100] =	vst v63  }
0x2f7: {  	s25 =	simm.s32 $0x15900  }
0x2f8: {  	[tilespmem:s25], [sflag:$0x2] =	stream.indirect_vreg.gather [hbm4b:s8+s5], $0x80, v3, vm0, $0xb8;
	[tilespmem:$0x16100] =	vst v63  }
0x2f9: {  	s13 =	simm.s32 $0x100;
	s21 =	rddreg [dreg:$0x19]  }
0x2fa: {  	[hbm4b:s21+s5] =	stream.linear.scatter [tilespmem:s13], [sflag:$0x3], $0x4000, $0x38;
	[tilespmem:$0x16100] =	vst v63  }
0x2fb: {  	s12 =	simm.s32 $0x4100;
	s26 =	rddreg [dreg:$0x1a]  }
0x2fc: {  	[hbm4b:s26+s5] =	stream.linear.scatter [tilespmem:s12], [sflag:$0x3], $0x1000, $0x38;
	[tilespmem:$0x16100] =	vst v63  }
0x2fd: {  	s2 =	simm.s32 $0x5100;
	s28 =	rddreg [dreg:$0x1b]  }
0x2fe: {  	[hbm4b:s28+s5] =	stream.linear.scatter [tilespmem:s2], [sflag:$0x3], $0x6000, $0x38;
	[tilespmem:$0x16100] =	vst v63  }
0x2ff: {  	_ =	swait.ge [sflag:s16], $0x4000  }
0x300: {  	[sflag:s16] =	ssyncset.done $0x0  }
0x301: {  	[sflag:s16] =	ssyncadd.s32 $0xFFFFC000  }
0x302: {  	_ =	swait.ge [sflag:s16], $0x1000  }
0x303: {  	[sflag:s16] =	ssyncset.done $0x0  }
0x304: {  	[sflag:s16] =	ssyncadd.s32 $0xFFFFF000  }
0x305: {  	_ =	swait.ge [sflag:s16], $0x6000  }
0x306: {  	[sflag:s16] =	ssyncset.done $0x0  }
0x307: {  	s29 =	rddreg [dreg:$0x1c];
	[sflag:s16] =	ssyncadd.s32 $0xFFFFA000  }
0x308: {  	[hbm4b:s29+s5] =	stream.linear.scatter [tilespmem:s23], [sflag:$0x4], $0x4000, $0x38;
	[tilespmem:$0x16100] =	vst v63  }
0x309: {  	s30 =	rddreg [dreg:$0x1d]  }
0x30a: {  	[hbm4b:s30+s5] =	stream.linear.scatter [tilespmem:s24], [sflag:$0x4], $0x1000, $0x38;
	[tilespmem:$0x16100] =	vst v63  }
0x30b: {  	s31 =	rddreg [dreg:$0x1e]  }
0x30c: {  	[hbm4b:s31+s5] =	stream.linear.scatter [tilespmem:s3], [sflag:$0x4], $0x6000, $0x38;
	[tilespmem:$0x16100] =	vst v63  }
0x30d: {  	_ =	swait.ge [sflag:s17], $0x4000  }
0x30e: {  	[sflag:s17] =	ssyncset.done $0x0  }
0x30f: {  	[sflag:s17] =	ssyncadd.s32 $0xFFFFC000  }
0x310: {  	_ =	swait.ge [sflag:s17], $0x1000  }
0x311: {  	[sflag:s17] =	ssyncset.done $0x0  }
0x312: {  	[sflag:s17] =	ssyncadd.s32 $0xFFFFF000  }
0x313: {  	_ =	swait.ge [sflag:s17], $0x6000  }
0x314: {  	[sflag:s17] =	ssyncset.done $0x0  }
0x315: {  	[sflag:s17] =	ssyncadd.s32 $0xFFFFA000  }
0x316: {  	_ =	swait.ge [sflag:s18], $0x4000  }
0x317: {  	[sflag:s18] =	ssyncset.done $0x0  }
0x318: {  	[sflag:s18] =	ssyncadd.s32 $0xFFFFC000  }
0x319: {  	p0 =	sne.s32 s9, $0x1;
	_ =	swait.ge [sflag:s18], $0x1000  }
.Ltmp0:
0x31a: {  	[sflag:s18] =	ssyncset.done $0x0;
	(pc) =	sbr.rel @p0 .LBB2_1-.Ltmp0, $4  }
0x31b: {  	[sflag:s18] =	ssyncadd.s32 $0xFFFFF000  }
0x31c: {  	_ =	swait.ge [sflag:s18], $0x6000  }
0x31d: {  	[sflag:s18] =	ssyncset.done $0x0  }
0x31e: {  	s9 =	sadd.s32 $0xFFFFFFFF, s9;
	[sflag:s18] =	ssyncadd.s32 $0xFFFFA000  }
0x31f: {  	_ =	sfence.sel $0x180000  }
0x320: {  	[bflag:$0x0] =	sbarrier.arrive $0xFFFF  }
0x321: {  	_ =	strace $0x90000050  }
0x322: {  	s0 =	stileid.u32;
	[bflag:$0x2] =	sbarrier.arrive $0xFFFF  }
0x323: {  	p0 =	sne.s32 s0, $0x0;
	s0 =	rddreg [dreg:$0x5]  }
0x324: {  	s0 =	sadd.s32 @!p0 $0x100000, s0  }
0x325: {  	[sflag:s0] =	ssyncadd.tile.s32 @!p0 $0x1;
	_ =	shalt  }
.Lfunc_end2:
_tile_overlayer_lowered:
.L_overlay_start_2:
0x326: {  	(tag) =	ssettag $0x2  }
0x327: {  	s0 =	rddreg [dreg:$0x0];
	s2 =	stileid.u32  }
0x328: {  	s1 =	rddreg [dreg:$0x1];
	p0 =	sne.s32 s2, $0x0  }
0x329: {  	s3 =	rddreg [dreg:$0x2];
	[bflag:$0x3] =	sbarrier.arrive $0xFFFF;
	s2 =	simm.s32 @!p0 $0x1C05  }
0x32a: {  	[timem:s3], [sflag:s2] =	dma.local @!p0 [hbm:s0], s1  }
0x32b: {  	s0 =	simm.s32 @!p0 $0x5  }
0x32c: {  	_ =	swait.ge @!p0 [sflag:s0], s1  }
0x32d: {  	s1 =	ssub.s32 @!p0 $0x0, s1;
	[sflag:s0] =	ssyncset.done @!p0 $0x0  }
0x32e: {  	[sflag:s0] =	ssyncadd.s32 @!p0 s1  }
0x32f: {  	[bflag:$0x3] =	sbarrier.arrive $0xFFFF  }
0x330: {  	_ =	shalt  }

</sc_bundles>
